<compile_context>
chip_gen: v7x
topology: tpu7x:2x2x1
jax: 0.10.2.dev20260603
libtpu: 0.0.44.dev20260713+nightly
codegen_flags: <defaults>
</compile_context>

<pallas_src>
import functools

import jax
import jax.numpy as jnp
from jax import lax
from jax.experimental import pallas as pl
from jax.experimental.pallas import tpu as pltpu
from jax.experimental.pallas import tpu_sc as plsc

B, N, KPOOL, D, C, R, KR = 64, 50000, 5000, 512, 25, 8, 4
NEG = -1e9
NPAD = 51200
KPAD = 5120
GW = 2560
KWIN = 384
MCH = 2000
BIGI = 2**30


def _sc_gather_translate(table, order, pos):
    Bn = pos.shape[0]
    Dt = table.shape[1]
    On = order.shape[0]
    chunk = 80
    info = plsc.get_sparse_core_info()
    NW = info.num_cores * info.num_subcores
    per_w = Bn // NW
    nchunks = per_w // chunk
    mesh = plsc.VectorSubcoreMesh(core_axis_name="c", subcore_axis_name="s")

    @functools.partial(
        pl.kernel,
        mesh=mesh,
        out_type=jax.ShapeDtypeStruct((Bn, Dt), jnp.float32),
        compiler_params=pltpu.CompilerParams(needs_layout_passes=False),
        scratch_types=[
            pltpu.VMEM((On,), jnp.int32),
            pltpu.VMEM((chunk,), jnp.int32),
            pltpu.VMEM((chunk,), jnp.int32),
            pltpu.VMEM((chunk, Dt), jnp.float32),
            pltpu.SemaphoreType.DMA,
        ],
    )
    def k(table_hbm, order_hbm, pos_hbm, out_hbm, order_v, pos_v, idx_v,
          rows_v, sem):
        wid = lax.axis_index("s") * info.num_cores + lax.axis_index("c")
        pltpu.sync_copy(order_hbm, order_v)

        def body(j, _):
            base = wid * per_w + j * chunk
            pltpu.sync_copy(pos_hbm.at[pl.ds(base, chunk)], pos_v)
            for g in range(chunk // 16):
                pv = pos_v[pl.ds(g * 16, 16)]
                idx_v[pl.ds(g * 16, 16)] = plsc.load_gather(order_v, [pv])
            pltpu.async_copy(table_hbm.at[idx_v], rows_v, sem).wait()
            pltpu.sync_copy(rows_v, out_hbm.at[pl.ds(base, chunk)])
            return 0

        lax.fori_loop(0, nchunks, body, 0)

    return k(table, order, pos)


def _sc_gather_simple(table, idx, chunk, c0_frac_32nds=16):
    Bn = idx.shape[0]
    Dt = table.shape[1]
    info = plsc.get_sparse_core_info()
    NS = info.num_subcores
    w0 = (Bn * c0_frac_32nds // 32) // (NS * chunk) * chunk
    w1 = (Bn - w0 * NS) // NS
    assert w1 % chunk == 0 and (w0 + w1) * NS == Bn
    n0 = w0 // chunk
    n1 = w1 // chunk
    mesh = plsc.VectorSubcoreMesh(core_axis_name="c", subcore_axis_name="s")

    wmax = max(w0, w1)

    @functools.partial(
        pl.kernel,
        mesh=mesh,
        out_type=jax.ShapeDtypeStruct((Bn, Dt), jnp.float32),
        scratch_types=[
            pltpu.VMEM((wmax,), jnp.int32),
            pltpu.VMEM((chunk, Dt), jnp.float32),
            pltpu.SemaphoreType.DMA,
        ],
    )
    def k(table_hbm, idx_hbm, out_hbm, idx_all, rows_v, sem):
        c = lax.axis_index("c")
        s = lax.axis_index("s")
        wbase = jnp.where(c == 0, s * w0, NS * w0 + s * w1)
        nchunks = jnp.where(c == 0, n0, n1)
        pltpu.async_copy(idx_hbm.at[pl.ds(wbase, wmax)], idx_all, sem).wait()

        def body(j, _):
            base = wbase + j * chunk
            pltpu.async_copy(
                table_hbm.at[idx_all.at[pl.ds(j * chunk, chunk)]],
                rows_v, sem).wait()
            pltpu.sync_copy(rows_v, out_hbm.at[pl.ds(base, chunk)])
            return 0

        lax.fori_loop(0, nchunks, body, 0)

    return k(table, idx)


def _sc_gather(table, idx, chunk):
    Bn = idx.shape[0]
    Dt = table.shape[1]
    info = plsc.get_sparse_core_info()
    NW = info.num_cores * info.num_subcores
    per_w = Bn // NW
    nc = per_w // chunk
    mesh = plsc.VectorSubcoreMesh(core_axis_name="c", subcore_axis_name="s")

    @functools.partial(
        pl.kernel,
        mesh=mesh,
        out_type=jax.ShapeDtypeStruct((Bn, Dt), jnp.float32),
        scratch_types=[
            pltpu.VMEM((per_w,), jnp.int32),
            pltpu.VMEM((chunk, Dt), jnp.float32),
            pltpu.VMEM((chunk, Dt), jnp.float32),
            pltpu.SemaphoreType.DMA,
            pltpu.SemaphoreType.DMA,
            pltpu.SemaphoreType.DMA,
            pltpu.SemaphoreType.DMA,
        ],
    )
    def k(table_hbm, idx_hbm, out_hbm, idx_all, buf0, buf1,
          g0, g1, s0, s1):
        wid = lax.axis_index("s") * info.num_cores + lax.axis_index("c")
        wbase = wid * per_w
        pltpu.sync_copy(idx_hbm.at[pl.ds(wbase, per_w)], idx_all)
        bufs = (buf0, buf1)
        gsems = (g0, g1)
        ssems = (s0, s1)
        gcs = [None] * nc
        sts = [None] * nc
        for j in range(nc):
            b = j & 1
            if j >= 2:
                sts[j - 2].wait()
            gcs[j] = pltpu.async_copy(
                table_hbm.at[idx_all.at[pl.ds(j * chunk, chunk)]],
                bufs[b], gsems[b])
            if j >= 1:
                gcs[j - 1].wait()
                sts[j - 1] = pltpu.async_copy(
                    bufs[(j - 1) & 1],
                    out_hbm.at[pl.ds(wbase + (j - 1) * chunk, chunk)],
                    ssems[(j - 1) & 1])
        gcs[nc - 1].wait()
        sts[nc - 1] = pltpu.async_copy(
            bufs[(nc - 1) & 1],
            out_hbm.at[pl.ds(wbase + (nc - 1) * chunk, chunk)],
            ssems[(nc - 1) & 1])
        if nc >= 2:
            sts[nc - 2].wait()
        sts[nc - 1].wait()

    return k(table, idx)


def _t0_body(g_ref, q_ref, out_ref):
    out_ref[...] = lax.dot_general(g_ref[...], q_ref[...], (((1,), (1,)), ((), ())),
                                   preferred_element_type=jnp.float32)


def _t0_sims(g, q_pad):
    return pl.pallas_call(
        _t0_body,
        grid=(N // MCH,),
        in_specs=[
            pl.BlockSpec((MCH, D), lambda n: (n, 0)),
            pl.BlockSpec((2 * B, D), lambda n: (0, 0)),
        ],
        out_specs=pl.BlockSpec((MCH, 2 * B), lambda n: (n, 0)),
        out_shape=jax.ShapeDtypeStruct((N, 2 * B), jnp.float32),
    )(g, q_pad)


T1TILE = 128
NT1 = GW // T1TILE
CP = C + 1


def _t1_body(starts_ref, ends_ref, sims_hbm, att_ref, pos_ref,
             we0_ref, we1_ref, wo0_ref, wo1_ref, se0, se1, so0, so1):
    p = pl.program_id(0)
    NP2 = CP // 2

    def _bases(step):
        sa = starts_ref[2 * step]
        sb = starts_ref[2 * step + 1]
        return (jnp.minimum((sa // 8) * 8, NPAD - GW),
                jnp.minimum((sb // 8) * 8, NPAD - GW))

    base0, base1 = _bases(p)

    @pl.when(p == 0)
    def _prime():
        pltpu.make_async_copy(sims_hbm.at[pl.ds(base0, GW)], we0_ref, se0).start()
        pltpu.make_async_copy(sims_hbm.at[pl.ds(base1, GW)], we1_ref, se1).start()

    nb0, nb1 = _bases(jnp.minimum(p + 1, NP2 - 1))

    @pl.when((p + 1 < NP2) & (p % 2 == 0))
    def _pf_odd():
        pltpu.make_async_copy(sims_hbm.at[pl.ds(nb0, GW)], wo0_ref, so0).start()
        pltpu.make_async_copy(sims_hbm.at[pl.ds(nb1, GW)], wo1_ref, so1).start()

    @pl.when((p + 1 < NP2) & (p % 2 == 1))
    def _pf_even():
        pltpu.make_async_copy(sims_hbm.at[pl.ds(nb0, GW)], we0_ref, se0).start()
        pltpu.make_async_copy(sims_hbm.at[pl.ds(nb1, GW)], we1_ref, se1).start()

    @pl.when(p % 2 == 0)
    def _wait_even():
        pltpu.make_async_copy(sims_hbm.at[pl.ds(0, GW)], we0_ref, se0).wait()
        pltpu.make_async_copy(sims_hbm.at[pl.ds(0, GW)], we1_ref, se1).wait()

    @pl.when(p % 2 == 1)
    def _wait_odd():
        pltpu.make_async_copy(sims_hbm.at[pl.ds(0, GW)], wo0_ref, so0).wait()
        pltpu.make_async_copy(sims_hbm.at[pl.ds(0, GW)], wo1_ref, so1).wait()

    s0 = starts_ref[2 * p]
    e0 = ends_ref[2 * p]
    s1 = starts_ref[2 * p + 1]
    e1 = ends_ref[2 * p + 1]
    par = (p % 2 == 0)
    lane = lax.broadcasted_iota(jnp.int32, (1, 2 * B), 1)
    left = lane < B
    lo_v = jnp.where(left, s0 - base0, s1 - base1)
    hi_v = jnp.where(left, e0 - base0, e1 - base1)
    base_v = jnp.where(left, base0, base1)
    tio = lax.broadcasted_iota(jnp.int32, (T1TILE, 2 * B), 0)
    lmask = lax.broadcasted_iota(jnp.int32, (T1TILE, 2 * B), 1) < B
    cv = []
    ci = []
    for t in range(NT1):
        Se0 = we0_ref[pl.ds(t * T1TILE, T1TILE), :]
        Se1 = we1_ref[pl.ds(t * T1TILE, T1TILE), :]
        So0 = wo0_ref[pl.ds(t * T1TILE, T1TILE), :]
        So1 = wo1_ref[pl.ds(t * T1TILE, T1TILE), :]
        St0 = jnp.where(par, Se0, So0)
        St1 = jnp.where(par, Se1, So1)
        St = jnp.where(lmask, St0, St1)
        rio = tio + t * T1TILE
        cur = jnp.where((rio >= lo_v) & (rio < hi_v), St, NEG)
        for _ in range(R):
            m = jnp.max(cur, axis=0, keepdims=True)
            idx = jnp.min(jnp.where(cur == m, rio, BIGI), axis=0, keepdims=True)
            cv.append(m)
            ci.append(idx)
            cur = jnp.where(rio == idx, NEG, cur)
    V = jnp.concatenate(cv, axis=0)
    I = jnp.concatenate(ci, axis=0)
    cio = lax.broadcasted_iota(jnp.int32, (NT1 * R, 2 * B), 0)
    vals = []
    poss = []
    for _ in range(R):
        m = jnp.max(V, axis=0, keepdims=True)
        pick = jnp.min(jnp.where(V == m, cio, BIGI), axis=0, keepdims=True)
        sel = jnp.sum(jnp.where(cio == pick, I, 0), axis=0, keepdims=True)
        vals.append(m)
        poss.append(sel + base_v)
        V = jnp.where(cio == pick, NEG, V)
    v8 = jnp.concatenate(vals, axis=0)
    mw = jnp.max(v8, axis=0, keepdims=True)
    ew = jnp.exp(v8 - mw)
    att = ew / jnp.sum(ew, axis=0, keepdims=True)
    pos = jnp.concatenate(poss, axis=0)
    att_ref[...] = jnp.concatenate(
        [att[:, :B][None], att[:, B:][None]], axis=0)
    pos_ref[...] = jnp.concatenate(
        [pos[:, :B][None], pos[:, B:][None]], axis=0)


def _t1_topk(starts, ends, sims_sorted):
    return pl.pallas_call(
        _t1_body,
        grid=(CP // 2,),
        in_specs=[
            pl.BlockSpec(memory_space=pltpu.MemorySpace.SMEM),
            pl.BlockSpec(memory_space=pltpu.MemorySpace.SMEM),
            pl.BlockSpec(memory_space=pltpu.MemorySpace.HBM),
        ],
        out_specs=[
            pl.BlockSpec((2, R, B), lambda p: (p, 0, 0)),
            pl.BlockSpec((2, R, B), lambda p: (p, 0, 0)),
        ],
        out_shape=[
            jax.ShapeDtypeStruct((CP, R, B), jnp.float32),
            jax.ShapeDtypeStruct((CP, R, B), jnp.int32),
        ],
        scratch_shapes=[
            pltpu.VMEM((GW, 2 * B), jnp.float32),
            pltpu.VMEM((GW, 2 * B), jnp.float32),
            pltpu.VMEM((GW, 2 * B), jnp.float32),
            pltpu.VMEM((GW, 2 * B), jnp.float32),
            pltpu.SemaphoreType.DMA,
            pltpu.SemaphoreType.DMA,
            pltpu.SemaphoreType.DMA,
            pltpu.SemaphoreType.DMA,
        ],
    )(starts, ends, sims_sorted)


def _t2_body(q_ref, x_ref, att_ref, kstarts_ref, kends_ref, khbm_ref,
             out_img_ref, out_know_ref, kseg0_ref, kseg1_ref, sem0, sem1):
    c = pl.program_id(0)
    ks = kstarts_ref[c]
    ke = kends_ref[c]
    base = jnp.minimum((ks // 8) * 8, KPAD - KWIN)

    @pl.when(c == 0)
    def _prime():
        pltpu.make_async_copy(khbm_ref.at[pl.ds(base, KWIN)], kseg0_ref,
                              sem0).start()

    nxt = jnp.minimum(c + 1, C - 1)
    nks = kstarts_ref[nxt]
    nbase = jnp.minimum((nks // 8) * 8, KPAD - KWIN)

    @pl.when((c + 1 < C) & (c % 2 == 0))
    def _pf_odd():
        pltpu.make_async_copy(khbm_ref.at[pl.ds(nbase, KWIN)], kseg1_ref,
                              sem1).start()

    @pl.when((c + 1 < C) & (c % 2 == 1))
    def _pf_even():
        pltpu.make_async_copy(khbm_ref.at[pl.ds(nbase, KWIN)], kseg0_ref,
                              sem0).start()

    @pl.when(c % 2 == 0)
    def _wait_even():
        pltpu.make_async_copy(khbm_ref.at[pl.ds(0, KWIN)], kseg0_ref,
                              sem0).wait()

    @pl.when(c % 2 == 1)
    def _wait_odd():
        pltpu.make_async_copy(khbm_ref.at[pl.ds(0, KWIN)], kseg1_ref,
                              sem1).wait()

    X = x_ref[0]
    par = (c % 2 == 0)
    Kseg = jnp.where(par, kseg0_ref[...], kseg1_ref[...])
    S2 = lax.dot_general(X, Kseg, (((1,), (1,)), ((), ())),
                         preferred_element_type=jnp.float32)
    T2T = 64
    cio = lax.broadcasted_iota(jnp.int32, (T2T, KWIN), 1) + base
    m1s = []
    t4s = []
    for t in range((R * B) // T2T):
        St = S2[t * T2T:(t + 1) * T2T, :]
        cur = jnp.where((cio >= ks) & (cio < ke), St, NEG)
        m = None
        for r in range(KR):
            m = jnp.max(cur, axis=1, keepdims=True)
            if r == 0:
                m1s.append(m)
            if r < KR - 1:
                cur = jnp.where(cur == m, NEG, cur)
        t4s.append(m)
    m1 = jnp.concatenate(m1s, axis=0)
    t4 = jnp.concatenate(t4s, axis=0)
    iota = lax.broadcasted_iota(jnp.int32, (R * B, KWIN), 1)
    colk = iota + base
    Sm = jnp.where((colk >= ks) & (colk < ke), S2, NEG)
    Wk = jnp.where(Sm >= t4, jnp.exp(Sm - m1), 0.0)
    denom = jnp.sum(Wk, axis=1, keepdims=True)
    A = Wk / denom
    per_img = lax.dot_general(A.astype(jnp.bfloat16), Kseg.astype(jnp.bfloat16),
                              (((1,), (0,)), ((), ())),
                              preferred_element_type=jnp.float32)
    att = att_ref[0]
    att_flat = jnp.concatenate([att[r:r + 1, :] for r in range(R)], axis=1)
    biota = lax.broadcasted_iota(jnp.int32, (B, R * B), 0)
    colmod = lax.broadcasted_iota(jnp.int32, (B, R * B), 1) % B
    W3 = jnp.where(colmod == biota, att_flat, 0.0)
    ctx_img = lax.dot_general(W3, X, (((1,), (0,)), ((), ())),
                              preferred_element_type=jnp.float32)
    ctx_know = lax.dot_general(W3, per_img, (((1,), (0,)), ((), ())),
                               preferred_element_type=jnp.float32)
    q = q_ref[...]
    out_img_ref[...] = (0.5 * q + 0.5 * ctx_img)[None]
    out_know_ref[...] = (0.5 * q + 0.5 * ctx_know)[None]


def _t2_stage2(q, x_img, att, kstarts, kends, k_sorted):
    return pl.pallas_call(
        _t2_body,
        grid=(C,),
        in_specs=[
            pl.BlockSpec((B, D), lambda c: (0, 0)),
            pl.BlockSpec((1, R * B, D), lambda c: (c, 0, 0)),
            pl.BlockSpec((1, R, B), lambda c: (c, 0, 0)),
            pl.BlockSpec(memory_space=pltpu.MemorySpace.SMEM),
            pl.BlockSpec(memory_space=pltpu.MemorySpace.SMEM),
            pl.BlockSpec(memory_space=pltpu.MemorySpace.HBM),
        ],
        out_specs=[
            pl.BlockSpec((1, B, D), lambda c: (c, 0, 0)),
            pl.BlockSpec((1, B, D), lambda c: (c, 0, 0)),
        ],
        out_shape=[
            jax.ShapeDtypeStruct((C, B, D), jnp.float32),
            jax.ShapeDtypeStruct((C, B, D), jnp.float32),
        ],
        scratch_shapes=[
            pltpu.VMEM((KWIN, D), jnp.float32),
            pltpu.VMEM((KWIN, D), jnp.float32),
            pltpu.SemaphoreType.DMA,
            pltpu.SemaphoreType.DMA,
        ],
    )(q, x_img, att, kstarts, kends, k_sorted)


def kernel(query_embeddings, all_image_embeddings, all_knowledge_embeddings,
           image_labels, knowledge_labels):
    classes = jnp.arange(C, dtype=jnp.int32)
    il = image_labels.astype(jnp.int32)
    kltyp = knowledge_labels.astype(jnp.int32)

    ikeys = il * 131072 + jnp.arange(N, dtype=jnp.int32)
    img_order = lax.sort(ikeys) & 131071
    starts = jnp.sum(il[None, :] < classes[:, None], axis=1).astype(jnp.int32)
    ends = jnp.sum(il[None, :] <= classes[:, None], axis=1).astype(jnp.int32)
    img_order_p = jnp.concatenate([img_order, jnp.zeros((NPAD - N,), jnp.int32)])

    kkeys = kltyp * 8192 + jnp.arange(KPOOL, dtype=jnp.int32)
    korder = lax.sort(kkeys) & 8191
    kstarts = jnp.sum(kltyp[None, :] < classes[:, None], axis=1).astype(jnp.int32)
    kends = jnp.sum(kltyp[None, :] <= classes[:, None], axis=1).astype(jnp.int32)
    korder_p = jnp.concatenate([korder, jnp.zeros((KPAD - KPOOL,), jnp.int32)])

    k_sorted = _sc_gather(all_knowledge_embeddings, korder_p, 80)
    q_pad = jnp.concatenate([query_embeddings, query_embeddings], axis=0)
    sims = _t0_sims(all_image_embeddings, q_pad)
    sims_sorted = _sc_gather_simple(sims, img_order_p, 80, 21)
    starts_p = jnp.concatenate([starts, jnp.full((CP - C,), N, jnp.int32)])
    ends_p = jnp.concatenate([ends, jnp.full((CP - C,), N, jnp.int32)])
    att, pos = _t1_topk(starts_p, ends_p, sims_sorted)
    x_img = _sc_gather_translate(all_image_embeddings, img_order_p,
                                 pos[:C].reshape(-1)).reshape(C, R * B, D)
    out_img, out_know = _t2_stage2(query_embeddings, x_img, att,
                                   kstarts, kends, k_sorted)
    return (jnp.transpose(out_img, (1, 0, 2)),
            jnp.transpose(out_know, (1, 0, 2)))

# --- scband reference (transcript-rebuilt; emitter-appended) ---
"""Pipeline reference for scband-main-model-19069654794280 (READ-ONLY COPY).

The authoritative reference and input builder live on the scoring server;
editing this copy changes nothing except your own understanding.
"""

import jax, jax.numpy as jnp
import numpy as np

B = 64
N = 50000
KPOOL = 5000
D = 512
C = 25
R = 8          # image_retrieval_number
KR = 4         # knowledge_retrieval_number
NEG = -1e9


def setup_inputs(seed: int = 0) -> dict:
    key = jax.random.key(seed)
    k1, k2, k3, k4, k5 = jax.random.split(key, 5)
    return {
        "query_embeddings": jax.random.normal(k1, (B, D), dtype=jnp.float32),
        "all_image_embeddings": jax.random.normal(k2, (N, D), dtype=jnp.float32),
        "all_knowledge_embeddings": jax.random.normal(k3, (KPOOL, D), dtype=jnp.float32),
        "image_labels": jax.random.randint(k4, (N,), 0, C),
        "knowledge_labels": jax.random.randint(k5, (KPOOL,), 0, C),
    }


def reference(query_embeddings, all_image_embeddings, all_knowledge_embeddings,
              image_labels, knowledge_labels):
    Bq = query_embeddings.shape[0]
    class_ids = jnp.arange(C)

    # ---- EmbeddingSelector.get_similar_samples: per-class top-R image retrieval ----
    sims = query_embeddings @ all_image_embeddings.T                     # [B, N]
    img_class_mask = image_labels[None, :] == class_ids[:, None]        # [C, N]
    masked = jnp.where(img_class_mask[None, :, :], sims[:, None, :], NEG)  # [B, C, N]
    w_img, idx_img = jax.lax.top_k(masked.reshape(Bq * C, N), R)
    w_img = w_img.reshape(Bq, C, R)
    similar_images_indices = idx_img.reshape(Bq, C, R)
    # valid mask / padding (every class has >= R samples here, kept for fidelity)
    valid_mask = w_img > NEG / 2
    padded_indices = jnp.where(valid_mask, similar_images_indices, 0)
    similar_images = all_image_embeddings[padded_indices]                # [B, C, R, D]
    similar_images = jnp.where(valid_mask[..., None], similar_images,
                               jnp.zeros_like(similar_images))
    image_attention = jax.nn.softmax(w_img, axis=-1)                     # [B, C, R]

    # ---- image fusion (average fusion of query with attention-weighted context) ----
    ctx_img = jnp.einsum('bcr,bcrd->bcd', image_attention, similar_images)
    enhanced_images = 0.5 * query_embeddings[:, None, :] + 0.5 * ctx_img  # [B, C, D]

    # ---- class-masked knowledge retrieval for every retrieved image ----
    flattened_images = similar_images.reshape(Bq * C * R, D)             # [M, D]
    flat_class_indices = jnp.broadcast_to(class_ids[None, :, None], (Bq, C, R)).reshape(-1)
    k_sims = flattened_images @ all_knowledge_embeddings.T               # [M, KPOOL]
    knowledge_mask = knowledge_labels[None, :] == flat_class_indices[:, None]
    masked_k = jnp.where(knowledge_mask, k_sims, NEG)
    w_k, idx_k = jax.lax.top_k(masked_k, KR)                             # [M, KR]
    valid_k = w_k > NEG / 2
    padded_k = jnp.where(valid_k, idx_k, 0)
    selected_knowledge = all_knowledge_embeddings[padded_k]              # [M, KR, D]
    selected_knowledge = jnp.where(valid_k[..., None], selected_knowledge,
                                   jnp.zeros_like(selected_knowledge))
    k_att = jax.nn.softmax(w_k, axis=-1)                                 # [M, KR]

    # ---- knowledge fusion: per-image knowledge aggregate, then image-weighted ----
    per_img_know = jnp.einsum('mk,mkd->md', k_att, selected_knowledge)
    per_img_know = per_img_know.reshape(Bq, C, R, D)
    ctx_know = jnp.einsum('bcr,bcrd->bcd', image_attention, per_img_know)
    enhanced_knowledge = 0.5 * query_embeddings[:, None, :] + 0.5 * ctx_know

    return enhanced_images, enhanced_knowledge

if __name__ == "__main__":
    import jax
    _d = setup_inputs()
    print(jax.jit(kernel)(*tuple(_d.values())))

</pallas_src>

<mosaic_0001>
#map = affine_map<(d0, d1) -> (0, 0)>
#map1 = affine_map<(d0, d1) -> (0)>
module attributes {stable_mosaic.version = 14 : i64} {
  func.func @k(%arg0: i32, %arg1: i32, %arg2: memref<50000x512xf32, #tpu.memory_space<hbm>>, %arg3: memref<51200xi32, #tpu.memory_space<hbm>>, %arg4: memref<12800xi32, #tpu.memory_space<hbm>>, %arg5: memref<12800x512xf32, #tpu.memory_space<hbm>>, %arg6: memref<51200xi32, #tpu.memory_space<vmem>>, %arg7: memref<80xi32, #tpu.memory_space<vmem>>, %arg8: memref<80xi32, #tpu.memory_space<vmem>>, %arg9: memref<80x512xf32, #tpu.memory_space<vmem>>, %arg10: memref<!tpu.dma_semaphore, #tpu.memory_space<semaphore_mem>>) attributes {dimension_semantics = [#tpu.dimension_semantics<core_parallel>, #tpu.dimension_semantics<subcore_parallel>], iteration_bounds = array<i64: 2, 16>, scalar_prefetch = 0 : i64, scratch_operands = 5 : i64, tpu.core_type = #tpu.core_type<sc_vector_subcore>, window_params = [{transform_indices = #map}, {transform_indices = #map1}, {transform_indices = #map1}, {transform_indices = #map}]} {
    %mul3A = arith.constant 2 : i32
    %mul3A_0 = arith.muli %arg1, %mul3A : i32
    %add3A = arith.addi %mul3A_0, %arg0 : i32
    "tpu.region"() ({
      %run_scoped3A = tpu.sem_alloc : memref<!tpu.dma_semaphore, #tpu.memory_space<semaphore_mem>>
      tpu.enqueue_dma source(%arg3 : memref<51200xi32, #tpu.memory_space<hbm>>) target(%arg6 : memref<51200xi32, #tpu.memory_space<vmem>>) target_semaphore(%run_scoped3A : memref<!tpu.dma_semaphore, #tpu.memory_space<semaphore_mem>>)
      tpu.wait_dma2 semaphore(%run_scoped3A : memref<!tpu.dma_semaphore, #tpu.memory_space<semaphore_mem>>) src(%arg3 : memref<51200xi32, #tpu.memory_space<hbm>>) dst(%arg6 : memref<51200xi32, #tpu.memory_space<vmem>>)
      tpu.yield
    }) : () -> ()
    %scan3A = arith.constant 0 : i32
    %scan3A_1 = arith.constant 0 : i32
    %scan3A_2 = arith.constant 5 : i32
    %scan3A_3 = arith.addi %scan3A_1, %scan3A_2 : i32
    %scan3A_4 = arith.constant 1 : i32
    %scan3A_5 = scf.for %scan3A_7 = %scan3A_1 to %scan3A_3 step %scan3A_4 iter_args(%scan3A_8 = %scan3A) -> (i32)  : i32 {
      %mul3A_9 = arith.constant 400 : i32
      %mul3A_10 = arith.muli %add3A, %mul3A_9 : i32
      %mul3A_11 = arith.constant 80 : i32
      %mul3A_12 = arith.muli %scan3A_7, %mul3A_11 : i32
      %add3A_13 = arith.addi %mul3A_10, %mul3A_12 : i32
      "tpu.region"() ({
        %run_scoped3A = tpu.sem_alloc : memref<!tpu.dma_semaphore, #tpu.memory_space<semaphore_mem>>
        %dma_start3A_41 = tpu.memref_slice %arg4[%add3A_13] : memref<12800xi32, #tpu.memory_space<hbm>> -> memref<80xi32, #tpu.memory_space<hbm>>
        %dma_start3A_42 = tpu.memref_slice %arg4[%add3A_13] : memref<12800xi32, #tpu.memory_space<hbm>> -> memref<80xi32, #tpu.memory_space<hbm>>
        tpu.enqueue_dma source(%dma_start3A_42 : memref<80xi32, #tpu.memory_space<hbm>>) target(%arg7 : memref<80xi32, #tpu.memory_space<vmem>>) target_semaphore(%run_scoped3A : memref<!tpu.dma_semaphore, #tpu.memory_space<semaphore_mem>>)
        %dma_wait3A_43 = tpu.memref_slice %arg4[%add3A_13] : memref<12800xi32, #tpu.memory_space<hbm>> -> memref<80xi32, #tpu.memory_space<hbm>>
        %dma_wait3A_44 = tpu.memref_slice %arg4[%add3A_13] : memref<12800xi32, #tpu.memory_space<hbm>> -> memref<80xi32, #tpu.memory_space<hbm>>
        tpu.wait_dma2 semaphore(%run_scoped3A : memref<!tpu.dma_semaphore, #tpu.memory_space<semaphore_mem>>) src(%dma_wait3A_44 : memref<80xi32, #tpu.memory_space<hbm>>) dst(%arg7 : memref<80xi32, #tpu.memory_space<vmem>>)
        tpu.yield
      }) : () -> ()
      %get3A = arith.constant 0 : index
      %get3A_14 = tpu.vector_load %arg7[%get3A] {strides = array<i32>} : memref<80xi32, #tpu.memory_space<vmem>>, vector<16xi32>,
      %gather3A = tpu.vector_load_idx %arg6[%get3A_14] : memref<51200xi32, #tpu.memory_space<vmem>>[vector<16xi32>], vector<16xi32>,
      %swap3A = arith.constant 0 : index
      %swap3A_15 = tpu.vector_load %arg8[%swap3A] {strides = array<i32>} : memref<80xi32, #tpu.memory_space<vmem>>, vector<16xi32>,
      tpu.vector_store %arg8[%swap3A], %gather3A {strides = array<i32>} : memref<80xi32, #tpu.memory_space<vmem>>, vector<16xi32>,
      %get3A_16 = arith.constant 16 : index
      %get3A_17 = tpu.vector_load %arg7[%get3A_16] {strides = array<i32>} : memref<80xi32, #tpu.memory_space<vmem>>, vector<16xi32>,
      %gather3A_18 = tpu.vector_load_idx %arg6[%get3A_17] : memref<51200xi32, #tpu.memory_space<vmem>>[vector<16xi32>], vector<16xi32>,
      %swap3A_19 = arith.constant 16 : index
      %swap3A_20 = tpu.vector_load %arg8[%swap3A_19] {strides = array<i32>} : memref<80xi32, #tpu.memory_space<vmem>>, vector<16xi32>,
      tpu.vector_store %arg8[%swap3A_19], %gather3A_18 {strides = array<i32>} : memref<80xi32, #tpu.memory_space<vmem>>, vector<16xi32>,
      %get3A_21 = arith.constant 32 : index
      %get3A_22 = tpu.vector_load %arg7[%get3A_21] {strides = array<i32>} : memref<80xi32, #tpu.memory_space<vmem>>, vector<16xi32>,
      %gather3A_23 = tpu.vector_load_idx %arg6[%get3A_22] : memref<51200xi32, #tpu.memory_space<vmem>>[vector<16xi32>], vector<16xi32>,
      %swap3A_24 = arith.constant 32 : index
      %swap3A_25 = tpu.vector_load %arg8[%swap3A_24] {strides = array<i32>} : memref<80xi32, #tpu.memory_space<vmem>>, vector<16xi32>,
      tpu.vector_store %arg8[%swap3A_24], %gather3A_23 {strides = array<i32>} : memref<80xi32, #tpu.memory_space<vmem>>, vector<16xi32>,
      %get3A_26 = arith.constant 48 : index
      %get3A_27 = tpu.vector_load %arg7[%get3A_26] {strides = array<i32>} : memref<80xi32, #tpu.memory_space<vmem>>, vector<16xi32>,
      %gather3A_28 = tpu.vector_load_idx %arg6[%get3A_27] : memref<51200xi32, #tpu.memory_space<vmem>>[vector<16xi32>], vector<16xi32>,
      %swap3A_29 = arith.constant 48 : index
      %swap3A_30 = tpu.vector_load %arg8[%swap3A_29] {strides = array<i32>} : memref<80xi32, #tpu.memory_space<vmem>>, vector<16xi32>,
      tpu.vector_store %arg8[%swap3A_29], %gather3A_28 {strides = array<i32>} : memref<80xi32, #tpu.memory_space<vmem>>, vector<16xi32>,
      %get3A_31 = arith.constant 64 : index
      %get3A_32 = tpu.vector_load %arg7[%get3A_31] {strides = array<i32>} : memref<80xi32, #tpu.memory_space<vmem>>, vector<16xi32>,
      %gather3A_33 = tpu.vector_load_idx %arg6[%get3A_32] : memref<51200xi32, #tpu.memory_space<vmem>>[vector<16xi32>], vector<16xi32>,
      %swap3A_34 = arith.constant 64 : index
      %swap3A_35 = tpu.vector_load %arg8[%swap3A_34] {strides = array<i32>} : memref<80xi32, #tpu.memory_space<vmem>>, vector<16xi32>,
      tpu.vector_store %arg8[%swap3A_34], %gather3A_33 {strides = array<i32>} : memref<80xi32, #tpu.memory_space<vmem>>, vector<16xi32>,
      %dma_start3A = arith.constant 0 : i32
      %dma_start3A_36 = arith.constant 0 : i32
      %dma_start3A_37 = tpu.memref_slice %arg2[%dma_start3A, %dma_start3A_36] : memref<50000x512xf32, #tpu.memory_space<hbm>> -> memref<50000x512xf32, #tpu.memory_space<hbm>>
      tpu.enqueue_indirect_dma source(%dma_start3A_37 : memref<50000x512xf32, #tpu.memory_space<hbm>>) target(%arg9 : memref<80x512xf32, #tpu.memory_space<vmem>>) offsets(%arg8 : memref<80xi32, #tpu.memory_space<vmem>>) semaphore(%arg10 : memref<!tpu.dma_semaphore, #tpu.memory_space<semaphore_mem>>)
      %dma_wait3A = arith.constant 0 : i32
      %dma_wait3A_38 = arith.constant 0 : i32
      %dma_wait3A_39 = tpu.memref_slice %arg2[%dma_wait3A, %dma_wait3A_38] : memref<50000x512xf32, #tpu.memory_space<hbm>> -> memref<50000x512xf32, #tpu.memory_space<hbm>>
      tpu.wait_indirect_dma semaphore(%arg10 : memref<!tpu.dma_semaphore, #tpu.memory_space<semaphore_mem>>) src(%dma_wait3A_39 : memref<50000x512xf32, #tpu.memory_space<hbm>>) dst(%arg9 : memref<80x512xf32, #tpu.memory_space<vmem>>)
      "tpu.region"() ({
        %run_scoped3A = tpu.sem_alloc : memref<!tpu.dma_semaphore, #tpu.memory_space<semaphore_mem>>
        %dma_start3A_41 = arith.constant 0 : i32
        %dma_start3A_42 = tpu.memref_slice %arg5[%add3A_13, %dma_start3A_41] : memref<12800x512xf32, #tpu.memory_space<hbm>> -> memref<80x512xf32, #tpu.memory_space<hbm>>
        %dma_start3A_43 = arith.constant 0 : i32
        %dma_start3A_44 = tpu.memref_slice %arg5[%add3A_13, %dma_start3A_43] : memref<12800x512xf32, #tpu.memory_space<hbm>> -> memref<80x512xf32, #tpu.memory_space<hbm>>
        tpu.enqueue_dma source(%arg9 : memref<80x512xf32, #tpu.memory_space<vmem>>) target(%dma_start3A_44 : memref<80x512xf32, #tpu.memory_space<hbm>>) target_semaphore(%run_scoped3A : memref<!tpu.dma_semaphore, #tpu.memory_space<semaphore_mem>>)
        %dma_wait3A_45 = arith.constant 0 : i32
        %dma_wait3A_46 = tpu.memref_slice %arg5[%add3A_13, %dma_wait3A_45] : memref<12800x512xf32, #tpu.memory_space<hbm>> -> memref<80x512xf32, #tpu.memory_space<hbm>>
        %dma_wait3A_47 = arith.constant 0 : i32
        %dma_wait3A_48 = tpu.memref_slice %arg5[%add3A_13, %dma_wait3A_47] : memref<12800x512xf32, #tpu.memory_space<hbm>> -> memref<80x512xf32, #tpu.memory_space<hbm>>
        tpu.wait_dma2 semaphore(%run_scoped3A : memref<!tpu.dma_semaphore, #tpu.memory_space<semaphore_mem>>) src(%arg9 : memref<80x512xf32, #tpu.memory_space<vmem>>) dst(%dma_wait3A_48 : memref<80x512xf32, #tpu.memory_space<hbm>>)
        tpu.yield
      }) : () -> ()
      %scan3A_40 = arith.constant 0 : i32
      scf.yield %scan3A_40 : i32
    }
    %scan3A_6 = arith.constant 5 : i32
    return
  }
}

#map = affine_map<(d0, d1) -> (0, 0)>
#map1 = affine_map<(d0, d1) -> (0)>
module attributes {stable_mosaic.version = 14 : i64} {
  func.func @k(%arg0: i32, %arg1: i32, %arg2: memref<5000x512xf32, #tpu.memory_space<hbm>>, %arg3: memref<5120xi32, #tpu.memory_space<hbm>>, %arg4: memref<5120x512xf32, #tpu.memory_space<hbm>>, %arg5: memref<160xi32, #tpu.memory_space<vmem>>, %arg6: memref<80x512xf32, #tpu.memory_space<vmem>>, %arg7: memref<80x512xf32, #tpu.memory_space<vmem>>, %arg8: memref<!tpu.dma_semaphore, #tpu.memory_space<semaphore_mem>>, %arg9: memref<!tpu.dma_semaphore, #tpu.memory_space<semaphore_mem>>, %arg10: memref<!tpu.dma_semaphore, #tpu.memory_space<semaphore_mem>>, %arg11: memref<!tpu.dma_semaphore, #tpu.memory_space<semaphore_mem>>) attributes {dimension_semantics = [#tpu.dimension_semantics<core_parallel>, #tpu.dimension_semantics<subcore_parallel>], iteration_bounds = array<i64: 2, 16>, scalar_prefetch = 0 : i64, scratch_operands = 7 : i64, tpu.core_type = #tpu.core_type<sc_vector_subcore>, window_params = [{transform_indices = #map}, {transform_indices = #map1}, {transform_indices = #map}]} {
    %mul3A = arith.constant 2 : i32
    %mul3A_0 = arith.muli %arg1, %mul3A : i32
    %add3A = arith.addi %mul3A_0, %arg0 : i32
    %mul3A_1 = arith.constant 160 : i32
    %mul3A_2 = arith.muli %add3A, %mul3A_1 : i32
    "tpu.region"() ({
      %run_scoped3A = tpu.sem_alloc : memref<!tpu.dma_semaphore, #tpu.memory_space<semaphore_mem>>
      %dma_start3A_41 = tpu.memref_slice %arg3[%mul3A_2] : memref<5120xi32, #tpu.memory_space<hbm>> -> memref<160xi32, #tpu.memory_space<hbm>>
      %dma_start3A_42 = tpu.memref_slice %arg3[%mul3A_2] : memref<5120xi32, #tpu.memory_space<hbm>> -> memref<160xi32, #tpu.memory_space<hbm>>
      tpu.enqueue_dma source(%dma_start3A_42 : memref<160xi32, #tpu.memory_space<hbm>>) target(%arg5 : memref<160xi32, #tpu.memory_space<vmem>>) target_semaphore(%run_scoped3A : memref<!tpu.dma_semaphore, #tpu.memory_space<semaphore_mem>>)
      %dma_wait3A_43 = tpu.memref_slice %arg3[%mul3A_2] : memref<5120xi32, #tpu.memory_space<hbm>> -> memref<160xi32, #tpu.memory_space<hbm>>
      %dma_wait3A_44 = tpu.memref_slice %arg3[%mul3A_2] : memref<5120xi32, #tpu.memory_space<hbm>> -> memref<160xi32, #tpu.memory_space<hbm>>
      tpu.wait_dma2 semaphore(%run_scoped3A : memref<!tpu.dma_semaphore, #tpu.memory_space<semaphore_mem>>) src(%dma_wait3A_44 : memref<160xi32, #tpu.memory_space<hbm>>) dst(%arg5 : memref<160xi32, #tpu.memory_space<vmem>>)
      tpu.yield
    }) : () -> ()
    %dma_start3A = arith.constant 0 : i32
    %dma_start3A_3 = tpu.memref_slice %arg5[%dma_start3A] : memref<160xi32, #tpu.memory_space<vmem>> -> memref<80xi32, #tpu.memory_space<vmem>>
    %dma_start3A_4 = arith.constant 0 : i32
    %dma_start3A_5 = arith.constant 0 : i32
    %dma_start3A_6 = tpu.memref_slice %arg2[%dma_start3A_4, %dma_start3A_5] : memref<5000x512xf32, #tpu.memory_space<hbm>> -> memref<5000x512xf32, #tpu.memory_space<hbm>>
    tpu.enqueue_indirect_dma source(%dma_start3A_6 : memref<5000x512xf32, #tpu.memory_space<hbm>>) target(%arg6 : memref<80x512xf32, #tpu.memory_space<vmem>>) offsets(%dma_start3A_3 : memref<80xi32, #tpu.memory_space<vmem>>) semaphore(%arg8 : memref<!tpu.dma_semaphore, #tpu.memory_space<semaphore_mem>>)
    %dma_start3A_7 = arith.constant 80 : i32
    %dma_start3A_8 = tpu.memref_slice %arg5[%dma_start3A_7] : memref<160xi32, #tpu.memory_space<vmem>> -> memref<80xi32, #tpu.memory_space<vmem>>
    %dma_start3A_9 = arith.constant 0 : i32
    %dma_start3A_10 = arith.constant 0 : i32
    %dma_start3A_11 = tpu.memref_slice %arg2[%dma_start3A_9, %dma_start3A_10] : memref<5000x512xf32, #tpu.memory_space<hbm>> -> memref<5000x512xf32, #tpu.memory_space<hbm>>
    tpu.enqueue_indirect_dma source(%dma_start3A_11 : memref<5000x512xf32, #tpu.memory_space<hbm>>) target(%arg7 : memref<80x512xf32, #tpu.memory_space<vmem>>) offsets(%dma_start3A_8 : memref<80xi32, #tpu.memory_space<vmem>>) semaphore(%arg9 : memref<!tpu.dma_semaphore, #tpu.memory_space<semaphore_mem>>)
    %dma_wait3A = arith.constant 0 : i32
    %dma_wait3A_12 = tpu.memref_slice %arg5[%dma_wait3A] : memref<160xi32, #tpu.memory_space<vmem>> -> memref<80xi32, #tpu.memory_space<vmem>>
    %dma_wait3A_13 = arith.constant 0 : i32
    %dma_wait3A_14 = arith.constant 0 : i32
    %dma_wait3A_15 = tpu.memref_slice %arg2[%dma_wait3A_13, %dma_wait3A_14] : memref<5000x512xf32, #tpu.memory_space<hbm>> -> memref<5000x512xf32, #tpu.memory_space<hbm>>
    tpu.wait_indirect_dma semaphore(%arg8 : memref<!tpu.dma_semaphore, #tpu.memory_space<semaphore_mem>>) src(%dma_wait3A_15 : memref<5000x512xf32, #tpu.memory_space<hbm>>) dst(%arg6 : memref<80x512xf32, #tpu.memory_space<vmem>>)
    %add3A_16 = arith.constant 0 : i32
    %add3A_17 = arith.addi %mul3A_2, %add3A_16 : i32
    %dma_start3A_18 = arith.constant 0 : i32
    %dma_start3A_19 = tpu.memref_slice %arg4[%add3A_17, %dma_start3A_18] : memref<5120x512xf32, #tpu.memory_space<hbm>> -> memref<80x512xf32, #tpu.memory_space<hbm>>
    %dma_start3A_20 = arith.constant 0 : i32
    %dma_start3A_21 = tpu.memref_slice %arg4[%add3A_17, %dma_start3A_20] : memref<5120x512xf32, #tpu.memory_space<hbm>> -> memref<80x512xf32, #tpu.memory_space<hbm>>
    tpu.enqueue_dma source(%arg6 : memref<80x512xf32, #tpu.memory_space<vmem>>) target(%dma_start3A_21 : memref<80x512xf32, #tpu.memory_space<hbm>>) target_semaphore(%arg10 : memref<!tpu.dma_semaphore, #tpu.memory_space<semaphore_mem>>)
    %dma_wait3A_22 = arith.constant 80 : i32
    %dma_wait3A_23 = tpu.memref_slice %arg5[%dma_wait3A_22] : memref<160xi32, #tpu.memory_space<vmem>> -> memref<80xi32, #tpu.memory_space<vmem>>
    %dma_wait3A_24 = arith.constant 0 : i32
    %dma_wait3A_25 = arith.constant 0 : i32
    %dma_wait3A_26 = tpu.memref_slice %arg2[%dma_wait3A_24, %dma_wait3A_25] : memref<5000x512xf32, #tpu.memory_space<hbm>> -> memref<5000x512xf32, #tpu.memory_space<hbm>>
    tpu.wait_indirect_dma semaphore(%arg9 : memref<!tpu.dma_semaphore, #tpu.memory_space<semaphore_mem>>) src(%dma_wait3A_26 : memref<5000x512xf32, #tpu.memory_space<hbm>>) dst(%arg7 : memref<80x512xf32, #tpu.memory_space<vmem>>)
    %add3A_27 = arith.constant 80 : i32
    %add3A_28 = arith.addi %mul3A_2, %add3A_27 : i32
    %dma_start3A_29 = arith.constant 0 : i32
    %dma_start3A_30 = tpu.memref_slice %arg4[%add3A_28, %dma_start3A_29] : memref<5120x512xf32, #tpu.memory_space<hbm>> -> memref<80x512xf32, #tpu.memory_space<hbm>>
    %dma_start3A_31 = arith.constant 0 : i32
    %dma_start3A_32 = tpu.memref_slice %arg4[%add3A_28, %dma_start3A_31] : memref<5120x512xf32, #tpu.memory_space<hbm>> -> memref<80x512xf32, #tpu.memory_space<hbm>>
    tpu.enqueue_dma source(%arg7 : memref<80x512xf32, #tpu.memory_space<vmem>>) target(%dma_start3A_32 : memref<80x512xf32, #tpu.memory_space<hbm>>) target_semaphore(%arg11 : memref<!tpu.dma_semaphore, #tpu.memory_space<semaphore_mem>>)
    %dma_wait3A_33 = arith.constant 0 : i32
    %dma_wait3A_34 = tpu.memref_slice %arg4[%add3A_17, %dma_wait3A_33] : memref<5120x512xf32, #tpu.memory_space<hbm>> -> memref<80x512xf32, #tpu.memory_space<hbm>>
    %dma_wait3A_35 = arith.constant 0 : i32
    %dma_wait3A_36 = tpu.memref_slice %arg4[%add3A_17, %dma_wait3A_35] : memref<5120x512xf32, #tpu.memory_space<hbm>> -> memref<80x512xf32, #tpu.memory_space<hbm>>
    tpu.wait_dma2 semaphore(%arg10 : memref<!tpu.dma_semaphore, #tpu.memory_space<semaphore_mem>>) src(%arg6 : memref<80x512xf32, #tpu.memory_space<vmem>>) dst(%dma_wait3A_36 : memref<80x512xf32, #tpu.memory_space<hbm>>)
    %dma_wait3A_37 = arith.constant 0 : i32
    %dma_wait3A_38 = tpu.memref_slice %arg4[%add3A_28, %dma_wait3A_37] : memref<5120x512xf32, #tpu.memory_space<hbm>> -> memref<80x512xf32, #tpu.memory_space<hbm>>
    %dma_wait3A_39 = arith.constant 0 : i32
    %dma_wait3A_40 = tpu.memref_slice %arg4[%add3A_28, %dma_wait3A_39] : memref<5120x512xf32, #tpu.memory_space<hbm>> -> memref<80x512xf32, #tpu.memory_space<hbm>>
    tpu.wait_dma2 semaphore(%arg11 : memref<!tpu.dma_semaphore, #tpu.memory_space<semaphore_mem>>) src(%arg7 : memref<80x512xf32, #tpu.memory_space<vmem>>) dst(%dma_wait3A_40 : memref<80x512xf32, #tpu.memory_space<hbm>>)
    return
  }
}

#map = affine_map<(d0, d1) -> (0, 0)>
#map1 = affine_map<(d0, d1) -> (0)>
module attributes {stable_mosaic.version = 14 : i64} {
  func.func @k(%arg0: i32, %arg1: i32, %arg2: memref<50000x128xf32, #tpu.memory_space<hbm>>, %arg3: memref<51200xi32, #tpu.memory_space<hbm>>, %arg4: memref<51200x128xf32, #tpu.memory_space<hbm>>, %arg5: memref<2080xi32, #tpu.memory_space<vmem>>, %arg6: memref<80x128xf32, #tpu.memory_space<vmem>>, %arg7: memref<!tpu.dma_semaphore, #tpu.memory_space<semaphore_mem>>) attributes {dimension_semantics = [#tpu.dimension_semantics<core_parallel>, #tpu.dimension_semantics<subcore_parallel>], iteration_bounds = array<i64: 2, 16>, scalar_prefetch = 0 : i64, scratch_operands = 3 : i64, tpu.core_type = #tpu.core_type<sc_vector_subcore>, window_params = [{transform_indices = #map}, {transform_indices = #map1}, {transform_indices = #map}]} {
    %eq3A = arith.constant 0 : i32
    %eq3A_0 = arith.cmpi eq, %arg0, %eq3A : i32
    %mul3A = arith.constant 2080 : i32
    %mul3A_1 = arith.muli %arg1, %mul3A : i32
    %mul3A_2 = arith.constant 1120 : i32
    %mul3A_3 = arith.muli %arg1, %mul3A_2 : i32
    %add3A = arith.constant 33280 : i32
    %add3A_4 = arith.addi %add3A, %mul3A_3 : i32
    %select_n3A = arith.select %eq3A_0, %mul3A_1, %add3A_4 : i32
    %eq3A_5 = arith.constant 0 : i32
    %eq3A_6 = arith.cmpi eq, %arg0, %eq3A_5 : i32
    %jit3A = arith.constant 26 : i32
    %jit3A_7 = arith.constant 14 : i32
    %select_n3A_8 = arith.select %eq3A_6, %jit3A, %jit3A_7 : i32
    %dma_start3A = tpu.memref_slice %arg3[%select_n3A] : memref<51200xi32, #tpu.memory_space<hbm>> -> memref<2080xi32, #tpu.memory_space<hbm>>
    %dma_start3A_9 = tpu.memref_slice %arg3[%select_n3A] : memref<51200xi32, #tpu.memory_space<hbm>> -> memref<2080xi32, #tpu.memory_space<hbm>>
    tpu.enqueue_dma source(%dma_start3A_9 : memref<2080xi32, #tpu.memory_space<hbm>>) target(%arg5 : memref<2080xi32, #tpu.memory_space<vmem>>) target_semaphore(%arg7 : memref<!tpu.dma_semaphore, #tpu.memory_space<semaphore_mem>>)
    %dma_wait3A = tpu.memref_slice %arg3[%select_n3A] : memref<51200xi32, #tpu.memory_space<hbm>> -> memref<2080xi32, #tpu.memory_space<hbm>>
    %dma_wait3A_10 = tpu.memref_slice %arg3[%select_n3A] : memref<51200xi32, #tpu.memory_space<hbm>> -> memref<2080xi32, #tpu.memory_space<hbm>>
    tpu.wait_dma2 semaphore(%arg7 : memref<!tpu.dma_semaphore, #tpu.memory_space<semaphore_mem>>) src(%dma_wait3A_10 : memref<2080xi32, #tpu.memory_space<hbm>>) dst(%arg5 : memref<2080xi32, #tpu.memory_space<vmem>>)
    %while3A = arith.constant 0 : i32
    %while3A_11 = arith.constant 0 : i32
    %while3A_12 = arith.subi %select_n3A_8, %while3A : i32
    %while3A_13 = arith.addi %while3A, %while3A_12 : i32
    %while3A_14 = arith.constant 1 : i32
    %while3A_15 = arith.divsi %while3A_12, %while3A_14 : i32
    %while3A_16 = arith.muli %while3A_15, %while3A_14 : i32
    %while3A_17 = arith.addi %while3A, %while3A_16 : i32
    %while3A_18 = arith.constant 1 : i32
    %while3A_19 = scf.for %while3A_22 = %while3A to %while3A_17 step %while3A_18 iter_args(%while3A_23 = %while3A_11) -> (i32)  : i32 {
      %mul3A_24 = arith.constant 80 : i32
      %mul3A_25 = arith.muli %while3A_22, %mul3A_24 : i32
      %add3A_26 = arith.addi %select_n3A, %mul3A_25 : i32
      %mul3A_27 = arith.constant 80 : i32
      %mul3A_28 = arith.muli %while3A_22, %mul3A_27 : i32
      %dma_start3A_29 = tpu.memref_slice %arg5[%mul3A_28] : memref<2080xi32, #tpu.memory_space<vmem>> -> memref<80xi32, #tpu.memory_space<vmem>>
      %dma_start3A_30 = arith.constant 0 : i32
      %dma_start3A_31 = arith.constant 0 : i32
      %dma_start3A_32 = tpu.memref_slice %arg2[%dma_start3A_30, %dma_start3A_31] : memref<50000x128xf32, #tpu.memory_space<hbm>> -> memref<50000x128xf32, #tpu.memory_space<hbm>>
      tpu.enqueue_indirect_dma source(%dma_start3A_32 : memref<50000x128xf32, #tpu.memory_space<hbm>>) target(%arg6 : memref<80x128xf32, #tpu.memory_space<vmem>>) offsets(%dma_start3A_29 : memref<80xi32, #tpu.memory_space<vmem>>) semaphore(%arg7 : memref<!tpu.dma_semaphore, #tpu.memory_space<semaphore_mem>>)
      %dma_wait3A_33 = tpu.memref_slice %arg5[%mul3A_28] : memref<2080xi32, #tpu.memory_space<vmem>> -> memref<80xi32, #tpu.memory_space<vmem>>
      %dma_wait3A_34 = arith.constant 0 : i32
      %dma_wait3A_35 = arith.constant 0 : i32
      %dma_wait3A_36 = tpu.memref_slice %arg2[%dma_wait3A_34, %dma_wait3A_35] : memref<50000x128xf32, #tpu.memory_space<hbm>> -> memref<50000x128xf32, #tpu.memory_space<hbm>>
      tpu.wait_indirect_dma semaphore(%arg7 : memref<!tpu.dma_semaphore, #tpu.memory_space<semaphore_mem>>) src(%dma_wait3A_36 : memref<50000x128xf32, #tpu.memory_space<hbm>>) dst(%arg6 : memref<80x128xf32, #tpu.memory_space<vmem>>)
      "tpu.region"() ({
        %run_scoped3A = tpu.sem_alloc : memref<!tpu.dma_semaphore, #tpu.memory_space<semaphore_mem>>
        %dma_start3A_38 = arith.constant 0 : i32
        %dma_start3A_39 = tpu.memref_slice %arg4[%add3A_26, %dma_start3A_38] : memref<51200x128xf32, #tpu.memory_space<hbm>> -> memref<80x128xf32, #tpu.memory_space<hbm>>
        %dma_start3A_40 = arith.constant 0 : i32
        %dma_start3A_41 = tpu.memref_slice %arg4[%add3A_26, %dma_start3A_40] : memref<51200x128xf32, #tpu.memory_space<hbm>> -> memref<80x128xf32, #tpu.memory_space<hbm>>
        tpu.enqueue_dma source(%arg6 : memref<80x128xf32, #tpu.memory_space<vmem>>) target(%dma_start3A_41 : memref<80x128xf32, #tpu.memory_space<hbm>>) target_semaphore(%run_scoped3A : memref<!tpu.dma_semaphore, #tpu.memory_space<semaphore_mem>>)
        %dma_wait3A_42 = arith.constant 0 : i32
        %dma_wait3A_43 = tpu.memref_slice %arg4[%add3A_26, %dma_wait3A_42] : memref<51200x128xf32, #tpu.memory_space<hbm>> -> memref<80x128xf32, #tpu.memory_space<hbm>>
        %dma_wait3A_44 = arith.constant 0 : i32
        %dma_wait3A_45 = tpu.memref_slice %arg4[%add3A_26, %dma_wait3A_44] : memref<51200x128xf32, #tpu.memory_space<hbm>> -> memref<80x128xf32, #tpu.memory_space<hbm>>
        tpu.wait_dma2 semaphore(%run_scoped3A : memref<!tpu.dma_semaphore, #tpu.memory_space<semaphore_mem>>) src(%arg6 : memref<80x128xf32, #tpu.memory_space<vmem>>) dst(%dma_wait3A_45 : memref<80x128xf32, #tpu.memory_space<hbm>>)
        tpu.yield
      }) : () -> ()
      %while3A_37 = arith.constant 0 : i32
      scf.yield %while3A_37 : i32
    }
    %while3A_20 = arith.constant 1 : i32
    %while3A_21 = scf.for %while3A_22 = %while3A_17 to %while3A_13 step %while3A_20 iter_args(%while3A_23 = %while3A_19) -> (i32)  : i32 {
      %mul3A_24 = arith.constant 80 : i32
      %mul3A_25 = arith.muli %while3A_22, %mul3A_24 : i32
      %add3A_26 = arith.addi %select_n3A, %mul3A_25 : i32
      %mul3A_27 = arith.constant 80 : i32
      %mul3A_28 = arith.muli %while3A_22, %mul3A_27 : i32
      %dma_start3A_29 = tpu.memref_slice %arg5[%mul3A_28] : memref<2080xi32, #tpu.memory_space<vmem>> -> memref<80xi32, #tpu.memory_space<vmem>>
      %dma_start3A_30 = arith.constant 0 : i32
      %dma_start3A_31 = arith.constant 0 : i32
      %dma_start3A_32 = tpu.memref_slice %arg2[%dma_start3A_30, %dma_start3A_31] : memref<50000x128xf32, #tpu.memory_space<hbm>> -> memref<50000x128xf32, #tpu.memory_space<hbm>>
      tpu.enqueue_indirect_dma source(%dma_start3A_32 : memref<50000x128xf32, #tpu.memory_space<hbm>>) target(%arg6 : memref<80x128xf32, #tpu.memory_space<vmem>>) offsets(%dma_start3A_29 : memref<80xi32, #tpu.memory_space<vmem>>) semaphore(%arg7 : memref<!tpu.dma_semaphore, #tpu.memory_space<semaphore_mem>>)
      %dma_wait3A_33 = tpu.memref_slice %arg5[%mul3A_28] : memref<2080xi32, #tpu.memory_space<vmem>> -> memref<80xi32, #tpu.memory_space<vmem>>
      %dma_wait3A_34 = arith.constant 0 : i32
      %dma_wait3A_35 = arith.constant 0 : i32
      %dma_wait3A_36 = tpu.memref_slice %arg2[%dma_wait3A_34, %dma_wait3A_35] : memref<50000x128xf32, #tpu.memory_space<hbm>> -> memref<50000x128xf32, #tpu.memory_space<hbm>>
      tpu.wait_indirect_dma semaphore(%arg7 : memref<!tpu.dma_semaphore, #tpu.memory_space<semaphore_mem>>) src(%dma_wait3A_36 : memref<50000x128xf32, #tpu.memory_space<hbm>>) dst(%arg6 : memref<80x128xf32, #tpu.memory_space<vmem>>)
      "tpu.region"() ({
        %run_scoped3A = tpu.sem_alloc : memref<!tpu.dma_semaphore, #tpu.memory_space<semaphore_mem>>
        %dma_start3A_38 = arith.constant 0 : i32
        %dma_start3A_39 = tpu.memref_slice %arg4[%add3A_26, %dma_start3A_38] : memref<51200x128xf32, #tpu.memory_space<hbm>> -> memref<80x128xf32, #tpu.memory_space<hbm>>
        %dma_start3A_40 = arith.constant 0 : i32
        %dma_start3A_41 = tpu.memref_slice %arg4[%add3A_26, %dma_start3A_40] : memref<51200x128xf32, #tpu.memory_space<hbm>> -> memref<80x128xf32, #tpu.memory_space<hbm>>
        tpu.enqueue_dma source(%arg6 : memref<80x128xf32, #tpu.memory_space<vmem>>) target(%dma_start3A_41 : memref<80x128xf32, #tpu.memory_space<hbm>>) target_semaphore(%run_scoped3A : memref<!tpu.dma_semaphore, #tpu.memory_space<semaphore_mem>>)
        %dma_wait3A_42 = arith.constant 0 : i32
        %dma_wait3A_43 = tpu.memref_slice %arg4[%add3A_26, %dma_wait3A_42] : memref<51200x128xf32, #tpu.memory_space<hbm>> -> memref<80x128xf32, #tpu.memory_space<hbm>>
        %dma_wait3A_44 = arith.constant 0 : i32
        %dma_wait3A_45 = tpu.memref_slice %arg4[%add3A_26, %dma_wait3A_44] : memref<51200x128xf32, #tpu.memory_space<hbm>> -> memref<80x128xf32, #tpu.memory_space<hbm>>
        tpu.wait_dma2 semaphore(%run_scoped3A : memref<!tpu.dma_semaphore, #tpu.memory_space<semaphore_mem>>) src(%arg6 : memref<80x128xf32, #tpu.memory_space<vmem>>) dst(%dma_wait3A_45 : memref<80x128xf32, #tpu.memory_space<hbm>>)
        tpu.yield
      }) : () -> ()
      %while3A_37 = arith.constant 0 : i32
      scf.yield %while3A_37 : i32
    }
    return
  }
}

module attributes {stable_mosaic.version = 14 : i64} {
  func.func @_t0_body(%arg0: i32, %arg1: memref<2000x512xf32, #tpu.memory_space<vmem>>, %arg2: memref<128x512xf32, #tpu.memory_space<vmem>>, %arg3: memref<2000x128xf32, #tpu.memory_space<vmem>>) attributes {dimension_semantics = [#tpu.dimension_semantics<arbitrary>], iteration_bounds = array<i64: 25>, scalar_prefetch = 0 : i64, scratch_operands = 0 : i64, tpu.core_type = #tpu.core_type<tc>, window_params = [{transform_indices = @transform_0, window_bounds = array<i64: 2000, 512>}, {pipeline_mode = #tpu.pipeline_mode<synchronous>, transform_indices = @transform_1, window_bounds = array<i64: 128, 512>}, {transform_indices = @transform_2, window_bounds = array<i64: 2000, 128>}]} {
    %get3A = arith.constant 0 : index
    %get3A_0 = arith.constant 0 : index
    %get3A_1 = vector.load %arg1[%get3A, %get3A_0] : memref<2000x512xf32, #tpu.memory_space<vmem>>, vector<2000x512xf32>
    %get3A_2 = arith.constant 0 : index
    %get3A_3 = arith.constant 0 : index
    %get3A_4 = vector.load %arg2[%get3A_2, %get3A_3] : memref<128x512xf32, #tpu.memory_space<vmem>>, vector<128x512xf32>
    %dot_general3A = arith.constant dense<0.000000e+00> : vector<2000x128xf32>
    %dot_general3A_5 = tpu.matmul %get3A_1, %get3A_4, %dot_general3A {dimension_numbers = #tpu.dot_dimension_numbers<[1], [1], [0], [0], [0, 0, 1, 0], [], []>, transpose_lhs_hint = false} : vector<2000x512xf32>, vector<128x512xf32>, vector<2000x128xf32> -> vector<2000x128xf32>
    %swap3A = arith.constant 0 : index
    %swap3A_6 = arith.constant 0 : index
    %swap3A_7 = vector.load %arg3[%swap3A, %swap3A_6] : memref<2000x128xf32, #tpu.memory_space<vmem>>, vector<2000x128xf32>
    tpu.vector_store %arg3[%swap3A, %swap3A_6], %dot_general3A_5 {strides = array<i32>} : memref<2000x128xf32, #tpu.memory_space<vmem>>, vector<2000x128xf32>,
    return
  }
  func.func @transform_0(%arg0: i32) -> (i32, i32) {
    %c0_i32 = arith.constant 0 : i32
    %c0_i32_0 = arith.constant 0 : i32
    return %arg0, %c0_i32 : i32, i32
  }
  func.func @transform_1(%arg0: i32) -> (i32, i32) {
    %c0_i32 = arith.constant 0 : i32
    %c0_i32_0 = arith.constant 0 : i32
    %c0_i32_1 = arith.constant 0 : i32
    return %c0_i32, %c0_i32_0 : i32, i32
  }
  func.func @transform_2(%arg0: i32) -> (i32, i32) {
    %c0_i32 = arith.constant 0 : i32
    %c0_i32_0 = arith.constant 0 : i32
    return %arg0, %c0_i32 : i32, i32
  }
}

module attributes {stable_mosaic.version = 14 : i64} {
  func.func @_t1_body(%arg0: i32, %arg1: memref<26xi32, #tpu.memory_space<smem>>, %arg2: memref<26xi32, #tpu.memory_space<smem>>, %arg3: memref<51200x128xf32, #tpu.memory_space<hbm>>, %arg4: memref<2x8x64xf32, #tpu.memory_space<vmem>>, %arg5: memref<2x8x64xi32, #tpu.memory_space<vmem>>, %arg6: memref<2560x128xf32, #tpu.memory_space<vmem>>, %arg7: memref<2560x128xf32, #tpu.memory_space<vmem>>, %arg8: memref<2560x128xf32, #tpu.memory_space<vmem>>, %arg9: memref<2560x128xf32, #tpu.memory_space<vmem>>, %arg10: memref<!tpu.dma_semaphore, #tpu.memory_space<semaphore_mem>>, %arg11: memref<!tpu.dma_semaphore, #tpu.memory_space<semaphore_mem>>, %arg12: memref<!tpu.dma_semaphore, #tpu.memory_space<semaphore_mem>>, %arg13: memref<!tpu.dma_semaphore, #tpu.memory_space<semaphore_mem>>) attributes {dimension_semantics = [#tpu.dimension_semantics<arbitrary>], iteration_bounds = array<i64: 13>, scalar_prefetch = 0 : i64, scratch_operands = 8 : i64, tpu.core_type = #tpu.core_type<tc>, window_params = [{transform_indices = @transform_0, window_bounds = array<i64: 26>}, {transform_indices = @transform_1, window_bounds = array<i64: 26>}, {}, {transform_indices = @transform_3, window_bounds = array<i64: 2, 8, 64>}, {transform_indices = @transform_4, window_bounds = array<i64: 2, 8, 64>}]} {
    %mul3A = arith.constant 2 : i32
    %mul3A_0 = arith.muli %mul3A, %arg0 : i32
    %get3A = arith.index_cast %mul3A_0 : i32 to index
    %get3A_1 = memref.load %arg1[%get3A] : memref<26xi32, #tpu.memory_space<smem>>
    %mul3A_2 = arith.constant 2 : i32
    %mul3A_3 = arith.muli %mul3A_2, %arg0 : i32
    %add3A = arith.constant 1 : i32
    %add3A_4 = arith.addi %mul3A_3, %add3A : i32
    %get3A_5 = arith.index_cast %add3A_4 : i32 to index
    %get3A_6 = memref.load %arg1[%get3A_5] : memref<26xi32, #tpu.memory_space<smem>>
    %jit3A = arith.constant 8 : i32
    %div3A = arith.divsi %get3A_1, %jit3A : i32
    %sign3A = arith.constant 0 : i32
    %sign3A_7 = arith.cmpi sgt, %get3A_1, %sign3A : i32
    %sign3A_8 = arith.extui %sign3A_7 : i1 to i32
    %sign3A_9 = arith.constant 0 : i32
    %sign3A_10 = arith.cmpi slt, %get3A_1, %sign3A_9 : i32
    %sign3A_11 = arith.extui %sign3A_10 : i1 to i32
    %sign3A_12 = arith.subi %sign3A_8, %sign3A_11 : i32
    %sign3A_13 = arith.constant 0 : i32
    %sign3A_14 = arith.cmpi sgt, %jit3A, %sign3A_13 : i32
    %sign3A_15 = arith.extui %sign3A_14 : i1 to i32
    %sign3A_16 = arith.constant 0 : i32
    %sign3A_17 = arith.cmpi slt, %jit3A, %sign3A_16 : i32
    %sign3A_18 = arith.extui %sign3A_17 : i1 to i32
    %sign3A_19 = arith.subi %sign3A_15, %sign3A_18 : i32
    %ne3A = arith.cmpi ne, %sign3A_12, %sign3A_19 : i32
    %rem3A = arith.remsi %get3A_1, %jit3A : i32
    %ne3A_20 = arith.constant 0 : i32
    %ne3A_21 = arith.cmpi ne, %rem3A, %ne3A_20 : i32
    %and3A = arith.andi %ne3A, %ne3A_21 : i1
    %sub3A = arith.constant 1 : i32
    %sub3A_22 = arith.subi %div3A, %sub3A : i32
    %select_n3A = arith.select %and3A, %sub3A_22, %div3A : i32
    %mul3A_23 = arith.constant 8 : i32
    %mul3A_24 = arith.muli %select_n3A, %mul3A_23 : i32
    %min3A = arith.constant 48640 : i32
    %min3A_25 = arith.minsi %mul3A_24, %min3A : i32
    %jit3A_26 = arith.constant 8 : i32
    %div3A_27 = arith.divsi %get3A_6, %jit3A_26 : i32
    %sign3A_28 = arith.constant 0 : i32
    %sign3A_29 = arith.cmpi sgt, %get3A_6, %sign3A_28 : i32
    %sign3A_30 = arith.extui %sign3A_29 : i1 to i32
    %sign3A_31 = arith.constant 0 : i32
    %sign3A_32 = arith.cmpi slt, %get3A_6, %sign3A_31 : i32
    %sign3A_33 = arith.extui %sign3A_32 : i1 to i32
    %sign3A_34 = arith.subi %sign3A_30, %sign3A_33 : i32
    %sign3A_35 = arith.constant 0 : i32
    %sign3A_36 = arith.cmpi sgt, %jit3A_26, %sign3A_35 : i32
    %sign3A_37 = arith.extui %sign3A_36 : i1 to i32
    %sign3A_38 = arith.constant 0 : i32
    %sign3A_39 = arith.cmpi slt, %jit3A_26, %sign3A_38 : i32
    %sign3A_40 = arith.extui %sign3A_39 : i1 to i32
    %sign3A_41 = arith.subi %sign3A_37, %sign3A_40 : i32
    %ne3A_42 = arith.cmpi ne, %sign3A_34, %sign3A_41 : i32
    %rem3A_43 = arith.remsi %get3A_6, %jit3A_26 : i32
    %ne3A_44 = arith.constant 0 : i32
    %ne3A_45 = arith.cmpi ne, %rem3A_43, %ne3A_44 : i32
    %and3A_46 = arith.andi %ne3A_42, %ne3A_45 : i1
    %sub3A_47 = arith.constant 1 : i32
    %sub3A_48 = arith.subi %div3A_27, %sub3A_47 : i32
    %select_n3A_49 = arith.select %and3A_46, %sub3A_48, %div3A_27 : i32
    %mul3A_50 = arith.constant 8 : i32
    %mul3A_51 = arith.muli %select_n3A_49, %mul3A_50 : i32
    %min3A_52 = arith.constant 48640 : i32
    %min3A_53 = arith.minsi %mul3A_51, %min3A_52 : i32
    %eq3A = arith.constant 0 : i32
    %eq3A_54 = arith.cmpi eq, %arg0, %eq3A : i32
    %convert_element_type3A = arith.extui %eq3A_54 : i1 to i32
    %cond3A = arith.constant 0 : i32
    %cond3A_55 = arith.cmpi ne, %convert_element_type3A, %cond3A : i32
    scf.if %cond3A_55 {
      %dma_start3A = arith.constant 0 : i32
      %dma_start3A_3478 = tpu.memref_slice %arg3[%min3A_25, %dma_start3A] : memref<51200x128xf32, #tpu.memory_space<hbm>> -> memref<2560x128xf32, #tpu.memory_space<hbm>>
      tpu.enqueue_dma source(%dma_start3A_3478 : memref<2560x128xf32, #tpu.memory_space<hbm>>) target(%arg6 : memref<2560x128xf32, #tpu.memory_space<vmem>>) target_semaphore(%arg10 : memref<!tpu.dma_semaphore, #tpu.memory_space<semaphore_mem>>)
      %dma_start3A_3479 = arith.constant 0 : i32
      %dma_start3A_3480 = tpu.memref_slice %arg3[%min3A_53, %dma_start3A_3479] : memref<51200x128xf32, #tpu.memory_space<hbm>> -> memref<2560x128xf32, #tpu.memory_space<hbm>>
      tpu.enqueue_dma source(%dma_start3A_3480 : memref<2560x128xf32, #tpu.memory_space<hbm>>) target(%arg7 : memref<2560x128xf32, #tpu.memory_space<vmem>>) target_semaphore(%arg11 : memref<!tpu.dma_semaphore, #tpu.memory_space<semaphore_mem>>)
    } else {
    }
    %add3A_56 = arith.constant 1 : i32
    %add3A_57 = arith.addi %arg0, %add3A_56 : i32
    %min3A_58 = arith.constant 12 : i32
    %min3A_59 = arith.minsi %add3A_57, %min3A_58 : i32
    %mul3A_60 = arith.constant 2 : i32
    %mul3A_61 = arith.muli %mul3A_60, %min3A_59 : i32
    %get3A_62 = arith.index_cast %mul3A_61 : i32 to index
    %get3A_63 = memref.load %arg1[%get3A_62] : memref<26xi32, #tpu.memory_space<smem>>
    %mul3A_64 = arith.constant 2 : i32
    %mul3A_65 = arith.muli %mul3A_64, %min3A_59 : i32
    %add3A_66 = arith.constant 1 : i32
    %add3A_67 = arith.addi %mul3A_65, %add3A_66 : i32
    %get3A_68 = arith.index_cast %add3A_67 : i32 to index
    %get3A_69 = memref.load %arg1[%get3A_68] : memref<26xi32, #tpu.memory_space<smem>>
    %jit3A_70 = arith.constant 8 : i32
    %div3A_71 = arith.divsi %get3A_63, %jit3A_70 : i32
    %sign3A_72 = arith.constant 0 : i32
    %sign3A_73 = arith.cmpi sgt, %get3A_63, %sign3A_72 : i32
    %sign3A_74 = arith.extui %sign3A_73 : i1 to i32
    %sign3A_75 = arith.constant 0 : i32
    %sign3A_76 = arith.cmpi slt, %get3A_63, %sign3A_75 : i32
    %sign3A_77 = arith.extui %sign3A_76 : i1 to i32
    %sign3A_78 = arith.subi %sign3A_74, %sign3A_77 : i32
    %sign3A_79 = arith.constant 0 : i32
    %sign3A_80 = arith.cmpi sgt, %jit3A_70, %sign3A_79 : i32
    %sign3A_81 = arith.extui %sign3A_80 : i1 to i32
    %sign3A_82 = arith.constant 0 : i32
    %sign3A_83 = arith.cmpi slt, %jit3A_70, %sign3A_82 : i32
    %sign3A_84 = arith.extui %sign3A_83 : i1 to i32
    %sign3A_85 = arith.subi %sign3A_81, %sign3A_84 : i32
    %ne3A_86 = arith.cmpi ne, %sign3A_78, %sign3A_85 : i32
    %rem3A_87 = arith.remsi %get3A_63, %jit3A_70 : i32
    %ne3A_88 = arith.constant 0 : i32
    %ne3A_89 = arith.cmpi ne, %rem3A_87, %ne3A_88 : i32
    %and3A_90 = arith.andi %ne3A_86, %ne3A_89 : i1
    %sub3A_91 = arith.constant 1 : i32
    %sub3A_92 = arith.subi %div3A_71, %sub3A_91 : i32
    %select_n3A_93 = arith.select %and3A_90, %sub3A_92, %div3A_71 : i32
    %mul3A_94 = arith.constant 8 : i32
    %mul3A_95 = arith.muli %select_n3A_93, %mul3A_94 : i32
    %min3A_96 = arith.constant 48640 : i32
    %min3A_97 = arith.minsi %mul3A_95, %min3A_96 : i32
    %jit3A_98 = arith.constant 8 : i32
    %div3A_99 = arith.divsi %get3A_69, %jit3A_98 : i32
    %sign3A_100 = arith.constant 0 : i32
    %sign3A_101 = arith.cmpi sgt, %get3A_69, %sign3A_100 : i32
    %sign3A_102 = arith.extui %sign3A_101 : i1 to i32
    %sign3A_103 = arith.constant 0 : i32
    %sign3A_104 = arith.cmpi slt, %get3A_69, %sign3A_103 : i32
    %sign3A_105 = arith.extui %sign3A_104 : i1 to i32
    %sign3A_106 = arith.subi %sign3A_102, %sign3A_105 : i32
    %sign3A_107 = arith.constant 0 : i32
    %sign3A_108 = arith.cmpi sgt, %jit3A_98, %sign3A_107 : i32
    %sign3A_109 = arith.extui %sign3A_108 : i1 to i32
    %sign3A_110 = arith.constant 0 : i32
    %sign3A_111 = arith.cmpi slt, %jit3A_98, %sign3A_110 : i32
    %sign3A_112 = arith.extui %sign3A_111 : i1 to i32
    %sign3A_113 = arith.subi %sign3A_109, %sign3A_112 : i32
    %ne3A_114 = arith.cmpi ne, %sign3A_106, %sign3A_113 : i32
    %rem3A_115 = arith.remsi %get3A_69, %jit3A_98 : i32
    %ne3A_116 = arith.constant 0 : i32
    %ne3A_117 = arith.cmpi ne, %rem3A_115, %ne3A_116 : i32
    %and3A_118 = arith.andi %ne3A_114, %ne3A_117 : i1
    %sub3A_119 = arith.constant 1 : i32
    %sub3A_120 = arith.subi %div3A_99, %sub3A_119 : i32
    %select_n3A_121 = arith.select %and3A_118, %sub3A_120, %div3A_99 : i32
    %mul3A_122 = arith.constant 8 : i32
    %mul3A_123 = arith.muli %select_n3A_121, %mul3A_122 : i32
    %min3A_124 = arith.constant 48640 : i32
    %min3A_125 = arith.minsi %mul3A_123, %min3A_124 : i32
    %add3A_126 = arith.constant 1 : i32
    %add3A_127 = arith.addi %arg0, %add3A_126 : i32
    %lt3A = arith.constant 13 : i32
    %lt3A_128 = arith.cmpi slt, %add3A_127, %lt3A : i32
    %jit3A_129 = arith.constant 2 : i32
    %eq3A_130 = arith.constant 0 : i32
    %eq3A_131 = arith.cmpi eq, %jit3A_129, %eq3A_130 : i32
    %jit3A_132 = arith.constant 1 : i32
    %select_n3A_133 = arith.select %eq3A_131, %jit3A_132, %jit3A_129 : i32
    %rem3A_134 = arith.remsi %arg0, %select_n3A_133 : i32
    %ne3A_135 = arith.constant 0 : i32
    %ne3A_136 = arith.cmpi ne, %rem3A_134, %ne3A_135 : i32
    %lt3A_137 = arith.constant 0 : i32
    %lt3A_138 = arith.cmpi slt, %rem3A_134, %lt3A_137 : i32
    %lt3A_139 = arith.constant 0 : i32
    %lt3A_140 = arith.cmpi slt, %select_n3A_133, %lt3A_139 : i32
    %ne3A_141 = arith.xori %lt3A_138, %lt3A_140 : i1
    %and3A_142 = arith.andi %ne3A_141, %ne3A_136 : i1
    %add3A_143 = arith.addi %rem3A_134, %select_n3A_133 : i32
    %select_n3A_144 = arith.select %and3A_142, %add3A_143, %rem3A_134 : i32
    %eq3A_145 = arith.constant 0 : i32
    %eq3A_146 = arith.cmpi eq, %select_n3A_144, %eq3A_145 : i32
    %and3A_147 = arith.andi %lt3A_128, %eq3A_146 : i1
    %convert_element_type3A_148 = arith.extui %and3A_147 : i1 to i32
    %cond3A_149 = arith.constant 0 : i32
    %cond3A_150 = arith.cmpi ne, %convert_element_type3A_148, %cond3A_149 : i32
    scf.if %cond3A_150 {
      %dma_start3A = arith.constant 0 : i32
      %dma_start3A_3478 = tpu.memref_slice %arg3[%min3A_97, %dma_start3A] : memref<51200x128xf32, #tpu.memory_space<hbm>> -> memref<2560x128xf32, #tpu.memory_space<hbm>>
      tpu.enqueue_dma source(%dma_start3A_3478 : memref<2560x128xf32, #tpu.memory_space<hbm>>) target(%arg8 : memref<2560x128xf32, #tpu.memory_space<vmem>>) target_semaphore(%arg12 : memref<!tpu.dma_semaphore, #tpu.memory_space<semaphore_mem>>)
      %dma_start3A_3479 = arith.constant 0 : i32
      %dma_start3A_3480 = tpu.memref_slice %arg3[%min3A_125, %dma_start3A_3479] : memref<51200x128xf32, #tpu.memory_space<hbm>> -> memref<2560x128xf32, #tpu.memory_space<hbm>>
      tpu.enqueue_dma source(%dma_start3A_3480 : memref<2560x128xf32, #tpu.memory_space<hbm>>) target(%arg9 : memref<2560x128xf32, #tpu.memory_space<vmem>>) target_semaphore(%arg13 : memref<!tpu.dma_semaphore, #tpu.memory_space<semaphore_mem>>)
    } else {
    }
    %add3A_151 = arith.constant 1 : i32
    %add3A_152 = arith.addi %arg0, %add3A_151 : i32
    %lt3A_153 = arith.constant 13 : i32
    %lt3A_154 = arith.cmpi slt, %add3A_152, %lt3A_153 : i32
    %jit3A_155 = arith.constant 2 : i32
    %eq3A_156 = arith.constant 0 : i32
    %eq3A_157 = arith.cmpi eq, %jit3A_155, %eq3A_156 : i32
    %jit3A_158 = arith.constant 1 : i32
    %select_n3A_159 = arith.select %eq3A_157, %jit3A_158, %jit3A_155 : i32
    %rem3A_160 = arith.remsi %arg0, %select_n3A_159 : i32
    %ne3A_161 = arith.constant 0 : i32
    %ne3A_162 = arith.cmpi ne, %rem3A_160, %ne3A_161 : i32
    %lt3A_163 = arith.constant 0 : i32
    %lt3A_164 = arith.cmpi slt, %rem3A_160, %lt3A_163 : i32
    %lt3A_165 = arith.constant 0 : i32
    %lt3A_166 = arith.cmpi slt, %select_n3A_159, %lt3A_165 : i32
    %ne3A_167 = arith.xori %lt3A_164, %lt3A_166 : i1
    %and3A_168 = arith.andi %ne3A_167, %ne3A_162 : i1
    %add3A_169 = arith.addi %rem3A_160, %select_n3A_159 : i32
    %select_n3A_170 = arith.select %and3A_168, %add3A_169, %rem3A_160 : i32
    %eq3A_171 = arith.constant 1 : i32
    %eq3A_172 = arith.cmpi eq, %select_n3A_170, %eq3A_171 : i32
    %and3A_173 = arith.andi %lt3A_154, %eq3A_172 : i1
    %convert_element_type3A_174 = arith.extui %and3A_173 : i1 to i32
    %cond3A_175 = arith.constant 0 : i32
    %cond3A_176 = arith.cmpi ne, %convert_element_type3A_174, %cond3A_175 : i32
    scf.if %cond3A_176 {
      %dma_start3A = arith.constant 0 : i32
      %dma_start3A_3478 = tpu.memref_slice %arg3[%min3A_97, %dma_start3A] : memref<51200x128xf32, #tpu.memory_space<hbm>> -> memref<2560x128xf32, #tpu.memory_space<hbm>>
      tpu.enqueue_dma source(%dma_start3A_3478 : memref<2560x128xf32, #tpu.memory_space<hbm>>) target(%arg6 : memref<2560x128xf32, #tpu.memory_space<vmem>>) target_semaphore(%arg10 : memref<!tpu.dma_semaphore, #tpu.memory_space<semaphore_mem>>)
      %dma_start3A_3479 = arith.constant 0 : i32
      %dma_start3A_3480 = tpu.memref_slice %arg3[%min3A_125, %dma_start3A_3479] : memref<51200x128xf32, #tpu.memory_space<hbm>> -> memref<2560x128xf32, #tpu.memory_space<hbm>>
      tpu.enqueue_dma source(%dma_start3A_3480 : memref<2560x128xf32, #tpu.memory_space<hbm>>) target(%arg7 : memref<2560x128xf32, #tpu.memory_space<vmem>>) target_semaphore(%arg11 : memref<!tpu.dma_semaphore, #tpu.memory_space<semaphore_mem>>)
    } else {
    }
    %jit3A_177 = arith.constant 2 : i32
    %eq3A_178 = arith.constant 0 : i32
    %eq3A_179 = arith.cmpi eq, %jit3A_177, %eq3A_178 : i32
    %jit3A_180 = arith.constant 1 : i32
    %select_n3A_181 = arith.select %eq3A_179, %jit3A_180, %jit3A_177 : i32
    %rem3A_182 = arith.remsi %arg0, %select_n3A_181 : i32
    %ne3A_183 = arith.constant 0 : i32
    %ne3A_184 = arith.cmpi ne, %rem3A_182, %ne3A_183 : i32
    %lt3A_185 = arith.constant 0 : i32
    %lt3A_186 = arith.cmpi slt, %rem3A_182, %lt3A_185 : i32
    %lt3A_187 = arith.constant 0 : i32
    %lt3A_188 = arith.cmpi slt, %select_n3A_181, %lt3A_187 : i32
    %ne3A_189 = arith.xori %lt3A_186, %lt3A_188 : i1
    %and3A_190 = arith.andi %ne3A_189, %ne3A_184 : i1
    %add3A_191 = arith.addi %rem3A_182, %select_n3A_181 : i32
    %select_n3A_192 = arith.select %and3A_190, %add3A_191, %rem3A_182 : i32
    %eq3A_193 = arith.constant 0 : i32
    %eq3A_194 = arith.cmpi eq, %select_n3A_192, %eq3A_193 : i32
    %convert_element_type3A_195 = arith.extui %eq3A_194 : i1 to i32
    %cond3A_196 = arith.constant 0 : i32
    %cond3A_197 = arith.cmpi ne, %convert_element_type3A_195, %cond3A_196 : i32
    scf.if %cond3A_197 {
      %dma_wait3A = arith.constant 0 : i32
      %dma_wait3A_3478 = arith.constant 0 : i32
      %dma_wait3A_3479 = tpu.memref_slice %arg3[%dma_wait3A, %dma_wait3A_3478] : memref<51200x128xf32, #tpu.memory_space<hbm>> -> memref<2560x128xf32, #tpu.memory_space<hbm>>
      tpu.wait_dma2 semaphore(%arg10 : memref<!tpu.dma_semaphore, #tpu.memory_space<semaphore_mem>>) src(%dma_wait3A_3479 : memref<2560x128xf32, #tpu.memory_space<hbm>>) dst(%arg6 : memref<2560x128xf32, #tpu.memory_space<vmem>>)
      %dma_wait3A_3480 = arith.constant 0 : i32
      %dma_wait3A_3481 = arith.constant 0 : i32
      %dma_wait3A_3482 = tpu.memref_slice %arg3[%dma_wait3A_3480, %dma_wait3A_3481] : memref<51200x128xf32, #tpu.memory_space<hbm>> -> memref<2560x128xf32, #tpu.memory_space<hbm>>
      tpu.wait_dma2 semaphore(%arg11 : memref<!tpu.dma_semaphore, #tpu.memory_space<semaphore_mem>>) src(%dma_wait3A_3482 : memref<2560x128xf32, #tpu.memory_space<hbm>>) dst(%arg7 : memref<2560x128xf32, #tpu.memory_space<vmem>>)
    } else {
    }
    %jit3A_198 = arith.constant 2 : i32
    %eq3A_199 = arith.constant 0 : i32
    %eq3A_200 = arith.cmpi eq, %jit3A_198, %eq3A_199 : i32
    %jit3A_201 = arith.constant 1 : i32
    %select_n3A_202 = arith.select %eq3A_200, %jit3A_201, %jit3A_198 : i32
    %rem3A_203 = arith.remsi %arg0, %select_n3A_202 : i32
    %ne3A_204 = arith.constant 0 : i32
    %ne3A_205 = arith.cmpi ne, %rem3A_203, %ne3A_204 : i32
    %lt3A_206 = arith.constant 0 : i32
    %lt3A_207 = arith.cmpi slt, %rem3A_203, %lt3A_206 : i32
    %lt3A_208 = arith.constant 0 : i32
    %lt3A_209 = arith.cmpi slt, %select_n3A_202, %lt3A_208 : i32
    %ne3A_210 = arith.xori %lt3A_207, %lt3A_209 : i1
    %and3A_211 = arith.andi %ne3A_210, %ne3A_205 : i1
    %add3A_212 = arith.addi %rem3A_203, %select_n3A_202 : i32
    %select_n3A_213 = arith.select %and3A_211, %add3A_212, %rem3A_203 : i32
    %eq3A_214 = arith.constant 1 : i32
    %eq3A_215 = arith.cmpi eq, %select_n3A_213, %eq3A_214 : i32
    %convert_element_type3A_216 = arith.extui %eq3A_215 : i1 to i32
    %cond3A_217 = arith.constant 0 : i32
    %cond3A_218 = arith.cmpi ne, %convert_element_type3A_216, %cond3A_217 : i32
    scf.if %cond3A_218 {
      %dma_wait3A = arith.constant 0 : i32
      %dma_wait3A_3478 = arith.constant 0 : i32
      %dma_wait3A_3479 = tpu.memref_slice %arg3[%dma_wait3A, %dma_wait3A_3478] : memref<51200x128xf32, #tpu.memory_space<hbm>> -> memref<2560x128xf32, #tpu.memory_space<hbm>>
      tpu.wait_dma2 semaphore(%arg12 : memref<!tpu.dma_semaphore, #tpu.memory_space<semaphore_mem>>) src(%dma_wait3A_3479 : memref<2560x128xf32, #tpu.memory_space<hbm>>) dst(%arg8 : memref<2560x128xf32, #tpu.memory_space<vmem>>)
      %dma_wait3A_3480 = arith.constant 0 : i32
      %dma_wait3A_3481 = arith.constant 0 : i32
      %dma_wait3A_3482 = tpu.memref_slice %arg3[%dma_wait3A_3480, %dma_wait3A_3481] : memref<51200x128xf32, #tpu.memory_space<hbm>> -> memref<2560x128xf32, #tpu.memory_space<hbm>>
      tpu.wait_dma2 semaphore(%arg13 : memref<!tpu.dma_semaphore, #tpu.memory_space<semaphore_mem>>) src(%dma_wait3A_3482 : memref<2560x128xf32, #tpu.memory_space<hbm>>) dst(%arg9 : memref<2560x128xf32, #tpu.memory_space<vmem>>)
    } else {
    }
    %mul3A_219 = arith.constant 2 : i32
    %mul3A_220 = arith.muli %mul3A_219, %arg0 : i32
    %get3A_221 = arith.index_cast %mul3A_220 : i32 to index
    %get3A_222 = memref.load %arg1[%get3A_221] : memref<26xi32, #tpu.memory_space<smem>>
    %mul3A_223 = arith.constant 2 : i32
    %mul3A_224 = arith.muli %mul3A_223, %arg0 : i32
    %get3A_225 = arith.index_cast %mul3A_224 : i32 to index
    %get3A_226 = memref.load %arg2[%get3A_225] : memref<26xi32, #tpu.memory_space<smem>>
    %mul3A_227 = arith.constant 2 : i32
    %mul3A_228 = arith.muli %mul3A_227, %arg0 : i32
    %add3A_229 = arith.constant 1 : i32
    %add3A_230 = arith.addi %mul3A_228, %add3A_229 : i32
    %get3A_231 = arith.index_cast %add3A_230 : i32 to index
    %get3A_232 = memref.load %arg1[%get3A_231] : memref<26xi32, #tpu.memory_space<smem>>
    %mul3A_233 = arith.constant 2 : i32
    %mul3A_234 = arith.muli %mul3A_233, %arg0 : i32
    %add3A_235 = arith.constant 1 : i32
    %add3A_236 = arith.addi %mul3A_234, %add3A_235 : i32
    %get3A_237 = arith.index_cast %add3A_236 : i32 to index
    %get3A_238 = memref.load %arg2[%get3A_237] : memref<26xi32, #tpu.memory_space<smem>>
    %jit3A_239 = arith.constant 2 : i32
    %eq3A_240 = arith.constant 0 : i32
    %eq3A_241 = arith.cmpi eq, %jit3A_239, %eq3A_240 : i32
    %jit3A_242 = arith.constant 1 : i32
    %select_n3A_243 = arith.select %eq3A_241, %jit3A_242, %jit3A_239 : i32
    %rem3A_244 = arith.remsi %arg0, %select_n3A_243 : i32
    %ne3A_245 = arith.constant 0 : i32
    %ne3A_246 = arith.cmpi ne, %rem3A_244, %ne3A_245 : i32
    %lt3A_247 = arith.constant 0 : i32
    %lt3A_248 = arith.cmpi slt, %rem3A_244, %lt3A_247 : i32
    %lt3A_249 = arith.constant 0 : i32
    %lt3A_250 = arith.cmpi slt, %select_n3A_243, %lt3A_249 : i32
    %ne3A_251 = arith.xori %lt3A_248, %lt3A_250 : i1
    %and3A_252 = arith.andi %ne3A_251, %ne3A_246 : i1
    %add3A_253 = arith.addi %rem3A_244, %select_n3A_243 : i32
    %select_n3A_254 = arith.select %and3A_252, %add3A_253, %rem3A_244 : i32
    %eq3A_255 = arith.constant 0 : i32
    %eq3A_256 = arith.cmpi eq, %select_n3A_254, %eq3A_255 : i32
    %iota3A = tpu.iota {dimensions = array<i32: 1>} : vector<1x128xi32>
    %lt3A_257 = arith.constant 64 : i32
    %lt3A_258 = vector.broadcast %lt3A_257 : i32 to vector<1x128xi32>
    %lt3A_259 = arith.cmpi slt, %iota3A, %lt3A_258 : vector<1x128xi32>
    %sub3A_260 = arith.subi %get3A_222, %min3A_25 : i32
    %sub3A_261 = arith.subi %get3A_232, %min3A_53 : i32
    %broadcast_in_dim3A = vector.broadcast %sub3A_260 : i32 to vector<1x128xi32>
    %broadcast_in_dim3A_262 = vector.broadcast %sub3A_261 : i32 to vector<1x128xi32>
    %select_n3A_263 = arith.select %lt3A_259, %broadcast_in_dim3A, %broadcast_in_dim3A_262 : vector<1x128xi1>, vector<1x128xi32>
    %sub3A_264 = arith.subi %get3A_226, %min3A_25 : i32
    %sub3A_265 = arith.subi %get3A_238, %min3A_53 : i32
    %broadcast_in_dim3A_266 = vector.broadcast %sub3A_264 : i32 to vector<1x128xi32>
    %broadcast_in_dim3A_267 = vector.broadcast %sub3A_265 : i32 to vector<1x128xi32>
    %select_n3A_268 = arith.select %lt3A_259, %broadcast_in_dim3A_266, %broadcast_in_dim3A_267 : vector<1x128xi1>, vector<1x128xi32>
    %broadcast_in_dim3A_269 = vector.broadcast %min3A_25 : i32 to vector<1x128xi32>
    %broadcast_in_dim3A_270 = vector.broadcast %min3A_53 : i32 to vector<1x128xi32>
    %select_n3A_271 = arith.select %lt3A_259, %broadcast_in_dim3A_269, %broadcast_in_dim3A_270 : vector<1x128xi1>, vector<1x128xi32>
    %iota3A_272 = tpu.iota {dimensions = array<i32: 0>} : vector<128x128xi32>
    %iota3A_273 = tpu.iota {dimensions = array<i32: 1>} : vector<128x128xi32>
    %lt3A_274 = arith.constant 64 : i32
    %lt3A_275 = vector.broadcast %lt3A_274 : i32 to vector<128x128xi32>
    %lt3A_276 = arith.cmpi slt, %iota3A_273, %lt3A_275 : vector<128x128xi32>
    %get3A_277 = arith.constant 0 : index
    %get3A_278 = arith.constant 0 : index
    %get3A_279 = vector.load %arg6[%get3A_277, %get3A_278] : memref<2560x128xf32, #tpu.memory_space<vmem>>, vector<128x128xf32>
    %get3A_280 = arith.constant 0 : index
    %get3A_281 = arith.constant 0 : index
    %get3A_282 = vector.load %arg7[%get3A_280, %get3A_281] : memref<2560x128xf32, #tpu.memory_space<vmem>>, vector<128x128xf32>
    %get3A_283 = arith.constant 0 : index
    %get3A_284 = arith.constant 0 : index
    %get3A_285 = vector.load %arg8[%get3A_283, %get3A_284] : memref<2560x128xf32, #tpu.memory_space<vmem>>, vector<128x128xf32>
    %get3A_286 = arith.constant 0 : index
    %get3A_287 = arith.constant 0 : index
    %get3A_288 = vector.load %arg9[%get3A_286, %get3A_287] : memref<2560x128xf32, #tpu.memory_space<vmem>>, vector<128x128xf32>
    %select_n3A_289 = arith.select %eq3A_256, %get3A_279, %get3A_285 : vector<128x128xf32>
    %select_n3A_290 = arith.select %eq3A_256, %get3A_282, %get3A_288 : vector<128x128xf32>
    %select_n3A_291 = arith.select %lt3A_276, %select_n3A_289, %select_n3A_290 : vector<128x128xi1>, vector<128x128xf32>
    %add3A_292 = arith.constant 0 : i32
    %add3A_293 = vector.broadcast %add3A_292 : i32 to vector<128x128xi32>
    %add3A_294 = arith.addi %iota3A_272, %add3A_293 : vector<128x128xi32>
    %ge3A = vector.broadcast %select_n3A_263 : vector<1x128xi32> to vector<128x128xi32>
    %ge3A_295 = arith.cmpi sge, %add3A_294, %ge3A : vector<128x128xi32>
    %lt3A_296 = vector.broadcast %select_n3A_268 : vector<1x128xi32> to vector<128x128xi32>
    %lt3A_297 = arith.cmpi slt, %add3A_294, %lt3A_296 : vector<128x128xi32>
    %and3A_298 = arith.andi %ge3A_295, %lt3A_297 : vector<128x128xi1>
    %jit3A_299 = arith.constant -1.000000e+09 : f32
    %broadcast_in_dim3A_300 = vector.broadcast %jit3A_299 : f32 to vector<128x128xf32>
    %select_n3A_301 = arith.select %and3A_298, %select_n3A_291, %broadcast_in_dim3A_300 : vector<128x128xi1>, vector<128x128xf32>
    %reduce_max3A = arith.constant dense<0xFF800000> : vector<128xf32>
    %reduce_max3A_302 = vector.multi_reduction <maximumf>, %select_n3A_301, %reduce_max3A [0] : vector<128x128xf32> to vector<128xf32>
    %broadcast_in_dim3A_303 = vector.shape_cast %reduce_max3A_302 : vector<128xf32> to vector<1x128xf32>
    %eq3A_304 = vector.broadcast %broadcast_in_dim3A_303 : vector<1x128xf32> to vector<128x128xf32>
    %eq3A_305 = arith.cmpf oeq, %select_n3A_301, %eq3A_304 : vector<128x128xf32>
    %jit3A_306 = arith.constant 1073741824 : i32
    %broadcast_in_dim3A_307 = vector.broadcast %jit3A_306 : i32 to vector<128x128xi32>
    %select_n3A_308 = arith.select %eq3A_305, %add3A_294, %broadcast_in_dim3A_307 : vector<128x128xi1>, vector<128x128xi32>
    %reduce_min3A = arith.constant dense<2147483647> : vector<128xi32>
    %reduce_min3A_309 = vector.multi_reduction <minsi>, %select_n3A_308, %reduce_min3A [0] : vector<128x128xi32> to vector<128xi32>
    %broadcast_in_dim3A_310 = vector.shape_cast %reduce_min3A_309 : vector<128xi32> to vector<1x128xi32>
    %eq3A_311 = vector.broadcast %broadcast_in_dim3A_310 : vector<1x128xi32> to vector<128x128xi32>
    %eq3A_312 = arith.cmpi eq, %add3A_294, %eq3A_311 : vector<128x128xi32>
    %jit3A_313 = arith.constant -1.000000e+09 : f32
    %broadcast_in_dim3A_314 = vector.broadcast %jit3A_313 : f32 to vector<128x128xf32>
    %select_n3A_315 = arith.select %eq3A_312, %broadcast_in_dim3A_314, %select_n3A_301 : vector<128x128xi1>, vector<128x128xf32>
    %reduce_max3A_316 = arith.constant dense<0xFF800000> : vector<128xf32>
    %reduce_max3A_317 = vector.multi_reduction <maximumf>, %select_n3A_315, %reduce_max3A_316 [0] : vector<128x128xf32> to vector<128xf32>
    %broadcast_in_dim3A_318 = vector.shape_cast %reduce_max3A_317 : vector<128xf32> to vector<1x128xf32>
    %eq3A_319 = vector.broadcast %broadcast_in_dim3A_318 : vector<1x128xf32> to vector<128x128xf32>
    %eq3A_320 = arith.cmpf oeq, %select_n3A_315, %eq3A_319 : vector<128x128xf32>
    %jit3A_321 = arith.constant 1073741824 : i32
    %broadcast_in_dim3A_322 = vector.broadcast %jit3A_321 : i32 to vector<128x128xi32>
    %select_n3A_323 = arith.select %eq3A_320, %add3A_294, %broadcast_in_dim3A_322 : vector<128x128xi1>, vector<128x128xi32>
    %reduce_min3A_324 = arith.constant dense<2147483647> : vector<128xi32>
    %reduce_min3A_325 = vector.multi_reduction <minsi>, %select_n3A_323, %reduce_min3A_324 [0] : vector<128x128xi32> to vector<128xi32>
    %broadcast_in_dim3A_326 = vector.shape_cast %reduce_min3A_325 : vector<128xi32> to vector<1x128xi32>
    %eq3A_327 = vector.broadcast %broadcast_in_dim3A_326 : vector<1x128xi32> to vector<128x128xi32>
    %eq3A_328 = arith.cmpi eq, %add3A_294, %eq3A_327 : vector<128x128xi32>
    %jit3A_329 = arith.constant -1.000000e+09 : f32
    %broadcast_in_dim3A_330 = vector.broadcast %jit3A_329 : f32 to vector<128x128xf32>
    %select_n3A_331 = arith.select %eq3A_328, %broadcast_in_dim3A_330, %select_n3A_315 : vector<128x128xi1>, vector<128x128xf32>
    %reduce_max3A_332 = arith.constant dense<0xFF800000> : vector<128xf32>
    %reduce_max3A_333 = vector.multi_reduction <maximumf>, %select_n3A_331, %reduce_max3A_332 [0] : vector<128x128xf32> to vector<128xf32>
    %broadcast_in_dim3A_334 = vector.shape_cast %reduce_max3A_333 : vector<128xf32> to vector<1x128xf32>
    %eq3A_335 = vector.broadcast %broadcast_in_dim3A_334 : vector<1x128xf32> to vector<128x128xf32>
    %eq3A_336 = arith.cmpf oeq, %select_n3A_331, %eq3A_335 : vector<128x128xf32>
    %jit3A_337 = arith.constant 1073741824 : i32
    %broadcast_in_dim3A_338 = vector.broadcast %jit3A_337 : i32 to vector<128x128xi32>
    %select_n3A_339 = arith.select %eq3A_336, %add3A_294, %broadcast_in_dim3A_338 : vector<128x128xi1>, vector<128x128xi32>
    %reduce_min3A_340 = arith.constant dense<2147483647> : vector<128xi32>
    %reduce_min3A_341 = vector.multi_reduction <minsi>, %select_n3A_339, %reduce_min3A_340 [0] : vector<128x128xi32> to vector<128xi32>
    %broadcast_in_dim3A_342 = vector.shape_cast %reduce_min3A_341 : vector<128xi32> to vector<1x128xi32>
    %eq3A_343 = vector.broadcast %broadcast_in_dim3A_342 : vector<1x128xi32> to vector<128x128xi32>
    %eq3A_344 = arith.cmpi eq, %add3A_294, %eq3A_343 : vector<128x128xi32>
    %jit3A_345 = arith.constant -1.000000e+09 : f32
    %broadcast_in_dim3A_346 = vector.broadcast %jit3A_345 : f32 to vector<128x128xf32>
    %select_n3A_347 = arith.select %eq3A_344, %broadcast_in_dim3A_346, %select_n3A_331 : vector<128x128xi1>, vector<128x128xf32>
    %reduce_max3A_348 = arith.constant dense<0xFF800000> : vector<128xf32>
    %reduce_max3A_349 = vector.multi_reduction <maximumf>, %select_n3A_347, %reduce_max3A_348 [0] : vector<128x128xf32> to vector<128xf32>
    %broadcast_in_dim3A_350 = vector.shape_cast %reduce_max3A_349 : vector<128xf32> to vector<1x128xf32>
    %eq3A_351 = vector.broadcast %broadcast_in_dim3A_350 : vector<1x128xf32> to vector<128x128xf32>
    %eq3A_352 = arith.cmpf oeq, %select_n3A_347, %eq3A_351 : vector<128x128xf32>
    %jit3A_353 = arith.constant 1073741824 : i32
    %broadcast_in_dim3A_354 = vector.broadcast %jit3A_353 : i32 to vector<128x128xi32>
    %select_n3A_355 = arith.select %eq3A_352, %add3A_294, %broadcast_in_dim3A_354 : vector<128x128xi1>, vector<128x128xi32>
    %reduce_min3A_356 = arith.constant dense<2147483647> : vector<128xi32>
    %reduce_min3A_357 = vector.multi_reduction <minsi>, %select_n3A_355, %reduce_min3A_356 [0] : vector<128x128xi32> to vector<128xi32>
    %broadcast_in_dim3A_358 = vector.shape_cast %reduce_min3A_357 : vector<128xi32> to vector<1x128xi32>
    %eq3A_359 = vector.broadcast %broadcast_in_dim3A_358 : vector<1x128xi32> to vector<128x128xi32>
    %eq3A_360 = arith.cmpi eq, %add3A_294, %eq3A_359 : vector<128x128xi32>
    %jit3A_361 = arith.constant -1.000000e+09 : f32
    %broadcast_in_dim3A_362 = vector.broadcast %jit3A_361 : f32 to vector<128x128xf32>
    %select_n3A_363 = arith.select %eq3A_360, %broadcast_in_dim3A_362, %select_n3A_347 : vector<128x128xi1>, vector<128x128xf32>
    %reduce_max3A_364 = arith.constant dense<0xFF800000> : vector<128xf32>
    %reduce_max3A_365 = vector.multi_reduction <maximumf>, %select_n3A_363, %reduce_max3A_364 [0] : vector<128x128xf32> to vector<128xf32>
    %broadcast_in_dim3A_366 = vector.shape_cast %reduce_max3A_365 : vector<128xf32> to vector<1x128xf32>
    %eq3A_367 = vector.broadcast %broadcast_in_dim3A_366 : vector<1x128xf32> to vector<128x128xf32>
    %eq3A_368 = arith.cmpf oeq, %select_n3A_363, %eq3A_367 : vector<128x128xf32>
    %jit3A_369 = arith.constant 1073741824 : i32
    %broadcast_in_dim3A_370 = vector.broadcast %jit3A_369 : i32 to vector<128x128xi32>
    %select_n3A_371 = arith.select %eq3A_368, %add3A_294, %broadcast_in_dim3A_370 : vector<128x128xi1>, vector<128x128xi32>
    %reduce_min3A_372 = arith.constant dense<2147483647> : vector<128xi32>
    %reduce_min3A_373 = vector.multi_reduction <minsi>, %select_n3A_371, %reduce_min3A_372 [0] : vector<128x128xi32> to vector<128xi32>
    %broadcast_in_dim3A_374 = vector.shape_cast %reduce_min3A_373 : vector<128xi32> to vector<1x128xi32>
    %eq3A_375 = vector.broadcast %broadcast_in_dim3A_374 : vector<1x128xi32> to vector<128x128xi32>
    %eq3A_376 = arith.cmpi eq, %add3A_294, %eq3A_375 : vector<128x128xi32>
    %jit3A_377 = arith.constant -1.000000e+09 : f32
    %broadcast_in_dim3A_378 = vector.broadcast %jit3A_377 : f32 to vector<128x128xf32>
    %select_n3A_379 = arith.select %eq3A_376, %broadcast_in_dim3A_378, %select_n3A_363 : vector<128x128xi1>, vector<128x128xf32>
    %reduce_max3A_380 = arith.constant dense<0xFF800000> : vector<128xf32>
    %reduce_max3A_381 = vector.multi_reduction <maximumf>, %select_n3A_379, %reduce_max3A_380 [0] : vector<128x128xf32> to vector<128xf32>
    %broadcast_in_dim3A_382 = vector.shape_cast %reduce_max3A_381 : vector<128xf32> to vector<1x128xf32>
    %eq3A_383 = vector.broadcast %broadcast_in_dim3A_382 : vector<1x128xf32> to vector<128x128xf32>
    %eq3A_384 = arith.cmpf oeq, %select_n3A_379, %eq3A_383 : vector<128x128xf32>
    %jit3A_385 = arith.constant 1073741824 : i32
    %broadcast_in_dim3A_386 = vector.broadcast %jit3A_385 : i32 to vector<128x128xi32>
    %select_n3A_387 = arith.select %eq3A_384, %add3A_294, %broadcast_in_dim3A_386 : vector<128x128xi1>, vector<128x128xi32>
    %reduce_min3A_388 = arith.constant dense<2147483647> : vector<128xi32>
    %reduce_min3A_389 = vector.multi_reduction <minsi>, %select_n3A_387, %reduce_min3A_388 [0] : vector<128x128xi32> to vector<128xi32>
    %broadcast_in_dim3A_390 = vector.shape_cast %reduce_min3A_389 : vector<128xi32> to vector<1x128xi32>
    %eq3A_391 = vector.broadcast %broadcast_in_dim3A_390 : vector<1x128xi32> to vector<128x128xi32>
    %eq3A_392 = arith.cmpi eq, %add3A_294, %eq3A_391 : vector<128x128xi32>
    %jit3A_393 = arith.constant -1.000000e+09 : f32
    %broadcast_in_dim3A_394 = vector.broadcast %jit3A_393 : f32 to vector<128x128xf32>
    %select_n3A_395 = arith.select %eq3A_392, %broadcast_in_dim3A_394, %select_n3A_379 : vector<128x128xi1>, vector<128x128xf32>
    %reduce_max3A_396 = arith.constant dense<0xFF800000> : vector<128xf32>
    %reduce_max3A_397 = vector.multi_reduction <maximumf>, %select_n3A_395, %reduce_max3A_396 [0] : vector<128x128xf32> to vector<128xf32>
    %broadcast_in_dim3A_398 = vector.shape_cast %reduce_max3A_397 : vector<128xf32> to vector<1x128xf32>
    %eq3A_399 = vector.broadcast %broadcast_in_dim3A_398 : vector<1x128xf32> to vector<128x128xf32>
    %eq3A_400 = arith.cmpf oeq, %select_n3A_395, %eq3A_399 : vector<128x128xf32>
    %jit3A_401 = arith.constant 1073741824 : i32
    %broadcast_in_dim3A_402 = vector.broadcast %jit3A_401 : i32 to vector<128x128xi32>
    %select_n3A_403 = arith.select %eq3A_400, %add3A_294, %broadcast_in_dim3A_402 : vector<128x128xi1>, vector<128x128xi32>
    %reduce_min3A_404 = arith.constant dense<2147483647> : vector<128xi32>
    %reduce_min3A_405 = vector.multi_reduction <minsi>, %select_n3A_403, %reduce_min3A_404 [0] : vector<128x128xi32> to vector<128xi32>
    %broadcast_in_dim3A_406 = vector.shape_cast %reduce_min3A_405 : vector<128xi32> to vector<1x128xi32>
    %eq3A_407 = vector.broadcast %broadcast_in_dim3A_406 : vector<1x128xi32> to vector<128x128xi32>
    %eq3A_408 = arith.cmpi eq, %add3A_294, %eq3A_407 : vector<128x128xi32>
    %jit3A_409 = arith.constant -1.000000e+09 : f32
    %broadcast_in_dim3A_410 = vector.broadcast %jit3A_409 : f32 to vector<128x128xf32>
    %select_n3A_411 = arith.select %eq3A_408, %broadcast_in_dim3A_410, %select_n3A_395 : vector<128x128xi1>, vector<128x128xf32>
    %reduce_max3A_412 = arith.constant dense<0xFF800000> : vector<128xf32>
    %reduce_max3A_413 = vector.multi_reduction <maximumf>, %select_n3A_411, %reduce_max3A_412 [0] : vector<128x128xf32> to vector<128xf32>
    %broadcast_in_dim3A_414 = vector.shape_cast %reduce_max3A_413 : vector<128xf32> to vector<1x128xf32>
    %eq3A_415 = vector.broadcast %broadcast_in_dim3A_414 : vector<1x128xf32> to vector<128x128xf32>
    %eq3A_416 = arith.cmpf oeq, %select_n3A_411, %eq3A_415 : vector<128x128xf32>
    %jit3A_417 = arith.constant 1073741824 : i32
    %broadcast_in_dim3A_418 = vector.broadcast %jit3A_417 : i32 to vector<128x128xi32>
    %select_n3A_419 = arith.select %eq3A_416, %add3A_294, %broadcast_in_dim3A_418 : vector<128x128xi1>, vector<128x128xi32>
    %reduce_min3A_420 = arith.constant dense<2147483647> : vector<128xi32>
    %reduce_min3A_421 = vector.multi_reduction <minsi>, %select_n3A_419, %reduce_min3A_420 [0] : vector<128x128xi32> to vector<128xi32>
    %broadcast_in_dim3A_422 = vector.shape_cast %reduce_min3A_421 : vector<128xi32> to vector<1x128xi32>
    %get3A_423 = arith.constant 128 : index
    %get3A_424 = arith.constant 0 : index
    %get3A_425 = vector.load %arg6[%get3A_423, %get3A_424] : memref<2560x128xf32, #tpu.memory_space<vmem>>, vector<128x128xf32>
    %get3A_426 = arith.constant 128 : index
    %get3A_427 = arith.constant 0 : index
    %get3A_428 = vector.load %arg7[%get3A_426, %get3A_427] : memref<2560x128xf32, #tpu.memory_space<vmem>>, vector<128x128xf32>
    %get3A_429 = arith.constant 128 : index
    %get3A_430 = arith.constant 0 : index
    %get3A_431 = vector.load %arg8[%get3A_429, %get3A_430] : memref<2560x128xf32, #tpu.memory_space<vmem>>, vector<128x128xf32>
    %get3A_432 = arith.constant 128 : index
    %get3A_433 = arith.constant 0 : index
    %get3A_434 = vector.load %arg9[%get3A_432, %get3A_433] : memref<2560x128xf32, #tpu.memory_space<vmem>>, vector<128x128xf32>
    %select_n3A_435 = arith.select %eq3A_256, %get3A_425, %get3A_431 : vector<128x128xf32>
    %select_n3A_436 = arith.select %eq3A_256, %get3A_428, %get3A_434 : vector<128x128xf32>
    %select_n3A_437 = arith.select %lt3A_276, %select_n3A_435, %select_n3A_436 : vector<128x128xi1>, vector<128x128xf32>
    %add3A_438 = arith.constant 128 : i32
    %add3A_439 = vector.broadcast %add3A_438 : i32 to vector<128x128xi32>
    %add3A_440 = arith.addi %iota3A_272, %add3A_439 : vector<128x128xi32>
    %ge3A_441 = vector.broadcast %select_n3A_263 : vector<1x128xi32> to vector<128x128xi32>
    %ge3A_442 = arith.cmpi sge, %add3A_440, %ge3A_441 : vector<128x128xi32>
    %lt3A_443 = vector.broadcast %select_n3A_268 : vector<1x128xi32> to vector<128x128xi32>
    %lt3A_444 = arith.cmpi slt, %add3A_440, %lt3A_443 : vector<128x128xi32>
    %and3A_445 = arith.andi %ge3A_442, %lt3A_444 : vector<128x128xi1>
    %jit3A_446 = arith.constant -1.000000e+09 : f32
    %broadcast_in_dim3A_447 = vector.broadcast %jit3A_446 : f32 to vector<128x128xf32>
    %select_n3A_448 = arith.select %and3A_445, %select_n3A_437, %broadcast_in_dim3A_447 : vector<128x128xi1>, vector<128x128xf32>
    %reduce_max3A_449 = arith.constant dense<0xFF800000> : vector<128xf32>
    %reduce_max3A_450 = vector.multi_reduction <maximumf>, %select_n3A_448, %reduce_max3A_449 [0] : vector<128x128xf32> to vector<128xf32>
    %broadcast_in_dim3A_451 = vector.shape_cast %reduce_max3A_450 : vector<128xf32> to vector<1x128xf32>
    %eq3A_452 = vector.broadcast %broadcast_in_dim3A_451 : vector<1x128xf32> to vector<128x128xf32>
    %eq3A_453 = arith.cmpf oeq, %select_n3A_448, %eq3A_452 : vector<128x128xf32>
    %jit3A_454 = arith.constant 1073741824 : i32
    %broadcast_in_dim3A_455 = vector.broadcast %jit3A_454 : i32 to vector<128x128xi32>
    %select_n3A_456 = arith.select %eq3A_453, %add3A_440, %broadcast_in_dim3A_455 : vector<128x128xi1>, vector<128x128xi32>
    %reduce_min3A_457 = arith.constant dense<2147483647> : vector<128xi32>
    %reduce_min3A_458 = vector.multi_reduction <minsi>, %select_n3A_456, %reduce_min3A_457 [0] : vector<128x128xi32> to vector<128xi32>
    %broadcast_in_dim3A_459 = vector.shape_cast %reduce_min3A_458 : vector<128xi32> to vector<1x128xi32>
    %eq3A_460 = vector.broadcast %broadcast_in_dim3A_459 : vector<1x128xi32> to vector<128x128xi32>
    %eq3A_461 = arith.cmpi eq, %add3A_440, %eq3A_460 : vector<128x128xi32>
    %jit3A_462 = arith.constant -1.000000e+09 : f32
    %broadcast_in_dim3A_463 = vector.broadcast %jit3A_462 : f32 to vector<128x128xf32>
    %select_n3A_464 = arith.select %eq3A_461, %broadcast_in_dim3A_463, %select_n3A_448 : vector<128x128xi1>, vector<128x128xf32>
    %reduce_max3A_465 = arith.constant dense<0xFF800000> : vector<128xf32>
    %reduce_max3A_466 = vector.multi_reduction <maximumf>, %select_n3A_464, %reduce_max3A_465 [0] : vector<128x128xf32> to vector<128xf32>
    %broadcast_in_dim3A_467 = vector.shape_cast %reduce_max3A_466 : vector<128xf32> to vector<1x128xf32>
    %eq3A_468 = vector.broadcast %broadcast_in_dim3A_467 : vector<1x128xf32> to vector<128x128xf32>
    %eq3A_469 = arith.cmpf oeq, %select_n3A_464, %eq3A_468 : vector<128x128xf32>
    %jit3A_470 = arith.constant 1073741824 : i32
    %broadcast_in_dim3A_471 = vector.broadcast %jit3A_470 : i32 to vector<128x128xi32>
    %select_n3A_472 = arith.select %eq3A_469, %add3A_440, %broadcast_in_dim3A_471 : vector<128x128xi1>, vector<128x128xi32>
    %reduce_min3A_473 = arith.constant dense<2147483647> : vector<128xi32>
    %reduce_min3A_474 = vector.multi_reduction <minsi>, %select_n3A_472, %reduce_min3A_473 [0] : vector<128x128xi32> to vector<128xi32>
    %broadcast_in_dim3A_475 = vector.shape_cast %reduce_min3A_474 : vector<128xi32> to vector<1x128xi32>
    %eq3A_476 = vector.broadcast %broadcast_in_dim3A_475 : vector<1x128xi32> to vector<128x128xi32>
    %eq3A_477 = arith.cmpi eq, %add3A_440, %eq3A_476 : vector<128x128xi32>
    %jit3A_478 = arith.constant -1.000000e+09 : f32
    %broadcast_in_dim3A_479 = vector.broadcast %jit3A_478 : f32 to vector<128x128xf32>
    %select_n3A_480 = arith.select %eq3A_477, %broadcast_in_dim3A_479, %select_n3A_464 : vector<128x128xi1>, vector<128x128xf32>
    %reduce_max3A_481 = arith.constant dense<0xFF800000> : vector<128xf32>
    %reduce_max3A_482 = vector.multi_reduction <maximumf>, %select_n3A_480, %reduce_max3A_481 [0] : vector<128x128xf32> to vector<128xf32>
    %broadcast_in_dim3A_483 = vector.shape_cast %reduce_max3A_482 : vector<128xf32> to vector<1x128xf32>
    %eq3A_484 = vector.broadcast %broadcast_in_dim3A_483 : vector<1x128xf32> to vector<128x128xf32>
    %eq3A_485 = arith.cmpf oeq, %select_n3A_480, %eq3A_484 : vector<128x128xf32>
    %jit3A_486 = arith.constant 1073741824 : i32
    %broadcast_in_dim3A_487 = vector.broadcast %jit3A_486 : i32 to vector<128x128xi32>
    %select_n3A_488 = arith.select %eq3A_485, %add3A_440, %broadcast_in_dim3A_487 : vector<128x128xi1>, vector<128x128xi32>
    %reduce_min3A_489 = arith.constant dense<2147483647> : vector<128xi32>
    %reduce_min3A_490 = vector.multi_reduction <minsi>, %select_n3A_488, %reduce_min3A_489 [0] : vector<128x128xi32> to vector<128xi32>
    %broadcast_in_dim3A_491 = vector.shape_cast %reduce_min3A_490 : vector<128xi32> to vector<1x128xi32>
    %eq3A_492 = vector.broadcast %broadcast_in_dim3A_491 : vector<1x128xi32> to vector<128x128xi32>
    %eq3A_493 = arith.cmpi eq, %add3A_440, %eq3A_492 : vector<128x128xi32>
    %jit3A_494 = arith.constant -1.000000e+09 : f32
    %broadcast_in_dim3A_495 = vector.broadcast %jit3A_494 : f32 to vector<128x128xf32>
    %select_n3A_496 = arith.select %eq3A_493, %broadcast_in_dim3A_495, %select_n3A_480 : vector<128x128xi1>, vector<128x128xf32>
    %reduce_max3A_497 = arith.constant dense<0xFF800000> : vector<128xf32>
    %reduce_max3A_498 = vector.multi_reduction <maximumf>, %select_n3A_496, %reduce_max3A_497 [0] : vector<128x128xf32> to vector<128xf32>
    %broadcast_in_dim3A_499 = vector.shape_cast %reduce_max3A_498 : vector<128xf32> to vector<1x128xf32>
    %eq3A_500 = vector.broadcast %broadcast_in_dim3A_499 : vector<1x128xf32> to vector<128x128xf32>
    %eq3A_501 = arith.cmpf oeq, %select_n3A_496, %eq3A_500 : vector<128x128xf32>
    %jit3A_502 = arith.constant 1073741824 : i32
    %broadcast_in_dim3A_503 = vector.broadcast %jit3A_502 : i32 to vector<128x128xi32>
    %select_n3A_504 = arith.select %eq3A_501, %add3A_440, %broadcast_in_dim3A_503 : vector<128x128xi1>, vector<128x128xi32>
    %reduce_min3A_505 = arith.constant dense<2147483647> : vector<128xi32>
    %reduce_min3A_506 = vector.multi_reduction <minsi>, %select_n3A_504, %reduce_min3A_505 [0] : vector<128x128xi32> to vector<128xi32>
    %broadcast_in_dim3A_507 = vector.shape_cast %reduce_min3A_506 : vector<128xi32> to vector<1x128xi32>
    %eq3A_508 = vector.broadcast %broadcast_in_dim3A_507 : vector<1x128xi32> to vector<128x128xi32>
    %eq3A_509 = arith.cmpi eq, %add3A_440, %eq3A_508 : vector<128x128xi32>
    %jit3A_510 = arith.constant -1.000000e+09 : f32
    %broadcast_in_dim3A_511 = vector.broadcast %jit3A_510 : f32 to vector<128x128xf32>
    %select_n3A_512 = arith.select %eq3A_509, %broadcast_in_dim3A_511, %select_n3A_496 : vector<128x128xi1>, vector<128x128xf32>
    %reduce_max3A_513 = arith.constant dense<0xFF800000> : vector<128xf32>
    %reduce_max3A_514 = vector.multi_reduction <maximumf>, %select_n3A_512, %reduce_max3A_513 [0] : vector<128x128xf32> to vector<128xf32>
    %broadcast_in_dim3A_515 = vector.shape_cast %reduce_max3A_514 : vector<128xf32> to vector<1x128xf32>
    %eq3A_516 = vector.broadcast %broadcast_in_dim3A_515 : vector<1x128xf32> to vector<128x128xf32>
    %eq3A_517 = arith.cmpf oeq, %select_n3A_512, %eq3A_516 : vector<128x128xf32>
    %jit3A_518 = arith.constant 1073741824 : i32
    %broadcast_in_dim3A_519 = vector.broadcast %jit3A_518 : i32 to vector<128x128xi32>
    %select_n3A_520 = arith.select %eq3A_517, %add3A_440, %broadcast_in_dim3A_519 : vector<128x128xi1>, vector<128x128xi32>
    %reduce_min3A_521 = arith.constant dense<2147483647> : vector<128xi32>
    %reduce_min3A_522 = vector.multi_reduction <minsi>, %select_n3A_520, %reduce_min3A_521 [0] : vector<128x128xi32> to vector<128xi32>
    %broadcast_in_dim3A_523 = vector.shape_cast %reduce_min3A_522 : vector<128xi32> to vector<1x128xi32>
    %eq3A_524 = vector.broadcast %broadcast_in_dim3A_523 : vector<1x128xi32> to vector<128x128xi32>
    %eq3A_525 = arith.cmpi eq, %add3A_440, %eq3A_524 : vector<128x128xi32>
    %jit3A_526 = arith.constant -1.000000e+09 : f32
    %broadcast_in_dim3A_527 = vector.broadcast %jit3A_526 : f32 to vector<128x128xf32>
    %select_n3A_528 = arith.select %eq3A_525, %broadcast_in_dim3A_527, %select_n3A_512 : vector<128x128xi1>, vector<128x128xf32>
    %reduce_max3A_529 = arith.constant dense<0xFF800000> : vector<128xf32>
    %reduce_max3A_530 = vector.multi_reduction <maximumf>, %select_n3A_528, %reduce_max3A_529 [0] : vector<128x128xf32> to vector<128xf32>
    %broadcast_in_dim3A_531 = vector.shape_cast %reduce_max3A_530 : vector<128xf32> to vector<1x128xf32>
    %eq3A_532 = vector.broadcast %broadcast_in_dim3A_531 : vector<1x128xf32> to vector<128x128xf32>
    %eq3A_533 = arith.cmpf oeq, %select_n3A_528, %eq3A_532 : vector<128x128xf32>
    %jit3A_534 = arith.constant 1073741824 : i32
    %broadcast_in_dim3A_535 = vector.broadcast %jit3A_534 : i32 to vector<128x128xi32>
    %select_n3A_536 = arith.select %eq3A_533, %add3A_440, %broadcast_in_dim3A_535 : vector<128x128xi1>, vector<128x128xi32>
    %reduce_min3A_537 = arith.constant dense<2147483647> : vector<128xi32>
    %reduce_min3A_538 = vector.multi_reduction <minsi>, %select_n3A_536, %reduce_min3A_537 [0] : vector<128x128xi32> to vector<128xi32>
    %broadcast_in_dim3A_539 = vector.shape_cast %reduce_min3A_538 : vector<128xi32> to vector<1x128xi32>
    %eq3A_540 = vector.broadcast %broadcast_in_dim3A_539 : vector<1x128xi32> to vector<128x128xi32>
    %eq3A_541 = arith.cmpi eq, %add3A_440, %eq3A_540 : vector<128x128xi32>
    %jit3A_542 = arith.constant -1.000000e+09 : f32
    %broadcast_in_dim3A_543 = vector.broadcast %jit3A_542 : f32 to vector<128x128xf32>
    %select_n3A_544 = arith.select %eq3A_541, %broadcast_in_dim3A_543, %select_n3A_528 : vector<128x128xi1>, vector<128x128xf32>
    %reduce_max3A_545 = arith.constant dense<0xFF800000> : vector<128xf32>
    %reduce_max3A_546 = vector.multi_reduction <maximumf>, %select_n3A_544, %reduce_max3A_545 [0] : vector<128x128xf32> to vector<128xf32>
    %broadcast_in_dim3A_547 = vector.shape_cast %reduce_max3A_546 : vector<128xf32> to vector<1x128xf32>
    %eq3A_548 = vector.broadcast %broadcast_in_dim3A_547 : vector<1x128xf32> to vector<128x128xf32>
    %eq3A_549 = arith.cmpf oeq, %select_n3A_544, %eq3A_548 : vector<128x128xf32>
    %jit3A_550 = arith.constant 1073741824 : i32
    %broadcast_in_dim3A_551 = vector.broadcast %jit3A_550 : i32 to vector<128x128xi32>
    %select_n3A_552 = arith.select %eq3A_549, %add3A_440, %broadcast_in_dim3A_551 : vector<128x128xi1>, vector<128x128xi32>
    %reduce_min3A_553 = arith.constant dense<2147483647> : vector<128xi32>
    %reduce_min3A_554 = vector.multi_reduction <minsi>, %select_n3A_552, %reduce_min3A_553 [0] : vector<128x128xi32> to vector<128xi32>
    %broadcast_in_dim3A_555 = vector.shape_cast %reduce_min3A_554 : vector<128xi32> to vector<1x128xi32>
    %eq3A_556 = vector.broadcast %broadcast_in_dim3A_555 : vector<1x128xi32> to vector<128x128xi32>
    %eq3A_557 = arith.cmpi eq, %add3A_440, %eq3A_556 : vector<128x128xi32>
    %jit3A_558 = arith.constant -1.000000e+09 : f32
    %broadcast_in_dim3A_559 = vector.broadcast %jit3A_558 : f32 to vector<128x128xf32>
    %select_n3A_560 = arith.select %eq3A_557, %broadcast_in_dim3A_559, %select_n3A_544 : vector<128x128xi1>, vector<128x128xf32>
    %reduce_max3A_561 = arith.constant dense<0xFF800000> : vector<128xf32>
    %reduce_max3A_562 = vector.multi_reduction <maximumf>, %select_n3A_560, %reduce_max3A_561 [0] : vector<128x128xf32> to vector<128xf32>
    %broadcast_in_dim3A_563 = vector.shape_cast %reduce_max3A_562 : vector<128xf32> to vector<1x128xf32>
    %eq3A_564 = vector.broadcast %broadcast_in_dim3A_563 : vector<1x128xf32> to vector<128x128xf32>
    %eq3A_565 = arith.cmpf oeq, %select_n3A_560, %eq3A_564 : vector<128x128xf32>
    %jit3A_566 = arith.constant 1073741824 : i32
    %broadcast_in_dim3A_567 = vector.broadcast %jit3A_566 : i32 to vector<128x128xi32>
    %select_n3A_568 = arith.select %eq3A_565, %add3A_440, %broadcast_in_dim3A_567 : vector<128x128xi1>, vector<128x128xi32>
    %reduce_min3A_569 = arith.constant dense<2147483647> : vector<128xi32>
    %reduce_min3A_570 = vector.multi_reduction <minsi>, %select_n3A_568, %reduce_min3A_569 [0] : vector<128x128xi32> to vector<128xi32>
    %broadcast_in_dim3A_571 = vector.shape_cast %reduce_min3A_570 : vector<128xi32> to vector<1x128xi32>
    %get3A_572 = arith.constant 256 : index
    %get3A_573 = arith.constant 0 : index
    %get3A_574 = vector.load %arg6[%get3A_572, %get3A_573] : memref<2560x128xf32, #tpu.memory_space<vmem>>, vector<128x128xf32>
    %get3A_575 = arith.constant 256 : index
    %get3A_576 = arith.constant 0 : index
    %get3A_577 = vector.load %arg7[%get3A_575, %get3A_576] : memref<2560x128xf32, #tpu.memory_space<vmem>>, vector<128x128xf32>
    %get3A_578 = arith.constant 256 : index
    %get3A_579 = arith.constant 0 : index
    %get3A_580 = vector.load %arg8[%get3A_578, %get3A_579] : memref<2560x128xf32, #tpu.memory_space<vmem>>, vector<128x128xf32>
    %get3A_581 = arith.constant 256 : index
    %get3A_582 = arith.constant 0 : index
    %get3A_583 = vector.load %arg9[%get3A_581, %get3A_582] : memref<2560x128xf32, #tpu.memory_space<vmem>>, vector<128x128xf32>
    %select_n3A_584 = arith.select %eq3A_256, %get3A_574, %get3A_580 : vector<128x128xf32>
    %select_n3A_585 = arith.select %eq3A_256, %get3A_577, %get3A_583 : vector<128x128xf32>
    %select_n3A_586 = arith.select %lt3A_276, %select_n3A_584, %select_n3A_585 : vector<128x128xi1>, vector<128x128xf32>
    %add3A_587 = arith.constant 256 : i32
    %add3A_588 = vector.broadcast %add3A_587 : i32 to vector<128x128xi32>
    %add3A_589 = arith.addi %iota3A_272, %add3A_588 : vector<128x128xi32>
    %ge3A_590 = vector.broadcast %select_n3A_263 : vector<1x128xi32> to vector<128x128xi32>
    %ge3A_591 = arith.cmpi sge, %add3A_589, %ge3A_590 : vector<128x128xi32>
    %lt3A_592 = vector.broadcast %select_n3A_268 : vector<1x128xi32> to vector<128x128xi32>
    %lt3A_593 = arith.cmpi slt, %add3A_589, %lt3A_592 : vector<128x128xi32>
    %and3A_594 = arith.andi %ge3A_591, %lt3A_593 : vector<128x128xi1>
    %jit3A_595 = arith.constant -1.000000e+09 : f32
    %broadcast_in_dim3A_596 = vector.broadcast %jit3A_595 : f32 to vector<128x128xf32>
    %select_n3A_597 = arith.select %and3A_594, %select_n3A_586, %broadcast_in_dim3A_596 : vector<128x128xi1>, vector<128x128xf32>
    %reduce_max3A_598 = arith.constant dense<0xFF800000> : vector<128xf32>
    %reduce_max3A_599 = vector.multi_reduction <maximumf>, %select_n3A_597, %reduce_max3A_598 [0] : vector<128x128xf32> to vector<128xf32>
    %broadcast_in_dim3A_600 = vector.shape_cast %reduce_max3A_599 : vector<128xf32> to vector<1x128xf32>
    %eq3A_601 = vector.broadcast %broadcast_in_dim3A_600 : vector<1x128xf32> to vector<128x128xf32>
    %eq3A_602 = arith.cmpf oeq, %select_n3A_597, %eq3A_601 : vector<128x128xf32>
    %jit3A_603 = arith.constant 1073741824 : i32
    %broadcast_in_dim3A_604 = vector.broadcast %jit3A_603 : i32 to vector<128x128xi32>
    %select_n3A_605 = arith.select %eq3A_602, %add3A_589, %broadcast_in_dim3A_604 : vector<128x128xi1>, vector<128x128xi32>
    %reduce_min3A_606 = arith.constant dense<2147483647> : vector<128xi32>
    %reduce_min3A_607 = vector.multi_reduction <minsi>, %select_n3A_605, %reduce_min3A_606 [0] : vector<128x128xi32> to vector<128xi32>
    %broadcast_in_dim3A_608 = vector.shape_cast %reduce_min3A_607 : vector<128xi32> to vector<1x128xi32>
    %eq3A_609 = vector.broadcast %broadcast_in_dim3A_608 : vector<1x128xi32> to vector<128x128xi32>
    %eq3A_610 = arith.cmpi eq, %add3A_589, %eq3A_609 : vector<128x128xi32>
    %jit3A_611 = arith.constant -1.000000e+09 : f32
    %broadcast_in_dim3A_612 = vector.broadcast %jit3A_611 : f32 to vector<128x128xf32>
    %select_n3A_613 = arith.select %eq3A_610, %broadcast_in_dim3A_612, %select_n3A_597 : vector<128x128xi1>, vector<128x128xf32>
    %reduce_max3A_614 = arith.constant dense<0xFF800000> : vector<128xf32>
    %reduce_max3A_615 = vector.multi_reduction <maximumf>, %select_n3A_613, %reduce_max3A_614 [0] : vector<128x128xf32> to vector<128xf32>
    %broadcast_in_dim3A_616 = vector.shape_cast %reduce_max3A_615 : vector<128xf32> to vector<1x128xf32>
    %eq3A_617 = vector.broadcast %broadcast_in_dim3A_616 : vector<1x128xf32> to vector<128x128xf32>
    %eq3A_618 = arith.cmpf oeq, %select_n3A_613, %eq3A_617 : vector<128x128xf32>
    %jit3A_619 = arith.constant 1073741824 : i32
    %broadcast_in_dim3A_620 = vector.broadcast %jit3A_619 : i32 to vector<128x128xi32>
    %select_n3A_621 = arith.select %eq3A_618, %add3A_589, %broadcast_in_dim3A_620 : vector<128x128xi1>, vector<128x128xi32>
    %reduce_min3A_622 = arith.constant dense<2147483647> : vector<128xi32>
    %reduce_min3A_623 = vector.multi_reduction <minsi>, %select_n3A_621, %reduce_min3A_622 [0] : vector<128x128xi32> to vector<128xi32>
    %broadcast_in_dim3A_624 = vector.shape_cast %reduce_min3A_623 : vector<128xi32> to vector<1x128xi32>
    %eq3A_625 = vector.broadcast %broadcast_in_dim3A_624 : vector<1x128xi32> to vector<128x128xi32>
    %eq3A_626 = arith.cmpi eq, %add3A_589, %eq3A_625 : vector<128x128xi32>
    %jit3A_627 = arith.constant -1.000000e+09 : f32
    %broadcast_in_dim3A_628 = vector.broadcast %jit3A_627 : f32 to vector<128x128xf32>
    %select_n3A_629 = arith.select %eq3A_626, %broadcast_in_dim3A_628, %select_n3A_613 : vector<128x128xi1>, vector<128x128xf32>
    %reduce_max3A_630 = arith.constant dense<0xFF800000> : vector<128xf32>
    %reduce_max3A_631 = vector.multi_reduction <maximumf>, %select_n3A_629, %reduce_max3A_630 [0] : vector<128x128xf32> to vector<128xf32>
    %broadcast_in_dim3A_632 = vector.shape_cast %reduce_max3A_631 : vector<128xf32> to vector<1x128xf32>
    %eq3A_633 = vector.broadcast %broadcast_in_dim3A_632 : vector<1x128xf32> to vector<128x128xf32>
    %eq3A_634 = arith.cmpf oeq, %select_n3A_629, %eq3A_633 : vector<128x128xf32>
    %jit3A_635 = arith.constant 1073741824 : i32
    %broadcast_in_dim3A_636 = vector.broadcast %jit3A_635 : i32 to vector<128x128xi32>
    %select_n3A_637 = arith.select %eq3A_634, %add3A_589, %broadcast_in_dim3A_636 : vector<128x128xi1>, vector<128x128xi32>
    %reduce_min3A_638 = arith.constant dense<2147483647> : vector<128xi32>
    %reduce_min3A_639 = vector.multi_reduction <minsi>, %select_n3A_637, %reduce_min3A_638 [0] : vector<128x128xi32> to vector<128xi32>
    %broadcast_in_dim3A_640 = vector.shape_cast %reduce_min3A_639 : vector<128xi32> to vector<1x128xi32>
    %eq3A_641 = vector.broadcast %broadcast_in_dim3A_640 : vector<1x128xi32> to vector<128x128xi32>
    %eq3A_642 = arith.cmpi eq, %add3A_589, %eq3A_641 : vector<128x128xi32>
    %jit3A_643 = arith.constant -1.000000e+09 : f32
    %broadcast_in_dim3A_644 = vector.broadcast %jit3A_643 : f32 to vector<128x128xf32>
    %select_n3A_645 = arith.select %eq3A_642, %broadcast_in_dim3A_644, %select_n3A_629 : vector<128x128xi1>, vector<128x128xf32>
    %reduce_max3A_646 = arith.constant dense<0xFF800000> : vector<128xf32>
    %reduce_max3A_647 = vector.multi_reduction <maximumf>, %select_n3A_645, %reduce_max3A_646 [0] : vector<128x128xf32> to vector<128xf32>
    %broadcast_in_dim3A_648 = vector.shape_cast %reduce_max3A_647 : vector<128xf32> to vector<1x128xf32>
    %eq3A_649 = vector.broadcast %broadcast_in_dim3A_648 : vector<1x128xf32> to vector<128x128xf32>
    %eq3A_650 = arith.cmpf oeq, %select_n3A_645, %eq3A_649 : vector<128x128xf32>
    %jit3A_651 = arith.constant 1073741824 : i32
    %broadcast_in_dim3A_652 = vector.broadcast %jit3A_651 : i32 to vector<128x128xi32>
    %select_n3A_653 = arith.select %eq3A_650, %add3A_589, %broadcast_in_dim3A_652 : vector<128x128xi1>, vector<128x128xi32>
    %reduce_min3A_654 = arith.constant dense<2147483647> : vector<128xi32>
    %reduce_min3A_655 = vector.multi_reduction <minsi>, %select_n3A_653, %reduce_min3A_654 [0] : vector<128x128xi32> to vector<128xi32>
    %broadcast_in_dim3A_656 = vector.shape_cast %reduce_min3A_655 : vector<128xi32> to vector<1x128xi32>
    %eq3A_657 = vector.broadcast %broadcast_in_dim3A_656 : vector<1x128xi32> to vector<128x128xi32>
    %eq3A_658 = arith.cmpi eq, %add3A_589, %eq3A_657 : vector<128x128xi32>
    %jit3A_659 = arith.constant -1.000000e+09 : f32
    %broadcast_in_dim3A_660 = vector.broadcast %jit3A_659 : f32 to vector<128x128xf32>
    %select_n3A_661 = arith.select %eq3A_658, %broadcast_in_dim3A_660, %select_n3A_645 : vector<128x128xi1>, vector<128x128xf32>
    %reduce_max3A_662 = arith.constant dense<0xFF800000> : vector<128xf32>
    %reduce_max3A_663 = vector.multi_reduction <maximumf>, %select_n3A_661, %reduce_max3A_662 [0] : vector<128x128xf32> to vector<128xf32>
    %broadcast_in_dim3A_664 = vector.shape_cast %reduce_max3A_663 : vector<128xf32> to vector<1x128xf32>
    %eq3A_665 = vector.broadcast %broadcast_in_dim3A_664 : vector<1x128xf32> to vector<128x128xf32>
    %eq3A_666 = arith.cmpf oeq, %select_n3A_661, %eq3A_665 : vector<128x128xf32>
    %jit3A_667 = arith.constant 1073741824 : i32
    %broadcast_in_dim3A_668 = vector.broadcast %jit3A_667 : i32 to vector<128x128xi32>
    %select_n3A_669 = arith.select %eq3A_666, %add3A_589, %broadcast_in_dim3A_668 : vector<128x128xi1>, vector<128x128xi32>
    %reduce_min3A_670 = arith.constant dense<2147483647> : vector<128xi32>
    %reduce_min3A_671 = vector.multi_reduction <minsi>, %select_n3A_669, %reduce_min3A_670 [0] : vector<128x128xi32> to vector<128xi32>
    %broadcast_in_dim3A_672 = vector.shape_cast %reduce_min3A_671 : vector<128xi32> to vector<1x128xi32>
    %eq3A_673 = vector.broadcast %broadcast_in_dim3A_672 : vector<1x128xi32> to vector<128x128xi32>
    %eq3A_674 = arith.cmpi eq, %add3A_589, %eq3A_673 : vector<128x128xi32>
    %jit3A_675 = arith.constant -1.000000e+09 : f32
    %broadcast_in_dim3A_676 = vector.broadcast %jit3A_675 : f32 to vector<128x128xf32>
    %select_n3A_677 = arith.select %eq3A_674, %broadcast_in_dim3A_676, %select_n3A_661 : vector<128x128xi1>, vector<128x128xf32>
    %reduce_max3A_678 = arith.constant dense<0xFF800000> : vector<128xf32>
    %reduce_max3A_679 = vector.multi_reduction <maximumf>, %select_n3A_677, %reduce_max3A_678 [0] : vector<128x128xf32> to vector<128xf32>
    %broadcast_in_dim3A_680 = vector.shape_cast %reduce_max3A_679 : vector<128xf32> to vector<1x128xf32>
    %eq3A_681 = vector.broadcast %broadcast_in_dim3A_680 : vector<1x128xf32> to vector<128x128xf32>
    %eq3A_682 = arith.cmpf oeq, %select_n3A_677, %eq3A_681 : vector<128x128xf32>
    %jit3A_683 = arith.constant 1073741824 : i32
    %broadcast_in_dim3A_684 = vector.broadcast %jit3A_683 : i32 to vector<128x128xi32>
    %select_n3A_685 = arith.select %eq3A_682, %add3A_589, %broadcast_in_dim3A_684 : vector<128x128xi1>, vector<128x128xi32>
    %reduce_min3A_686 = arith.constant dense<2147483647> : vector<128xi32>
    %reduce_min3A_687 = vector.multi_reduction <minsi>, %select_n3A_685, %reduce_min3A_686 [0] : vector<128x128xi32> to vector<128xi32>
    %broadcast_in_dim3A_688 = vector.shape_cast %reduce_min3A_687 : vector<128xi32> to vector<1x128xi32>
    %eq3A_689 = vector.broadcast %broadcast_in_dim3A_688 : vector<1x128xi32> to vector<128x128xi32>
    %eq3A_690 = arith.cmpi eq, %add3A_589, %eq3A_689 : vector<128x128xi32>
    %jit3A_691 = arith.constant -1.000000e+09 : f32
    %broadcast_in_dim3A_692 = vector.broadcast %jit3A_691 : f32 to vector<128x128xf32>
    %select_n3A_693 = arith.select %eq3A_690, %broadcast_in_dim3A_692, %select_n3A_677 : vector<128x128xi1>, vector<128x128xf32>
    %reduce_max3A_694 = arith.constant dense<0xFF800000> : vector<128xf32>
    %reduce_max3A_695 = vector.multi_reduction <maximumf>, %select_n3A_693, %reduce_max3A_694 [0] : vector<128x128xf32> to vector<128xf32>
    %broadcast_in_dim3A_696 = vector.shape_cast %reduce_max3A_695 : vector<128xf32> to vector<1x128xf32>
    %eq3A_697 = vector.broadcast %broadcast_in_dim3A_696 : vector<1x128xf32> to vector<128x128xf32>
    %eq3A_698 = arith.cmpf oeq, %select_n3A_693, %eq3A_697 : vector<128x128xf32>
    %jit3A_699 = arith.constant 1073741824 : i32
    %broadcast_in_dim3A_700 = vector.broadcast %jit3A_699 : i32 to vector<128x128xi32>
    %select_n3A_701 = arith.select %eq3A_698, %add3A_589, %broadcast_in_dim3A_700 : vector<128x128xi1>, vector<128x128xi32>
    %reduce_min3A_702 = arith.constant dense<2147483647> : vector<128xi32>
    %reduce_min3A_703 = vector.multi_reduction <minsi>, %select_n3A_701, %reduce_min3A_702 [0] : vector<128x128xi32> to vector<128xi32>
    %broadcast_in_dim3A_704 = vector.shape_cast %reduce_min3A_703 : vector<128xi32> to vector<1x128xi32>
    %eq3A_705 = vector.broadcast %broadcast_in_dim3A_704 : vector<1x128xi32> to vector<128x128xi32>
    %eq3A_706 = arith.cmpi eq, %add3A_589, %eq3A_705 : vector<128x128xi32>
    %jit3A_707 = arith.constant -1.000000e+09 : f32
    %broadcast_in_dim3A_708 = vector.broadcast %jit3A_707 : f32 to vector<128x128xf32>
    %select_n3A_709 = arith.select %eq3A_706, %broadcast_in_dim3A_708, %select_n3A_693 : vector<128x128xi1>, vector<128x128xf32>
    %reduce_max3A_710 = arith.constant dense<0xFF800000> : vector<128xf32>
    %reduce_max3A_711 = vector.multi_reduction <maximumf>, %select_n3A_709, %reduce_max3A_710 [0] : vector<128x128xf32> to vector<128xf32>
    %broadcast_in_dim3A_712 = vector.shape_cast %reduce_max3A_711 : vector<128xf32> to vector<1x128xf32>
    %eq3A_713 = vector.broadcast %broadcast_in_dim3A_712 : vector<1x128xf32> to vector<128x128xf32>
    %eq3A_714 = arith.cmpf oeq, %select_n3A_709, %eq3A_713 : vector<128x128xf32>
    %jit3A_715 = arith.constant 1073741824 : i32
    %broadcast_in_dim3A_716 = vector.broadcast %jit3A_715 : i32 to vector<128x128xi32>
    %select_n3A_717 = arith.select %eq3A_714, %add3A_589, %broadcast_in_dim3A_716 : vector<128x128xi1>, vector<128x128xi32>
    %reduce_min3A_718 = arith.constant dense<2147483647> : vector<128xi32>
    %reduce_min3A_719 = vector.multi_reduction <minsi>, %select_n3A_717, %reduce_min3A_718 [0] : vector<128x128xi32> to vector<128xi32>
    %broadcast_in_dim3A_720 = vector.shape_cast %reduce_min3A_719 : vector<128xi32> to vector<1x128xi32>
    %get3A_721 = arith.constant 384 : index
    %get3A_722 = arith.constant 0 : index
    %get3A_723 = vector.load %arg6[%get3A_721, %get3A_722] : memref<2560x128xf32, #tpu.memory_space<vmem>>, vector<128x128xf32>
    %get3A_724 = arith.constant 384 : index
    %get3A_725 = arith.constant 0 : index
    %get3A_726 = vector.load %arg7[%get3A_724, %get3A_725] : memref<2560x128xf32, #tpu.memory_space<vmem>>, vector<128x128xf32>
    %get3A_727 = arith.constant 384 : index
    %get3A_728 = arith.constant 0 : index
    %get3A_729 = vector.load %arg8[%get3A_727, %get3A_728] : memref<2560x128xf32, #tpu.memory_space<vmem>>, vector<128x128xf32>
    %get3A_730 = arith.constant 384 : index
    %get3A_731 = arith.constant 0 : index
    %get3A_732 = vector.load %arg9[%get3A_730, %get3A_731] : memref<2560x128xf32, #tpu.memory_space<vmem>>, vector<128x128xf32>
    %select_n3A_733 = arith.select %eq3A_256, %get3A_723, %get3A_729 : vector<128x128xf32>
    %select_n3A_734 = arith.select %eq3A_256, %get3A_726, %get3A_732 : vector<128x128xf32>
    %select_n3A_735 = arith.select %lt3A_276, %select_n3A_733, %select_n3A_734 : vector<128x128xi1>, vector<128x128xf32>
    %add3A_736 = arith.constant 384 : i32
    %add3A_737 = vector.broadcast %add3A_736 : i32 to vector<128x128xi32>
    %add3A_738 = arith.addi %iota3A_272, %add3A_737 : vector<128x128xi32>
    %ge3A_739 = vector.broadcast %select_n3A_263 : vector<1x128xi32> to vector<128x128xi32>
    %ge3A_740 = arith.cmpi sge, %add3A_738, %ge3A_739 : vector<128x128xi32>
    %lt3A_741 = vector.broadcast %select_n3A_268 : vector<1x128xi32> to vector<128x128xi32>
    %lt3A_742 = arith.cmpi slt, %add3A_738, %lt3A_741 : vector<128x128xi32>
    %and3A_743 = arith.andi %ge3A_740, %lt3A_742 : vector<128x128xi1>
    %jit3A_744 = arith.constant -1.000000e+09 : f32
    %broadcast_in_dim3A_745 = vector.broadcast %jit3A_744 : f32 to vector<128x128xf32>
    %select_n3A_746 = arith.select %and3A_743, %select_n3A_735, %broadcast_in_dim3A_745 : vector<128x128xi1>, vector<128x128xf32>
    %reduce_max3A_747 = arith.constant dense<0xFF800000> : vector<128xf32>
    %reduce_max3A_748 = vector.multi_reduction <maximumf>, %select_n3A_746, %reduce_max3A_747 [0] : vector<128x128xf32> to vector<128xf32>
    %broadcast_in_dim3A_749 = vector.shape_cast %reduce_max3A_748 : vector<128xf32> to vector<1x128xf32>
    %eq3A_750 = vector.broadcast %broadcast_in_dim3A_749 : vector<1x128xf32> to vector<128x128xf32>
    %eq3A_751 = arith.cmpf oeq, %select_n3A_746, %eq3A_750 : vector<128x128xf32>
    %jit3A_752 = arith.constant 1073741824 : i32
    %broadcast_in_dim3A_753 = vector.broadcast %jit3A_752 : i32 to vector<128x128xi32>
    %select_n3A_754 = arith.select %eq3A_751, %add3A_738, %broadcast_in_dim3A_753 : vector<128x128xi1>, vector<128x128xi32>
    %reduce_min3A_755 = arith.constant dense<2147483647> : vector<128xi32>
    %reduce_min3A_756 = vector.multi_reduction <minsi>, %select_n3A_754, %reduce_min3A_755 [0] : vector<128x128xi32> to vector<128xi32>
    %broadcast_in_dim3A_757 = vector.shape_cast %reduce_min3A_756 : vector<128xi32> to vector<1x128xi32>
    %eq3A_758 = vector.broadcast %broadcast_in_dim3A_757 : vector<1x128xi32> to vector<128x128xi32>
    %eq3A_759 = arith.cmpi eq, %add3A_738, %eq3A_758 : vector<128x128xi32>
    %jit3A_760 = arith.constant -1.000000e+09 : f32
    %broadcast_in_dim3A_761 = vector.broadcast %jit3A_760 : f32 to vector<128x128xf32>
    %select_n3A_762 = arith.select %eq3A_759, %broadcast_in_dim3A_761, %select_n3A_746 : vector<128x128xi1>, vector<128x128xf32>
    %reduce_max3A_763 = arith.constant dense<0xFF800000> : vector<128xf32>
    %reduce_max3A_764 = vector.multi_reduction <maximumf>, %select_n3A_762, %reduce_max3A_763 [0] : vector<128x128xf32> to vector<128xf32>
    %broadcast_in_dim3A_765 = vector.shape_cast %reduce_max3A_764 : vector<128xf32> to vector<1x128xf32>
    %eq3A_766 = vector.broadcast %broadcast_in_dim3A_765 : vector<1x128xf32> to vector<128x128xf32>
    %eq3A_767 = arith.cmpf oeq, %select_n3A_762, %eq3A_766 : vector<128x128xf32>
    %jit3A_768 = arith.constant 1073741824 : i32
    %broadcast_in_dim3A_769 = vector.broadcast %jit3A_768 : i32 to vector<128x128xi32>
    %select_n3A_770 = arith.select %eq3A_767, %add3A_738, %broadcast_in_dim3A_769 : vector<128x128xi1>, vector<128x128xi32>
    %reduce_min3A_771 = arith.constant dense<2147483647> : vector<128xi32>
    %reduce_min3A_772 = vector.multi_reduction <minsi>, %select_n3A_770, %reduce_min3A_771 [0] : vector<128x128xi32> to vector<128xi32>
    %broadcast_in_dim3A_773 = vector.shape_cast %reduce_min3A_772 : vector<128xi32> to vector<1x128xi32>
    %eq3A_774 = vector.broadcast %broadcast_in_dim3A_773 : vector<1x128xi32> to vector<128x128xi32>
    %eq3A_775 = arith.cmpi eq, %add3A_738, %eq3A_774 : vector<128x128xi32>
    %jit3A_776 = arith.constant -1.000000e+09 : f32
    %broadcast_in_dim3A_777 = vector.broadcast %jit3A_776 : f32 to vector<128x128xf32>
    %select_n3A_778 = arith.select %eq3A_775, %broadcast_in_dim3A_777, %select_n3A_762 : vector<128x128xi1>, vector<128x128xf32>
    %reduce_max3A_779 = arith.constant dense<0xFF800000> : vector<128xf32>
    %reduce_max3A_780 = vector.multi_reduction <maximumf>, %select_n3A_778, %reduce_max3A_779 [0] : vector<128x128xf32> to vector<128xf32>
    %broadcast_in_dim3A_781 = vector.shape_cast %reduce_max3A_780 : vector<128xf32> to vector<1x128xf32>
    %eq3A_782 = vector.broadcast %broadcast_in_dim3A_781 : vector<1x128xf32> to vector<128x128xf32>
    %eq3A_783 = arith.cmpf oeq, %select_n3A_778, %eq3A_782 : vector<128x128xf32>
    %jit3A_784 = arith.constant 1073741824 : i32
    %broadcast_in_dim3A_785 = vector.broadcast %jit3A_784 : i32 to vector<128x128xi32>
    %select_n3A_786 = arith.select %eq3A_783, %add3A_738, %broadcast_in_dim3A_785 : vector<128x128xi1>, vector<128x128xi32>
    %reduce_min3A_787 = arith.constant dense<2147483647> : vector<128xi32>
    %reduce_min3A_788 = vector.multi_reduction <minsi>, %select_n3A_786, %reduce_min3A_787 [0] : vector<128x128xi32> to vector<128xi32>
    %broadcast_in_dim3A_789 = vector.shape_cast %reduce_min3A_788 : vector<128xi32> to vector<1x128xi32>
    %eq3A_790 = vector.broadcast %broadcast_in_dim3A_789 : vector<1x128xi32> to vector<128x128xi32>
    %eq3A_791 = arith.cmpi eq, %add3A_738, %eq3A_790 : vector<128x128xi32>
    %jit3A_792 = arith.constant -1.000000e+09 : f32
    %broadcast_in_dim3A_793 = vector.broadcast %jit3A_792 : f32 to vector<128x128xf32>
    %select_n3A_794 = arith.select %eq3A_791, %broadcast_in_dim3A_793, %select_n3A_778 : vector<128x128xi1>, vector<128x128xf32>
    %reduce_max3A_795 = arith.constant dense<0xFF800000> : vector<128xf32>
    %reduce_max3A_796 = vector.multi_reduction <maximumf>, %select_n3A_794, %reduce_max3A_795 [0] : vector<128x128xf32> to vector<128xf32>
    %broadcast_in_dim3A_797 = vector.shape_cast %reduce_max3A_796 : vector<128xf32> to vector<1x128xf32>
    %eq3A_798 = vector.broadcast %broadcast_in_dim3A_797 : vector<1x128xf32> to vector<128x128xf32>
    %eq3A_799 = arith.cmpf oeq, %select_n3A_794, %eq3A_798 : vector<128x128xf32>
    %jit3A_800 = arith.constant 1073741824 : i32
    %broadcast_in_dim3A_801 = vector.broadcast %jit3A_800 : i32 to vector<128x128xi32>
    %select_n3A_802 = arith.select %eq3A_799, %add3A_738, %broadcast_in_dim3A_801 : vector<128x128xi1>, vector<128x128xi32>
    %reduce_min3A_803 = arith.constant dense<2147483647> : vector<128xi32>
    %reduce_min3A_804 = vector.multi_reduction <minsi>, %select_n3A_802, %reduce_min3A_803 [0] : vector<128x128xi32> to vector<128xi32>
    %broadcast_in_dim3A_805 = vector.shape_cast %reduce_min3A_804 : vector<128xi32> to vector<1x128xi32>
    %eq3A_806 = vector.broadcast %broadcast_in_dim3A_805 : vector<1x128xi32> to vector<128x128xi32>
    %eq3A_807 = arith.cmpi eq, %add3A_738, %eq3A_806 : vector<128x128xi32>
    %jit3A_808 = arith.constant -1.000000e+09 : f32
    %broadcast_in_dim3A_809 = vector.broadcast %jit3A_808 : f32 to vector<128x128xf32>
    %select_n3A_810 = arith.select %eq3A_807, %broadcast_in_dim3A_809, %select_n3A_794 : vector<128x128xi1>, vector<128x128xf32>
    %reduce_max3A_811 = arith.constant dense<0xFF800000> : vector<128xf32>
    %reduce_max3A_812 = vector.multi_reduction <maximumf>, %select_n3A_810, %reduce_max3A_811 [0] : vector<128x128xf32> to vector<128xf32>
    %broadcast_in_dim3A_813 = vector.shape_cast %reduce_max3A_812 : vector<128xf32> to vector<1x128xf32>
    %eq3A_814 = vector.broadcast %broadcast_in_dim3A_813 : vector<1x128xf32> to vector<128x128xf32>
    %eq3A_815 = arith.cmpf oeq, %select_n3A_810, %eq3A_814 : vector<128x128xf32>
    %jit3A_816 = arith.constant 1073741824 : i32
    %broadcast_in_dim3A_817 = vector.broadcast %jit3A_816 : i32 to vector<128x128xi32>
    %select_n3A_818 = arith.select %eq3A_815, %add3A_738, %broadcast_in_dim3A_817 : vector<128x128xi1>, vector<128x128xi32>
    %reduce_min3A_819 = arith.constant dense<2147483647> : vector<128xi32>
    %reduce_min3A_820 = vector.multi_reduction <minsi>, %select_n3A_818, %reduce_min3A_819 [0] : vector<128x128xi32> to vector<128xi32>
    %broadcast_in_dim3A_821 = vector.shape_cast %reduce_min3A_820 : vector<128xi32> to vector<1x128xi32>
    %eq3A_822 = vector.broadcast %broadcast_in_dim3A_821 : vector<1x128xi32> to vector<128x128xi32>
    %eq3A_823 = arith.cmpi eq, %add3A_738, %eq3A_822 : vector<128x128xi32>
    %jit3A_824 = arith.constant -1.000000e+09 : f32
    %broadcast_in_dim3A_825 = vector.broadcast %jit3A_824 : f32 to vector<128x128xf32>
    %select_n3A_826 = arith.select %eq3A_823, %broadcast_in_dim3A_825, %select_n3A_810 : vector<128x128xi1>, vector<128x128xf32>
    %reduce_max3A_827 = arith.constant dense<0xFF800000> : vector<128xf32>
    %reduce_max3A_828 = vector.multi_reduction <maximumf>, %select_n3A_826, %reduce_max3A_827 [0] : vector<128x128xf32> to vector<128xf32>
    %broadcast_in_dim3A_829 = vector.shape_cast %reduce_max3A_828 : vector<128xf32> to vector<1x128xf32>
    %eq3A_830 = vector.broadcast %broadcast_in_dim3A_829 : vector<1x128xf32> to vector<128x128xf32>
    %eq3A_831 = arith.cmpf oeq, %select_n3A_826, %eq3A_830 : vector<128x128xf32>
    %jit3A_832 = arith.constant 1073741824 : i32
    %broadcast_in_dim3A_833 = vector.broadcast %jit3A_832 : i32 to vector<128x128xi32>
    %select_n3A_834 = arith.select %eq3A_831, %add3A_738, %broadcast_in_dim3A_833 : vector<128x128xi1>, vector<128x128xi32>
    %reduce_min3A_835 = arith.constant dense<2147483647> : vector<128xi32>
    %reduce_min3A_836 = vector.multi_reduction <minsi>, %select_n3A_834, %reduce_min3A_835 [0] : vector<128x128xi32> to vector<128xi32>
    %broadcast_in_dim3A_837 = vector.shape_cast %reduce_min3A_836 : vector<128xi32> to vector<1x128xi32>
    %eq3A_838 = vector.broadcast %broadcast_in_dim3A_837 : vector<1x128xi32> to vector<128x128xi32>
    %eq3A_839 = arith.cmpi eq, %add3A_738, %eq3A_838 : vector<128x128xi32>
    %jit3A_840 = arith.constant -1.000000e+09 : f32
    %broadcast_in_dim3A_841 = vector.broadcast %jit3A_840 : f32 to vector<128x128xf32>
    %select_n3A_842 = arith.select %eq3A_839, %broadcast_in_dim3A_841, %select_n3A_826 : vector<128x128xi1>, vector<128x128xf32>
    %reduce_max3A_843 = arith.constant dense<0xFF800000> : vector<128xf32>
    %reduce_max3A_844 = vector.multi_reduction <maximumf>, %select_n3A_842, %reduce_max3A_843 [0] : vector<128x128xf32> to vector<128xf32>
    %broadcast_in_dim3A_845 = vector.shape_cast %reduce_max3A_844 : vector<128xf32> to vector<1x128xf32>
    %eq3A_846 = vector.broadcast %broadcast_in_dim3A_845 : vector<1x128xf32> to vector<128x128xf32>
    %eq3A_847 = arith.cmpf oeq, %select_n3A_842, %eq3A_846 : vector<128x128xf32>
    %jit3A_848 = arith.constant 1073741824 : i32
    %broadcast_in_dim3A_849 = vector.broadcast %jit3A_848 : i32 to vector<128x128xi32>
    %select_n3A_850 = arith.select %eq3A_847, %add3A_738, %broadcast_in_dim3A_849 : vector<128x128xi1>, vector<128x128xi32>
    %reduce_min3A_851 = arith.constant dense<2147483647> : vector<128xi32>
    %reduce_min3A_852 = vector.multi_reduction <minsi>, %select_n3A_850, %reduce_min3A_851 [0] : vector<128x128xi32> to vector<128xi32>
    %broadcast_in_dim3A_853 = vector.shape_cast %reduce_min3A_852 : vector<128xi32> to vector<1x128xi32>
    %eq3A_854 = vector.broadcast %broadcast_in_dim3A_853 : vector<1x128xi32> to vector<128x128xi32>
    %eq3A_855 = arith.cmpi eq, %add3A_738, %eq3A_854 : vector<128x128xi32>
    %jit3A_856 = arith.constant -1.000000e+09 : f32
    %broadcast_in_dim3A_857 = vector.broadcast %jit3A_856 : f32 to vector<128x128xf32>
    %select_n3A_858 = arith.select %eq3A_855, %broadcast_in_dim3A_857, %select_n3A_842 : vector<128x128xi1>, vector<128x128xf32>
    %reduce_max3A_859 = arith.constant dense<0xFF800000> : vector<128xf32>
    %reduce_max3A_860 = vector.multi_reduction <maximumf>, %select_n3A_858, %reduce_max3A_859 [0] : vector<128x128xf32> to vector<128xf32>
    %broadcast_in_dim3A_861 = vector.shape_cast %reduce_max3A_860 : vector<128xf32> to vector<1x128xf32>
    %eq3A_862 = vector.broadcast %broadcast_in_dim3A_861 : vector<1x128xf32> to vector<128x128xf32>
    %eq3A_863 = arith.cmpf oeq, %select_n3A_858, %eq3A_862 : vector<128x128xf32>
    %jit3A_864 = arith.constant 1073741824 : i32
    %broadcast_in_dim3A_865 = vector.broadcast %jit3A_864 : i32 to vector<128x128xi32>
    %select_n3A_866 = arith.select %eq3A_863, %add3A_738, %broadcast_in_dim3A_865 : vector<128x128xi1>, vector<128x128xi32>
    %reduce_min3A_867 = arith.constant dense<2147483647> : vector<128xi32>
    %reduce_min3A_868 = vector.multi_reduction <minsi>, %select_n3A_866, %reduce_min3A_867 [0] : vector<128x128xi32> to vector<128xi32>
    %broadcast_in_dim3A_869 = vector.shape_cast %reduce_min3A_868 : vector<128xi32> to vector<1x128xi32>
    %get3A_870 = arith.constant 512 : index
    %get3A_871 = arith.constant 0 : index
    %get3A_872 = vector.load %arg6[%get3A_870, %get3A_871] : memref<2560x128xf32, #tpu.memory_space<vmem>>, vector<128x128xf32>
    %get3A_873 = arith.constant 512 : index
    %get3A_874 = arith.constant 0 : index
    %get3A_875 = vector.load %arg7[%get3A_873, %get3A_874] : memref<2560x128xf32, #tpu.memory_space<vmem>>, vector<128x128xf32>
    %get3A_876 = arith.constant 512 : index
    %get3A_877 = arith.constant 0 : index
    %get3A_878 = vector.load %arg8[%get3A_876, %get3A_877] : memref<2560x128xf32, #tpu.memory_space<vmem>>, vector<128x128xf32>
    %get3A_879 = arith.constant 512 : index
    %get3A_880 = arith.constant 0 : index
    %get3A_881 = vector.load %arg9[%get3A_879, %get3A_880] : memref<2560x128xf32, #tpu.memory_space<vmem>>, vector<128x128xf32>
    %select_n3A_882 = arith.select %eq3A_256, %get3A_872, %get3A_878 : vector<128x128xf32>
    %select_n3A_883 = arith.select %eq3A_256, %get3A_875, %get3A_881 : vector<128x128xf32>
    %select_n3A_884 = arith.select %lt3A_276, %select_n3A_882, %select_n3A_883 : vector<128x128xi1>, vector<128x128xf32>
    %add3A_885 = arith.constant 512 : i32
    %add3A_886 = vector.broadcast %add3A_885 : i32 to vector<128x128xi32>
    %add3A_887 = arith.addi %iota3A_272, %add3A_886 : vector<128x128xi32>
    %ge3A_888 = vector.broadcast %select_n3A_263 : vector<1x128xi32> to vector<128x128xi32>
    %ge3A_889 = arith.cmpi sge, %add3A_887, %ge3A_888 : vector<128x128xi32>
    %lt3A_890 = vector.broadcast %select_n3A_268 : vector<1x128xi32> to vector<128x128xi32>
    %lt3A_891 = arith.cmpi slt, %add3A_887, %lt3A_890 : vector<128x128xi32>
    %and3A_892 = arith.andi %ge3A_889, %lt3A_891 : vector<128x128xi1>
    %jit3A_893 = arith.constant -1.000000e+09 : f32
    %broadcast_in_dim3A_894 = vector.broadcast %jit3A_893 : f32 to vector<128x128xf32>
    %select_n3A_895 = arith.select %and3A_892, %select_n3A_884, %broadcast_in_dim3A_894 : vector<128x128xi1>, vector<128x128xf32>
    %reduce_max3A_896 = arith.constant dense<0xFF800000> : vector<128xf32>
    %reduce_max3A_897 = vector.multi_reduction <maximumf>, %select_n3A_895, %reduce_max3A_896 [0] : vector<128x128xf32> to vector<128xf32>
    %broadcast_in_dim3A_898 = vector.shape_cast %reduce_max3A_897 : vector<128xf32> to vector<1x128xf32>
    %eq3A_899 = vector.broadcast %broadcast_in_dim3A_898 : vector<1x128xf32> to vector<128x128xf32>
    %eq3A_900 = arith.cmpf oeq, %select_n3A_895, %eq3A_899 : vector<128x128xf32>
    %jit3A_901 = arith.constant 1073741824 : i32
    %broadcast_in_dim3A_902 = vector.broadcast %jit3A_901 : i32 to vector<128x128xi32>
    %select_n3A_903 = arith.select %eq3A_900, %add3A_887, %broadcast_in_dim3A_902 : vector<128x128xi1>, vector<128x128xi32>
    %reduce_min3A_904 = arith.constant dense<2147483647> : vector<128xi32>
    %reduce_min3A_905 = vector.multi_reduction <minsi>, %select_n3A_903, %reduce_min3A_904 [0] : vector<128x128xi32> to vector<128xi32>
    %broadcast_in_dim3A_906 = vector.shape_cast %reduce_min3A_905 : vector<128xi32> to vector<1x128xi32>
    %eq3A_907 = vector.broadcast %broadcast_in_dim3A_906 : vector<1x128xi32> to vector<128x128xi32>
    %eq3A_908 = arith.cmpi eq, %add3A_887, %eq3A_907 : vector<128x128xi32>
    %jit3A_909 = arith.constant -1.000000e+09 : f32
    %broadcast_in_dim3A_910 = vector.broadcast %jit3A_909 : f32 to vector<128x128xf32>
    %select_n3A_911 = arith.select %eq3A_908, %broadcast_in_dim3A_910, %select_n3A_895 : vector<128x128xi1>, vector<128x128xf32>
    %reduce_max3A_912 = arith.constant dense<0xFF800000> : vector<128xf32>
    %reduce_max3A_913 = vector.multi_reduction <maximumf>, %select_n3A_911, %reduce_max3A_912 [0] : vector<128x128xf32> to vector<128xf32>
    %broadcast_in_dim3A_914 = vector.shape_cast %reduce_max3A_913 : vector<128xf32> to vector<1x128xf32>
    %eq3A_915 = vector.broadcast %broadcast_in_dim3A_914 : vector<1x128xf32> to vector<128x128xf32>
    %eq3A_916 = arith.cmpf oeq, %select_n3A_911, %eq3A_915 : vector<128x128xf32>
    %jit3A_917 = arith.constant 1073741824 : i32
    %broadcast_in_dim3A_918 = vector.broadcast %jit3A_917 : i32 to vector<128x128xi32>
    %select_n3A_919 = arith.select %eq3A_916, %add3A_887, %broadcast_in_dim3A_918 : vector<128x128xi1>, vector<128x128xi32>
    %reduce_min3A_920 = arith.constant dense<2147483647> : vector<128xi32>
    %reduce_min3A_921 = vector.multi_reduction <minsi>, %select_n3A_919, %reduce_min3A_920 [0] : vector<128x128xi32> to vector<128xi32>
    %broadcast_in_dim3A_922 = vector.shape_cast %reduce_min3A_921 : vector<128xi32> to vector<1x128xi32>
    %eq3A_923 = vector.broadcast %broadcast_in_dim3A_922 : vector<1x128xi32> to vector<128x128xi32>
    %eq3A_924 = arith.cmpi eq, %add3A_887, %eq3A_923 : vector<128x128xi32>
    %jit3A_925 = arith.constant -1.000000e+09 : f32
    %broadcast_in_dim3A_926 = vector.broadcast %jit3A_925 : f32 to vector<128x128xf32>
    %select_n3A_927 = arith.select %eq3A_924, %broadcast_in_dim3A_926, %select_n3A_911 : vector<128x128xi1>, vector<128x128xf32>
    %reduce_max3A_928 = arith.constant dense<0xFF800000> : vector<128xf32>
    %reduce_max3A_929 = vector.multi_reduction <maximumf>, %select_n3A_927, %reduce_max3A_928 [0] : vector<128x128xf32> to vector<128xf32>
    %broadcast_in_dim3A_930 = vector.shape_cast %reduce_max3A_929 : vector<128xf32> to vector<1x128xf32>
    %eq3A_931 = vector.broadcast %broadcast_in_dim3A_930 : vector<1x128xf32> to vector<128x128xf32>
    %eq3A_932 = arith.cmpf oeq, %select_n3A_927, %eq3A_931 : vector<128x128xf32>
    %jit3A_933 = arith.constant 1073741824 : i32
    %broadcast_in_dim3A_934 = vector.broadcast %jit3A_933 : i32 to vector<128x128xi32>
    %select_n3A_935 = arith.select %eq3A_932, %add3A_887, %broadcast_in_dim3A_934 : vector<128x128xi1>, vector<128x128xi32>
    %reduce_min3A_936 = arith.constant dense<2147483647> : vector<128xi32>
    %reduce_min3A_937 = vector.multi_reduction <minsi>, %select_n3A_935, %reduce_min3A_936 [0] : vector<128x128xi32> to vector<128xi32>
    %broadcast_in_dim3A_938 = vector.shape_cast %reduce_min3A_937 : vector<128xi32> to vector<1x128xi32>
    %eq3A_939 = vector.broadcast %broadcast_in_dim3A_938 : vector<1x128xi32> to vector<128x128xi32>
    %eq3A_940 = arith.cmpi eq, %add3A_887, %eq3A_939 : vector<128x128xi32>
    %jit3A_941 = arith.constant -1.000000e+09 : f32
    %broadcast_in_dim3A_942 = vector.broadcast %jit3A_941 : f32 to vector<128x128xf32>
    %select_n3A_943 = arith.select %eq3A_940, %broadcast_in_dim3A_942, %select_n3A_927 : vector<128x128xi1>, vector<128x128xf32>
    %reduce_max3A_944 = arith.constant dense<0xFF800000> : vector<128xf32>
    %reduce_max3A_945 = vector.multi_reduction <maximumf>, %select_n3A_943, %reduce_max3A_944 [0] : vector<128x128xf32> to vector<128xf32>
    %broadcast_in_dim3A_946 = vector.shape_cast %reduce_max3A_945 : vector<128xf32> to vector<1x128xf32>
    %eq3A_947 = vector.broadcast %broadcast_in_dim3A_946 : vector<1x128xf32> to vector<128x128xf32>
    %eq3A_948 = arith.cmpf oeq, %select_n3A_943, %eq3A_947 : vector<128x128xf32>
    %jit3A_949 = arith.constant 1073741824 : i32
    %broadcast_in_dim3A_950 = vector.broadcast %jit3A_949 : i32 to vector<128x128xi32>
    %select_n3A_951 = arith.select %eq3A_948, %add3A_887, %broadcast_in_dim3A_950 : vector<128x128xi1>, vector<128x128xi32>
    %reduce_min3A_952 = arith.constant dense<2147483647> : vector<128xi32>
    %reduce_min3A_953 = vector.multi_reduction <minsi>, %select_n3A_951, %reduce_min3A_952 [0] : vector<128x128xi32> to vector<128xi32>
    %broadcast_in_dim3A_954 = vector.shape_cast %reduce_min3A_953 : vector<128xi32> to vector<1x128xi32>
    %eq3A_955 = vector.broadcast %broadcast_in_dim3A_954 : vector<1x128xi32> to vector<128x128xi32>
    %eq3A_956 = arith.cmpi eq, %add3A_887, %eq3A_955 : vector<128x128xi32>
    %jit3A_957 = arith.constant -1.000000e+09 : f32
    %broadcast_in_dim3A_958 = vector.broadcast %jit3A_957 : f32 to vector<128x128xf32>
    %select_n3A_959 = arith.select %eq3A_956, %broadcast_in_dim3A_958, %select_n3A_943 : vector<128x128xi1>, vector<128x128xf32>
    %reduce_max3A_960 = arith.constant dense<0xFF800000> : vector<128xf32>
    %reduce_max3A_961 = vector.multi_reduction <maximumf>, %select_n3A_959, %reduce_max3A_960 [0] : vector<128x128xf32> to vector<128xf32>
    %broadcast_in_dim3A_962 = vector.shape_cast %reduce_max3A_961 : vector<128xf32> to vector<1x128xf32>
    %eq3A_963 = vector.broadcast %broadcast_in_dim3A_962 : vector<1x128xf32> to vector<128x128xf32>
    %eq3A_964 = arith.cmpf oeq, %select_n3A_959, %eq3A_963 : vector<128x128xf32>
    %jit3A_965 = arith.constant 1073741824 : i32
    %broadcast_in_dim3A_966 = vector.broadcast %jit3A_965 : i32 to vector<128x128xi32>
    %select_n3A_967 = arith.select %eq3A_964, %add3A_887, %broadcast_in_dim3A_966 : vector<128x128xi1>, vector<128x128xi32>
    %reduce_min3A_968 = arith.constant dense<2147483647> : vector<128xi32>
    %reduce_min3A_969 = vector.multi_reduction <minsi>, %select_n3A_967, %reduce_min3A_968 [0] : vector<128x128xi32> to vector<128xi32>
    %broadcast_in_dim3A_970 = vector.shape_cast %reduce_min3A_969 : vector<128xi32> to vector<1x128xi32>
    %eq3A_971 = vector.broadcast %broadcast_in_dim3A_970 : vector<1x128xi32> to vector<128x128xi32>
    %eq3A_972 = arith.cmpi eq, %add3A_887, %eq3A_971 : vector<128x128xi32>
    %jit3A_973 = arith.constant -1.000000e+09 : f32
    %broadcast_in_dim3A_974 = vector.broadcast %jit3A_973 : f32 to vector<128x128xf32>
    %select_n3A_975 = arith.select %eq3A_972, %broadcast_in_dim3A_974, %select_n3A_959 : vector<128x128xi1>, vector<128x128xf32>
    %reduce_max3A_976 = arith.constant dense<0xFF800000> : vector<128xf32>
    %reduce_max3A_977 = vector.multi_reduction <maximumf>, %select_n3A_975, %reduce_max3A_976 [0] : vector<128x128xf32> to vector<128xf32>
    %broadcast_in_dim3A_978 = vector.shape_cast %reduce_max3A_977 : vector<128xf32> to vector<1x128xf32>
    %eq3A_979 = vector.broadcast %broadcast_in_dim3A_978 : vector<1x128xf32> to vector<128x128xf32>
    %eq3A_980 = arith.cmpf oeq, %select_n3A_975, %eq3A_979 : vector<128x128xf32>
    %jit3A_981 = arith.constant 1073741824 : i32
    %broadcast_in_dim3A_982 = vector.broadcast %jit3A_981 : i32 to vector<128x128xi32>
    %select_n3A_983 = arith.select %eq3A_980, %add3A_887, %broadcast_in_dim3A_982 : vector<128x128xi1>, vector<128x128xi32>
    %reduce_min3A_984 = arith.constant dense<2147483647> : vector<128xi32>
    %reduce_min3A_985 = vector.multi_reduction <minsi>, %select_n3A_983, %reduce_min3A_984 [0] : vector<128x128xi32> to vector<128xi32>
    %broadcast_in_dim3A_986 = vector.shape_cast %reduce_min3A_985 : vector<128xi32> to vector<1x128xi32>
    %eq3A_987 = vector.broadcast %broadcast_in_dim3A_986 : vector<1x128xi32> to vector<128x128xi32>
    %eq3A_988 = arith.cmpi eq, %add3A_887, %eq3A_987 : vector<128x128xi32>
    %jit3A_989 = arith.constant -1.000000e+09 : f32
    %broadcast_in_dim3A_990 = vector.broadcast %jit3A_989 : f32 to vector<128x128xf32>
    %select_n3A_991 = arith.select %eq3A_988, %broadcast_in_dim3A_990, %select_n3A_975 : vector<128x128xi1>, vector<128x128xf32>
    %reduce_max3A_992 = arith.constant dense<0xFF800000> : vector<128xf32>
    %reduce_max3A_993 = vector.multi_reduction <maximumf>, %select_n3A_991, %reduce_max3A_992 [0] : vector<128x128xf32> to vector<128xf32>
    %broadcast_in_dim3A_994 = vector.shape_cast %reduce_max3A_993 : vector<128xf32> to vector<1x128xf32>
    %eq3A_995 = vector.broadcast %broadcast_in_dim3A_994 : vector<1x128xf32> to vector<128x128xf32>
    %eq3A_996 = arith.cmpf oeq, %select_n3A_991, %eq3A_995 : vector<128x128xf32>
    %jit3A_997 = arith.constant 1073741824 : i32
    %broadcast_in_dim3A_998 = vector.broadcast %jit3A_997 : i32 to vector<128x128xi32>
    %select_n3A_999 = arith.select %eq3A_996, %add3A_887, %broadcast_in_dim3A_998 : vector<128x128xi1>, vector<128x128xi32>
    %reduce_min3A_1000 = arith.constant dense<2147483647> : vector<128xi32>
    %reduce_min3A_1001 = vector.multi_reduction <minsi>, %select_n3A_999, %reduce_min3A_1000 [0] : vector<128x128xi32> to vector<128xi32>
    %broadcast_in_dim3A_1002 = vector.shape_cast %reduce_min3A_1001 : vector<128xi32> to vector<1x128xi32>
    %eq3A_1003 = vector.broadcast %broadcast_in_dim3A_1002 : vector<1x128xi32> to vector<128x128xi32>
    %eq3A_1004 = arith.cmpi eq, %add3A_887, %eq3A_1003 : vector<128x128xi32>
    %jit3A_1005 = arith.constant -1.000000e+09 : f32
    %broadcast_in_dim3A_1006 = vector.broadcast %jit3A_1005 : f32 to vector<128x128xf32>
    %select_n3A_1007 = arith.select %eq3A_1004, %broadcast_in_dim3A_1006, %select_n3A_991 : vector<128x128xi1>, vector<128x128xf32>
    %reduce_max3A_1008 = arith.constant dense<0xFF800000> : vector<128xf32>
    %reduce_max3A_1009 = vector.multi_reduction <maximumf>, %select_n3A_1007, %reduce_max3A_1008 [0] : vector<128x128xf32> to vector<128xf32>
    %broadcast_in_dim3A_1010 = vector.shape_cast %reduce_max3A_1009 : vector<128xf32> to vector<1x128xf32>
    %eq3A_1011 = vector.broadcast %broadcast_in_dim3A_1010 : vector<1x128xf32> to vector<128x128xf32>
    %eq3A_1012 = arith.cmpf oeq, %select_n3A_1007, %eq3A_1011 : vector<128x128xf32>
    %jit3A_1013 = arith.constant 1073741824 : i32
    %broadcast_in_dim3A_1014 = vector.broadcast %jit3A_1013 : i32 to vector<128x128xi32>
    %select_n3A_1015 = arith.select %eq3A_1012, %add3A_887, %broadcast_in_dim3A_1014 : vector<128x128xi1>, vector<128x128xi32>
    %reduce_min3A_1016 = arith.constant dense<2147483647> : vector<128xi32>
    %reduce_min3A_1017 = vector.multi_reduction <minsi>, %select_n3A_1015, %reduce_min3A_1016 [0] : vector<128x128xi32> to vector<128xi32>
    %broadcast_in_dim3A_1018 = vector.shape_cast %reduce_min3A_1017 : vector<128xi32> to vector<1x128xi32>
    %get3A_1019 = arith.constant 640 : index
    %get3A_1020 = arith.constant 0 : index
    %get3A_1021 = vector.load %arg6[%get3A_1019, %get3A_1020] : memref<2560x128xf32, #tpu.memory_space<vmem>>, vector<128x128xf32>
    %get3A_1022 = arith.constant 640 : index
    %get3A_1023 = arith.constant 0 : index
    %get3A_1024 = vector.load %arg7[%get3A_1022, %get3A_1023] : memref<2560x128xf32, #tpu.memory_space<vmem>>, vector<128x128xf32>
    %get3A_1025 = arith.constant 640 : index
    %get3A_1026 = arith.constant 0 : index
    %get3A_1027 = vector.load %arg8[%get3A_1025, %get3A_1026] : memref<2560x128xf32, #tpu.memory_space<vmem>>, vector<128x128xf32>
    %get3A_1028 = arith.constant 640 : index
    %get3A_1029 = arith.constant 0 : index
    %get3A_1030 = vector.load %arg9[%get3A_1028, %get3A_1029] : memref<2560x128xf32, #tpu.memory_space<vmem>>, vector<128x128xf32>
    %select_n3A_1031 = arith.select %eq3A_256, %get3A_1021, %get3A_1027 : vector<128x128xf32>
    %select_n3A_1032 = arith.select %eq3A_256, %get3A_1024, %get3A_1030 : vector<128x128xf32>
    %select_n3A_1033 = arith.select %lt3A_276, %select_n3A_1031, %select_n3A_1032 : vector<128x128xi1>, vector<128x128xf32>
    %add3A_1034 = arith.constant 640 : i32
    %add3A_1035 = vector.broadcast %add3A_1034 : i32 to vector<128x128xi32>
    %add3A_1036 = arith.addi %iota3A_272, %add3A_1035 : vector<128x128xi32>
    %ge3A_1037 = vector.broadcast %select_n3A_263 : vector<1x128xi32> to vector<128x128xi32>
    %ge3A_1038 = arith.cmpi sge, %add3A_1036, %ge3A_1037 : vector<128x128xi32>
    %lt3A_1039 = vector.broadcast %select_n3A_268 : vector<1x128xi32> to vector<128x128xi32>
    %lt3A_1040 = arith.cmpi slt, %add3A_1036, %lt3A_1039 : vector<128x128xi32>
    %and3A_1041 = arith.andi %ge3A_1038, %lt3A_1040 : vector<128x128xi1>
    %jit3A_1042 = arith.constant -1.000000e+09 : f32
    %broadcast_in_dim3A_1043 = vector.broadcast %jit3A_1042 : f32 to vector<128x128xf32>
    %select_n3A_1044 = arith.select %and3A_1041, %select_n3A_1033, %broadcast_in_dim3A_1043 : vector<128x128xi1>, vector<128x128xf32>
    %reduce_max3A_1045 = arith.constant dense<0xFF800000> : vector<128xf32>
    %reduce_max3A_1046 = vector.multi_reduction <maximumf>, %select_n3A_1044, %reduce_max3A_1045 [0] : vector<128x128xf32> to vector<128xf32>
    %broadcast_in_dim3A_1047 = vector.shape_cast %reduce_max3A_1046 : vector<128xf32> to vector<1x128xf32>
    %eq3A_1048 = vector.broadcast %broadcast_in_dim3A_1047 : vector<1x128xf32> to vector<128x128xf32>
    %eq3A_1049 = arith.cmpf oeq, %select_n3A_1044, %eq3A_1048 : vector<128x128xf32>
    %jit3A_1050 = arith.constant 1073741824 : i32
    %broadcast_in_dim3A_1051 = vector.broadcast %jit3A_1050 : i32 to vector<128x128xi32>
    %select_n3A_1052 = arith.select %eq3A_1049, %add3A_1036, %broadcast_in_dim3A_1051 : vector<128x128xi1>, vector<128x128xi32>
    %reduce_min3A_1053 = arith.constant dense<2147483647> : vector<128xi32>
    %reduce_min3A_1054 = vector.multi_reduction <minsi>, %select_n3A_1052, %reduce_min3A_1053 [0] : vector<128x128xi32> to vector<128xi32>
    %broadcast_in_dim3A_1055 = vector.shape_cast %reduce_min3A_1054 : vector<128xi32> to vector<1x128xi32>
    %eq3A_1056 = vector.broadcast %broadcast_in_dim3A_1055 : vector<1x128xi32> to vector<128x128xi32>
    %eq3A_1057 = arith.cmpi eq, %add3A_1036, %eq3A_1056 : vector<128x128xi32>
    %jit3A_1058 = arith.constant -1.000000e+09 : f32
    %broadcast_in_dim3A_1059 = vector.broadcast %jit3A_1058 : f32 to vector<128x128xf32>
    %select_n3A_1060 = arith.select %eq3A_1057, %broadcast_in_dim3A_1059, %select_n3A_1044 : vector<128x128xi1>, vector<128x128xf32>
    %reduce_max3A_1061 = arith.constant dense<0xFF800000> : vector<128xf32>
    %reduce_max3A_1062 = vector.multi_reduction <maximumf>, %select_n3A_1060, %reduce_max3A_1061 [0] : vector<128x128xf32> to vector<128xf32>
    %broadcast_in_dim3A_1063 = vector.shape_cast %reduce_max3A_1062 : vector<128xf32> to vector<1x128xf32>
    %eq3A_1064 = vector.broadcast %broadcast_in_dim3A_1063 : vector<1x128xf32> to vector<128x128xf32>
    %eq3A_1065 = arith.cmpf oeq, %select_n3A_1060, %eq3A_1064 : vector<128x128xf32>
    %jit3A_1066 = arith.constant 1073741824 : i32
    %broadcast_in_dim3A_1067 = vector.broadcast %jit3A_1066 : i32 to vector<128x128xi32>
    %select_n3A_1068 = arith.select %eq3A_1065, %add3A_1036, %broadcast_in_dim3A_1067 : vector<128x128xi1>, vector<128x128xi32>
    %reduce_min3A_1069 = arith.constant dense<2147483647> : vector<128xi32>
    %reduce_min3A_1070 = vector.multi_reduction <minsi>, %select_n3A_1068, %reduce_min3A_1069 [0] : vector<128x128xi32> to vector<128xi32>
    %broadcast_in_dim3A_1071 = vector.shape_cast %reduce_min3A_1070 : vector<128xi32> to vector<1x128xi32>
    %eq3A_1072 = vector.broadcast %broadcast_in_dim3A_1071 : vector<1x128xi32> to vector<128x128xi32>
    %eq3A_1073 = arith.cmpi eq, %add3A_1036, %eq3A_1072 : vector<128x128xi32>
    %jit3A_1074 = arith.constant -1.000000e+09 : f32
    %broadcast_in_dim3A_1075 = vector.broadcast %jit3A_1074 : f32 to vector<128x128xf32>
    %select_n3A_1076 = arith.select %eq3A_1073, %broadcast_in_dim3A_1075, %select_n3A_1060 : vector<128x128xi1>, vector<128x128xf32>
    %reduce_max3A_1077 = arith.constant dense<0xFF800000> : vector<128xf32>
    %reduce_max3A_1078 = vector.multi_reduction <maximumf>, %select_n3A_1076, %reduce_max3A_1077 [0] : vector<128x128xf32> to vector<128xf32>
    %broadcast_in_dim3A_1079 = vector.shape_cast %reduce_max3A_1078 : vector<128xf32> to vector<1x128xf32>
    %eq3A_1080 = vector.broadcast %broadcast_in_dim3A_1079 : vector<1x128xf32> to vector<128x128xf32>
    %eq3A_1081 = arith.cmpf oeq, %select_n3A_1076, %eq3A_1080 : vector<128x128xf32>
    %jit3A_1082 = arith.constant 1073741824 : i32
    %broadcast_in_dim3A_1083 = vector.broadcast %jit3A_1082 : i32 to vector<128x128xi32>
    %select_n3A_1084 = arith.select %eq3A_1081, %add3A_1036, %broadcast_in_dim3A_1083 : vector<128x128xi1>, vector<128x128xi32>
    %reduce_min3A_1085 = arith.constant dense<2147483647> : vector<128xi32>
    %reduce_min3A_1086 = vector.multi_reduction <minsi>, %select_n3A_1084, %reduce_min3A_1085 [0] : vector<128x128xi32> to vector<128xi32>
    %broadcast_in_dim3A_1087 = vector.shape_cast %reduce_min3A_1086 : vector<128xi32> to vector<1x128xi32>
    %eq3A_1088 = vector.broadcast %broadcast_in_dim3A_1087 : vector<1x128xi32> to vector<128x128xi32>
    %eq3A_1089 = arith.cmpi eq, %add3A_1036, %eq3A_1088 : vector<128x128xi32>
    %jit3A_1090 = arith.constant -1.000000e+09 : f32
    %broadcast_in_dim3A_1091 = vector.broadcast %jit3A_1090 : f32 to vector<128x128xf32>
    %select_n3A_1092 = arith.select %eq3A_1089, %broadcast_in_dim3A_1091, %select_n3A_1076 : vector<128x128xi1>, vector<128x128xf32>
    %reduce_max3A_1093 = arith.constant dense<0xFF800000> : vector<128xf32>
    %reduce_max3A_1094 = vector.multi_reduction <maximumf>, %select_n3A_1092, %reduce_max3A_1093 [0] : vector<128x128xf32> to vector<128xf32>
    %broadcast_in_dim3A_1095 = vector.shape_cast %reduce_max3A_1094 : vector<128xf32> to vector<1x128xf32>
    %eq3A_1096 = vector.broadcast %broadcast_in_dim3A_1095 : vector<1x128xf32> to vector<128x128xf32>
    %eq3A_1097 = arith.cmpf oeq, %select_n3A_1092, %eq3A_1096 : vector<128x128xf32>
    %jit3A_1098 = arith.constant 1073741824 : i32
    %broadcast_in_dim3A_1099 = vector.broadcast %jit3A_1098 : i32 to vector<128x128xi32>
    %select_n3A_1100 = arith.select %eq3A_1097, %add3A_1036, %broadcast_in_dim3A_1099 : vector<128x128xi1>, vector<128x128xi32>
    %reduce_min3A_1101 = arith.constant dense<2147483647> : vector<128xi32>
    %reduce_min3A_1102 = vector.multi_reduction <minsi>, %select_n3A_1100, %reduce_min3A_1101 [0] : vector<128x128xi32> to vector<128xi32>
    %broadcast_in_dim3A_1103 = vector.shape_cast %reduce_min3A_1102 : vector<128xi32> to vector<1x128xi32>
    %eq3A_1104 = vector.broadcast %broadcast_in_dim3A_1103 : vector<1x128xi32> to vector<128x128xi32>
    %eq3A_1105 = arith.cmpi eq, %add3A_1036, %eq3A_1104 : vector<128x128xi32>
    %jit3A_1106 = arith.constant -1.000000e+09 : f32
    %broadcast_in_dim3A_1107 = vector.broadcast %jit3A_1106 : f32 to vector<128x128xf32>
    %select_n3A_1108 = arith.select %eq3A_1105, %broadcast_in_dim3A_1107, %select_n3A_1092 : vector<128x128xi1>, vector<128x128xf32>
    %reduce_max3A_1109 = arith.constant dense<0xFF800000> : vector<128xf32>
    %reduce_max3A_1110 = vector.multi_reduction <maximumf>, %select_n3A_1108, %reduce_max3A_1109 [0] : vector<128x128xf32> to vector<128xf32>
    %broadcast_in_dim3A_1111 = vector.shape_cast %reduce_max3A_1110 : vector<128xf32> to vector<1x128xf32>
    %eq3A_1112 = vector.broadcast %broadcast_in_dim3A_1111 : vector<1x128xf32> to vector<128x128xf32>
    %eq3A_1113 = arith.cmpf oeq, %select_n3A_1108, %eq3A_1112 : vector<128x128xf32>
    %jit3A_1114 = arith.constant 1073741824 : i32
    %broadcast_in_dim3A_1115 = vector.broadcast %jit3A_1114 : i32 to vector<128x128xi32>
    %select_n3A_1116 = arith.select %eq3A_1113, %add3A_1036, %broadcast_in_dim3A_1115 : vector<128x128xi1>, vector<128x128xi32>
    %reduce_min3A_1117 = arith.constant dense<2147483647> : vector<128xi32>
    %reduce_min3A_1118 = vector.multi_reduction <minsi>, %select_n3A_1116, %reduce_min3A_1117 [0] : vector<128x128xi32> to vector<128xi32>
    %broadcast_in_dim3A_1119 = vector.shape_cast %reduce_min3A_1118 : vector<128xi32> to vector<1x128xi32>
    %eq3A_1120 = vector.broadcast %broadcast_in_dim3A_1119 : vector<1x128xi32> to vector<128x128xi32>
    %eq3A_1121 = arith.cmpi eq, %add3A_1036, %eq3A_1120 : vector<128x128xi32>
    %jit3A_1122 = arith.constant -1.000000e+09 : f32
    %broadcast_in_dim3A_1123 = vector.broadcast %jit3A_1122 : f32 to vector<128x128xf32>
    %select_n3A_1124 = arith.select %eq3A_1121, %broadcast_in_dim3A_1123, %select_n3A_1108 : vector<128x128xi1>, vector<128x128xf32>
    %reduce_max3A_1125 = arith.constant dense<0xFF800000> : vector<128xf32>
    %reduce_max3A_1126 = vector.multi_reduction <maximumf>, %select_n3A_1124, %reduce_max3A_1125 [0] : vector<128x128xf32> to vector<128xf32>
    %broadcast_in_dim3A_1127 = vector.shape_cast %reduce_max3A_1126 : vector<128xf32> to vector<1x128xf32>
    %eq3A_1128 = vector.broadcast %broadcast_in_dim3A_1127 : vector<1x128xf32> to vector<128x128xf32>
    %eq3A_1129 = arith.cmpf oeq, %select_n3A_1124, %eq3A_1128 : vector<128x128xf32>
    %jit3A_1130 = arith.constant 1073741824 : i32
    %broadcast_in_dim3A_1131 = vector.broadcast %jit3A_1130 : i32 to vector<128x128xi32>
    %select_n3A_1132 = arith.select %eq3A_1129, %add3A_1036, %broadcast_in_dim3A_1131 : vector<128x128xi1>, vector<128x128xi32>
    %reduce_min3A_1133 = arith.constant dense<2147483647> : vector<128xi32>
    %reduce_min3A_1134 = vector.multi_reduction <minsi>, %select_n3A_1132, %reduce_min3A_1133 [0] : vector<128x128xi32> to vector<128xi32>
    %broadcast_in_dim3A_1135 = vector.shape_cast %reduce_min3A_1134 : vector<128xi32> to vector<1x128xi32>
    %eq3A_1136 = vector.broadcast %broadcast_in_dim3A_1135 : vector<1x128xi32> to vector<128x128xi32>
    %eq3A_1137 = arith.cmpi eq, %add3A_1036, %eq3A_1136 : vector<128x128xi32>
    %jit3A_1138 = arith.constant -1.000000e+09 : f32
    %broadcast_in_dim3A_1139 = vector.broadcast %jit3A_1138 : f32 to vector<128x128xf32>
    %select_n3A_1140 = arith.select %eq3A_1137, %broadcast_in_dim3A_1139, %select_n3A_1124 : vector<128x128xi1>, vector<128x128xf32>
    %reduce_max3A_1141 = arith.constant dense<0xFF800000> : vector<128xf32>
    %reduce_max3A_1142 = vector.multi_reduction <maximumf>, %select_n3A_1140, %reduce_max3A_1141 [0] : vector<128x128xf32> to vector<128xf32>
    %broadcast_in_dim3A_1143 = vector.shape_cast %reduce_max3A_1142 : vector<128xf32> to vector<1x128xf32>
    %eq3A_1144 = vector.broadcast %broadcast_in_dim3A_1143 : vector<1x128xf32> to vector<128x128xf32>
    %eq3A_1145 = arith.cmpf oeq, %select_n3A_1140, %eq3A_1144 : vector<128x128xf32>
    %jit3A_1146 = arith.constant 1073741824 : i32
    %broadcast_in_dim3A_1147 = vector.broadcast %jit3A_1146 : i32 to vector<128x128xi32>
    %select_n3A_1148 = arith.select %eq3A_1145, %add3A_1036, %broadcast_in_dim3A_1147 : vector<128x128xi1>, vector<128x128xi32>
    %reduce_min3A_1149 = arith.constant dense<2147483647> : vector<128xi32>
    %reduce_min3A_1150 = vector.multi_reduction <minsi>, %select_n3A_1148, %reduce_min3A_1149 [0] : vector<128x128xi32> to vector<128xi32>
    %broadcast_in_dim3A_1151 = vector.shape_cast %reduce_min3A_1150 : vector<128xi32> to vector<1x128xi32>
    %eq3A_1152 = vector.broadcast %broadcast_in_dim3A_1151 : vector<1x128xi32> to vector<128x128xi32>
    %eq3A_1153 = arith.cmpi eq, %add3A_1036, %eq3A_1152 : vector<128x128xi32>
    %jit3A_1154 = arith.constant -1.000000e+09 : f32
    %broadcast_in_dim3A_1155 = vector.broadcast %jit3A_1154 : f32 to vector<128x128xf32>
    %select_n3A_1156 = arith.select %eq3A_1153, %broadcast_in_dim3A_1155, %select_n3A_1140 : vector<128x128xi1>, vector<128x128xf32>
    %reduce_max3A_1157 = arith.constant dense<0xFF800000> : vector<128xf32>
    %reduce_max3A_1158 = vector.multi_reduction <maximumf>, %select_n3A_1156, %reduce_max3A_1157 [0] : vector<128x128xf32> to vector<128xf32>
    %broadcast_in_dim3A_1159 = vector.shape_cast %reduce_max3A_1158 : vector<128xf32> to vector<1x128xf32>
    %eq3A_1160 = vector.broadcast %broadcast_in_dim3A_1159 : vector<1x128xf32> to vector<128x128xf32>
    %eq3A_1161 = arith.cmpf oeq, %select_n3A_1156, %eq3A_1160 : vector<128x128xf32>
    %jit3A_1162 = arith.constant 1073741824 : i32
    %broadcast_in_dim3A_1163 = vector.broadcast %jit3A_1162 : i32 to vector<128x128xi32>
    %select_n3A_1164 = arith.select %eq3A_1161, %add3A_1036, %broadcast_in_dim3A_1163 : vector<128x128xi1>, vector<128x128xi32>
    %reduce_min3A_1165 = arith.constant dense<2147483647> : vector<128xi32>
    %reduce_min3A_1166 = vector.multi_reduction <minsi>, %select_n3A_1164, %reduce_min3A_1165 [0] : vector<128x128xi32> to vector<128xi32>
    %broadcast_in_dim3A_1167 = vector.shape_cast %reduce_min3A_1166 : vector<128xi32> to vector<1x128xi32>
    %get3A_1168 = arith.constant 768 : index
    %get3A_1169 = arith.constant 0 : index
    %get3A_1170 = vector.load %arg6[%get3A_1168, %get3A_1169] : memref<2560x128xf32, #tpu.memory_space<vmem>>, vector<128x128xf32>
    %get3A_1171 = arith.constant 768 : index
    %get3A_1172 = arith.constant 0 : index
    %get3A_1173 = vector.load %arg7[%get3A_1171, %get3A_1172] : memref<2560x128xf32, #tpu.memory_space<vmem>>, vector<128x128xf32>
    %get3A_1174 = arith.constant 768 : index
    %get3A_1175 = arith.constant 0 : index
    %get3A_1176 = vector.load %arg8[%get3A_1174, %get3A_1175] : memref<2560x128xf32, #tpu.memory_space<vmem>>, vector<128x128xf32>
    %get3A_1177 = arith.constant 768 : index
    %get3A_1178 = arith.constant 0 : index
    %get3A_1179 = vector.load %arg9[%get3A_1177, %get3A_1178] : memref<2560x128xf32, #tpu.memory_space<vmem>>, vector<128x128xf32>
    %select_n3A_1180 = arith.select %eq3A_256, %get3A_1170, %get3A_1176 : vector<128x128xf32>
    %select_n3A_1181 = arith.select %eq3A_256, %get3A_1173, %get3A_1179 : vector<128x128xf32>
    %select_n3A_1182 = arith.select %lt3A_276, %select_n3A_1180, %select_n3A_1181 : vector<128x128xi1>, vector<128x128xf32>
    %add3A_1183 = arith.constant 768 : i32
    %add3A_1184 = vector.broadcast %add3A_1183 : i32 to vector<128x128xi32>
    %add3A_1185 = arith.addi %iota3A_272, %add3A_1184 : vector<128x128xi32>
    %ge3A_1186 = vector.broadcast %select_n3A_263 : vector<1x128xi32> to vector<128x128xi32>
    %ge3A_1187 = arith.cmpi sge, %add3A_1185, %ge3A_1186 : vector<128x128xi32>
    %lt3A_1188 = vector.broadcast %select_n3A_268 : vector<1x128xi32> to vector<128x128xi32>
    %lt3A_1189 = arith.cmpi slt, %add3A_1185, %lt3A_1188 : vector<128x128xi32>
    %and3A_1190 = arith.andi %ge3A_1187, %lt3A_1189 : vector<128x128xi1>
    %jit3A_1191 = arith.constant -1.000000e+09 : f32
    %broadcast_in_dim3A_1192 = vector.broadcast %jit3A_1191 : f32 to vector<128x128xf32>
    %select_n3A_1193 = arith.select %and3A_1190, %select_n3A_1182, %broadcast_in_dim3A_1192 : vector<128x128xi1>, vector<128x128xf32>
    %reduce_max3A_1194 = arith.constant dense<0xFF800000> : vector<128xf32>
    %reduce_max3A_1195 = vector.multi_reduction <maximumf>, %select_n3A_1193, %reduce_max3A_1194 [0] : vector<128x128xf32> to vector<128xf32>
    %broadcast_in_dim3A_1196 = vector.shape_cast %reduce_max3A_1195 : vector<128xf32> to vector<1x128xf32>
    %eq3A_1197 = vector.broadcast %broadcast_in_dim3A_1196 : vector<1x128xf32> to vector<128x128xf32>
    %eq3A_1198 = arith.cmpf oeq, %select_n3A_1193, %eq3A_1197 : vector<128x128xf32>
    %jit3A_1199 = arith.constant 1073741824 : i32
    %broadcast_in_dim3A_1200 = vector.broadcast %jit3A_1199 : i32 to vector<128x128xi32>
    %select_n3A_1201 = arith.select %eq3A_1198, %add3A_1185, %broadcast_in_dim3A_1200 : vector<128x128xi1>, vector<128x128xi32>
    %reduce_min3A_1202 = arith.constant dense<2147483647> : vector<128xi32>
    %reduce_min3A_1203 = vector.multi_reduction <minsi>, %select_n3A_1201, %reduce_min3A_1202 [0] : vector<128x128xi32> to vector<128xi32>
    %broadcast_in_dim3A_1204 = vector.shape_cast %reduce_min3A_1203 : vector<128xi32> to vector<1x128xi32>
    %eq3A_1205 = vector.broadcast %broadcast_in_dim3A_1204 : vector<1x128xi32> to vector<128x128xi32>
    %eq3A_1206 = arith.cmpi eq, %add3A_1185, %eq3A_1205 : vector<128x128xi32>
    %jit3A_1207 = arith.constant -1.000000e+09 : f32
    %broadcast_in_dim3A_1208 = vector.broadcast %jit3A_1207 : f32 to vector<128x128xf32>
    %select_n3A_1209 = arith.select %eq3A_1206, %broadcast_in_dim3A_1208, %select_n3A_1193 : vector<128x128xi1>, vector<128x128xf32>
    %reduce_max3A_1210 = arith.constant dense<0xFF800000> : vector<128xf32>
    %reduce_max3A_1211 = vector.multi_reduction <maximumf>, %select_n3A_1209, %reduce_max3A_1210 [0] : vector<128x128xf32> to vector<128xf32>
    %broadcast_in_dim3A_1212 = vector.shape_cast %reduce_max3A_1211 : vector<128xf32> to vector<1x128xf32>
    %eq3A_1213 = vector.broadcast %broadcast_in_dim3A_1212 : vector<1x128xf32> to vector<128x128xf32>
    %eq3A_1214 = arith.cmpf oeq, %select_n3A_1209, %eq3A_1213 : vector<128x128xf32>
    %jit3A_1215 = arith.constant 1073741824 : i32
    %broadcast_in_dim3A_1216 = vector.broadcast %jit3A_1215 : i32 to vector<128x128xi32>
    %select_n3A_1217 = arith.select %eq3A_1214, %add3A_1185, %broadcast_in_dim3A_1216 : vector<128x128xi1>, vector<128x128xi32>
    %reduce_min3A_1218 = arith.constant dense<2147483647> : vector<128xi32>
    %reduce_min3A_1219 = vector.multi_reduction <minsi>, %select_n3A_1217, %reduce_min3A_1218 [0] : vector<128x128xi32> to vector<128xi32>
    %broadcast_in_dim3A_1220 = vector.shape_cast %reduce_min3A_1219 : vector<128xi32> to vector<1x128xi32>
    %eq3A_1221 = vector.broadcast %broadcast_in_dim3A_1220 : vector<1x128xi32> to vector<128x128xi32>
    %eq3A_1222 = arith.cmpi eq, %add3A_1185, %eq3A_1221 : vector<128x128xi32>
    %jit3A_1223 = arith.constant -1.000000e+09 : f32
    %broadcast_in_dim3A_1224 = vector.broadcast %jit3A_1223 : f32 to vector<128x128xf32>
    %select_n3A_1225 = arith.select %eq3A_1222, %broadcast_in_dim3A_1224, %select_n3A_1209 : vector<128x128xi1>, vector<128x128xf32>
    %reduce_max3A_1226 = arith.constant dense<0xFF800000> : vector<128xf32>
    %reduce_max3A_1227 = vector.multi_reduction <maximumf>, %select_n3A_1225, %reduce_max3A_1226 [0] : vector<128x128xf32> to vector<128xf32>
    %broadcast_in_dim3A_1228 = vector.shape_cast %reduce_max3A_1227 : vector<128xf32> to vector<1x128xf32>
    %eq3A_1229 = vector.broadcast %broadcast_in_dim3A_1228 : vector<1x128xf32> to vector<128x128xf32>
    %eq3A_1230 = arith.cmpf oeq, %select_n3A_1225, %eq3A_1229 : vector<128x128xf32>
    %jit3A_1231 = arith.constant 1073741824 : i32
    %broadcast_in_dim3A_1232 = vector.broadcast %jit3A_1231 : i32 to vector<128x128xi32>
    %select_n3A_1233 = arith.select %eq3A_1230, %add3A_1185, %broadcast_in_dim3A_1232 : vector<128x128xi1>, vector<128x128xi32>
    %reduce_min3A_1234 = arith.constant dense<2147483647> : vector<128xi32>
    %reduce_min3A_1235 = vector.multi_reduction <minsi>, %select_n3A_1233, %reduce_min3A_1234 [0] : vector<128x128xi32> to vector<128xi32>
    %broadcast_in_dim3A_1236 = vector.shape_cast %reduce_min3A_1235 : vector<128xi32> to vector<1x128xi32>
    %eq3A_1237 = vector.broadcast %broadcast_in_dim3A_1236 : vector<1x128xi32> to vector<128x128xi32>
    %eq3A_1238 = arith.cmpi eq, %add3A_1185, %eq3A_1237 : vector<128x128xi32>
    %jit3A_1239 = arith.constant -1.000000e+09 : f32
    %broadcast_in_dim3A_1240 = vector.broadcast %jit3A_1239 : f32 to vector<128x128xf32>
    %select_n3A_1241 = arith.select %eq3A_1238, %broadcast_in_dim3A_1240, %select_n3A_1225 : vector<128x128xi1>, vector<128x128xf32>
    %reduce_max3A_1242 = arith.constant dense<0xFF800000> : vector<128xf32>
    %reduce_max3A_1243 = vector.multi_reduction <maximumf>, %select_n3A_1241, %reduce_max3A_1242 [0] : vector<128x128xf32> to vector<128xf32>
    %broadcast_in_dim3A_1244 = vector.shape_cast %reduce_max3A_1243 : vector<128xf32> to vector<1x128xf32>
    %eq3A_1245 = vector.broadcast %broadcast_in_dim3A_1244 : vector<1x128xf32> to vector<128x128xf32>
    %eq3A_1246 = arith.cmpf oeq, %select_n3A_1241, %eq3A_1245 : vector<128x128xf32>
    %jit3A_1247 = arith.constant 1073741824 : i32
    %broadcast_in_dim3A_1248 = vector.broadcast %jit3A_1247 : i32 to vector<128x128xi32>
    %select_n3A_1249 = arith.select %eq3A_1246, %add3A_1185, %broadcast_in_dim3A_1248 : vector<128x128xi1>, vector<128x128xi32>
    %reduce_min3A_1250 = arith.constant dense<2147483647> : vector<128xi32>
    %reduce_min3A_1251 = vector.multi_reduction <minsi>, %select_n3A_1249, %reduce_min3A_1250 [0] : vector<128x128xi32> to vector<128xi32>
    %broadcast_in_dim3A_1252 = vector.shape_cast %reduce_min3A_1251 : vector<128xi32> to vector<1x128xi32>
    %eq3A_1253 = vector.broadcast %broadcast_in_dim3A_1252 : vector<1x128xi32> to vector<128x128xi32>
    %eq3A_1254 = arith.cmpi eq, %add3A_1185, %eq3A_1253 : vector<128x128xi32>
    %jit3A_1255 = arith.constant -1.000000e+09 : f32
    %broadcast_in_dim3A_1256 = vector.broadcast %jit3A_1255 : f32 to vector<128x128xf32>
    %select_n3A_1257 = arith.select %eq3A_1254, %broadcast_in_dim3A_1256, %select_n3A_1241 : vector<128x128xi1>, vector<128x128xf32>
    %reduce_max3A_1258 = arith.constant dense<0xFF800000> : vector<128xf32>
    %reduce_max3A_1259 = vector.multi_reduction <maximumf>, %select_n3A_1257, %reduce_max3A_1258 [0] : vector<128x128xf32> to vector<128xf32>
    %broadcast_in_dim3A_1260 = vector.shape_cast %reduce_max3A_1259 : vector<128xf32> to vector<1x128xf32>
    %eq3A_1261 = vector.broadcast %broadcast_in_dim3A_1260 : vector<1x128xf32> to vector<128x128xf32>
    %eq3A_1262 = arith.cmpf oeq, %select_n3A_1257, %eq3A_1261 : vector<128x128xf32>
    %jit3A_1263 = arith.constant 1073741824 : i32
    %broadcast_in_dim3A_1264 = vector.broadcast %jit3A_1263 : i32 to vector<128x128xi32>
    %select_n3A_1265 = arith.select %eq3A_1262, %add3A_1185, %broadcast_in_dim3A_1264 : vector<128x128xi1>, vector<128x128xi32>
    %reduce_min3A_1266 = arith.constant dense<2147483647> : vector<128xi32>
    %reduce_min3A_1267 = vector.multi_reduction <minsi>, %select_n3A_1265, %reduce_min3A_1266 [0] : vector<128x128xi32> to vector<128xi32>
    %broadcast_in_dim3A_1268 = vector.shape_cast %reduce_min3A_1267 : vector<128xi32> to vector<1x128xi32>
    %eq3A_1269 = vector.broadcast %broadcast_in_dim3A_1268 : vector<1x128xi32> to vector<128x128xi32>
    %eq3A_1270 = arith.cmpi eq, %add3A_1185, %eq3A_1269 : vector<128x128xi32>
    %jit3A_1271 = arith.constant -1.000000e+09 : f32
    %broadcast_in_dim3A_1272 = vector.broadcast %jit3A_1271 : f32 to vector<128x128xf32>
    %select_n3A_1273 = arith.select %eq3A_1270, %broadcast_in_dim3A_1272, %select_n3A_1257 : vector<128x128xi1>, vector<128x128xf32>
    %reduce_max3A_1274 = arith.constant dense<0xFF800000> : vector<128xf32>
    %reduce_max3A_1275 = vector.multi_reduction <maximumf>, %select_n3A_1273, %reduce_max3A_1274 [0] : vector<128x128xf32> to vector<128xf32>
    %broadcast_in_dim3A_1276 = vector.shape_cast %reduce_max3A_1275 : vector<128xf32> to vector<1x128xf32>
    %eq3A_1277 = vector.broadcast %broadcast_in_dim3A_1276 : vector<1x128xf32> to vector<128x128xf32>
    %eq3A_1278 = arith.cmpf oeq, %select_n3A_1273, %eq3A_1277 : vector<128x128xf32>
    %jit3A_1279 = arith.constant 1073741824 : i32
    %broadcast_in_dim3A_1280 = vector.broadcast %jit3A_1279 : i32 to vector<128x128xi32>
    %select_n3A_1281 = arith.select %eq3A_1278, %add3A_1185, %broadcast_in_dim3A_1280 : vector<128x128xi1>, vector<128x128xi32>
    %reduce_min3A_1282 = arith.constant dense<2147483647> : vector<128xi32>
    %reduce_min3A_1283 = vector.multi_reduction <minsi>, %select_n3A_1281, %reduce_min3A_1282 [0] : vector<128x128xi32> to vector<128xi32>
    %broadcast_in_dim3A_1284 = vector.shape_cast %reduce_min3A_1283 : vector<128xi32> to vector<1x128xi32>
    %eq3A_1285 = vector.broadcast %broadcast_in_dim3A_1284 : vector<1x128xi32> to vector<128x128xi32>
    %eq3A_1286 = arith.cmpi eq, %add3A_1185, %eq3A_1285 : vector<128x128xi32>
    %jit3A_1287 = arith.constant -1.000000e+09 : f32
    %broadcast_in_dim3A_1288 = vector.broadcast %jit3A_1287 : f32 to vector<128x128xf32>
    %select_n3A_1289 = arith.select %eq3A_1286, %broadcast_in_dim3A_1288, %select_n3A_1273 : vector<128x128xi1>, vector<128x128xf32>
    %reduce_max3A_1290 = arith.constant dense<0xFF800000> : vector<128xf32>
    %reduce_max3A_1291 = vector.multi_reduction <maximumf>, %select_n3A_1289, %reduce_max3A_1290 [0] : vector<128x128xf32> to vector<128xf32>
    %broadcast_in_dim3A_1292 = vector.shape_cast %reduce_max3A_1291 : vector<128xf32> to vector<1x128xf32>
    %eq3A_1293 = vector.broadcast %broadcast_in_dim3A_1292 : vector<1x128xf32> to vector<128x128xf32>
    %eq3A_1294 = arith.cmpf oeq, %select_n3A_1289, %eq3A_1293 : vector<128x128xf32>
    %jit3A_1295 = arith.constant 1073741824 : i32
    %broadcast_in_dim3A_1296 = vector.broadcast %jit3A_1295 : i32 to vector<128x128xi32>
    %select_n3A_1297 = arith.select %eq3A_1294, %add3A_1185, %broadcast_in_dim3A_1296 : vector<128x128xi1>, vector<128x128xi32>
    %reduce_min3A_1298 = arith.constant dense<2147483647> : vector<128xi32>
    %reduce_min3A_1299 = vector.multi_reduction <minsi>, %select_n3A_1297, %reduce_min3A_1298 [0] : vector<128x128xi32> to vector<128xi32>
    %broadcast_in_dim3A_1300 = vector.shape_cast %reduce_min3A_1299 : vector<128xi32> to vector<1x128xi32>
    %eq3A_1301 = vector.broadcast %broadcast_in_dim3A_1300 : vector<1x128xi32> to vector<128x128xi32>
    %eq3A_1302 = arith.cmpi eq, %add3A_1185, %eq3A_1301 : vector<128x128xi32>
    %jit3A_1303 = arith.constant -1.000000e+09 : f32
    %broadcast_in_dim3A_1304 = vector.broadcast %jit3A_1303 : f32 to vector<128x128xf32>
    %select_n3A_1305 = arith.select %eq3A_1302, %broadcast_in_dim3A_1304, %select_n3A_1289 : vector<128x128xi1>, vector<128x128xf32>
    %reduce_max3A_1306 = arith.constant dense<0xFF800000> : vector<128xf32>
    %reduce_max3A_1307 = vector.multi_reduction <maximumf>, %select_n3A_1305, %reduce_max3A_1306 [0] : vector<128x128xf32> to vector<128xf32>
    %broadcast_in_dim3A_1308 = vector.shape_cast %reduce_max3A_1307 : vector<128xf32> to vector<1x128xf32>
    %eq3A_1309 = vector.broadcast %broadcast_in_dim3A_1308 : vector<1x128xf32> to vector<128x128xf32>
    %eq3A_1310 = arith.cmpf oeq, %select_n3A_1305, %eq3A_1309 : vector<128x128xf32>
    %jit3A_1311 = arith.constant 1073741824 : i32
    %broadcast_in_dim3A_1312 = vector.broadcast %jit3A_1311 : i32 to vector<128x128xi32>
    %select_n3A_1313 = arith.select %eq3A_1310, %add3A_1185, %broadcast_in_dim3A_1312 : vector<128x128xi1>, vector<128x128xi32>
    %reduce_min3A_1314 = arith.constant dense<2147483647> : vector<128xi32>
    %reduce_min3A_1315 = vector.multi_reduction <minsi>, %select_n3A_1313, %reduce_min3A_1314 [0] : vector<128x128xi32> to vector<128xi32>
    %broadcast_in_dim3A_1316 = vector.shape_cast %reduce_min3A_1315 : vector<128xi32> to vector<1x128xi32>
    %get3A_1317 = arith.constant 896 : index
    %get3A_1318 = arith.constant 0 : index
    %get3A_1319 = vector.load %arg6[%get3A_1317, %get3A_1318] : memref<2560x128xf32, #tpu.memory_space<vmem>>, vector<128x128xf32>
    %get3A_1320 = arith.constant 896 : index
    %get3A_1321 = arith.constant 0 : index
    %get3A_1322 = vector.load %arg7[%get3A_1320, %get3A_1321] : memref<2560x128xf32, #tpu.memory_space<vmem>>, vector<128x128xf32>
    %get3A_1323 = arith.constant 896 : index
    %get3A_1324 = arith.constant 0 : index
    %get3A_1325 = vector.load %arg8[%get3A_1323, %get3A_1324] : memref<2560x128xf32, #tpu.memory_space<vmem>>, vector<128x128xf32>
    %get3A_1326 = arith.constant 896 : index
    %get3A_1327 = arith.constant 0 : index
    %get3A_1328 = vector.load %arg9[%get3A_1326, %get3A_1327] : memref<2560x128xf32, #tpu.memory_space<vmem>>, vector<128x128xf32>
    %select_n3A_1329 = arith.select %eq3A_256, %get3A_1319, %get3A_1325 : vector<128x128xf32>
    %select_n3A_1330 = arith.select %eq3A_256, %get3A_1322, %get3A_1328 : vector<128x128xf32>
    %select_n3A_1331 = arith.select %lt3A_276, %select_n3A_1329, %select_n3A_1330 : vector<128x128xi1>, vector<128x128xf32>
    %add3A_1332 = arith.constant 896 : i32
    %add3A_1333 = vector.broadcast %add3A_1332 : i32 to vector<128x128xi32>
    %add3A_1334 = arith.addi %iota3A_272, %add3A_1333 : vector<128x128xi32>
    %ge3A_1335 = vector.broadcast %select_n3A_263 : vector<1x128xi32> to vector<128x128xi32>
    %ge3A_1336 = arith.cmpi sge, %add3A_1334, %ge3A_1335 : vector<128x128xi32>
    %lt3A_1337 = vector.broadcast %select_n3A_268 : vector<1x128xi32> to vector<128x128xi32>
    %lt3A_1338 = arith.cmpi slt, %add3A_1334, %lt3A_1337 : vector<128x128xi32>
    %and3A_1339 = arith.andi %ge3A_1336, %lt3A_1338 : vector<128x128xi1>
    %jit3A_1340 = arith.constant -1.000000e+09 : f32
    %broadcast_in_dim3A_1341 = vector.broadcast %jit3A_1340 : f32 to vector<128x128xf32>
    %select_n3A_1342 = arith.select %and3A_1339, %select_n3A_1331, %broadcast_in_dim3A_1341 : vector<128x128xi1>, vector<128x128xf32>
    %reduce_max3A_1343 = arith.constant dense<0xFF800000> : vector<128xf32>
    %reduce_max3A_1344 = vector.multi_reduction <maximumf>, %select_n3A_1342, %reduce_max3A_1343 [0] : vector<128x128xf32> to vector<128xf32>
    %broadcast_in_dim3A_1345 = vector.shape_cast %reduce_max3A_1344 : vector<128xf32> to vector<1x128xf32>
    %eq3A_1346 = vector.broadcast %broadcast_in_dim3A_1345 : vector<1x128xf32> to vector<128x128xf32>
    %eq3A_1347 = arith.cmpf oeq, %select_n3A_1342, %eq3A_1346 : vector<128x128xf32>
    %jit3A_1348 = arith.constant 1073741824 : i32
    %broadcast_in_dim3A_1349 = vector.broadcast %jit3A_1348 : i32 to vector<128x128xi32>
    %select_n3A_1350 = arith.select %eq3A_1347, %add3A_1334, %broadcast_in_dim3A_1349 : vector<128x128xi1>, vector<128x128xi32>
    %reduce_min3A_1351 = arith.constant dense<2147483647> : vector<128xi32>
    %reduce_min3A_1352 = vector.multi_reduction <minsi>, %select_n3A_1350, %reduce_min3A_1351 [0] : vector<128x128xi32> to vector<128xi32>
    %broadcast_in_dim3A_1353 = vector.shape_cast %reduce_min3A_1352 : vector<128xi32> to vector<1x128xi32>
    %eq3A_1354 = vector.broadcast %broadcast_in_dim3A_1353 : vector<1x128xi32> to vector<128x128xi32>
    %eq3A_1355 = arith.cmpi eq, %add3A_1334, %eq3A_1354 : vector<128x128xi32>
    %jit3A_1356 = arith.constant -1.000000e+09 : f32
    %broadcast_in_dim3A_1357 = vector.broadcast %jit3A_1356 : f32 to vector<128x128xf32>
    %select_n3A_1358 = arith.select %eq3A_1355, %broadcast_in_dim3A_1357, %select_n3A_1342 : vector<128x128xi1>, vector<128x128xf32>
    %reduce_max3A_1359 = arith.constant dense<0xFF800000> : vector<128xf32>
    %reduce_max3A_1360 = vector.multi_reduction <maximumf>, %select_n3A_1358, %reduce_max3A_1359 [0] : vector<128x128xf32> to vector<128xf32>
    %broadcast_in_dim3A_1361 = vector.shape_cast %reduce_max3A_1360 : vector<128xf32> to vector<1x128xf32>
    %eq3A_1362 = vector.broadcast %broadcast_in_dim3A_1361 : vector<1x128xf32> to vector<128x128xf32>
    %eq3A_1363 = arith.cmpf oeq, %select_n3A_1358, %eq3A_1362 : vector<128x128xf32>
    %jit3A_1364 = arith.constant 1073741824 : i32
    %broadcast_in_dim3A_1365 = vector.broadcast %jit3A_1364 : i32 to vector<128x128xi32>
    %select_n3A_1366 = arith.select %eq3A_1363, %add3A_1334, %broadcast_in_dim3A_1365 : vector<128x128xi1>, vector<128x128xi32>
    %reduce_min3A_1367 = arith.constant dense<2147483647> : vector<128xi32>
    %reduce_min3A_1368 = vector.multi_reduction <minsi>, %select_n3A_1366, %reduce_min3A_1367 [0] : vector<128x128xi32> to vector<128xi32>
    %broadcast_in_dim3A_1369 = vector.shape_cast %reduce_min3A_1368 : vector<128xi32> to vector<1x128xi32>
    %eq3A_1370 = vector.broadcast %broadcast_in_dim3A_1369 : vector<1x128xi32> to vector<128x128xi32>
    %eq3A_1371 = arith.cmpi eq, %add3A_1334, %eq3A_1370 : vector<128x128xi32>
    %jit3A_1372 = arith.constant -1.000000e+09 : f32
    %broadcast_in_dim3A_1373 = vector.broadcast %jit3A_1372 : f32 to vector<128x128xf32>
    %select_n3A_1374 = arith.select %eq3A_1371, %broadcast_in_dim3A_1373, %select_n3A_1358 : vector<128x128xi1>, vector<128x128xf32>
    %reduce_max3A_1375 = arith.constant dense<0xFF800000> : vector<128xf32>
    %reduce_max3A_1376 = vector.multi_reduction <maximumf>, %select_n3A_1374, %reduce_max3A_1375 [0] : vector<128x128xf32> to vector<128xf32>
    %broadcast_in_dim3A_1377 = vector.shape_cast %reduce_max3A_1376 : vector<128xf32> to vector<1x128xf32>
    %eq3A_1378 = vector.broadcast %broadcast_in_dim3A_1377 : vector<1x128xf32> to vector<128x128xf32>
    %eq3A_1379 = arith.cmpf oeq, %select_n3A_1374, %eq3A_1378 : vector<128x128xf32>
    %jit3A_1380 = arith.constant 1073741824 : i32
    %broadcast_in_dim3A_1381 = vector.broadcast %jit3A_1380 : i32 to vector<128x128xi32>
    %select_n3A_1382 = arith.select %eq3A_1379, %add3A_1334, %broadcast_in_dim3A_1381 : vector<128x128xi1>, vector<128x128xi32>
    %reduce_min3A_1383 = arith.constant dense<2147483647> : vector<128xi32>
    %reduce_min3A_1384 = vector.multi_reduction <minsi>, %select_n3A_1382, %reduce_min3A_1383 [0] : vector<128x128xi32> to vector<128xi32>
    %broadcast_in_dim3A_1385 = vector.shape_cast %reduce_min3A_1384 : vector<128xi32> to vector<1x128xi32>
    %eq3A_1386 = vector.broadcast %broadcast_in_dim3A_1385 : vector<1x128xi32> to vector<128x128xi32>
    %eq3A_1387 = arith.cmpi eq, %add3A_1334, %eq3A_1386 : vector<128x128xi32>
    %jit3A_1388 = arith.constant -1.000000e+09 : f32
    %broadcast_in_dim3A_1389 = vector.broadcast %jit3A_1388 : f32 to vector<128x128xf32>
    %select_n3A_1390 = arith.select %eq3A_1387, %broadcast_in_dim3A_1389, %select_n3A_1374 : vector<128x128xi1>, vector<128x128xf32>
    %reduce_max3A_1391 = arith.constant dense<0xFF800000> : vector<128xf32>
    %reduce_max3A_1392 = vector.multi_reduction <maximumf>, %select_n3A_1390, %reduce_max3A_1391 [0] : vector<128x128xf32> to vector<128xf32>
    %broadcast_in_dim3A_1393 = vector.shape_cast %reduce_max3A_1392 : vector<128xf32> to vector<1x128xf32>
    %eq3A_1394 = vector.broadcast %broadcast_in_dim3A_1393 : vector<1x128xf32> to vector<128x128xf32>
    %eq3A_1395 = arith.cmpf oeq, %select_n3A_1390, %eq3A_1394 : vector<128x128xf32>
    %jit3A_1396 = arith.constant 1073741824 : i32
    %broadcast_in_dim3A_1397 = vector.broadcast %jit3A_1396 : i32 to vector<128x128xi32>
    %select_n3A_1398 = arith.select %eq3A_1395, %add3A_1334, %broadcast_in_dim3A_1397 : vector<128x128xi1>, vector<128x128xi32>
    %reduce_min3A_1399 = arith.constant dense<2147483647> : vector<128xi32>
    %reduce_min3A_1400 = vector.multi_reduction <minsi>, %select_n3A_1398, %reduce_min3A_1399 [0] : vector<128x128xi32> to vector<128xi32>
    %broadcast_in_dim3A_1401 = vector.shape_cast %reduce_min3A_1400 : vector<128xi32> to vector<1x128xi32>
    %eq3A_1402 = vector.broadcast %broadcast_in_dim3A_1401 : vector<1x128xi32> to vector<128x128xi32>
    %eq3A_1403 = arith.cmpi eq, %add3A_1334, %eq3A_1402 : vector<128x128xi32>
    %jit3A_1404 = arith.constant -1.000000e+09 : f32
    %broadcast_in_dim3A_1405 = vector.broadcast %jit3A_1404 : f32 to vector<128x128xf32>
    %select_n3A_1406 = arith.select %eq3A_1403, %broadcast_in_dim3A_1405, %select_n3A_1390 : vector<128x128xi1>, vector<128x128xf32>
    %reduce_max3A_1407 = arith.constant dense<0xFF800000> : vector<128xf32>
    %reduce_max3A_1408 = vector.multi_reduction <maximumf>, %select_n3A_1406, %reduce_max3A_1407 [0] : vector<128x128xf32> to vector<128xf32>
    %broadcast_in_dim3A_1409 = vector.shape_cast %reduce_max3A_1408 : vector<128xf32> to vector<1x128xf32>
    %eq3A_1410 = vector.broadcast %broadcast_in_dim3A_1409 : vector<1x128xf32> to vector<128x128xf32>
    %eq3A_1411 = arith.cmpf oeq, %select_n3A_1406, %eq3A_1410 : vector<128x128xf32>
    %jit3A_1412 = arith.constant 1073741824 : i32
    %broadcast_in_dim3A_1413 = vector.broadcast %jit3A_1412 : i32 to vector<128x128xi32>
    %select_n3A_1414 = arith.select %eq3A_1411, %add3A_1334, %broadcast_in_dim3A_1413 : vector<128x128xi1>, vector<128x128xi32>
    %reduce_min3A_1415 = arith.constant dense<2147483647> : vector<128xi32>
    %reduce_min3A_1416 = vector.multi_reduction <minsi>, %select_n3A_1414, %reduce_min3A_1415 [0] : vector<128x128xi32> to vector<128xi32>
    %broadcast_in_dim3A_1417 = vector.shape_cast %reduce_min3A_1416 : vector<128xi32> to vector<1x128xi32>
    %eq3A_1418 = vector.broadcast %broadcast_in_dim3A_1417 : vector<1x128xi32> to vector<128x128xi32>
    %eq3A_1419 = arith.cmpi eq, %add3A_1334, %eq3A_1418 : vector<128x128xi32>
    %jit3A_1420 = arith.constant -1.000000e+09 : f32
    %broadcast_in_dim3A_1421 = vector.broadcast %jit3A_1420 : f32 to vector<128x128xf32>
    %select_n3A_1422 = arith.select %eq3A_1419, %broadcast_in_dim3A_1421, %select_n3A_1406 : vector<128x128xi1>, vector<128x128xf32>
    %reduce_max3A_1423 = arith.constant dense<0xFF800000> : vector<128xf32>
    %reduce_max3A_1424 = vector.multi_reduction <maximumf>, %select_n3A_1422, %reduce_max3A_1423 [0] : vector<128x128xf32> to vector<128xf32>
    %broadcast_in_dim3A_1425 = vector.shape_cast %reduce_max3A_1424 : vector<128xf32> to vector<1x128xf32>
    %eq3A_1426 = vector.broadcast %broadcast_in_dim3A_1425 : vector<1x128xf32> to vector<128x128xf32>
    %eq3A_1427 = arith.cmpf oeq, %select_n3A_1422, %eq3A_1426 : vector<128x128xf32>
    %jit3A_1428 = arith.constant 1073741824 : i32
    %broadcast_in_dim3A_1429 = vector.broadcast %jit3A_1428 : i32 to vector<128x128xi32>
    %select_n3A_1430 = arith.select %eq3A_1427, %add3A_1334, %broadcast_in_dim3A_1429 : vector<128x128xi1>, vector<128x128xi32>
    %reduce_min3A_1431 = arith.constant dense<2147483647> : vector<128xi32>
    %reduce_min3A_1432 = vector.multi_reduction <minsi>, %select_n3A_1430, %reduce_min3A_1431 [0] : vector<128x128xi32> to vector<128xi32>
    %broadcast_in_dim3A_1433 = vector.shape_cast %reduce_min3A_1432 : vector<128xi32> to vector<1x128xi32>
    %eq3A_1434 = vector.broadcast %broadcast_in_dim3A_1433 : vector<1x128xi32> to vector<128x128xi32>
    %eq3A_1435 = arith.cmpi eq, %add3A_1334, %eq3A_1434 : vector<128x128xi32>
    %jit3A_1436 = arith.constant -1.000000e+09 : f32
    %broadcast_in_dim3A_1437 = vector.broadcast %jit3A_1436 : f32 to vector<128x128xf32>
    %select_n3A_1438 = arith.select %eq3A_1435, %broadcast_in_dim3A_1437, %select_n3A_1422 : vector<128x128xi1>, vector<128x128xf32>
    %reduce_max3A_1439 = arith.constant dense<0xFF800000> : vector<128xf32>
    %reduce_max3A_1440 = vector.multi_reduction <maximumf>, %select_n3A_1438, %reduce_max3A_1439 [0] : vector<128x128xf32> to vector<128xf32>
    %broadcast_in_dim3A_1441 = vector.shape_cast %reduce_max3A_1440 : vector<128xf32> to vector<1x128xf32>
    %eq3A_1442 = vector.broadcast %broadcast_in_dim3A_1441 : vector<1x128xf32> to vector<128x128xf32>
    %eq3A_1443 = arith.cmpf oeq, %select_n3A_1438, %eq3A_1442 : vector<128x128xf32>
    %jit3A_1444 = arith.constant 1073741824 : i32
    %broadcast_in_dim3A_1445 = vector.broadcast %jit3A_1444 : i32 to vector<128x128xi32>
    %select_n3A_1446 = arith.select %eq3A_1443, %add3A_1334, %broadcast_in_dim3A_1445 : vector<128x128xi1>, vector<128x128xi32>
    %reduce_min3A_1447 = arith.constant dense<2147483647> : vector<128xi32>
    %reduce_min3A_1448 = vector.multi_reduction <minsi>, %select_n3A_1446, %reduce_min3A_1447 [0] : vector<128x128xi32> to vector<128xi32>
    %broadcast_in_dim3A_1449 = vector.shape_cast %reduce_min3A_1448 : vector<128xi32> to vector<1x128xi32>
    %eq3A_1450 = vector.broadcast %broadcast_in_dim3A_1449 : vector<1x128xi32> to vector<128x128xi32>
    %eq3A_1451 = arith.cmpi eq, %add3A_1334, %eq3A_1450 : vector<128x128xi32>
    %jit3A_1452 = arith.constant -1.000000e+09 : f32
    %broadcast_in_dim3A_1453 = vector.broadcast %jit3A_1452 : f32 to vector<128x128xf32>
    %select_n3A_1454 = arith.select %eq3A_1451, %broadcast_in_dim3A_1453, %select_n3A_1438 : vector<128x128xi1>, vector<128x128xf32>
    %reduce_max3A_1455 = arith.constant dense<0xFF800000> : vector<128xf32>
    %reduce_max3A_1456 = vector.multi_reduction <maximumf>, %select_n3A_1454, %reduce_max3A_1455 [0] : vector<128x128xf32> to vector<128xf32>
    %broadcast_in_dim3A_1457 = vector.shape_cast %reduce_max3A_1456 : vector<128xf32> to vector<1x128xf32>
    %eq3A_1458 = vector.broadcast %broadcast_in_dim3A_1457 : vector<1x128xf32> to vector<128x128xf32>
    %eq3A_1459 = arith.cmpf oeq, %select_n3A_1454, %eq3A_1458 : vector<128x128xf32>
    %jit3A_1460 = arith.constant 1073741824 : i32
    %broadcast_in_dim3A_1461 = vector.broadcast %jit3A_1460 : i32 to vector<128x128xi32>
    %select_n3A_1462 = arith.select %eq3A_1459, %add3A_1334, %broadcast_in_dim3A_1461 : vector<128x128xi1>, vector<128x128xi32>
    %reduce_min3A_1463 = arith.constant dense<2147483647> : vector<128xi32>
    %reduce_min3A_1464 = vector.multi_reduction <minsi>, %select_n3A_1462, %reduce_min3A_1463 [0] : vector<128x128xi32> to vector<128xi32>
    %broadcast_in_dim3A_1465 = vector.shape_cast %reduce_min3A_1464 : vector<128xi32> to vector<1x128xi32>
    %get3A_1466 = arith.constant 1024 : index
    %get3A_1467 = arith.constant 0 : index
    %get3A_1468 = vector.load %arg6[%get3A_1466, %get3A_1467] : memref<2560x128xf32, #tpu.memory_space<vmem>>, vector<128x128xf32>
    %get3A_1469 = arith.constant 1024 : index
    %get3A_1470 = arith.constant 0 : index
    %get3A_1471 = vector.load %arg7[%get3A_1469, %get3A_1470] : memref<2560x128xf32, #tpu.memory_space<vmem>>, vector<128x128xf32>
    %get3A_1472 = arith.constant 1024 : index
    %get3A_1473 = arith.constant 0 : index
    %get3A_1474 = vector.load %arg8[%get3A_1472, %get3A_1473] : memref<2560x128xf32, #tpu.memory_space<vmem>>, vector<128x128xf32>
    %get3A_1475 = arith.constant 1024 : index
    %get3A_1476 = arith.constant 0 : index
    %get3A_1477 = vector.load %arg9[%get3A_1475, %get3A_1476] : memref<2560x128xf32, #tpu.memory_space<vmem>>, vector<128x128xf32>
    %select_n3A_1478 = arith.select %eq3A_256, %get3A_1468, %get3A_1474 : vector<128x128xf32>
    %select_n3A_1479 = arith.select %eq3A_256, %get3A_1471, %get3A_1477 : vector<128x128xf32>
    %select_n3A_1480 = arith.select %lt3A_276, %select_n3A_1478, %select_n3A_1479 : vector<128x128xi1>, vector<128x128xf32>
    %add3A_1481 = arith.constant 1024 : i32
    %add3A_1482 = vector.broadcast %add3A_1481 : i32 to vector<128x128xi32>
    %add3A_1483 = arith.addi %iota3A_272, %add3A_1482 : vector<128x128xi32>
    %ge3A_1484 = vector.broadcast %select_n3A_263 : vector<1x128xi32> to vector<128x128xi32>
    %ge3A_1485 = arith.cmpi sge, %add3A_1483, %ge3A_1484 : vector<128x128xi32>
    %lt3A_1486 = vector.broadcast %select_n3A_268 : vector<1x128xi32> to vector<128x128xi32>
    %lt3A_1487 = arith.cmpi slt, %add3A_1483, %lt3A_1486 : vector<128x128xi32>
    %and3A_1488 = arith.andi %ge3A_1485, %lt3A_1487 : vector<128x128xi1>
    %jit3A_1489 = arith.constant -1.000000e+09 : f32
    %broadcast_in_dim3A_1490 = vector.broadcast %jit3A_1489 : f32 to vector<128x128xf32>
    %select_n3A_1491 = arith.select %and3A_1488, %select_n3A_1480, %broadcast_in_dim3A_1490 : vector<128x128xi1>, vector<128x128xf32>
    %reduce_max3A_1492 = arith.constant dense<0xFF800000> : vector<128xf32>
    %reduce_max3A_1493 = vector.multi_reduction <maximumf>, %select_n3A_1491, %reduce_max3A_1492 [0] : vector<128x128xf32> to vector<128xf32>
    %broadcast_in_dim3A_1494 = vector.shape_cast %reduce_max3A_1493 : vector<128xf32> to vector<1x128xf32>
    %eq3A_1495 = vector.broadcast %broadcast_in_dim3A_1494 : vector<1x128xf32> to vector<128x128xf32>
    %eq3A_1496 = arith.cmpf oeq, %select_n3A_1491, %eq3A_1495 : vector<128x128xf32>
    %jit3A_1497 = arith.constant 1073741824 : i32
    %broadcast_in_dim3A_1498 = vector.broadcast %jit3A_1497 : i32 to vector<128x128xi32>
    %select_n3A_1499 = arith.select %eq3A_1496, %add3A_1483, %broadcast_in_dim3A_1498 : vector<128x128xi1>, vector<128x128xi32>
    %reduce_min3A_1500 = arith.constant dense<2147483647> : vector<128xi32>
    %reduce_min3A_1501 = vector.multi_reduction <minsi>, %select_n3A_1499, %reduce_min3A_1500 [0] : vector<128x128xi32> to vector<128xi32>
    %broadcast_in_dim3A_1502 = vector.shape_cast %reduce_min3A_1501 : vector<128xi32> to vector<1x128xi32>
    %eq3A_1503 = vector.broadcast %broadcast_in_dim3A_1502 : vector<1x128xi32> to vector<128x128xi32>
    %eq3A_1504 = arith.cmpi eq, %add3A_1483, %eq3A_1503 : vector<128x128xi32>
    %jit3A_1505 = arith.constant -1.000000e+09 : f32
    %broadcast_in_dim3A_1506 = vector.broadcast %jit3A_1505 : f32 to vector<128x128xf32>
    %select_n3A_1507 = arith.select %eq3A_1504, %broadcast_in_dim3A_1506, %select_n3A_1491 : vector<128x128xi1>, vector<128x128xf32>
    %reduce_max3A_1508 = arith.constant dense<0xFF800000> : vector<128xf32>
    %reduce_max3A_1509 = vector.multi_reduction <maximumf>, %select_n3A_1507, %reduce_max3A_1508 [0] : vector<128x128xf32> to vector<128xf32>
    %broadcast_in_dim3A_1510 = vector.shape_cast %reduce_max3A_1509 : vector<128xf32> to vector<1x128xf32>
    %eq3A_1511 = vector.broadcast %broadcast_in_dim3A_1510 : vector<1x128xf32> to vector<128x128xf32>
    %eq3A_1512 = arith.cmpf oeq, %select_n3A_1507, %eq3A_1511 : vector<128x128xf32>
    %jit3A_1513 = arith.constant 1073741824 : i32
    %broadcast_in_dim3A_1514 = vector.broadcast %jit3A_1513 : i32 to vector<128x128xi32>
    %select_n3A_1515 = arith.select %eq3A_1512, %add3A_1483, %broadcast_in_dim3A_1514 : vector<128x128xi1>, vector<128x128xi32>
    %reduce_min3A_1516 = arith.constant dense<2147483647> : vector<128xi32>
    %reduce_min3A_1517 = vector.multi_reduction <minsi>, %select_n3A_1515, %reduce_min3A_1516 [0] : vector<128x128xi32> to vector<128xi32>
    %broadcast_in_dim3A_1518 = vector.shape_cast %reduce_min3A_1517 : vector<128xi32> to vector<1x128xi32>
    %eq3A_1519 = vector.broadcast %broadcast_in_dim3A_1518 : vector<1x128xi32> to vector<128x128xi32>
    %eq3A_1520 = arith.cmpi eq, %add3A_1483, %eq3A_1519 : vector<128x128xi32>
    %jit3A_1521 = arith.constant -1.000000e+09 : f32
    %broadcast_in_dim3A_1522 = vector.broadcast %jit3A_1521 : f32 to vector<128x128xf32>
    %select_n3A_1523 = arith.select %eq3A_1520, %broadcast_in_dim3A_1522, %select_n3A_1507 : vector<128x128xi1>, vector<128x128xf32>
    %reduce_max3A_1524 = arith.constant dense<0xFF800000> : vector<128xf32>
    %reduce_max3A_1525 = vector.multi_reduction <maximumf>, %select_n3A_1523, %reduce_max3A_1524 [0] : vector<128x128xf32> to vector<128xf32>
    %broadcast_in_dim3A_1526 = vector.shape_cast %reduce_max3A_1525 : vector<128xf32> to vector<1x128xf32>
    %eq3A_1527 = vector.broadcast %broadcast_in_dim3A_1526 : vector<1x128xf32> to vector<128x128xf32>
    %eq3A_1528 = arith.cmpf oeq, %select_n3A_1523, %eq3A_1527 : vector<128x128xf32>
    %jit3A_1529 = arith.constant 1073741824 : i32
    %broadcast_in_dim3A_1530 = vector.broadcast %jit3A_1529 : i32 to vector<128x128xi32>
    %select_n3A_1531 = arith.select %eq3A_1528, %add3A_1483, %broadcast_in_dim3A_1530 : vector<128x128xi1>, vector<128x128xi32>
    %reduce_min3A_1532 = arith.constant dense<2147483647> : vector<128xi32>
    %reduce_min3A_1533 = vector.multi_reduction <minsi>, %select_n3A_1531, %reduce_min3A_1532 [0] : vector<128x128xi32> to vector<128xi32>
    %broadcast_in_dim3A_1534 = vector.shape_cast %reduce_min3A_1533 : vector<128xi32> to vector<1x128xi32>
    %eq3A_1535 = vector.broadcast %broadcast_in_dim3A_1534 : vector<1x128xi32> to vector<128x128xi32>
    %eq3A_1536 = arith.cmpi eq, %add3A_1483, %eq3A_1535 : vector<128x128xi32>
    %jit3A_1537 = arith.constant -1.000000e+09 : f32
    %broadcast_in_dim3A_1538 = vector.broadcast %jit3A_1537 : f32 to vector<128x128xf32>
    %select_n3A_1539 = arith.select %eq3A_1536, %broadcast_in_dim3A_1538, %select_n3A_1523 : vector<128x128xi1>, vector<128x128xf32>
    %reduce_max3A_1540 = arith.constant dense<0xFF800000> : vector<128xf32>
    %reduce_max3A_1541 = vector.multi_reduction <maximumf>, %select_n3A_1539, %reduce_max3A_1540 [0] : vector<128x128xf32> to vector<128xf32>
    %broadcast_in_dim3A_1542 = vector.shape_cast %reduce_max3A_1541 : vector<128xf32> to vector<1x128xf32>
    %eq3A_1543 = vector.broadcast %broadcast_in_dim3A_1542 : vector<1x128xf32> to vector<128x128xf32>
    %eq3A_1544 = arith.cmpf oeq, %select_n3A_1539, %eq3A_1543 : vector<128x128xf32>
    %jit3A_1545 = arith.constant 1073741824 : i32
    %broadcast_in_dim3A_1546 = vector.broadcast %jit3A_1545 : i32 to vector<128x128xi32>
    %select_n3A_1547 = arith.select %eq3A_1544, %add3A_1483, %broadcast_in_dim3A_1546 : vector<128x128xi1>, vector<128x128xi32>
    %reduce_min3A_1548 = arith.constant dense<2147483647> : vector<128xi32>
    %reduce_min3A_1549 = vector.multi_reduction <minsi>, %select_n3A_1547, %reduce_min3A_1548 [0] : vector<128x128xi32> to vector<128xi32>
    %broadcast_in_dim3A_1550 = vector.shape_cast %reduce_min3A_1549 : vector<128xi32> to vector<1x128xi32>
    %eq3A_1551 = vector.broadcast %broadcast_in_dim3A_1550 : vector<1x128xi32> to vector<128x128xi32>
    %eq3A_1552 = arith.cmpi eq, %add3A_1483, %eq3A_1551 : vector<128x128xi32>
    %jit3A_1553 = arith.constant -1.000000e+09 : f32
    %broadcast_in_dim3A_1554 = vector.broadcast %jit3A_1553 : f32 to vector<128x128xf32>
    %select_n3A_1555 = arith.select %eq3A_1552, %broadcast_in_dim3A_1554, %select_n3A_1539 : vector<128x128xi1>, vector<128x128xf32>
    %reduce_max3A_1556 = arith.constant dense<0xFF800000> : vector<128xf32>
    %reduce_max3A_1557 = vector.multi_reduction <maximumf>, %select_n3A_1555, %reduce_max3A_1556 [0] : vector<128x128xf32> to vector<128xf32>
    %broadcast_in_dim3A_1558 = vector.shape_cast %reduce_max3A_1557 : vector<128xf32> to vector<1x128xf32>
    %eq3A_1559 = vector.broadcast %broadcast_in_dim3A_1558 : vector<1x128xf32> to vector<128x128xf32>
    %eq3A_1560 = arith.cmpf oeq, %select_n3A_1555, %eq3A_1559 : vector<128x128xf32>
    %jit3A_1561 = arith.constant 1073741824 : i32
    %broadcast_in_dim3A_1562 = vector.broadcast %jit3A_1561 : i32 to vector<128x128xi32>
    %select_n3A_1563 = arith.select %eq3A_1560, %add3A_1483, %broadcast_in_dim3A_1562 : vector<128x128xi1>, vector<128x128xi32>
    %reduce_min3A_1564 = arith.constant dense<2147483647> : vector<128xi32>
    %reduce_min3A_1565 = vector.multi_reduction <minsi>, %select_n3A_1563, %reduce_min3A_1564 [0] : vector<128x128xi32> to vector<128xi32>
    %broadcast_in_dim3A_1566 = vector.shape_cast %reduce_min3A_1565 : vector<128xi32> to vector<1x128xi32>
    %eq3A_1567 = vector.broadcast %broadcast_in_dim3A_1566 : vector<1x128xi32> to vector<128x128xi32>
    %eq3A_1568 = arith.cmpi eq, %add3A_1483, %eq3A_1567 : vector<128x128xi32>
    %jit3A_1569 = arith.constant -1.000000e+09 : f32
    %broadcast_in_dim3A_1570 = vector.broadcast %jit3A_1569 : f32 to vector<128x128xf32>
    %select_n3A_1571 = arith.select %eq3A_1568, %broadcast_in_dim3A_1570, %select_n3A_1555 : vector<128x128xi1>, vector<128x128xf32>
    %reduce_max3A_1572 = arith.constant dense<0xFF800000> : vector<128xf32>
    %reduce_max3A_1573 = vector.multi_reduction <maximumf>, %select_n3A_1571, %reduce_max3A_1572 [0] : vector<128x128xf32> to vector<128xf32>
    %broadcast_in_dim3A_1574 = vector.shape_cast %reduce_max3A_1573 : vector<128xf32> to vector<1x128xf32>
    %eq3A_1575 = vector.broadcast %broadcast_in_dim3A_1574 : vector<1x128xf32> to vector<128x128xf32>
    %eq3A_1576 = arith.cmpf oeq, %select_n3A_1571, %eq3A_1575 : vector<128x128xf32>
    %jit3A_1577 = arith.constant 1073741824 : i32
    %broadcast_in_dim3A_1578 = vector.broadcast %jit3A_1577 : i32 to vector<128x128xi32>
    %select_n3A_1579 = arith.select %eq3A_1576, %add3A_1483, %broadcast_in_dim3A_1578 : vector<128x128xi1>, vector<128x128xi32>
    %reduce_min3A_1580 = arith.constant dense<2147483647> : vector<128xi32>
    %reduce_min3A_1581 = vector.multi_reduction <minsi>, %select_n3A_1579, %reduce_min3A_1580 [0] : vector<128x128xi32> to vector<128xi32>
    %broadcast_in_dim3A_1582 = vector.shape_cast %reduce_min3A_1581 : vector<128xi32> to vector<1x128xi32>
    %eq3A_1583 = vector.broadcast %broadcast_in_dim3A_1582 : vector<1x128xi32> to vector<128x128xi32>
    %eq3A_1584 = arith.cmpi eq, %add3A_1483, %eq3A_1583 : vector<128x128xi32>
    %jit3A_1585 = arith.constant -1.000000e+09 : f32
    %broadcast_in_dim3A_1586 = vector.broadcast %jit3A_1585 : f32 to vector<128x128xf32>
    %select_n3A_1587 = arith.select %eq3A_1584, %broadcast_in_dim3A_1586, %select_n3A_1571 : vector<128x128xi1>, vector<128x128xf32>
    %reduce_max3A_1588 = arith.constant dense<0xFF800000> : vector<128xf32>
    %reduce_max3A_1589 = vector.multi_reduction <maximumf>, %select_n3A_1587, %reduce_max3A_1588 [0] : vector<128x128xf32> to vector<128xf32>
    %broadcast_in_dim3A_1590 = vector.shape_cast %reduce_max3A_1589 : vector<128xf32> to vector<1x128xf32>
    %eq3A_1591 = vector.broadcast %broadcast_in_dim3A_1590 : vector<1x128xf32> to vector<128x128xf32>
    %eq3A_1592 = arith.cmpf oeq, %select_n3A_1587, %eq3A_1591 : vector<128x128xf32>
    %jit3A_1593 = arith.constant 1073741824 : i32
    %broadcast_in_dim3A_1594 = vector.broadcast %jit3A_1593 : i32 to vector<128x128xi32>
    %select_n3A_1595 = arith.select %eq3A_1592, %add3A_1483, %broadcast_in_dim3A_1594 : vector<128x128xi1>, vector<128x128xi32>
    %reduce_min3A_1596 = arith.constant dense<2147483647> : vector<128xi32>
    %reduce_min3A_1597 = vector.multi_reduction <minsi>, %select_n3A_1595, %reduce_min3A_1596 [0] : vector<128x128xi32> to vector<128xi32>
    %broadcast_in_dim3A_1598 = vector.shape_cast %reduce_min3A_1597 : vector<128xi32> to vector<1x128xi32>
    %eq3A_1599 = vector.broadcast %broadcast_in_dim3A_1598 : vector<1x128xi32> to vector<128x128xi32>
    %eq3A_1600 = arith.cmpi eq, %add3A_1483, %eq3A_1599 : vector<128x128xi32>
    %jit3A_1601 = arith.constant -1.000000e+09 : f32
    %broadcast_in_dim3A_1602 = vector.broadcast %jit3A_1601 : f32 to vector<128x128xf32>
    %select_n3A_1603 = arith.select %eq3A_1600, %broadcast_in_dim3A_1602, %select_n3A_1587 : vector<128x128xi1>, vector<128x128xf32>
    %reduce_max3A_1604 = arith.constant dense<0xFF800000> : vector<128xf32>
    %reduce_max3A_1605 = vector.multi_reduction <maximumf>, %select_n3A_1603, %reduce_max3A_1604 [0] : vector<128x128xf32> to vector<128xf32>
    %broadcast_in_dim3A_1606 = vector.shape_cast %reduce_max3A_1605 : vector<128xf32> to vector<1x128xf32>
    %eq3A_1607 = vector.broadcast %broadcast_in_dim3A_1606 : vector<1x128xf32> to vector<128x128xf32>
    %eq3A_1608 = arith.cmpf oeq, %select_n3A_1603, %eq3A_1607 : vector<128x128xf32>
    %jit3A_1609 = arith.constant 1073741824 : i32
    %broadcast_in_dim3A_1610 = vector.broadcast %jit3A_1609 : i32 to vector<128x128xi32>
    %select_n3A_1611 = arith.select %eq3A_1608, %add3A_1483, %broadcast_in_dim3A_1610 : vector<128x128xi1>, vector<128x128xi32>
    %reduce_min3A_1612 = arith.constant dense<2147483647> : vector<128xi32>
    %reduce_min3A_1613 = vector.multi_reduction <minsi>, %select_n3A_1611, %reduce_min3A_1612 [0] : vector<128x128xi32> to vector<128xi32>
    %broadcast_in_dim3A_1614 = vector.shape_cast %reduce_min3A_1613 : vector<128xi32> to vector<1x128xi32>
    %get3A_1615 = arith.constant 1152 : index
    %get3A_1616 = arith.constant 0 : index
    %get3A_1617 = vector.load %arg6[%get3A_1615, %get3A_1616] : memref<2560x128xf32, #tpu.memory_space<vmem>>, vector<128x128xf32>
    %get3A_1618 = arith.constant 1152 : index
    %get3A_1619 = arith.constant 0 : index
    %get3A_1620 = vector.load %arg7[%get3A_1618, %get3A_1619] : memref<2560x128xf32, #tpu.memory_space<vmem>>, vector<128x128xf32>
    %get3A_1621 = arith.constant 1152 : index
    %get3A_1622 = arith.constant 0 : index
    %get3A_1623 = vector.load %arg8[%get3A_1621, %get3A_1622] : memref<2560x128xf32, #tpu.memory_space<vmem>>, vector<128x128xf32>
    %get3A_1624 = arith.constant 1152 : index
    %get3A_1625 = arith.constant 0 : index
    %get3A_1626 = vector.load %arg9[%get3A_1624, %get3A_1625] : memref<2560x128xf32, #tpu.memory_space<vmem>>, vector<128x128xf32>
    %select_n3A_1627 = arith.select %eq3A_256, %get3A_1617, %get3A_1623 : vector<128x128xf32>
    %select_n3A_1628 = arith.select %eq3A_256, %get3A_1620, %get3A_1626 : vector<128x128xf32>
    %select_n3A_1629 = arith.select %lt3A_276, %select_n3A_1627, %select_n3A_1628 : vector<128x128xi1>, vector<128x128xf32>
    %add3A_1630 = arith.constant 1152 : i32
    %add3A_1631 = vector.broadcast %add3A_1630 : i32 to vector<128x128xi32>
    %add3A_1632 = arith.addi %iota3A_272, %add3A_1631 : vector<128x128xi32>
    %ge3A_1633 = vector.broadcast %select_n3A_263 : vector<1x128xi32> to vector<128x128xi32>
    %ge3A_1634 = arith.cmpi sge, %add3A_1632, %ge3A_1633 : vector<128x128xi32>
    %lt3A_1635 = vector.broadcast %select_n3A_268 : vector<1x128xi32> to vector<128x128xi32>
    %lt3A_1636 = arith.cmpi slt, %add3A_1632, %lt3A_1635 : vector<128x128xi32>
    %and3A_1637 = arith.andi %ge3A_1634, %lt3A_1636 : vector<128x128xi1>
    %jit3A_1638 = arith.constant -1.000000e+09 : f32
    %broadcast_in_dim3A_1639 = vector.broadcast %jit3A_1638 : f32 to vector<128x128xf32>
    %select_n3A_1640 = arith.select %and3A_1637, %select_n3A_1629, %broadcast_in_dim3A_1639 : vector<128x128xi1>, vector<128x128xf32>
    %reduce_max3A_1641 = arith.constant dense<0xFF800000> : vector<128xf32>
    %reduce_max3A_1642 = vector.multi_reduction <maximumf>, %select_n3A_1640, %reduce_max3A_1641 [0] : vector<128x128xf32> to vector<128xf32>
    %broadcast_in_dim3A_1643 = vector.shape_cast %reduce_max3A_1642 : vector<128xf32> to vector<1x128xf32>
    %eq3A_1644 = vector.broadcast %broadcast_in_dim3A_1643 : vector<1x128xf32> to vector<128x128xf32>
    %eq3A_1645 = arith.cmpf oeq, %select_n3A_1640, %eq3A_1644 : vector<128x128xf32>
    %jit3A_1646 = arith.constant 1073741824 : i32
    %broadcast_in_dim3A_1647 = vector.broadcast %jit3A_1646 : i32 to vector<128x128xi32>
    %select_n3A_1648 = arith.select %eq3A_1645, %add3A_1632, %broadcast_in_dim3A_1647 : vector<128x128xi1>, vector<128x128xi32>
    %reduce_min3A_1649 = arith.constant dense<2147483647> : vector<128xi32>
    %reduce_min3A_1650 = vector.multi_reduction <minsi>, %select_n3A_1648, %reduce_min3A_1649 [0] : vector<128x128xi32> to vector<128xi32>
    %broadcast_in_dim3A_1651 = vector.shape_cast %reduce_min3A_1650 : vector<128xi32> to vector<1x128xi32>
    %eq3A_1652 = vector.broadcast %broadcast_in_dim3A_1651 : vector<1x128xi32> to vector<128x128xi32>
    %eq3A_1653 = arith.cmpi eq, %add3A_1632, %eq3A_1652 : vector<128x128xi32>
    %jit3A_1654 = arith.constant -1.000000e+09 : f32
    %broadcast_in_dim3A_1655 = vector.broadcast %jit3A_1654 : f32 to vector<128x128xf32>
    %select_n3A_1656 = arith.select %eq3A_1653, %broadcast_in_dim3A_1655, %select_n3A_1640 : vector<128x128xi1>, vector<128x128xf32>
    %reduce_max3A_1657 = arith.constant dense<0xFF800000> : vector<128xf32>
    %reduce_max3A_1658 = vector.multi_reduction <maximumf>, %select_n3A_1656, %reduce_max3A_1657 [0] : vector<128x128xf32> to vector<128xf32>
    %broadcast_in_dim3A_1659 = vector.shape_cast %reduce_max3A_1658 : vector<128xf32> to vector<1x128xf32>
    %eq3A_1660 = vector.broadcast %broadcast_in_dim3A_1659 : vector<1x128xf32> to vector<128x128xf32>
    %eq3A_1661 = arith.cmpf oeq, %select_n3A_1656, %eq3A_1660 : vector<128x128xf32>
    %jit3A_1662 = arith.constant 1073741824 : i32
    %broadcast_in_dim3A_1663 = vector.broadcast %jit3A_1662 : i32 to vector<128x128xi32>
    %select_n3A_1664 = arith.select %eq3A_1661, %add3A_1632, %broadcast_in_dim3A_1663 : vector<128x128xi1>, vector<128x128xi32>
    %reduce_min3A_1665 = arith.constant dense<2147483647> : vector<128xi32>
    %reduce_min3A_1666 = vector.multi_reduction <minsi>, %select_n3A_1664, %reduce_min3A_1665 [0] : vector<128x128xi32> to vector<128xi32>
    %broadcast_in_dim3A_1667 = vector.shape_cast %reduce_min3A_1666 : vector<128xi32> to vector<1x128xi32>
    %eq3A_1668 = vector.broadcast %broadcast_in_dim3A_1667 : vector<1x128xi32> to vector<128x128xi32>
    %eq3A_1669 = arith.cmpi eq, %add3A_1632, %eq3A_1668 : vector<128x128xi32>
    %jit3A_1670 = arith.constant -1.000000e+09 : f32
    %broadcast_in_dim3A_1671 = vector.broadcast %jit3A_1670 : f32 to vector<128x128xf32>
    %select_n3A_1672 = arith.select %eq3A_1669, %broadcast_in_dim3A_1671, %select_n3A_1656 : vector<128x128xi1>, vector<128x128xf32>
    %reduce_max3A_1673 = arith.constant dense<0xFF800000> : vector<128xf32>
    %reduce_max3A_1674 = vector.multi_reduction <maximumf>, %select_n3A_1672, %reduce_max3A_1673 [0] : vector<128x128xf32> to vector<128xf32>
    %broadcast_in_dim3A_1675 = vector.shape_cast %reduce_max3A_1674 : vector<128xf32> to vector<1x128xf32>
    %eq3A_1676 = vector.broadcast %broadcast_in_dim3A_1675 : vector<1x128xf32> to vector<128x128xf32>
    %eq3A_1677 = arith.cmpf oeq, %select_n3A_1672, %eq3A_1676 : vector<128x128xf32>
    %jit3A_1678 = arith.constant 1073741824 : i32
    %broadcast_in_dim3A_1679 = vector.broadcast %jit3A_1678 : i32 to vector<128x128xi32>
    %select_n3A_1680 = arith.select %eq3A_1677, %add3A_1632, %broadcast_in_dim3A_1679 : vector<128x128xi1>, vector<128x128xi32>
    %reduce_min3A_1681 = arith.constant dense<2147483647> : vector<128xi32>
    %reduce_min3A_1682 = vector.multi_reduction <minsi>, %select_n3A_1680, %reduce_min3A_1681 [0] : vector<128x128xi32> to vector<128xi32>
    %broadcast_in_dim3A_1683 = vector.shape_cast %reduce_min3A_1682 : vector<128xi32> to vector<1x128xi32>
    %eq3A_1684 = vector.broadcast %broadcast_in_dim3A_1683 : vector<1x128xi32> to vector<128x128xi32>
    %eq3A_1685 = arith.cmpi eq, %add3A_1632, %eq3A_1684 : vector<128x128xi32>
    %jit3A_1686 = arith.constant -1.000000e+09 : f32
    %broadcast_in_dim3A_1687 = vector.broadcast %jit3A_1686 : f32 to vector<128x128xf32>
    %select_n3A_1688 = arith.select %eq3A_1685, %broadcast_in_dim3A_1687, %select_n3A_1672 : vector<128x128xi1>, vector<128x128xf32>
    %reduce_max3A_1689 = arith.constant dense<0xFF800000> : vector<128xf32>
    %reduce_max3A_1690 = vector.multi_reduction <maximumf>, %select_n3A_1688, %reduce_max3A_1689 [0] : vector<128x128xf32> to vector<128xf32>
    %broadcast_in_dim3A_1691 = vector.shape_cast %reduce_max3A_1690 : vector<128xf32> to vector<1x128xf32>
    %eq3A_1692 = vector.broadcast %broadcast_in_dim3A_1691 : vector<1x128xf32> to vector<128x128xf32>
    %eq3A_1693 = arith.cmpf oeq, %select_n3A_1688, %eq3A_1692 : vector<128x128xf32>
    %jit3A_1694 = arith.constant 1073741824 : i32
    %broadcast_in_dim3A_1695 = vector.broadcast %jit3A_1694 : i32 to vector<128x128xi32>
    %select_n3A_1696 = arith.select %eq3A_1693, %add3A_1632, %broadcast_in_dim3A_1695 : vector<128x128xi1>, vector<128x128xi32>
    %reduce_min3A_1697 = arith.constant dense<2147483647> : vector<128xi32>
    %reduce_min3A_1698 = vector.multi_reduction <minsi>, %select_n3A_1696, %reduce_min3A_1697 [0] : vector<128x128xi32> to vector<128xi32>
    %broadcast_in_dim3A_1699 = vector.shape_cast %reduce_min3A_1698 : vector<128xi32> to vector<1x128xi32>
    %eq3A_1700 = vector.broadcast %broadcast_in_dim3A_1699 : vector<1x128xi32> to vector<128x128xi32>
    %eq3A_1701 = arith.cmpi eq, %add3A_1632, %eq3A_1700 : vector<128x128xi32>
    %jit3A_1702 = arith.constant -1.000000e+09 : f32
    %broadcast_in_dim3A_1703 = vector.broadcast %jit3A_1702 : f32 to vector<128x128xf32>
    %select_n3A_1704 = arith.select %eq3A_1701, %broadcast_in_dim3A_1703, %select_n3A_1688 : vector<128x128xi1>, vector<128x128xf32>
    %reduce_max3A_1705 = arith.constant dense<0xFF800000> : vector<128xf32>
    %reduce_max3A_1706 = vector.multi_reduction <maximumf>, %select_n3A_1704, %reduce_max3A_1705 [0] : vector<128x128xf32> to vector<128xf32>
    %broadcast_in_dim3A_1707 = vector.shape_cast %reduce_max3A_1706 : vector<128xf32> to vector<1x128xf32>
    %eq3A_1708 = vector.broadcast %broadcast_in_dim3A_1707 : vector<1x128xf32> to vector<128x128xf32>
    %eq3A_1709 = arith.cmpf oeq, %select_n3A_1704, %eq3A_1708 : vector<128x128xf32>
    %jit3A_1710 = arith.constant 1073741824 : i32
    %broadcast_in_dim3A_1711 = vector.broadcast %jit3A_1710 : i32 to vector<128x128xi32>
    %select_n3A_1712 = arith.select %eq3A_1709, %add3A_1632, %broadcast_in_dim3A_1711 : vector<128x128xi1>, vector<128x128xi32>
    %reduce_min3A_1713 = arith.constant dense<2147483647> : vector<128xi32>
    %reduce_min3A_1714 = vector.multi_reduction <minsi>, %select_n3A_1712, %reduce_min3A_1713 [0] : vector<128x128xi32> to vector<128xi32>
    %broadcast_in_dim3A_1715 = vector.shape_cast %reduce_min3A_1714 : vector<128xi32> to vector<1x128xi32>
    %eq3A_1716 = vector.broadcast %broadcast_in_dim3A_1715 : vector<1x128xi32> to vector<128x128xi32>
    %eq3A_1717 = arith.cmpi eq, %add3A_1632, %eq3A_1716 : vector<128x128xi32>
    %jit3A_1718 = arith.constant -1.000000e+09 : f32
    %broadcast_in_dim3A_1719 = vector.broadcast %jit3A_1718 : f32 to vector<128x128xf32>
    %select_n3A_1720 = arith.select %eq3A_1717, %broadcast_in_dim3A_1719, %select_n3A_1704 : vector<128x128xi1>, vector<128x128xf32>
    %reduce_max3A_1721 = arith.constant dense<0xFF800000> : vector<128xf32>
    %reduce_max3A_1722 = vector.multi_reduction <maximumf>, %select_n3A_1720, %reduce_max3A_1721 [0] : vector<128x128xf32> to vector<128xf32>
    %broadcast_in_dim3A_1723 = vector.shape_cast %reduce_max3A_1722 : vector<128xf32> to vector<1x128xf32>
    %eq3A_1724 = vector.broadcast %broadcast_in_dim3A_1723 : vector<1x128xf32> to vector<128x128xf32>
    %eq3A_1725 = arith.cmpf oeq, %select_n3A_1720, %eq3A_1724 : vector<128x128xf32>
    %jit3A_1726 = arith.constant 1073741824 : i32
    %broadcast_in_dim3A_1727 = vector.broadcast %jit3A_1726 : i32 to vector<128x128xi32>
    %select_n3A_1728 = arith.select %eq3A_1725, %add3A_1632, %broadcast_in_dim3A_1727 : vector<128x128xi1>, vector<128x128xi32>
    %reduce_min3A_1729 = arith.constant dense<2147483647> : vector<128xi32>
    %reduce_min3A_1730 = vector.multi_reduction <minsi>, %select_n3A_1728, %reduce_min3A_1729 [0] : vector<128x128xi32> to vector<128xi32>
    %broadcast_in_dim3A_1731 = vector.shape_cast %reduce_min3A_1730 : vector<128xi32> to vector<1x128xi32>
    %eq3A_1732 = vector.broadcast %broadcast_in_dim3A_1731 : vector<1x128xi32> to vector<128x128xi32>
    %eq3A_1733 = arith.cmpi eq, %add3A_1632, %eq3A_1732 : vector<128x128xi32>
    %jit3A_1734 = arith.constant -1.000000e+09 : f32
    %broadcast_in_dim3A_1735 = vector.broadcast %jit3A_1734 : f32 to vector<128x128xf32>
    %select_n3A_1736 = arith.select %eq3A_1733, %broadcast_in_dim3A_1735, %select_n3A_1720 : vector<128x128xi1>, vector<128x128xf32>
    %reduce_max3A_1737 = arith.constant dense<0xFF800000> : vector<128xf32>
    %reduce_max3A_1738 = vector.multi_reduction <maximumf>, %select_n3A_1736, %reduce_max3A_1737 [0] : vector<128x128xf32> to vector<128xf32>
    %broadcast_in_dim3A_1739 = vector.shape_cast %reduce_max3A_1738 : vector<128xf32> to vector<1x128xf32>
    %eq3A_1740 = vector.broadcast %broadcast_in_dim3A_1739 : vector<1x128xf32> to vector<128x128xf32>
    %eq3A_1741 = arith.cmpf oeq, %select_n3A_1736, %eq3A_1740 : vector<128x128xf32>
    %jit3A_1742 = arith.constant 1073741824 : i32
    %broadcast_in_dim3A_1743 = vector.broadcast %jit3A_1742 : i32 to vector<128x128xi32>
    %select_n3A_1744 = arith.select %eq3A_1741, %add3A_1632, %broadcast_in_dim3A_1743 : vector<128x128xi1>, vector<128x128xi32>
    %reduce_min3A_1745 = arith.constant dense<2147483647> : vector<128xi32>
    %reduce_min3A_1746 = vector.multi_reduction <minsi>, %select_n3A_1744, %reduce_min3A_1745 [0] : vector<128x128xi32> to vector<128xi32>
    %broadcast_in_dim3A_1747 = vector.shape_cast %reduce_min3A_1746 : vector<128xi32> to vector<1x128xi32>
    %eq3A_1748 = vector.broadcast %broadcast_in_dim3A_1747 : vector<1x128xi32> to vector<128x128xi32>
    %eq3A_1749 = arith.cmpi eq, %add3A_1632, %eq3A_1748 : vector<128x128xi32>
    %jit3A_1750 = arith.constant -1.000000e+09 : f32
    %broadcast_in_dim3A_1751 = vector.broadcast %jit3A_1750 : f32 to vector<128x128xf32>
    %select_n3A_1752 = arith.select %eq3A_1749, %broadcast_in_dim3A_1751, %select_n3A_1736 : vector<128x128xi1>, vector<128x128xf32>
    %reduce_max3A_1753 = arith.constant dense<0xFF800000> : vector<128xf32>
    %reduce_max3A_1754 = vector.multi_reduction <maximumf>, %select_n3A_1752, %reduce_max3A_1753 [0] : vector<128x128xf32> to vector<128xf32>
    %broadcast_in_dim3A_1755 = vector.shape_cast %reduce_max3A_1754 : vector<128xf32> to vector<1x128xf32>
    %eq3A_1756 = vector.broadcast %broadcast_in_dim3A_1755 : vector<1x128xf32> to vector<128x128xf32>
    %eq3A_1757 = arith.cmpf oeq, %select_n3A_1752, %eq3A_1756 : vector<128x128xf32>
    %jit3A_1758 = arith.constant 1073741824 : i32
    %broadcast_in_dim3A_1759 = vector.broadcast %jit3A_1758 : i32 to vector<128x128xi32>
    %select_n3A_1760 = arith.select %eq3A_1757, %add3A_1632, %broadcast_in_dim3A_1759 : vector<128x128xi1>, vector<128x128xi32>
    %reduce_min3A_1761 = arith.constant dense<2147483647> : vector<128xi32>
    %reduce_min3A_1762 = vector.multi_reduction <minsi>, %select_n3A_1760, %reduce_min3A_1761 [0] : vector<128x128xi32> to vector<128xi32>
    %broadcast_in_dim3A_1763 = vector.shape_cast %reduce_min3A_1762 : vector<128xi32> to vector<1x128xi32>
    %get3A_1764 = arith.constant 1280 : index
    %get3A_1765 = arith.constant 0 : index
    %get3A_1766 = vector.load %arg6[%get3A_1764, %get3A_1765] : memref<2560x128xf32, #tpu.memory_space<vmem>>, vector<128x128xf32>
    %get3A_1767 = arith.constant 1280 : index
    %get3A_1768 = arith.constant 0 : index
    %get3A_1769 = vector.load %arg7[%get3A_1767, %get3A_1768] : memref<2560x128xf32, #tpu.memory_space<vmem>>, vector<128x128xf32>
    %get3A_1770 = arith.constant 1280 : index
    %get3A_1771 = arith.constant 0 : index
    %get3A_1772 = vector.load %arg8[%get3A_1770, %get3A_1771] : memref<2560x128xf32, #tpu.memory_space<vmem>>, vector<128x128xf32>
    %get3A_1773 = arith.constant 1280 : index
    %get3A_1774 = arith.constant 0 : index
    %get3A_1775 = vector.load %arg9[%get3A_1773, %get3A_1774] : memref<2560x128xf32, #tpu.memory_space<vmem>>, vector<128x128xf32>
    %select_n3A_1776 = arith.select %eq3A_256, %get3A_1766, %get3A_1772 : vector<128x128xf32>
    %select_n3A_1777 = arith.select %eq3A_256, %get3A_1769, %get3A_1775 : vector<128x128xf32>
    %select_n3A_1778 = arith.select %lt3A_276, %select_n3A_1776, %select_n3A_1777 : vector<128x128xi1>, vector<128x128xf32>
    %add3A_1779 = arith.constant 1280 : i32
    %add3A_1780 = vector.broadcast %add3A_1779 : i32 to vector<128x128xi32>
    %add3A_1781 = arith.addi %iota3A_272, %add3A_1780 : vector<128x128xi32>
    %ge3A_1782 = vector.broadcast %select_n3A_263 : vector<1x128xi32> to vector<128x128xi32>
    %ge3A_1783 = arith.cmpi sge, %add3A_1781, %ge3A_1782 : vector<128x128xi32>
    %lt3A_1784 = vector.broadcast %select_n3A_268 : vector<1x128xi32> to vector<128x128xi32>
    %lt3A_1785 = arith.cmpi slt, %add3A_1781, %lt3A_1784 : vector<128x128xi32>
    %and3A_1786 = arith.andi %ge3A_1783, %lt3A_1785 : vector<128x128xi1>
    %jit3A_1787 = arith.constant -1.000000e+09 : f32
    %broadcast_in_dim3A_1788 = vector.broadcast %jit3A_1787 : f32 to vector<128x128xf32>
    %select_n3A_1789 = arith.select %and3A_1786, %select_n3A_1778, %broadcast_in_dim3A_1788 : vector<128x128xi1>, vector<128x128xf32>
    %reduce_max3A_1790 = arith.constant dense<0xFF800000> : vector<128xf32>
    %reduce_max3A_1791 = vector.multi_reduction <maximumf>, %select_n3A_1789, %reduce_max3A_1790 [0] : vector<128x128xf32> to vector<128xf32>
    %broadcast_in_dim3A_1792 = vector.shape_cast %reduce_max3A_1791 : vector<128xf32> to vector<1x128xf32>
    %eq3A_1793 = vector.broadcast %broadcast_in_dim3A_1792 : vector<1x128xf32> to vector<128x128xf32>
    %eq3A_1794 = arith.cmpf oeq, %select_n3A_1789, %eq3A_1793 : vector<128x128xf32>
    %jit3A_1795 = arith.constant 1073741824 : i32
    %broadcast_in_dim3A_1796 = vector.broadcast %jit3A_1795 : i32 to vector<128x128xi32>
    %select_n3A_1797 = arith.select %eq3A_1794, %add3A_1781, %broadcast_in_dim3A_1796 : vector<128x128xi1>, vector<128x128xi32>
    %reduce_min3A_1798 = arith.constant dense<2147483647> : vector<128xi32>
    %reduce_min3A_1799 = vector.multi_reduction <minsi>, %select_n3A_1797, %reduce_min3A_1798 [0] : vector<128x128xi32> to vector<128xi32>
    %broadcast_in_dim3A_1800 = vector.shape_cast %reduce_min3A_1799 : vector<128xi32> to vector<1x128xi32>
    %eq3A_1801 = vector.broadcast %broadcast_in_dim3A_1800 : vector<1x128xi32> to vector<128x128xi32>
    %eq3A_1802 = arith.cmpi eq, %add3A_1781, %eq3A_1801 : vector<128x128xi32>
    %jit3A_1803 = arith.constant -1.000000e+09 : f32
    %broadcast_in_dim3A_1804 = vector.broadcast %jit3A_1803 : f32 to vector<128x128xf32>
    %select_n3A_1805 = arith.select %eq3A_1802, %broadcast_in_dim3A_1804, %select_n3A_1789 : vector<128x128xi1>, vector<128x128xf32>
    %reduce_max3A_1806 = arith.constant dense<0xFF800000> : vector<128xf32>
    %reduce_max3A_1807 = vector.multi_reduction <maximumf>, %select_n3A_1805, %reduce_max3A_1806 [0] : vector<128x128xf32> to vector<128xf32>
    %broadcast_in_dim3A_1808 = vector.shape_cast %reduce_max3A_1807 : vector<128xf32> to vector<1x128xf32>
    %eq3A_1809 = vector.broadcast %broadcast_in_dim3A_1808 : vector<1x128xf32> to vector<128x128xf32>
    %eq3A_1810 = arith.cmpf oeq, %select_n3A_1805, %eq3A_1809 : vector<128x128xf32>
    %jit3A_1811 = arith.constant 1073741824 : i32
    %broadcast_in_dim3A_1812 = vector.broadcast %jit3A_1811 : i32 to vector<128x128xi32>
    %select_n3A_1813 = arith.select %eq3A_1810, %add3A_1781, %broadcast_in_dim3A_1812 : vector<128x128xi1>, vector<128x128xi32>
    %reduce_min3A_1814 = arith.constant dense<2147483647> : vector<128xi32>
    %reduce_min3A_1815 = vector.multi_reduction <minsi>, %select_n3A_1813, %reduce_min3A_1814 [0] : vector<128x128xi32> to vector<128xi32>
    %broadcast_in_dim3A_1816 = vector.shape_cast %reduce_min3A_1815 : vector<128xi32> to vector<1x128xi32>
    %eq3A_1817 = vector.broadcast %broadcast_in_dim3A_1816 : vector<1x128xi32> to vector<128x128xi32>
    %eq3A_1818 = arith.cmpi eq, %add3A_1781, %eq3A_1817 : vector<128x128xi32>
    %jit3A_1819 = arith.constant -1.000000e+09 : f32
    %broadcast_in_dim3A_1820 = vector.broadcast %jit3A_1819 : f32 to vector<128x128xf32>
    %select_n3A_1821 = arith.select %eq3A_1818, %broadcast_in_dim3A_1820, %select_n3A_1805 : vector<128x128xi1>, vector<128x128xf32>
    %reduce_max3A_1822 = arith.constant dense<0xFF800000> : vector<128xf32>
    %reduce_max3A_1823 = vector.multi_reduction <maximumf>, %select_n3A_1821, %reduce_max3A_1822 [0] : vector<128x128xf32> to vector<128xf32>
    %broadcast_in_dim3A_1824 = vector.shape_cast %reduce_max3A_1823 : vector<128xf32> to vector<1x128xf32>
    %eq3A_1825 = vector.broadcast %broadcast_in_dim3A_1824 : vector<1x128xf32> to vector<128x128xf32>
    %eq3A_1826 = arith.cmpf oeq, %select_n3A_1821, %eq3A_1825 : vector<128x128xf32>
    %jit3A_1827 = arith.constant 1073741824 : i32
    %broadcast_in_dim3A_1828 = vector.broadcast %jit3A_1827 : i32 to vector<128x128xi32>
    %select_n3A_1829 = arith.select %eq3A_1826, %add3A_1781, %broadcast_in_dim3A_1828 : vector<128x128xi1>, vector<128x128xi32>
    %reduce_min3A_1830 = arith.constant dense<2147483647> : vector<128xi32>
    %reduce_min3A_1831 = vector.multi_reduction <minsi>, %select_n3A_1829, %reduce_min3A_1830 [0] : vector<128x128xi32> to vector<128xi32>
    %broadcast_in_dim3A_1832 = vector.shape_cast %reduce_min3A_1831 : vector<128xi32> to vector<1x128xi32>
    %eq3A_1833 = vector.broadcast %broadcast_in_dim3A_1832 : vector<1x128xi32> to vector<128x128xi32>
    %eq3A_1834 = arith.cmpi eq, %add3A_1781, %eq3A_1833 : vector<128x128xi32>
    %jit3A_1835 = arith.constant -1.000000e+09 : f32
    %broadcast_in_dim3A_1836 = vector.broadcast %jit3A_1835 : f32 to vector<128x128xf32>
    %select_n3A_1837 = arith.select %eq3A_1834, %broadcast_in_dim3A_1836, %select_n3A_1821 : vector<128x128xi1>, vector<128x128xf32>
    %reduce_max3A_1838 = arith.constant dense<0xFF800000> : vector<128xf32>
    %reduce_max3A_1839 = vector.multi_reduction <maximumf>, %select_n3A_1837, %reduce_max3A_1838 [0] : vector<128x128xf32> to vector<128xf32>
    %broadcast_in_dim3A_1840 = vector.shape_cast %reduce_max3A_1839 : vector<128xf32> to vector<1x128xf32>
    %eq3A_1841 = vector.broadcast %broadcast_in_dim3A_1840 : vector<1x128xf32> to vector<128x128xf32>
    %eq3A_1842 = arith.cmpf oeq, %select_n3A_1837, %eq3A_1841 : vector<128x128xf32>
    %jit3A_1843 = arith.constant 1073741824 : i32
    %broadcast_in_dim3A_1844 = vector.broadcast %jit3A_1843 : i32 to vector<128x128xi32>
    %select_n3A_1845 = arith.select %eq3A_1842, %add3A_1781, %broadcast_in_dim3A_1844 : vector<128x128xi1>, vector<128x128xi32>
    %reduce_min3A_1846 = arith.constant dense<2147483647> : vector<128xi32>
    %reduce_min3A_1847 = vector.multi_reduction <minsi>, %select_n3A_1845, %reduce_min3A_1846 [0] : vector<128x128xi32> to vector<128xi32>
    %broadcast_in_dim3A_1848 = vector.shape_cast %reduce_min3A_1847 : vector<128xi32> to vector<1x128xi32>
    %eq3A_1849 = vector.broadcast %broadcast_in_dim3A_1848 : vector<1x128xi32> to vector<128x128xi32>
    %eq3A_1850 = arith.cmpi eq, %add3A_1781, %eq3A_1849 : vector<128x128xi32>
    %jit3A_1851 = arith.constant -1.000000e+09 : f32
    %broadcast_in_dim3A_1852 = vector.broadcast %jit3A_1851 : f32 to vector<128x128xf32>
    %select_n3A_1853 = arith.select %eq3A_1850, %broadcast_in_dim3A_1852, %select_n3A_1837 : vector<128x128xi1>, vector<128x128xf32>
    %reduce_max3A_1854 = arith.constant dense<0xFF800000> : vector<128xf32>
    %reduce_max3A_1855 = vector.multi_reduction <maximumf>, %select_n3A_1853, %reduce_max3A_1854 [0] : vector<128x128xf32> to vector<128xf32>
    %broadcast_in_dim3A_1856 = vector.shape_cast %reduce_max3A_1855 : vector<128xf32> to vector<1x128xf32>
    %eq3A_1857 = vector.broadcast %broadcast_in_dim3A_1856 : vector<1x128xf32> to vector<128x128xf32>
    %eq3A_1858 = arith.cmpf oeq, %select_n3A_1853, %eq3A_1857 : vector<128x128xf32>
    %jit3A_1859 = arith.constant 1073741824 : i32
    %broadcast_in_dim3A_1860 = vector.broadcast %jit3A_1859 : i32 to vector<128x128xi32>
    %select_n3A_1861 = arith.select %eq3A_1858, %add3A_1781, %broadcast_in_dim3A_1860 : vector<128x128xi1>, vector<128x128xi32>
    %reduce_min3A_1862 = arith.constant dense<2147483647> : vector<128xi32>
    %reduce_min3A_1863 = vector.multi_reduction <minsi>, %select_n3A_1861, %reduce_min3A_1862 [0] : vector<128x128xi32> to vector<128xi32>
    %broadcast_in_dim3A_1864 = vector.shape_cast %reduce_min3A_1863 : vector<128xi32> to vector<1x128xi32>
    %eq3A_1865 = vector.broadcast %broadcast_in_dim3A_1864 : vector<1x128xi32> to vector<128x128xi32>
    %eq3A_1866 = arith.cmpi eq, %add3A_1781, %eq3A_1865 : vector<128x128xi32>
    %jit3A_1867 = arith.constant -1.000000e+09 : f32
    %broadcast_in_dim3A_1868 = vector.broadcast %jit3A_1867 : f32 to vector<128x128xf32>
    %select_n3A_1869 = arith.select %eq3A_1866, %broadcast_in_dim3A_1868, %select_n3A_1853 : vector<128x128xi1>, vector<128x128xf32>
    %reduce_max3A_1870 = arith.constant dense<0xFF800000> : vector<128xf32>
    %reduce_max3A_1871 = vector.multi_reduction <maximumf>, %select_n3A_1869, %reduce_max3A_1870 [0] : vector<128x128xf32> to vector<128xf32>
    %broadcast_in_dim3A_1872 = vector.shape_cast %reduce_max3A_1871 : vector<128xf32> to vector<1x128xf32>
    %eq3A_1873 = vector.broadcast %broadcast_in_dim3A_1872 : vector<1x128xf32> to vector<128x128xf32>
    %eq3A_1874 = arith.cmpf oeq, %select_n3A_1869, %eq3A_1873 : vector<128x128xf32>
    %jit3A_1875 = arith.constant 1073741824 : i32
    %broadcast_in_dim3A_1876 = vector.broadcast %jit3A_1875 : i32 to vector<128x128xi32>
    %select_n3A_1877 = arith.select %eq3A_1874, %add3A_1781, %broadcast_in_dim3A_1876 : vector<128x128xi1>, vector<128x128xi32>
    %reduce_min3A_1878 = arith.constant dense<2147483647> : vector<128xi32>
    %reduce_min3A_1879 = vector.multi_reduction <minsi>, %select_n3A_1877, %reduce_min3A_1878 [0] : vector<128x128xi32> to vector<128xi32>
    %broadcast_in_dim3A_1880 = vector.shape_cast %reduce_min3A_1879 : vector<128xi32> to vector<1x128xi32>
    %eq3A_1881 = vector.broadcast %broadcast_in_dim3A_1880 : vector<1x128xi32> to vector<128x128xi32>
    %eq3A_1882 = arith.cmpi eq, %add3A_1781, %eq3A_1881 : vector<128x128xi32>
    %jit3A_1883 = arith.constant -1.000000e+09 : f32
    %broadcast_in_dim3A_1884 = vector.broadcast %jit3A_1883 : f32 to vector<128x128xf32>
    %select_n3A_1885 = arith.select %eq3A_1882, %broadcast_in_dim3A_1884, %select_n3A_1869 : vector<128x128xi1>, vector<128x128xf32>
    %reduce_max3A_1886 = arith.constant dense<0xFF800000> : vector<128xf32>
    %reduce_max3A_1887 = vector.multi_reduction <maximumf>, %select_n3A_1885, %reduce_max3A_1886 [0] : vector<128x128xf32> to vector<128xf32>
    %broadcast_in_dim3A_1888 = vector.shape_cast %reduce_max3A_1887 : vector<128xf32> to vector<1x128xf32>
    %eq3A_1889 = vector.broadcast %broadcast_in_dim3A_1888 : vector<1x128xf32> to vector<128x128xf32>
    %eq3A_1890 = arith.cmpf oeq, %select_n3A_1885, %eq3A_1889 : vector<128x128xf32>
    %jit3A_1891 = arith.constant 1073741824 : i32
    %broadcast_in_dim3A_1892 = vector.broadcast %jit3A_1891 : i32 to vector<128x128xi32>
    %select_n3A_1893 = arith.select %eq3A_1890, %add3A_1781, %broadcast_in_dim3A_1892 : vector<128x128xi1>, vector<128x128xi32>
    %reduce_min3A_1894 = arith.constant dense<2147483647> : vector<128xi32>
    %reduce_min3A_1895 = vector.multi_reduction <minsi>, %select_n3A_1893, %reduce_min3A_1894 [0] : vector<128x128xi32> to vector<128xi32>
    %broadcast_in_dim3A_1896 = vector.shape_cast %reduce_min3A_1895 : vector<128xi32> to vector<1x128xi32>
    %eq3A_1897 = vector.broadcast %broadcast_in_dim3A_1896 : vector<1x128xi32> to vector<128x128xi32>
    %eq3A_1898 = arith.cmpi eq, %add3A_1781, %eq3A_1897 : vector<128x128xi32>
    %jit3A_1899 = arith.constant -1.000000e+09 : f32
    %broadcast_in_dim3A_1900 = vector.broadcast %jit3A_1899 : f32 to vector<128x128xf32>
    %select_n3A_1901 = arith.select %eq3A_1898, %broadcast_in_dim3A_1900, %select_n3A_1885 : vector<128x128xi1>, vector<128x128xf32>
    %reduce_max3A_1902 = arith.constant dense<0xFF800000> : vector<128xf32>
    %reduce_max3A_1903 = vector.multi_reduction <maximumf>, %select_n3A_1901, %reduce_max3A_1902 [0] : vector<128x128xf32> to vector<128xf32>
    %broadcast_in_dim3A_1904 = vector.shape_cast %reduce_max3A_1903 : vector<128xf32> to vector<1x128xf32>
    %eq3A_1905 = vector.broadcast %broadcast_in_dim3A_1904 : vector<1x128xf32> to vector<128x128xf32>
    %eq3A_1906 = arith.cmpf oeq, %select_n3A_1901, %eq3A_1905 : vector<128x128xf32>
    %jit3A_1907 = arith.constant 1073741824 : i32
    %broadcast_in_dim3A_1908 = vector.broadcast %jit3A_1907 : i32 to vector<128x128xi32>
    %select_n3A_1909 = arith.select %eq3A_1906, %add3A_1781, %broadcast_in_dim3A_1908 : vector<128x128xi1>, vector<128x128xi32>
    %reduce_min3A_1910 = arith.constant dense<2147483647> : vector<128xi32>
    %reduce_min3A_1911 = vector.multi_reduction <minsi>, %select_n3A_1909, %reduce_min3A_1910 [0] : vector<128x128xi32> to vector<128xi32>
    %broadcast_in_dim3A_1912 = vector.shape_cast %reduce_min3A_1911 : vector<128xi32> to vector<1x128xi32>
    %get3A_1913 = arith.constant 1408 : index
    %get3A_1914 = arith.constant 0 : index
    %get3A_1915 = vector.load %arg6[%get3A_1913, %get3A_1914] : memref<2560x128xf32, #tpu.memory_space<vmem>>, vector<128x128xf32>
    %get3A_1916 = arith.constant 1408 : index
    %get3A_1917 = arith.constant 0 : index
    %get3A_1918 = vector.load %arg7[%get3A_1916, %get3A_1917] : memref<2560x128xf32, #tpu.memory_space<vmem>>, vector<128x128xf32>
    %get3A_1919 = arith.constant 1408 : index
    %get3A_1920 = arith.constant 0 : index
    %get3A_1921 = vector.load %arg8[%get3A_1919, %get3A_1920] : memref<2560x128xf32, #tpu.memory_space<vmem>>, vector<128x128xf32>
    %get3A_1922 = arith.constant 1408 : index
    %get3A_1923 = arith.constant 0 : index
    %get3A_1924 = vector.load %arg9[%get3A_1922, %get3A_1923] : memref<2560x128xf32, #tpu.memory_space<vmem>>, vector<128x128xf32>
    %select_n3A_1925 = arith.select %eq3A_256, %get3A_1915, %get3A_1921 : vector<128x128xf32>
    %select_n3A_1926 = arith.select %eq3A_256, %get3A_1918, %get3A_1924 : vector<128x128xf32>
    %select_n3A_1927 = arith.select %lt3A_276, %select_n3A_1925, %select_n3A_1926 : vector<128x128xi1>, vector<128x128xf32>
    %add3A_1928 = arith.constant 1408 : i32
    %add3A_1929 = vector.broadcast %add3A_1928 : i32 to vector<128x128xi32>
    %add3A_1930 = arith.addi %iota3A_272, %add3A_1929 : vector<128x128xi32>
    %ge3A_1931 = vector.broadcast %select_n3A_263 : vector<1x128xi32> to vector<128x128xi32>
    %ge3A_1932 = arith.cmpi sge, %add3A_1930, %ge3A_1931 : vector<128x128xi32>
    %lt3A_1933 = vector.broadcast %select_n3A_268 : vector<1x128xi32> to vector<128x128xi32>
    %lt3A_1934 = arith.cmpi slt, %add3A_1930, %lt3A_1933 : vector<128x128xi32>
    %and3A_1935 = arith.andi %ge3A_1932, %lt3A_1934 : vector<128x128xi1>
    %jit3A_1936 = arith.constant -1.000000e+09 : f32
    %broadcast_in_dim3A_1937 = vector.broadcast %jit3A_1936 : f32 to vector<128x128xf32>
    %select_n3A_1938 = arith.select %and3A_1935, %select_n3A_1927, %broadcast_in_dim3A_1937 : vector<128x128xi1>, vector<128x128xf32>
    %reduce_max3A_1939 = arith.constant dense<0xFF800000> : vector<128xf32>
    %reduce_max3A_1940 = vector.multi_reduction <maximumf>, %select_n3A_1938, %reduce_max3A_1939 [0] : vector<128x128xf32> to vector<128xf32>
    %broadcast_in_dim3A_1941 = vector.shape_cast %reduce_max3A_1940 : vector<128xf32> to vector<1x128xf32>
    %eq3A_1942 = vector.broadcast %broadcast_in_dim3A_1941 : vector<1x128xf32> to vector<128x128xf32>
    %eq3A_1943 = arith.cmpf oeq, %select_n3A_1938, %eq3A_1942 : vector<128x128xf32>
    %jit3A_1944 = arith.constant 1073741824 : i32
    %broadcast_in_dim3A_1945 = vector.broadcast %jit3A_1944 : i32 to vector<128x128xi32>
    %select_n3A_1946 = arith.select %eq3A_1943, %add3A_1930, %broadcast_in_dim3A_1945 : vector<128x128xi1>, vector<128x128xi32>
    %reduce_min3A_1947 = arith.constant dense<2147483647> : vector<128xi32>
    %reduce_min3A_1948 = vector.multi_reduction <minsi>, %select_n3A_1946, %reduce_min3A_1947 [0] : vector<128x128xi32> to vector<128xi32>
    %broadcast_in_dim3A_1949 = vector.shape_cast %reduce_min3A_1948 : vector<128xi32> to vector<1x128xi32>
    %eq3A_1950 = vector.broadcast %broadcast_in_dim3A_1949 : vector<1x128xi32> to vector<128x128xi32>
    %eq3A_1951 = arith.cmpi eq, %add3A_1930, %eq3A_1950 : vector<128x128xi32>
    %jit3A_1952 = arith.constant -1.000000e+09 : f32
    %broadcast_in_dim3A_1953 = vector.broadcast %jit3A_1952 : f32 to vector<128x128xf32>
    %select_n3A_1954 = arith.select %eq3A_1951, %broadcast_in_dim3A_1953, %select_n3A_1938 : vector<128x128xi1>, vector<128x128xf32>
    %reduce_max3A_1955 = arith.constant dense<0xFF800000> : vector<128xf32>
    %reduce_max3A_1956 = vector.multi_reduction <maximumf>, %select_n3A_1954, %reduce_max3A_1955 [0] : vector<128x128xf32> to vector<128xf32>
    %broadcast_in_dim3A_1957 = vector.shape_cast %reduce_max3A_1956 : vector<128xf32> to vector<1x128xf32>
    %eq3A_1958 = vector.broadcast %broadcast_in_dim3A_1957 : vector<1x128xf32> to vector<128x128xf32>
    %eq3A_1959 = arith.cmpf oeq, %select_n3A_1954, %eq3A_1958 : vector<128x128xf32>
    %jit3A_1960 = arith.constant 1073741824 : i32
    %broadcast_in_dim3A_1961 = vector.broadcast %jit3A_1960 : i32 to vector<128x128xi32>
    %select_n3A_1962 = arith.select %eq3A_1959, %add3A_1930, %broadcast_in_dim3A_1961 : vector<128x128xi1>, vector<128x128xi32>
    %reduce_min3A_1963 = arith.constant dense<2147483647> : vector<128xi32>
    %reduce_min3A_1964 = vector.multi_reduction <minsi>, %select_n3A_1962, %reduce_min3A_1963 [0] : vector<128x128xi32> to vector<128xi32>
    %broadcast_in_dim3A_1965 = vector.shape_cast %reduce_min3A_1964 : vector<128xi32> to vector<1x128xi32>
    %eq3A_1966 = vector.broadcast %broadcast_in_dim3A_1965 : vector<1x128xi32> to vector<128x128xi32>
    %eq3A_1967 = arith.cmpi eq, %add3A_1930, %eq3A_1966 : vector<128x128xi32>
    %jit3A_1968 = arith.constant -1.000000e+09 : f32
    %broadcast_in_dim3A_1969 = vector.broadcast %jit3A_1968 : f32 to vector<128x128xf32>
    %select_n3A_1970 = arith.select %eq3A_1967, %broadcast_in_dim3A_1969, %select_n3A_1954 : vector<128x128xi1>, vector<128x128xf32>
    %reduce_max3A_1971 = arith.constant dense<0xFF800000> : vector<128xf32>
    %reduce_max3A_1972 = vector.multi_reduction <maximumf>, %select_n3A_1970, %reduce_max3A_1971 [0] : vector<128x128xf32> to vector<128xf32>
    %broadcast_in_dim3A_1973 = vector.shape_cast %reduce_max3A_1972 : vector<128xf32> to vector<1x128xf32>
    %eq3A_1974 = vector.broadcast %broadcast_in_dim3A_1973 : vector<1x128xf32> to vector<128x128xf32>
    %eq3A_1975 = arith.cmpf oeq, %select_n3A_1970, %eq3A_1974 : vector<128x128xf32>
    %jit3A_1976 = arith.constant 1073741824 : i32
    %broadcast_in_dim3A_1977 = vector.broadcast %jit3A_1976 : i32 to vector<128x128xi32>
    %select_n3A_1978 = arith.select %eq3A_1975, %add3A_1930, %broadcast_in_dim3A_1977 : vector<128x128xi1>, vector<128x128xi32>
    %reduce_min3A_1979 = arith.constant dense<2147483647> : vector<128xi32>
    %reduce_min3A_1980 = vector.multi_reduction <minsi>, %select_n3A_1978, %reduce_min3A_1979 [0] : vector<128x128xi32> to vector<128xi32>
    %broadcast_in_dim3A_1981 = vector.shape_cast %reduce_min3A_1980 : vector<128xi32> to vector<1x128xi32>
    %eq3A_1982 = vector.broadcast %broadcast_in_dim3A_1981 : vector<1x128xi32> to vector<128x128xi32>
    %eq3A_1983 = arith.cmpi eq, %add3A_1930, %eq3A_1982 : vector<128x128xi32>
    %jit3A_1984 = arith.constant -1.000000e+09 : f32
    %broadcast_in_dim3A_1985 = vector.broadcast %jit3A_1984 : f32 to vector<128x128xf32>
    %select_n3A_1986 = arith.select %eq3A_1983, %broadcast_in_dim3A_1985, %select_n3A_1970 : vector<128x128xi1>, vector<128x128xf32>
    %reduce_max3A_1987 = arith.constant dense<0xFF800000> : vector<128xf32>
    %reduce_max3A_1988 = vector.multi_reduction <maximumf>, %select_n3A_1986, %reduce_max3A_1987 [0] : vector<128x128xf32> to vector<128xf32>
    %broadcast_in_dim3A_1989 = vector.shape_cast %reduce_max3A_1988 : vector<128xf32> to vector<1x128xf32>
    %eq3A_1990 = vector.broadcast %broadcast_in_dim3A_1989 : vector<1x128xf32> to vector<128x128xf32>
    %eq3A_1991 = arith.cmpf oeq, %select_n3A_1986, %eq3A_1990 : vector<128x128xf32>
    %jit3A_1992 = arith.constant 1073741824 : i32
    %broadcast_in_dim3A_1993 = vector.broadcast %jit3A_1992 : i32 to vector<128x128xi32>
    %select_n3A_1994 = arith.select %eq3A_1991, %add3A_1930, %broadcast_in_dim3A_1993 : vector<128x128xi1>, vector<128x128xi32>
    %reduce_min3A_1995 = arith.constant dense<2147483647> : vector<128xi32>
    %reduce_min3A_1996 = vector.multi_reduction <minsi>, %select_n3A_1994, %reduce_min3A_1995 [0] : vector<128x128xi32> to vector<128xi32>
    %broadcast_in_dim3A_1997 = vector.shape_cast %reduce_min3A_1996 : vector<128xi32> to vector<1x128xi32>
    %eq3A_1998 = vector.broadcast %broadcast_in_dim3A_1997 : vector<1x128xi32> to vector<128x128xi32>
    %eq3A_1999 = arith.cmpi eq, %add3A_1930, %eq3A_1998 : vector<128x128xi32>
    %jit3A_2000 = arith.constant -1.000000e+09 : f32
    %broadcast_in_dim3A_2001 = vector.broadcast %jit3A_2000 : f32 to vector<128x128xf32>
    %select_n3A_2002 = arith.select %eq3A_1999, %broadcast_in_dim3A_2001, %select_n3A_1986 : vector<128x128xi1>, vector<128x128xf32>
    %reduce_max3A_2003 = arith.constant dense<0xFF800000> : vector<128xf32>
    %reduce_max3A_2004 = vector.multi_reduction <maximumf>, %select_n3A_2002, %reduce_max3A_2003 [0] : vector<128x128xf32> to vector<128xf32>
    %broadcast_in_dim3A_2005 = vector.shape_cast %reduce_max3A_2004 : vector<128xf32> to vector<1x128xf32>
    %eq3A_2006 = vector.broadcast %broadcast_in_dim3A_2005 : vector<1x128xf32> to vector<128x128xf32>
    %eq3A_2007 = arith.cmpf oeq, %select_n3A_2002, %eq3A_2006 : vector<128x128xf32>
    %jit3A_2008 = arith.constant 1073741824 : i32
    %broadcast_in_dim3A_2009 = vector.broadcast %jit3A_2008 : i32 to vector<128x128xi32>
    %select_n3A_2010 = arith.select %eq3A_2007, %add3A_1930, %broadcast_in_dim3A_2009 : vector<128x128xi1>, vector<128x128xi32>
    %reduce_min3A_2011 = arith.constant dense<2147483647> : vector<128xi32>
    %reduce_min3A_2012 = vector.multi_reduction <minsi>, %select_n3A_2010, %reduce_min3A_2011 [0] : vector<128x128xi32> to vector<128xi32>
    %broadcast_in_dim3A_2013 = vector.shape_cast %reduce_min3A_2012 : vector<128xi32> to vector<1x128xi32>
    %eq3A_2014 = vector.broadcast %broadcast_in_dim3A_2013 : vector<1x128xi32> to vector<128x128xi32>
    %eq3A_2015 = arith.cmpi eq, %add3A_1930, %eq3A_2014 : vector<128x128xi32>
    %jit3A_2016 = arith.constant -1.000000e+09 : f32
    %broadcast_in_dim3A_2017 = vector.broadcast %jit3A_2016 : f32 to vector<128x128xf32>
    %select_n3A_2018 = arith.select %eq3A_2015, %broadcast_in_dim3A_2017, %select_n3A_2002 : vector<128x128xi1>, vector<128x128xf32>
    %reduce_max3A_2019 = arith.constant dense<0xFF800000> : vector<128xf32>
    %reduce_max3A_2020 = vector.multi_reduction <maximumf>, %select_n3A_2018, %reduce_max3A_2019 [0] : vector<128x128xf32> to vector<128xf32>
    %broadcast_in_dim3A_2021 = vector.shape_cast %reduce_max3A_2020 : vector<128xf32> to vector<1x128xf32>
    %eq3A_2022 = vector.broadcast %broadcast_in_dim3A_2021 : vector<1x128xf32> to vector<128x128xf32>
    %eq3A_2023 = arith.cmpf oeq, %select_n3A_2018, %eq3A_2022 : vector<128x128xf32>
    %jit3A_2024 = arith.constant 1073741824 : i32
    %broadcast_in_dim3A_2025 = vector.broadcast %jit3A_2024 : i32 to vector<128x128xi32>
    %select_n3A_2026 = arith.select %eq3A_2023, %add3A_1930, %broadcast_in_dim3A_2025 : vector<128x128xi1>, vector<128x128xi32>
    %reduce_min3A_2027 = arith.constant dense<2147483647> : vector<128xi32>
    %reduce_min3A_2028 = vector.multi_reduction <minsi>, %select_n3A_2026, %reduce_min3A_2027 [0] : vector<128x128xi32> to vector<128xi32>
    %broadcast_in_dim3A_2029 = vector.shape_cast %reduce_min3A_2028 : vector<128xi32> to vector<1x128xi32>
    %eq3A_2030 = vector.broadcast %broadcast_in_dim3A_2029 : vector<1x128xi32> to vector<128x128xi32>
    %eq3A_2031 = arith.cmpi eq, %add3A_1930, %eq3A_2030 : vector<128x128xi32>
    %jit3A_2032 = arith.constant -1.000000e+09 : f32
    %broadcast_in_dim3A_2033 = vector.broadcast %jit3A_2032 : f32 to vector<128x128xf32>
    %select_n3A_2034 = arith.select %eq3A_2031, %broadcast_in_dim3A_2033, %select_n3A_2018 : vector<128x128xi1>, vector<128x128xf32>
    %reduce_max3A_2035 = arith.constant dense<0xFF800000> : vector<128xf32>
    %reduce_max3A_2036 = vector.multi_reduction <maximumf>, %select_n3A_2034, %reduce_max3A_2035 [0] : vector<128x128xf32> to vector<128xf32>
    %broadcast_in_dim3A_2037 = vector.shape_cast %reduce_max3A_2036 : vector<128xf32> to vector<1x128xf32>
    %eq3A_2038 = vector.broadcast %broadcast_in_dim3A_2037 : vector<1x128xf32> to vector<128x128xf32>
    %eq3A_2039 = arith.cmpf oeq, %select_n3A_2034, %eq3A_2038 : vector<128x128xf32>
    %jit3A_2040 = arith.constant 1073741824 : i32
    %broadcast_in_dim3A_2041 = vector.broadcast %jit3A_2040 : i32 to vector<128x128xi32>
    %select_n3A_2042 = arith.select %eq3A_2039, %add3A_1930, %broadcast_in_dim3A_2041 : vector<128x128xi1>, vector<128x128xi32>
    %reduce_min3A_2043 = arith.constant dense<2147483647> : vector<128xi32>
    %reduce_min3A_2044 = vector.multi_reduction <minsi>, %select_n3A_2042, %reduce_min3A_2043 [0] : vector<128x128xi32> to vector<128xi32>
    %broadcast_in_dim3A_2045 = vector.shape_cast %reduce_min3A_2044 : vector<128xi32> to vector<1x128xi32>
    %eq3A_2046 = vector.broadcast %broadcast_in_dim3A_2045 : vector<1x128xi32> to vector<128x128xi32>
    %eq3A_2047 = arith.cmpi eq, %add3A_1930, %eq3A_2046 : vector<128x128xi32>
    %jit3A_2048 = arith.constant -1.000000e+09 : f32
    %broadcast_in_dim3A_2049 = vector.broadcast %jit3A_2048 : f32 to vector<128x128xf32>
    %select_n3A_2050 = arith.select %eq3A_2047, %broadcast_in_dim3A_2049, %select_n3A_2034 : vector<128x128xi1>, vector<128x128xf32>
    %reduce_max3A_2051 = arith.constant dense<0xFF800000> : vector<128xf32>
    %reduce_max3A_2052 = vector.multi_reduction <maximumf>, %select_n3A_2050, %reduce_max3A_2051 [0] : vector<128x128xf32> to vector<128xf32>
    %broadcast_in_dim3A_2053 = vector.shape_cast %reduce_max3A_2052 : vector<128xf32> to vector<1x128xf32>
    %eq3A_2054 = vector.broadcast %broadcast_in_dim3A_2053 : vector<1x128xf32> to vector<128x128xf32>
    %eq3A_2055 = arith.cmpf oeq, %select_n3A_2050, %eq3A_2054 : vector<128x128xf32>
    %jit3A_2056 = arith.constant 1073741824 : i32
    %broadcast_in_dim3A_2057 = vector.broadcast %jit3A_2056 : i32 to vector<128x128xi32>
    %select_n3A_2058 = arith.select %eq3A_2055, %add3A_1930, %broadcast_in_dim3A_2057 : vector<128x128xi1>, vector<128x128xi32>
    %reduce_min3A_2059 = arith.constant dense<2147483647> : vector<128xi32>
    %reduce_min3A_2060 = vector.multi_reduction <minsi>, %select_n3A_2058, %reduce_min3A_2059 [0] : vector<128x128xi32> to vector<128xi32>
    %broadcast_in_dim3A_2061 = vector.shape_cast %reduce_min3A_2060 : vector<128xi32> to vector<1x128xi32>
    %get3A_2062 = arith.constant 1536 : index
    %get3A_2063 = arith.constant 0 : index
    %get3A_2064 = vector.load %arg6[%get3A_2062, %get3A_2063] : memref<2560x128xf32, #tpu.memory_space<vmem>>, vector<128x128xf32>
    %get3A_2065 = arith.constant 1536 : index
    %get3A_2066 = arith.constant 0 : index
    %get3A_2067 = vector.load %arg7[%get3A_2065, %get3A_2066] : memref<2560x128xf32, #tpu.memory_space<vmem>>, vector<128x128xf32>
    %get3A_2068 = arith.constant 1536 : index
    %get3A_2069 = arith.constant 0 : index
    %get3A_2070 = vector.load %arg8[%get3A_2068, %get3A_2069] : memref<2560x128xf32, #tpu.memory_space<vmem>>, vector<128x128xf32>
    %get3A_2071 = arith.constant 1536 : index
    %get3A_2072 = arith.constant 0 : index
    %get3A_2073 = vector.load %arg9[%get3A_2071, %get3A_2072] : memref<2560x128xf32, #tpu.memory_space<vmem>>, vector<128x128xf32>
    %select_n3A_2074 = arith.select %eq3A_256, %get3A_2064, %get3A_2070 : vector<128x128xf32>
    %select_n3A_2075 = arith.select %eq3A_256, %get3A_2067, %get3A_2073 : vector<128x128xf32>
    %select_n3A_2076 = arith.select %lt3A_276, %select_n3A_2074, %select_n3A_2075 : vector<128x128xi1>, vector<128x128xf32>
    %add3A_2077 = arith.constant 1536 : i32
    %add3A_2078 = vector.broadcast %add3A_2077 : i32 to vector<128x128xi32>
    %add3A_2079 = arith.addi %iota3A_272, %add3A_2078 : vector<128x128xi32>
    %ge3A_2080 = vector.broadcast %select_n3A_263 : vector<1x128xi32> to vector<128x128xi32>
    %ge3A_2081 = arith.cmpi sge, %add3A_2079, %ge3A_2080 : vector<128x128xi32>
    %lt3A_2082 = vector.broadcast %select_n3A_268 : vector<1x128xi32> to vector<128x128xi32>
    %lt3A_2083 = arith.cmpi slt, %add3A_2079, %lt3A_2082 : vector<128x128xi32>
    %and3A_2084 = arith.andi %ge3A_2081, %lt3A_2083 : vector<128x128xi1>
    %jit3A_2085 = arith.constant -1.000000e+09 : f32
    %broadcast_in_dim3A_2086 = vector.broadcast %jit3A_2085 : f32 to vector<128x128xf32>
    %select_n3A_2087 = arith.select %and3A_2084, %select_n3A_2076, %broadcast_in_dim3A_2086 : vector<128x128xi1>, vector<128x128xf32>
    %reduce_max3A_2088 = arith.constant dense<0xFF800000> : vector<128xf32>
    %reduce_max3A_2089 = vector.multi_reduction <maximumf>, %select_n3A_2087, %reduce_max3A_2088 [0] : vector<128x128xf32> to vector<128xf32>
    %broadcast_in_dim3A_2090 = vector.shape_cast %reduce_max3A_2089 : vector<128xf32> to vector<1x128xf32>
    %eq3A_2091 = vector.broadcast %broadcast_in_dim3A_2090 : vector<1x128xf32> to vector<128x128xf32>
    %eq3A_2092 = arith.cmpf oeq, %select_n3A_2087, %eq3A_2091 : vector<128x128xf32>
    %jit3A_2093 = arith.constant 1073741824 : i32
    %broadcast_in_dim3A_2094 = vector.broadcast %jit3A_2093 : i32 to vector<128x128xi32>
    %select_n3A_2095 = arith.select %eq3A_2092, %add3A_2079, %broadcast_in_dim3A_2094 : vector<128x128xi1>, vector<128x128xi32>
    %reduce_min3A_2096 = arith.constant dense<2147483647> : vector<128xi32>
    %reduce_min3A_2097 = vector.multi_reduction <minsi>, %select_n3A_2095, %reduce_min3A_2096 [0] : vector<128x128xi32> to vector<128xi32>
    %broadcast_in_dim3A_2098 = vector.shape_cast %reduce_min3A_2097 : vector<128xi32> to vector<1x128xi32>
    %eq3A_2099 = vector.broadcast %broadcast_in_dim3A_2098 : vector<1x128xi32> to vector<128x128xi32>
    %eq3A_2100 = arith.cmpi eq, %add3A_2079, %eq3A_2099 : vector<128x128xi32>
    %jit3A_2101 = arith.constant -1.000000e+09 : f32
    %broadcast_in_dim3A_2102 = vector.broadcast %jit3A_2101 : f32 to vector<128x128xf32>
    %select_n3A_2103 = arith.select %eq3A_2100, %broadcast_in_dim3A_2102, %select_n3A_2087 : vector<128x128xi1>, vector<128x128xf32>
    %reduce_max3A_2104 = arith.constant dense<0xFF800000> : vector<128xf32>
    %reduce_max3A_2105 = vector.multi_reduction <maximumf>, %select_n3A_2103, %reduce_max3A_2104 [0] : vector<128x128xf32> to vector<128xf32>
    %broadcast_in_dim3A_2106 = vector.shape_cast %reduce_max3A_2105 : vector<128xf32> to vector<1x128xf32>
    %eq3A_2107 = vector.broadcast %broadcast_in_dim3A_2106 : vector<1x128xf32> to vector<128x128xf32>
    %eq3A_2108 = arith.cmpf oeq, %select_n3A_2103, %eq3A_2107 : vector<128x128xf32>
    %jit3A_2109 = arith.constant 1073741824 : i32
    %broadcast_in_dim3A_2110 = vector.broadcast %jit3A_2109 : i32 to vector<128x128xi32>
    %select_n3A_2111 = arith.select %eq3A_2108, %add3A_2079, %broadcast_in_dim3A_2110 : vector<128x128xi1>, vector<128x128xi32>
    %reduce_min3A_2112 = arith.constant dense<2147483647> : vector<128xi32>
    %reduce_min3A_2113 = vector.multi_reduction <minsi>, %select_n3A_2111, %reduce_min3A_2112 [0] : vector<128x128xi32> to vector<128xi32>
    %broadcast_in_dim3A_2114 = vector.shape_cast %reduce_min3A_2113 : vector<128xi32> to vector<1x128xi32>
    %eq3A_2115 = vector.broadcast %broadcast_in_dim3A_2114 : vector<1x128xi32> to vector<128x128xi32>
    %eq3A_2116 = arith.cmpi eq, %add3A_2079, %eq3A_2115 : vector<128x128xi32>
    %jit3A_2117 = arith.constant -1.000000e+09 : f32
    %broadcast_in_dim3A_2118 = vector.broadcast %jit3A_2117 : f32 to vector<128x128xf32>
    %select_n3A_2119 = arith.select %eq3A_2116, %broadcast_in_dim3A_2118, %select_n3A_2103 : vector<128x128xi1>, vector<128x128xf32>
    %reduce_max3A_2120 = arith.constant dense<0xFF800000> : vector<128xf32>
    %reduce_max3A_2121 = vector.multi_reduction <maximumf>, %select_n3A_2119, %reduce_max3A_2120 [0] : vector<128x128xf32> to vector<128xf32>
    %broadcast_in_dim3A_2122 = vector.shape_cast %reduce_max3A_2121 : vector<128xf32> to vector<1x128xf32>
    %eq3A_2123 = vector.broadcast %broadcast_in_dim3A_2122 : vector<1x128xf32> to vector<128x128xf32>
    %eq3A_2124 = arith.cmpf oeq, %select_n3A_2119, %eq3A_2123 : vector<128x128xf32>
    %jit3A_2125 = arith.constant 1073741824 : i32
    %broadcast_in_dim3A_2126 = vector.broadcast %jit3A_2125 : i32 to vector<128x128xi32>
    %select_n3A_2127 = arith.select %eq3A_2124, %add3A_2079, %broadcast_in_dim3A_2126 : vector<128x128xi1>, vector<128x128xi32>
    %reduce_min3A_2128 = arith.constant dense<2147483647> : vector<128xi32>
    %reduce_min3A_2129 = vector.multi_reduction <minsi>, %select_n3A_2127, %reduce_min3A_2128 [0] : vector<128x128xi32> to vector<128xi32>
    %broadcast_in_dim3A_2130 = vector.shape_cast %reduce_min3A_2129 : vector<128xi32> to vector<1x128xi32>
    %eq3A_2131 = vector.broadcast %broadcast_in_dim3A_2130 : vector<1x128xi32> to vector<128x128xi32>
    %eq3A_2132 = arith.cmpi eq, %add3A_2079, %eq3A_2131 : vector<128x128xi32>
    %jit3A_2133 = arith.constant -1.000000e+09 : f32
    %broadcast_in_dim3A_2134 = vector.broadcast %jit3A_2133 : f32 to vector<128x128xf32>
    %select_n3A_2135 = arith.select %eq3A_2132, %broadcast_in_dim3A_2134, %select_n3A_2119 : vector<128x128xi1>, vector<128x128xf32>
    %reduce_max3A_2136 = arith.constant dense<0xFF800000> : vector<128xf32>
    %reduce_max3A_2137 = vector.multi_reduction <maximumf>, %select_n3A_2135, %reduce_max3A_2136 [0] : vector<128x128xf32> to vector<128xf32>
    %broadcast_in_dim3A_2138 = vector.shape_cast %reduce_max3A_2137 : vector<128xf32> to vector<1x128xf32>
    %eq3A_2139 = vector.broadcast %broadcast_in_dim3A_2138 : vector<1x128xf32> to vector<128x128xf32>
    %eq3A_2140 = arith.cmpf oeq, %select_n3A_2135, %eq3A_2139 : vector<128x128xf32>
    %jit3A_2141 = arith.constant 1073741824 : i32
    %broadcast_in_dim3A_2142 = vector.broadcast %jit3A_2141 : i32 to vector<128x128xi32>
    %select_n3A_2143 = arith.select %eq3A_2140, %add3A_2079, %broadcast_in_dim3A_2142 : vector<128x128xi1>, vector<128x128xi32>
    %reduce_min3A_2144 = arith.constant dense<2147483647> : vector<128xi32>
    %reduce_min3A_2145 = vector.multi_reduction <minsi>, %select_n3A_2143, %reduce_min3A_2144 [0] : vector<128x128xi32> to vector<128xi32>
    %broadcast_in_dim3A_2146 = vector.shape_cast %reduce_min3A_2145 : vector<128xi32> to vector<1x128xi32>
    %eq3A_2147 = vector.broadcast %broadcast_in_dim3A_2146 : vector<1x128xi32> to vector<128x128xi32>
    %eq3A_2148 = arith.cmpi eq, %add3A_2079, %eq3A_2147 : vector<128x128xi32>
    %jit3A_2149 = arith.constant -1.000000e+09 : f32
    %broadcast_in_dim3A_2150 = vector.broadcast %jit3A_2149 : f32 to vector<128x128xf32>
    %select_n3A_2151 = arith.select %eq3A_2148, %broadcast_in_dim3A_2150, %select_n3A_2135 : vector<128x128xi1>, vector<128x128xf32>
    %reduce_max3A_2152 = arith.constant dense<0xFF800000> : vector<128xf32>
    %reduce_max3A_2153 = vector.multi_reduction <maximumf>, %select_n3A_2151, %reduce_max3A_2152 [0] : vector<128x128xf32> to vector<128xf32>
    %broadcast_in_dim3A_2154 = vector.shape_cast %reduce_max3A_2153 : vector<128xf32> to vector<1x128xf32>
    %eq3A_2155 = vector.broadcast %broadcast_in_dim3A_2154 : vector<1x128xf32> to vector<128x128xf32>
    %eq3A_2156 = arith.cmpf oeq, %select_n3A_2151, %eq3A_2155 : vector<128x128xf32>
    %jit3A_2157 = arith.constant 1073741824 : i32
    %broadcast_in_dim3A_2158 = vector.broadcast %jit3A_2157 : i32 to vector<128x128xi32>
    %select_n3A_2159 = arith.select %eq3A_2156, %add3A_2079, %broadcast_in_dim3A_2158 : vector<128x128xi1>, vector<128x128xi32>
    %reduce_min3A_2160 = arith.constant dense<2147483647> : vector<128xi32>
    %reduce_min3A_2161 = vector.multi_reduction <minsi>, %select_n3A_2159, %reduce_min3A_2160 [0] : vector<128x128xi32> to vector<128xi32>
    %broadcast_in_dim3A_2162 = vector.shape_cast %reduce_min3A_2161 : vector<128xi32> to vector<1x128xi32>
    %eq3A_2163 = vector.broadcast %broadcast_in_dim3A_2162 : vector<1x128xi32> to vector<128x128xi32>
    %eq3A_2164 = arith.cmpi eq, %add3A_2079, %eq3A_2163 : vector<128x128xi32>
    %jit3A_2165 = arith.constant -1.000000e+09 : f32
    %broadcast_in_dim3A_2166 = vector.broadcast %jit3A_2165 : f32 to vector<128x128xf32>
    %select_n3A_2167 = arith.select %eq3A_2164, %broadcast_in_dim3A_2166, %select_n3A_2151 : vector<128x128xi1>, vector<128x128xf32>
    %reduce_max3A_2168 = arith.constant dense<0xFF800000> : vector<128xf32>
    %reduce_max3A_2169 = vector.multi_reduction <maximumf>, %select_n3A_2167, %reduce_max3A_2168 [0] : vector<128x128xf32> to vector<128xf32>
    %broadcast_in_dim3A_2170 = vector.shape_cast %reduce_max3A_2169 : vector<128xf32> to vector<1x128xf32>
    %eq3A_2171 = vector.broadcast %broadcast_in_dim3A_2170 : vector<1x128xf32> to vector<128x128xf32>
    %eq3A_2172 = arith.cmpf oeq, %select_n3A_2167, %eq3A_2171 : vector<128x128xf32>
    %jit3A_2173 = arith.constant 1073741824 : i32
    %broadcast_in_dim3A_2174 = vector.broadcast %jit3A_2173 : i32 to vector<128x128xi32>
    %select_n3A_2175 = arith.select %eq3A_2172, %add3A_2079, %broadcast_in_dim3A_2174 : vector<128x128xi1>, vector<128x128xi32>
    %reduce_min3A_2176 = arith.constant dense<2147483647> : vector<128xi32>
    %reduce_min3A_2177 = vector.multi_reduction <minsi>, %select_n3A_2175, %reduce_min3A_2176 [0] : vector<128x128xi32> to vector<128xi32>
    %broadcast_in_dim3A_2178 = vector.shape_cast %reduce_min3A_2177 : vector<128xi32> to vector<1x128xi32>
    %eq3A_2179 = vector.broadcast %broadcast_in_dim3A_2178 : vector<1x128xi32> to vector<128x128xi32>
    %eq3A_2180 = arith.cmpi eq, %add3A_2079, %eq3A_2179 : vector<128x128xi32>
    %jit3A_2181 = arith.constant -1.000000e+09 : f32
    %broadcast_in_dim3A_2182 = vector.broadcast %jit3A_2181 : f32 to vector<128x128xf32>
    %select_n3A_2183 = arith.select %eq3A_2180, %broadcast_in_dim3A_2182, %select_n3A_2167 : vector<128x128xi1>, vector<128x128xf32>
    %reduce_max3A_2184 = arith.constant dense<0xFF800000> : vector<128xf32>
    %reduce_max3A_2185 = vector.multi_reduction <maximumf>, %select_n3A_2183, %reduce_max3A_2184 [0] : vector<128x128xf32> to vector<128xf32>
    %broadcast_in_dim3A_2186 = vector.shape_cast %reduce_max3A_2185 : vector<128xf32> to vector<1x128xf32>
    %eq3A_2187 = vector.broadcast %broadcast_in_dim3A_2186 : vector<1x128xf32> to vector<128x128xf32>
    %eq3A_2188 = arith.cmpf oeq, %select_n3A_2183, %eq3A_2187 : vector<128x128xf32>
    %jit3A_2189 = arith.constant 1073741824 : i32
    %broadcast_in_dim3A_2190 = vector.broadcast %jit3A_2189 : i32 to vector<128x128xi32>
    %select_n3A_2191 = arith.select %eq3A_2188, %add3A_2079, %broadcast_in_dim3A_2190 : vector<128x128xi1>, vector<128x128xi32>
    %reduce_min3A_2192 = arith.constant dense<2147483647> : vector<128xi32>
    %reduce_min3A_2193 = vector.multi_reduction <minsi>, %select_n3A_2191, %reduce_min3A_2192 [0] : vector<128x128xi32> to vector<128xi32>
    %broadcast_in_dim3A_2194 = vector.shape_cast %reduce_min3A_2193 : vector<128xi32> to vector<1x128xi32>
    %eq3A_2195 = vector.broadcast %broadcast_in_dim3A_2194 : vector<1x128xi32> to vector<128x128xi32>
    %eq3A_2196 = arith.cmpi eq, %add3A_2079, %eq3A_2195 : vector<128x128xi32>
    %jit3A_2197 = arith.constant -1.000000e+09 : f32
    %broadcast_in_dim3A_2198 = vector.broadcast %jit3A_2197 : f32 to vector<128x128xf32>
    %select_n3A_2199 = arith.select %eq3A_2196, %broadcast_in_dim3A_2198, %select_n3A_2183 : vector<128x128xi1>, vector<128x128xf32>
    %reduce_max3A_2200 = arith.constant dense<0xFF800000> : vector<128xf32>
    %reduce_max3A_2201 = vector.multi_reduction <maximumf>, %select_n3A_2199, %reduce_max3A_2200 [0] : vector<128x128xf32> to vector<128xf32>
    %broadcast_in_dim3A_2202 = vector.shape_cast %reduce_max3A_2201 : vector<128xf32> to vector<1x128xf32>
    %eq3A_2203 = vector.broadcast %broadcast_in_dim3A_2202 : vector<1x128xf32> to vector<128x128xf32>
    %eq3A_2204 = arith.cmpf oeq, %select_n3A_2199, %eq3A_2203 : vector<128x128xf32>
    %jit3A_2205 = arith.constant 1073741824 : i32
    %broadcast_in_dim3A_2206 = vector.broadcast %jit3A_2205 : i32 to vector<128x128xi32>
    %select_n3A_2207 = arith.select %eq3A_2204, %add3A_2079, %broadcast_in_dim3A_2206 : vector<128x128xi1>, vector<128x128xi32>
    %reduce_min3A_2208 = arith.constant dense<2147483647> : vector<128xi32>
    %reduce_min3A_2209 = vector.multi_reduction <minsi>, %select_n3A_2207, %reduce_min3A_2208 [0] : vector<128x128xi32> to vector<128xi32>
    %broadcast_in_dim3A_2210 = vector.shape_cast %reduce_min3A_2209 : vector<128xi32> to vector<1x128xi32>
    %get3A_2211 = arith.constant 1664 : index
    %get3A_2212 = arith.constant 0 : index
    %get3A_2213 = vector.load %arg6[%get3A_2211, %get3A_2212] : memref<2560x128xf32, #tpu.memory_space<vmem>>, vector<128x128xf32>
    %get3A_2214 = arith.constant 1664 : index
    %get3A_2215 = arith.constant 0 : index
    %get3A_2216 = vector.load %arg7[%get3A_2214, %get3A_2215] : memref<2560x128xf32, #tpu.memory_space<vmem>>, vector<128x128xf32>
    %get3A_2217 = arith.constant 1664 : index
    %get3A_2218 = arith.constant 0 : index
    %get3A_2219 = vector.load %arg8[%get3A_2217, %get3A_2218] : memref<2560x128xf32, #tpu.memory_space<vmem>>, vector<128x128xf32>
    %get3A_2220 = arith.constant 1664 : index
    %get3A_2221 = arith.constant 0 : index
    %get3A_2222 = vector.load %arg9[%get3A_2220, %get3A_2221] : memref<2560x128xf32, #tpu.memory_space<vmem>>, vector<128x128xf32>
    %select_n3A_2223 = arith.select %eq3A_256, %get3A_2213, %get3A_2219 : vector<128x128xf32>
    %select_n3A_2224 = arith.select %eq3A_256, %get3A_2216, %get3A_2222 : vector<128x128xf32>
    %select_n3A_2225 = arith.select %lt3A_276, %select_n3A_2223, %select_n3A_2224 : vector<128x128xi1>, vector<128x128xf32>
    %add3A_2226 = arith.constant 1664 : i32
    %add3A_2227 = vector.broadcast %add3A_2226 : i32 to vector<128x128xi32>
    %add3A_2228 = arith.addi %iota3A_272, %add3A_2227 : vector<128x128xi32>
    %ge3A_2229 = vector.broadcast %select_n3A_263 : vector<1x128xi32> to vector<128x128xi32>
    %ge3A_2230 = arith.cmpi sge, %add3A_2228, %ge3A_2229 : vector<128x128xi32>
    %lt3A_2231 = vector.broadcast %select_n3A_268 : vector<1x128xi32> to vector<128x128xi32>
    %lt3A_2232 = arith.cmpi slt, %add3A_2228, %lt3A_2231 : vector<128x128xi32>
    %and3A_2233 = arith.andi %ge3A_2230, %lt3A_2232 : vector<128x128xi1>
    %jit3A_2234 = arith.constant -1.000000e+09 : f32
    %broadcast_in_dim3A_2235 = vector.broadcast %jit3A_2234 : f32 to vector<128x128xf32>
    %select_n3A_2236 = arith.select %and3A_2233, %select_n3A_2225, %broadcast_in_dim3A_2235 : vector<128x128xi1>, vector<128x128xf32>
    %reduce_max3A_2237 = arith.constant dense<0xFF800000> : vector<128xf32>
    %reduce_max3A_2238 = vector.multi_reduction <maximumf>, %select_n3A_2236, %reduce_max3A_2237 [0] : vector<128x128xf32> to vector<128xf32>
    %broadcast_in_dim3A_2239 = vector.shape_cast %reduce_max3A_2238 : vector<128xf32> to vector<1x128xf32>
    %eq3A_2240 = vector.broadcast %broadcast_in_dim3A_2239 : vector<1x128xf32> to vector<128x128xf32>
    %eq3A_2241 = arith.cmpf oeq, %select_n3A_2236, %eq3A_2240 : vector<128x128xf32>
    %jit3A_2242 = arith.constant 1073741824 : i32
    %broadcast_in_dim3A_2243 = vector.broadcast %jit3A_2242 : i32 to vector<128x128xi32>
    %select_n3A_2244 = arith.select %eq3A_2241, %add3A_2228, %broadcast_in_dim3A_2243 : vector<128x128xi1>, vector<128x128xi32>
    %reduce_min3A_2245 = arith.constant dense<2147483647> : vector<128xi32>
    %reduce_min3A_2246 = vector.multi_reduction <minsi>, %select_n3A_2244, %reduce_min3A_2245 [0] : vector<128x128xi32> to vector<128xi32>
    %broadcast_in_dim3A_2247 = vector.shape_cast %reduce_min3A_2246 : vector<128xi32> to vector<1x128xi32>
    %eq3A_2248 = vector.broadcast %broadcast_in_dim3A_2247 : vector<1x128xi32> to vector<128x128xi32>
    %eq3A_2249 = arith.cmpi eq, %add3A_2228, %eq3A_2248 : vector<128x128xi32>
    %jit3A_2250 = arith.constant -1.000000e+09 : f32
    %broadcast_in_dim3A_2251 = vector.broadcast %jit3A_2250 : f32 to vector<128x128xf32>
    %select_n3A_2252 = arith.select %eq3A_2249, %broadcast_in_dim3A_2251, %select_n3A_2236 : vector<128x128xi1>, vector<128x128xf32>
    %reduce_max3A_2253 = arith.constant dense<0xFF800000> : vector<128xf32>
    %reduce_max3A_2254 = vector.multi_reduction <maximumf>, %select_n3A_2252, %reduce_max3A_2253 [0] : vector<128x128xf32> to vector<128xf32>
    %broadcast_in_dim3A_2255 = vector.shape_cast %reduce_max3A_2254 : vector<128xf32> to vector<1x128xf32>
    %eq3A_2256 = vector.broadcast %broadcast_in_dim3A_2255 : vector<1x128xf32> to vector<128x128xf32>
    %eq3A_2257 = arith.cmpf oeq, %select_n3A_2252, %eq3A_2256 : vector<128x128xf32>
    %jit3A_2258 = arith.constant 1073741824 : i32
    %broadcast_in_dim3A_2259 = vector.broadcast %jit3A_2258 : i32 to vector<128x128xi32>
    %select_n3A_2260 = arith.select %eq3A_2257, %add3A_2228, %broadcast_in_dim3A_2259 : vector<128x128xi1>, vector<128x128xi32>
    %reduce_min3A_2261 = arith.constant dense<2147483647> : vector<128xi32>
    %reduce_min3A_2262 = vector.multi_reduction <minsi>, %select_n3A_2260, %reduce_min3A_2261 [0] : vector<128x128xi32> to vector<128xi32>
    %broadcast_in_dim3A_2263 = vector.shape_cast %reduce_min3A_2262 : vector<128xi32> to vector<1x128xi32>
    %eq3A_2264 = vector.broadcast %broadcast_in_dim3A_2263 : vector<1x128xi32> to vector<128x128xi32>
    %eq3A_2265 = arith.cmpi eq, %add3A_2228, %eq3A_2264 : vector<128x128xi32>
    %jit3A_2266 = arith.constant -1.000000e+09 : f32
    %broadcast_in_dim3A_2267 = vector.broadcast %jit3A_2266 : f32 to vector<128x128xf32>
    %select_n3A_2268 = arith.select %eq3A_2265, %broadcast_in_dim3A_2267, %select_n3A_2252 : vector<128x128xi1>, vector<128x128xf32>
    %reduce_max3A_2269 = arith.constant dense<0xFF800000> : vector<128xf32>
    %reduce_max3A_2270 = vector.multi_reduction <maximumf>, %select_n3A_2268, %reduce_max3A_2269 [0] : vector<128x128xf32> to vector<128xf32>
    %broadcast_in_dim3A_2271 = vector.shape_cast %reduce_max3A_2270 : vector<128xf32> to vector<1x128xf32>
    %eq3A_2272 = vector.broadcast %broadcast_in_dim3A_2271 : vector<1x128xf32> to vector<128x128xf32>
    %eq3A_2273 = arith.cmpf oeq, %select_n3A_2268, %eq3A_2272 : vector<128x128xf32>
    %jit3A_2274 = arith.constant 1073741824 : i32
    %broadcast_in_dim3A_2275 = vector.broadcast %jit3A_2274 : i32 to vector<128x128xi32>
    %select_n3A_2276 = arith.select %eq3A_2273, %add3A_2228, %broadcast_in_dim3A_2275 : vector<128x128xi1>, vector<128x128xi32>
    %reduce_min3A_2277 = arith.constant dense<2147483647> : vector<128xi32>
    %reduce_min3A_2278 = vector.multi_reduction <minsi>, %select_n3A_2276, %reduce_min3A_2277 [0] : vector<128x128xi32> to vector<128xi32>
    %broadcast_in_dim3A_2279 = vector.shape_cast %reduce_min3A_2278 : vector<128xi32> to vector<1x128xi32>
    %eq3A_2280 = vector.broadcast %broadcast_in_dim3A_2279 : vector<1x128xi32> to vector<128x128xi32>
    %eq3A_2281 = arith.cmpi eq, %add3A_2228, %eq3A_2280 : vector<128x128xi32>
    %jit3A_2282 = arith.constant -1.000000e+09 : f32
    %broadcast_in_dim3A_2283 = vector.broadcast %jit3A_2282 : f32 to vector<128x128xf32>
    %select_n3A_2284 = arith.select %eq3A_2281, %broadcast_in_dim3A_2283, %select_n3A_2268 : vector<128x128xi1>, vector<128x128xf32>
    %reduce_max3A_2285 = arith.constant dense<0xFF800000> : vector<128xf32>
    %reduce_max3A_2286 = vector.multi_reduction <maximumf>, %select_n3A_2284, %reduce_max3A_2285 [0] : vector<128x128xf32> to vector<128xf32>
    %broadcast_in_dim3A_2287 = vector.shape_cast %reduce_max3A_2286 : vector<128xf32> to vector<1x128xf32>
    %eq3A_2288 = vector.broadcast %broadcast_in_dim3A_2287 : vector<1x128xf32> to vector<128x128xf32>
    %eq3A_2289 = arith.cmpf oeq, %select_n3A_2284, %eq3A_2288 : vector<128x128xf32>
    %jit3A_2290 = arith.constant 1073741824 : i32
    %broadcast_in_dim3A_2291 = vector.broadcast %jit3A_2290 : i32 to vector<128x128xi32>
    %select_n3A_2292 = arith.select %eq3A_2289, %add3A_2228, %broadcast_in_dim3A_2291 : vector<128x128xi1>, vector<128x128xi32>
    %reduce_min3A_2293 = arith.constant dense<2147483647> : vector<128xi32>
    %reduce_min3A_2294 = vector.multi_reduction <minsi>, %select_n3A_2292, %reduce_min3A_2293 [0] : vector<128x128xi32> to vector<128xi32>
    %broadcast_in_dim3A_2295 = vector.shape_cast %reduce_min3A_2294 : vector<128xi32> to vector<1x128xi32>
    %eq3A_2296 = vector.broadcast %broadcast_in_dim3A_2295 : vector<1x128xi32> to vector<128x128xi32>
    %eq3A_2297 = arith.cmpi eq, %add3A_2228, %eq3A_2296 : vector<128x128xi32>
    %jit3A_2298 = arith.constant -1.000000e+09 : f32
    %broadcast_in_dim3A_2299 = vector.broadcast %jit3A_2298 : f32 to vector<128x128xf32>
    %select_n3A_2300 = arith.select %eq3A_2297, %broadcast_in_dim3A_2299, %select_n3A_2284 : vector<128x128xi1>, vector<128x128xf32>
    %reduce_max3A_2301 = arith.constant dense<0xFF800000> : vector<128xf32>
    %reduce_max3A_2302 = vector.multi_reduction <maximumf>, %select_n3A_2300, %reduce_max3A_2301 [0] : vector<128x128xf32> to vector<128xf32>
    %broadcast_in_dim3A_2303 = vector.shape_cast %reduce_max3A_2302 : vector<128xf32> to vector<1x128xf32>
    %eq3A_2304 = vector.broadcast %broadcast_in_dim3A_2303 : vector<1x128xf32> to vector<128x128xf32>
    %eq3A_2305 = arith.cmpf oeq, %select_n3A_2300, %eq3A_2304 : vector<128x128xf32>
    %jit3A_2306 = arith.constant 1073741824 : i32
    %broadcast_in_dim3A_2307 = vector.broadcast %jit3A_2306 : i32 to vector<128x128xi32>
    %select_n3A_2308 = arith.select %eq3A_2305, %add3A_2228, %broadcast_in_dim3A_2307 : vector<128x128xi1>, vector<128x128xi32>
    %reduce_min3A_2309 = arith.constant dense<2147483647> : vector<128xi32>
    %reduce_min3A_2310 = vector.multi_reduction <minsi>, %select_n3A_2308, %reduce_min3A_2309 [0] : vector<128x128xi32> to vector<128xi32>
    %broadcast_in_dim3A_2311 = vector.shape_cast %reduce_min3A_2310 : vector<128xi32> to vector<1x128xi32>
    %eq3A_2312 = vector.broadcast %broadcast_in_dim3A_2311 : vector<1x128xi32> to vector<128x128xi32>
    %eq3A_2313 = arith.cmpi eq, %add3A_2228, %eq3A_2312 : vector<128x128xi32>
    %jit3A_2314 = arith.constant -1.000000e+09 : f32
    %broadcast_in_dim3A_2315 = vector.broadcast %jit3A_2314 : f32 to vector<128x128xf32>
    %select_n3A_2316 = arith.select %eq3A_2313, %broadcast_in_dim3A_2315, %select_n3A_2300 : vector<128x128xi1>, vector<128x128xf32>
    %reduce_max3A_2317 = arith.constant dense<0xFF800000> : vector<128xf32>
    %reduce_max3A_2318 = vector.multi_reduction <maximumf>, %select_n3A_2316, %reduce_max3A_2317 [0] : vector<128x128xf32> to vector<128xf32>
    %broadcast_in_dim3A_2319 = vector.shape_cast %reduce_max3A_2318 : vector<128xf32> to vector<1x128xf32>
    %eq3A_2320 = vector.broadcast %broadcast_in_dim3A_2319 : vector<1x128xf32> to vector<128x128xf32>
    %eq3A_2321 = arith.cmpf oeq, %select_n3A_2316, %eq3A_2320 : vector<128x128xf32>
    %jit3A_2322 = arith.constant 1073741824 : i32
    %broadcast_in_dim3A_2323 = vector.broadcast %jit3A_2322 : i32 to vector<128x128xi32>
    %select_n3A_2324 = arith.select %eq3A_2321, %add3A_2228, %broadcast_in_dim3A_2323 : vector<128x128xi1>, vector<128x128xi32>
    %reduce_min3A_2325 = arith.constant dense<2147483647> : vector<128xi32>
    %reduce_min3A_2326 = vector.multi_reduction <minsi>, %select_n3A_2324, %reduce_min3A_2325 [0] : vector<128x128xi32> to vector<128xi32>
    %broadcast_in_dim3A_2327 = vector.shape_cast %reduce_min3A_2326 : vector<128xi32> to vector<1x128xi32>
    %eq3A_2328 = vector.broadcast %broadcast_in_dim3A_2327 : vector<1x128xi32> to vector<128x128xi32>
    %eq3A_2329 = arith.cmpi eq, %add3A_2228, %eq3A_2328 : vector<128x128xi32>
    %jit3A_2330 = arith.constant -1.000000e+09 : f32
    %broadcast_in_dim3A_2331 = vector.broadcast %jit3A_2330 : f32 to vector<128x128xf32>
    %select_n3A_2332 = arith.select %eq3A_2329, %broadcast_in_dim3A_2331, %select_n3A_2316 : vector<128x128xi1>, vector<128x128xf32>
    %reduce_max3A_2333 = arith.constant dense<0xFF800000> : vector<128xf32>
    %reduce_max3A_2334 = vector.multi_reduction <maximumf>, %select_n3A_2332, %reduce_max3A_2333 [0] : vector<128x128xf32> to vector<128xf32>
    %broadcast_in_dim3A_2335 = vector.shape_cast %reduce_max3A_2334 : vector<128xf32> to vector<1x128xf32>
    %eq3A_2336 = vector.broadcast %broadcast_in_dim3A_2335 : vector<1x128xf32> to vector<128x128xf32>
    %eq3A_2337 = arith.cmpf oeq, %select_n3A_2332, %eq3A_2336 : vector<128x128xf32>
    %jit3A_2338 = arith.constant 1073741824 : i32
    %broadcast_in_dim3A_2339 = vector.broadcast %jit3A_2338 : i32 to vector<128x128xi32>
    %select_n3A_2340 = arith.select %eq3A_2337, %add3A_2228, %broadcast_in_dim3A_2339 : vector<128x128xi1>, vector<128x128xi32>
    %reduce_min3A_2341 = arith.constant dense<2147483647> : vector<128xi32>
    %reduce_min3A_2342 = vector.multi_reduction <minsi>, %select_n3A_2340, %reduce_min3A_2341 [0] : vector<128x128xi32> to vector<128xi32>
    %broadcast_in_dim3A_2343 = vector.shape_cast %reduce_min3A_2342 : vector<128xi32> to vector<1x128xi32>
    %eq3A_2344 = vector.broadcast %broadcast_in_dim3A_2343 : vector<1x128xi32> to vector<128x128xi32>
    %eq3A_2345 = arith.cmpi eq, %add3A_2228, %eq3A_2344 : vector<128x128xi32>
    %jit3A_2346 = arith.constant -1.000000e+09 : f32
    %broadcast_in_dim3A_2347 = vector.broadcast %jit3A_2346 : f32 to vector<128x128xf32>
    %select_n3A_2348 = arith.select %eq3A_2345, %broadcast_in_dim3A_2347, %select_n3A_2332 : vector<128x128xi1>, vector<128x128xf32>
    %reduce_max3A_2349 = arith.constant dense<0xFF800000> : vector<128xf32>
    %reduce_max3A_2350 = vector.multi_reduction <maximumf>, %select_n3A_2348, %reduce_max3A_2349 [0] : vector<128x128xf32> to vector<128xf32>
    %broadcast_in_dim3A_2351 = vector.shape_cast %reduce_max3A_2350 : vector<128xf32> to vector<1x128xf32>
    %eq3A_2352 = vector.broadcast %broadcast_in_dim3A_2351 : vector<1x128xf32> to vector<128x128xf32>
    %eq3A_2353 = arith.cmpf oeq, %select_n3A_2348, %eq3A_2352 : vector<128x128xf32>
    %jit3A_2354 = arith.constant 1073741824 : i32
    %broadcast_in_dim3A_2355 = vector.broadcast %jit3A_2354 : i32 to vector<128x128xi32>
    %select_n3A_2356 = arith.select %eq3A_2353, %add3A_2228, %broadcast_in_dim3A_2355 : vector<128x128xi1>, vector<128x128xi32>
    %reduce_min3A_2357 = arith.constant dense<2147483647> : vector<128xi32>
    %reduce_min3A_2358 = vector.multi_reduction <minsi>, %select_n3A_2356, %reduce_min3A_2357 [0] : vector<128x128xi32> to vector<128xi32>
    %broadcast_in_dim3A_2359 = vector.shape_cast %reduce_min3A_2358 : vector<128xi32> to vector<1x128xi32>
    %get3A_2360 = arith.constant 1792 : index
    %get3A_2361 = arith.constant 0 : index
    %get3A_2362 = vector.load %arg6[%get3A_2360, %get3A_2361] : memref<2560x128xf32, #tpu.memory_space<vmem>>, vector<128x128xf32>
    %get3A_2363 = arith.constant 1792 : index
    %get3A_2364 = arith.constant 0 : index
    %get3A_2365 = vector.load %arg7[%get3A_2363, %get3A_2364] : memref<2560x128xf32, #tpu.memory_space<vmem>>, vector<128x128xf32>
    %get3A_2366 = arith.constant 1792 : index
    %get3A_2367 = arith.constant 0 : index
    %get3A_2368 = vector.load %arg8[%get3A_2366, %get3A_2367] : memref<2560x128xf32, #tpu.memory_space<vmem>>, vector<128x128xf32>
    %get3A_2369 = arith.constant 1792 : index
    %get3A_2370 = arith.constant 0 : index
    %get3A_2371 = vector.load %arg9[%get3A_2369, %get3A_2370] : memref<2560x128xf32, #tpu.memory_space<vmem>>, vector<128x128xf32>
    %select_n3A_2372 = arith.select %eq3A_256, %get3A_2362, %get3A_2368 : vector<128x128xf32>
    %select_n3A_2373 = arith.select %eq3A_256, %get3A_2365, %get3A_2371 : vector<128x128xf32>
    %select_n3A_2374 = arith.select %lt3A_276, %select_n3A_2372, %select_n3A_2373 : vector<128x128xi1>, vector<128x128xf32>
    %add3A_2375 = arith.constant 1792 : i32
    %add3A_2376 = vector.broadcast %add3A_2375 : i32 to vector<128x128xi32>
    %add3A_2377 = arith.addi %iota3A_272, %add3A_2376 : vector<128x128xi32>
    %ge3A_2378 = vector.broadcast %select_n3A_263 : vector<1x128xi32> to vector<128x128xi32>
    %ge3A_2379 = arith.cmpi sge, %add3A_2377, %ge3A_2378 : vector<128x128xi32>
    %lt3A_2380 = vector.broadcast %select_n3A_268 : vector<1x128xi32> to vector<128x128xi32>
    %lt3A_2381 = arith.cmpi slt, %add3A_2377, %lt3A_2380 : vector<128x128xi32>
    %and3A_2382 = arith.andi %ge3A_2379, %lt3A_2381 : vector<128x128xi1>
    %jit3A_2383 = arith.constant -1.000000e+09 : f32
    %broadcast_in_dim3A_2384 = vector.broadcast %jit3A_2383 : f32 to vector<128x128xf32>
    %select_n3A_2385 = arith.select %and3A_2382, %select_n3A_2374, %broadcast_in_dim3A_2384 : vector<128x128xi1>, vector<128x128xf32>
    %reduce_max3A_2386 = arith.constant dense<0xFF800000> : vector<128xf32>
    %reduce_max3A_2387 = vector.multi_reduction <maximumf>, %select_n3A_2385, %reduce_max3A_2386 [0] : vector<128x128xf32> to vector<128xf32>
    %broadcast_in_dim3A_2388 = vector.shape_cast %reduce_max3A_2387 : vector<128xf32> to vector<1x128xf32>
    %eq3A_2389 = vector.broadcast %broadcast_in_dim3A_2388 : vector<1x128xf32> to vector<128x128xf32>
    %eq3A_2390 = arith.cmpf oeq, %select_n3A_2385, %eq3A_2389 : vector<128x128xf32>
    %jit3A_2391 = arith.constant 1073741824 : i32
    %broadcast_in_dim3A_2392 = vector.broadcast %jit3A_2391 : i32 to vector<128x128xi32>
    %select_n3A_2393 = arith.select %eq3A_2390, %add3A_2377, %broadcast_in_dim3A_2392 : vector<128x128xi1>, vector<128x128xi32>
    %reduce_min3A_2394 = arith.constant dense<2147483647> : vector<128xi32>
    %reduce_min3A_2395 = vector.multi_reduction <minsi>, %select_n3A_2393, %reduce_min3A_2394 [0] : vector<128x128xi32> to vector<128xi32>
    %broadcast_in_dim3A_2396 = vector.shape_cast %reduce_min3A_2395 : vector<128xi32> to vector<1x128xi32>
    %eq3A_2397 = vector.broadcast %broadcast_in_dim3A_2396 : vector<1x128xi32> to vector<128x128xi32>
    %eq3A_2398 = arith.cmpi eq, %add3A_2377, %eq3A_2397 : vector<128x128xi32>
    %jit3A_2399 = arith.constant -1.000000e+09 : f32
    %broadcast_in_dim3A_2400 = vector.broadcast %jit3A_2399 : f32 to vector<128x128xf32>
    %select_n3A_2401 = arith.select %eq3A_2398, %broadcast_in_dim3A_2400, %select_n3A_2385 : vector<128x128xi1>, vector<128x128xf32>
    %reduce_max3A_2402 = arith.constant dense<0xFF800000> : vector<128xf32>
    %reduce_max3A_2403 = vector.multi_reduction <maximumf>, %select_n3A_2401, %reduce_max3A_2402 [0] : vector<128x128xf32> to vector<128xf32>
    %broadcast_in_dim3A_2404 = vector.shape_cast %reduce_max3A_2403 : vector<128xf32> to vector<1x128xf32>
    %eq3A_2405 = vector.broadcast %broadcast_in_dim3A_2404 : vector<1x128xf32> to vector<128x128xf32>
    %eq3A_2406 = arith.cmpf oeq, %select_n3A_2401, %eq3A_2405 : vector<128x128xf32>
    %jit3A_2407 = arith.constant 1073741824 : i32
    %broadcast_in_dim3A_2408 = vector.broadcast %jit3A_2407 : i32 to vector<128x128xi32>
    %select_n3A_2409 = arith.select %eq3A_2406, %add3A_2377, %broadcast_in_dim3A_2408 : vector<128x128xi1>, vector<128x128xi32>
    %reduce_min3A_2410 = arith.constant dense<2147483647> : vector<128xi32>
    %reduce_min3A_2411 = vector.multi_reduction <minsi>, %select_n3A_2409, %reduce_min3A_2410 [0] : vector<128x128xi32> to vector<128xi32>
    %broadcast_in_dim3A_2412 = vector.shape_cast %reduce_min3A_2411 : vector<128xi32> to vector<1x128xi32>
    %eq3A_2413 = vector.broadcast %broadcast_in_dim3A_2412 : vector<1x128xi32> to vector<128x128xi32>
    %eq3A_2414 = arith.cmpi eq, %add3A_2377, %eq3A_2413 : vector<128x128xi32>
    %jit3A_2415 = arith.constant -1.000000e+09 : f32
    %broadcast_in_dim3A_2416 = vector.broadcast %jit3A_2415 : f32 to vector<128x128xf32>
    %select_n3A_2417 = arith.select %eq3A_2414, %broadcast_in_dim3A_2416, %select_n3A_2401 : vector<128x128xi1>, vector<128x128xf32>
    %reduce_max3A_2418 = arith.constant dense<0xFF800000> : vector<128xf32>
    %reduce_max3A_2419 = vector.multi_reduction <maximumf>, %select_n3A_2417, %reduce_max3A_2418 [0] : vector<128x128xf32> to vector<128xf32>
    %broadcast_in_dim3A_2420 = vector.shape_cast %reduce_max3A_2419 : vector<128xf32> to vector<1x128xf32>
    %eq3A_2421 = vector.broadcast %broadcast_in_dim3A_2420 : vector<1x128xf32> to vector<128x128xf32>
    %eq3A_2422 = arith.cmpf oeq, %select_n3A_2417, %eq3A_2421 : vector<128x128xf32>
    %jit3A_2423 = arith.constant 1073741824 : i32
    %broadcast_in_dim3A_2424 = vector.broadcast %jit3A_2423 : i32 to vector<128x128xi32>
    %select_n3A_2425 = arith.select %eq3A_2422, %add3A_2377, %broadcast_in_dim3A_2424 : vector<128x128xi1>, vector<128x128xi32>
    %reduce_min3A_2426 = arith.constant dense<2147483647> : vector<128xi32>
    %reduce_min3A_2427 = vector.multi_reduction <minsi>, %select_n3A_2425, %reduce_min3A_2426 [0] : vector<128x128xi32> to vector<128xi32>
    %broadcast_in_dim3A_2428 = vector.shape_cast %reduce_min3A_2427 : vector<128xi32> to vector<1x128xi32>
    %eq3A_2429 = vector.broadcast %broadcast_in_dim3A_2428 : vector<1x128xi32> to vector<128x128xi32>
    %eq3A_2430 = arith.cmpi eq, %add3A_2377, %eq3A_2429 : vector<128x128xi32>
    %jit3A_2431 = arith.constant -1.000000e+09 : f32
    %broadcast_in_dim3A_2432 = vector.broadcast %jit3A_2431 : f32 to vector<128x128xf32>
    %select_n3A_2433 = arith.select %eq3A_2430, %broadcast_in_dim3A_2432, %select_n3A_2417 : vector<128x128xi1>, vector<128x128xf32>
    %reduce_max3A_2434 = arith.constant dense<0xFF800000> : vector<128xf32>
    %reduce_max3A_2435 = vector.multi_reduction <maximumf>, %select_n3A_2433, %reduce_max3A_2434 [0] : vector<128x128xf32> to vector<128xf32>
    %broadcast_in_dim3A_2436 = vector.shape_cast %reduce_max3A_2435 : vector<128xf32> to vector<1x128xf32>
    %eq3A_2437 = vector.broadcast %broadcast_in_dim3A_2436 : vector<1x128xf32> to vector<128x128xf32>
    %eq3A_2438 = arith.cmpf oeq, %select_n3A_2433, %eq3A_2437 : vector<128x128xf32>
    %jit3A_2439 = arith.constant 1073741824 : i32
    %broadcast_in_dim3A_2440 = vector.broadcast %jit3A_2439 : i32 to vector<128x128xi32>
    %select_n3A_2441 = arith.select %eq3A_2438, %add3A_2377, %broadcast_in_dim3A_2440 : vector<128x128xi1>, vector<128x128xi32>
    %reduce_min3A_2442 = arith.constant dense<2147483647> : vector<128xi32>
    %reduce_min3A_2443 = vector.multi_reduction <minsi>, %select_n3A_2441, %reduce_min3A_2442 [0] : vector<128x128xi32> to vector<128xi32>
    %broadcast_in_dim3A_2444 = vector.shape_cast %reduce_min3A_2443 : vector<128xi32> to vector<1x128xi32>
    %eq3A_2445 = vector.broadcast %broadcast_in_dim3A_2444 : vector<1x128xi32> to vector<128x128xi32>
    %eq3A_2446 = arith.cmpi eq, %add3A_2377, %eq3A_2445 : vector<128x128xi32>
    %jit3A_2447 = arith.constant -1.000000e+09 : f32
    %broadcast_in_dim3A_2448 = vector.broadcast %jit3A_2447 : f32 to vector<128x128xf32>
    %select_n3A_2449 = arith.select %eq3A_2446, %broadcast_in_dim3A_2448, %select_n3A_2433 : vector<128x128xi1>, vector<128x128xf32>
    %reduce_max3A_2450 = arith.constant dense<0xFF800000> : vector<128xf32>
    %reduce_max3A_2451 = vector.multi_reduction <maximumf>, %select_n3A_2449, %reduce_max3A_2450 [0] : vector<128x128xf32> to vector<128xf32>
    %broadcast_in_dim3A_2452 = vector.shape_cast %reduce_max3A_2451 : vector<128xf32> to vector<1x128xf32>
    %eq3A_2453 = vector.broadcast %broadcast_in_dim3A_2452 : vector<1x128xf32> to vector<128x128xf32>
    %eq3A_2454 = arith.cmpf oeq, %select_n3A_2449, %eq3A_2453 : vector<128x128xf32>
    %jit3A_2455 = arith.constant 1073741824 : i32
    %broadcast_in_dim3A_2456 = vector.broadcast %jit3A_2455 : i32 to vector<128x128xi32>
    %select_n3A_2457 = arith.select %eq3A_2454, %add3A_2377, %broadcast_in_dim3A_2456 : vector<128x128xi1>, vector<128x128xi32>
    %reduce_min3A_2458 = arith.constant dense<2147483647> : vector<128xi32>
    %reduce_min3A_2459 = vector.multi_reduction <minsi>, %select_n3A_2457, %reduce_min3A_2458 [0] : vector<128x128xi32> to vector<128xi32>
    %broadcast_in_dim3A_2460 = vector.shape_cast %reduce_min3A_2459 : vector<128xi32> to vector<1x128xi32>
    %eq3A_2461 = vector.broadcast %broadcast_in_dim3A_2460 : vector<1x128xi32> to vector<128x128xi32>
    %eq3A_2462 = arith.cmpi eq, %add3A_2377, %eq3A_2461 : vector<128x128xi32>
    %jit3A_2463 = arith.constant -1.000000e+09 : f32
    %broadcast_in_dim3A_2464 = vector.broadcast %jit3A_2463 : f32 to vector<128x128xf32>
    %select_n3A_2465 = arith.select %eq3A_2462, %broadcast_in_dim3A_2464, %select_n3A_2449 : vector<128x128xi1>, vector<128x128xf32>
    %reduce_max3A_2466 = arith.constant dense<0xFF800000> : vector<128xf32>
    %reduce_max3A_2467 = vector.multi_reduction <maximumf>, %select_n3A_2465, %reduce_max3A_2466 [0] : vector<128x128xf32> to vector<128xf32>
    %broadcast_in_dim3A_2468 = vector.shape_cast %reduce_max3A_2467 : vector<128xf32> to vector<1x128xf32>
    %eq3A_2469 = vector.broadcast %broadcast_in_dim3A_2468 : vector<1x128xf32> to vector<128x128xf32>
    %eq3A_2470 = arith.cmpf oeq, %select_n3A_2465, %eq3A_2469 : vector<128x128xf32>
    %jit3A_2471 = arith.constant 1073741824 : i32
    %broadcast_in_dim3A_2472 = vector.broadcast %jit3A_2471 : i32 to vector<128x128xi32>
    %select_n3A_2473 = arith.select %eq3A_2470, %add3A_2377, %broadcast_in_dim3A_2472 : vector<128x128xi1>, vector<128x128xi32>
    %reduce_min3A_2474 = arith.constant dense<2147483647> : vector<128xi32>
    %reduce_min3A_2475 = vector.multi_reduction <minsi>, %select_n3A_2473, %reduce_min3A_2474 [0] : vector<128x128xi32> to vector<128xi32>
    %broadcast_in_dim3A_2476 = vector.shape_cast %reduce_min3A_2475 : vector<128xi32> to vector<1x128xi32>
    %eq3A_2477 = vector.broadcast %broadcast_in_dim3A_2476 : vector<1x128xi32> to vector<128x128xi32>
    %eq3A_2478 = arith.cmpi eq, %add3A_2377, %eq3A_2477 : vector<128x128xi32>
    %jit3A_2479 = arith.constant -1.000000e+09 : f32
    %broadcast_in_dim3A_2480 = vector.broadcast %jit3A_2479 : f32 to vector<128x128xf32>
    %select_n3A_2481 = arith.select %eq3A_2478, %broadcast_in_dim3A_2480, %select_n3A_2465 : vector<128x128xi1>, vector<128x128xf32>
    %reduce_max3A_2482 = arith.constant dense<0xFF800000> : vector<128xf32>
    %reduce_max3A_2483 = vector.multi_reduction <maximumf>, %select_n3A_2481, %reduce_max3A_2482 [0] : vector<128x128xf32> to vector<128xf32>
    %broadcast_in_dim3A_2484 = vector.shape_cast %reduce_max3A_2483 : vector<128xf32> to vector<1x128xf32>
    %eq3A_2485 = vector.broadcast %broadcast_in_dim3A_2484 : vector<1x128xf32> to vector<128x128xf32>
    %eq3A_2486 = arith.cmpf oeq, %select_n3A_2481, %eq3A_2485 : vector<128x128xf32>
    %jit3A_2487 = arith.constant 1073741824 : i32
    %broadcast_in_dim3A_2488 = vector.broadcast %jit3A_2487 : i32 to vector<128x128xi32>
    %select_n3A_2489 = arith.select %eq3A_2486, %add3A_2377, %broadcast_in_dim3A_2488 : vector<128x128xi1>, vector<128x128xi32>
    %reduce_min3A_2490 = arith.constant dense<2147483647> : vector<128xi32>
    %reduce_min3A_2491 = vector.multi_reduction <minsi>, %select_n3A_2489, %reduce_min3A_2490 [0] : vector<128x128xi32> to vector<128xi32>
    %broadcast_in_dim3A_2492 = vector.shape_cast %reduce_min3A_2491 : vector<128xi32> to vector<1x128xi32>
    %eq3A_2493 = vector.broadcast %broadcast_in_dim3A_2492 : vector<1x128xi32> to vector<128x128xi32>
    %eq3A_2494 = arith.cmpi eq, %add3A_2377, %eq3A_2493 : vector<128x128xi32>
    %jit3A_2495 = arith.constant -1.000000e+09 : f32
    %broadcast_in_dim3A_2496 = vector.broadcast %jit3A_2495 : f32 to vector<128x128xf32>
    %select_n3A_2497 = arith.select %eq3A_2494, %broadcast_in_dim3A_2496, %select_n3A_2481 : vector<128x128xi1>, vector<128x128xf32>
    %reduce_max3A_2498 = arith.constant dense<0xFF800000> : vector<128xf32>
    %reduce_max3A_2499 = vector.multi_reduction <maximumf>, %select_n3A_2497, %reduce_max3A_2498 [0] : vector<128x128xf32> to vector<128xf32>
    %broadcast_in_dim3A_2500 = vector.shape_cast %reduce_max3A_2499 : vector<128xf32> to vector<1x128xf32>
    %eq3A_2501 = vector.broadcast %broadcast_in_dim3A_2500 : vector<1x128xf32> to vector<128x128xf32>
    %eq3A_2502 = arith.cmpf oeq, %select_n3A_2497, %eq3A_2501 : vector<128x128xf32>
    %jit3A_2503 = arith.constant 1073741824 : i32
    %broadcast_in_dim3A_2504 = vector.broadcast %jit3A_2503 : i32 to vector<128x128xi32>
    %select_n3A_2505 = arith.select %eq3A_2502, %add3A_2377, %broadcast_in_dim3A_2504 : vector<128x128xi1>, vector<128x128xi32>
    %reduce_min3A_2506 = arith.constant dense<2147483647> : vector<128xi32>
    %reduce_min3A_2507 = vector.multi_reduction <minsi>, %select_n3A_2505, %reduce_min3A_2506 [0] : vector<128x128xi32> to vector<128xi32>
    %broadcast_in_dim3A_2508 = vector.shape_cast %reduce_min3A_2507 : vector<128xi32> to vector<1x128xi32>
    %get3A_2509 = arith.constant 1920 : index
    %get3A_2510 = arith.constant 0 : index
    %get3A_2511 = vector.load %arg6[%get3A_2509, %get3A_2510] : memref<2560x128xf32, #tpu.memory_space<vmem>>, vector<128x128xf32>
    %get3A_2512 = arith.constant 1920 : index
    %get3A_2513 = arith.constant 0 : index
    %get3A_2514 = vector.load %arg7[%get3A_2512, %get3A_2513] : memref<2560x128xf32, #tpu.memory_space<vmem>>, vector<128x128xf32>
    %get3A_2515 = arith.constant 1920 : index
    %get3A_2516 = arith.constant 0 : index
    %get3A_2517 = vector.load %arg8[%get3A_2515, %get3A_2516] : memref<2560x128xf32, #tpu.memory_space<vmem>>, vector<128x128xf32>
    %get3A_2518 = arith.constant 1920 : index
    %get3A_2519 = arith.constant 0 : index
    %get3A_2520 = vector.load %arg9[%get3A_2518, %get3A_2519] : memref<2560x128xf32, #tpu.memory_space<vmem>>, vector<128x128xf32>
    %select_n3A_2521 = arith.select %eq3A_256, %get3A_2511, %get3A_2517 : vector<128x128xf32>
    %select_n3A_2522 = arith.select %eq3A_256, %get3A_2514, %get3A_2520 : vector<128x128xf32>
    %select_n3A_2523 = arith.select %lt3A_276, %select_n3A_2521, %select_n3A_2522 : vector<128x128xi1>, vector<128x128xf32>
    %add3A_2524 = arith.constant 1920 : i32
    %add3A_2525 = vector.broadcast %add3A_2524 : i32 to vector<128x128xi32>
    %add3A_2526 = arith.addi %iota3A_272, %add3A_2525 : vector<128x128xi32>
    %ge3A_2527 = vector.broadcast %select_n3A_263 : vector<1x128xi32> to vector<128x128xi32>
    %ge3A_2528 = arith.cmpi sge, %add3A_2526, %ge3A_2527 : vector<128x128xi32>
    %lt3A_2529 = vector.broadcast %select_n3A_268 : vector<1x128xi32> to vector<128x128xi32>
    %lt3A_2530 = arith.cmpi slt, %add3A_2526, %lt3A_2529 : vector<128x128xi32>
    %and3A_2531 = arith.andi %ge3A_2528, %lt3A_2530 : vector<128x128xi1>
    %jit3A_2532 = arith.constant -1.000000e+09 : f32
    %broadcast_in_dim3A_2533 = vector.broadcast %jit3A_2532 : f32 to vector<128x128xf32>
    %select_n3A_2534 = arith.select %and3A_2531, %select_n3A_2523, %broadcast_in_dim3A_2533 : vector<128x128xi1>, vector<128x128xf32>
    %reduce_max3A_2535 = arith.constant dense<0xFF800000> : vector<128xf32>
    %reduce_max3A_2536 = vector.multi_reduction <maximumf>, %select_n3A_2534, %reduce_max3A_2535 [0] : vector<128x128xf32> to vector<128xf32>
    %broadcast_in_dim3A_2537 = vector.shape_cast %reduce_max3A_2536 : vector<128xf32> to vector<1x128xf32>
    %eq3A_2538 = vector.broadcast %broadcast_in_dim3A_2537 : vector<1x128xf32> to vector<128x128xf32>
    %eq3A_2539 = arith.cmpf oeq, %select_n3A_2534, %eq3A_2538 : vector<128x128xf32>
    %jit3A_2540 = arith.constant 1073741824 : i32
    %broadcast_in_dim3A_2541 = vector.broadcast %jit3A_2540 : i32 to vector<128x128xi32>
    %select_n3A_2542 = arith.select %eq3A_2539, %add3A_2526, %broadcast_in_dim3A_2541 : vector<128x128xi1>, vector<128x128xi32>
    %reduce_min3A_2543 = arith.constant dense<2147483647> : vector<128xi32>
    %reduce_min3A_2544 = vector.multi_reduction <minsi>, %select_n3A_2542, %reduce_min3A_2543 [0] : vector<128x128xi32> to vector<128xi32>
    %broadcast_in_dim3A_2545 = vector.shape_cast %reduce_min3A_2544 : vector<128xi32> to vector<1x128xi32>
    %eq3A_2546 = vector.broadcast %broadcast_in_dim3A_2545 : vector<1x128xi32> to vector<128x128xi32>
    %eq3A_2547 = arith.cmpi eq, %add3A_2526, %eq3A_2546 : vector<128x128xi32>
    %jit3A_2548 = arith.constant -1.000000e+09 : f32
    %broadcast_in_dim3A_2549 = vector.broadcast %jit3A_2548 : f32 to vector<128x128xf32>
    %select_n3A_2550 = arith.select %eq3A_2547, %broadcast_in_dim3A_2549, %select_n3A_2534 : vector<128x128xi1>, vector<128x128xf32>
    %reduce_max3A_2551 = arith.constant dense<0xFF800000> : vector<128xf32>
    %reduce_max3A_2552 = vector.multi_reduction <maximumf>, %select_n3A_2550, %reduce_max3A_2551 [0] : vector<128x128xf32> to vector<128xf32>
    %broadcast_in_dim3A_2553 = vector.shape_cast %reduce_max3A_2552 : vector<128xf32> to vector<1x128xf32>
    %eq3A_2554 = vector.broadcast %broadcast_in_dim3A_2553 : vector<1x128xf32> to vector<128x128xf32>
    %eq3A_2555 = arith.cmpf oeq, %select_n3A_2550, %eq3A_2554 : vector<128x128xf32>
    %jit3A_2556 = arith.constant 1073741824 : i32
    %broadcast_in_dim3A_2557 = vector.broadcast %jit3A_2556 : i32 to vector<128x128xi32>
    %select_n3A_2558 = arith.select %eq3A_2555, %add3A_2526, %broadcast_in_dim3A_2557 : vector<128x128xi1>, vector<128x128xi32>
    %reduce_min3A_2559 = arith.constant dense<2147483647> : vector<128xi32>
    %reduce_min3A_2560 = vector.multi_reduction <minsi>, %select_n3A_2558, %reduce_min3A_2559 [0] : vector<128x128xi32> to vector<128xi32>
    %broadcast_in_dim3A_2561 = vector.shape_cast %reduce_min3A_2560 : vector<128xi32> to vector<1x128xi32>
    %eq3A_2562 = vector.broadcast %broadcast_in_dim3A_2561 : vector<1x128xi32> to vector<128x128xi32>
    %eq3A_2563 = arith.cmpi eq, %add3A_2526, %eq3A_2562 : vector<128x128xi32>
    %jit3A_2564 = arith.constant -1.000000e+09 : f32
    %broadcast_in_dim3A_2565 = vector.broadcast %jit3A_2564 : f32 to vector<128x128xf32>
    %select_n3A_2566 = arith.select %eq3A_2563, %broadcast_in_dim3A_2565, %select_n3A_2550 : vector<128x128xi1>, vector<128x128xf32>
    %reduce_max3A_2567 = arith.constant dense<0xFF800000> : vector<128xf32>
    %reduce_max3A_2568 = vector.multi_reduction <maximumf>, %select_n3A_2566, %reduce_max3A_2567 [0] : vector<128x128xf32> to vector<128xf32>
    %broadcast_in_dim3A_2569 = vector.shape_cast %reduce_max3A_2568 : vector<128xf32> to vector<1x128xf32>
    %eq3A_2570 = vector.broadcast %broadcast_in_dim3A_2569 : vector<1x128xf32> to vector<128x128xf32>
    %eq3A_2571 = arith.cmpf oeq, %select_n3A_2566, %eq3A_2570 : vector<128x128xf32>
    %jit3A_2572 = arith.constant 1073741824 : i32
    %broadcast_in_dim3A_2573 = vector.broadcast %jit3A_2572 : i32 to vector<128x128xi32>
    %select_n3A_2574 = arith.select %eq3A_2571, %add3A_2526, %broadcast_in_dim3A_2573 : vector<128x128xi1>, vector<128x128xi32>
    %reduce_min3A_2575 = arith.constant dense<2147483647> : vector<128xi32>
    %reduce_min3A_2576 = vector.multi_reduction <minsi>, %select_n3A_2574, %reduce_min3A_2575 [0] : vector<128x128xi32> to vector<128xi32>
    %broadcast_in_dim3A_2577 = vector.shape_cast %reduce_min3A_2576 : vector<128xi32> to vector<1x128xi32>
    %eq3A_2578 = vector.broadcast %broadcast_in_dim3A_2577 : vector<1x128xi32> to vector<128x128xi32>
    %eq3A_2579 = arith.cmpi eq, %add3A_2526, %eq3A_2578 : vector<128x128xi32>
    %jit3A_2580 = arith.constant -1.000000e+09 : f32
    %broadcast_in_dim3A_2581 = vector.broadcast %jit3A_2580 : f32 to vector<128x128xf32>
    %select_n3A_2582 = arith.select %eq3A_2579, %broadcast_in_dim3A_2581, %select_n3A_2566 : vector<128x128xi1>, vector<128x128xf32>
    %reduce_max3A_2583 = arith.constant dense<0xFF800000> : vector<128xf32>
    %reduce_max3A_2584 = vector.multi_reduction <maximumf>, %select_n3A_2582, %reduce_max3A_2583 [0] : vector<128x128xf32> to vector<128xf32>
    %broadcast_in_dim3A_2585 = vector.shape_cast %reduce_max3A_2584 : vector<128xf32> to vector<1x128xf32>
    %eq3A_2586 = vector.broadcast %broadcast_in_dim3A_2585 : vector<1x128xf32> to vector<128x128xf32>
    %eq3A_2587 = arith.cmpf oeq, %select_n3A_2582, %eq3A_2586 : vector<128x128xf32>
    %jit3A_2588 = arith.constant 1073741824 : i32
    %broadcast_in_dim3A_2589 = vector.broadcast %jit3A_2588 : i32 to vector<128x128xi32>
    %select_n3A_2590 = arith.select %eq3A_2587, %add3A_2526, %broadcast_in_dim3A_2589 : vector<128x128xi1>, vector<128x128xi32>
    %reduce_min3A_2591 = arith.constant dense<2147483647> : vector<128xi32>
    %reduce_min3A_2592 = vector.multi_reduction <minsi>, %select_n3A_2590, %reduce_min3A_2591 [0] : vector<128x128xi32> to vector<128xi32>
    %broadcast_in_dim3A_2593 = vector.shape_cast %reduce_min3A_2592 : vector<128xi32> to vector<1x128xi32>
    %eq3A_2594 = vector.broadcast %broadcast_in_dim3A_2593 : vector<1x128xi32> to vector<128x128xi32>
    %eq3A_2595 = arith.cmpi eq, %add3A_2526, %eq3A_2594 : vector<128x128xi32>
    %jit3A_2596 = arith.constant -1.000000e+09 : f32
    %broadcast_in_dim3A_2597 = vector.broadcast %jit3A_2596 : f32 to vector<128x128xf32>
    %select_n3A_2598 = arith.select %eq3A_2595, %broadcast_in_dim3A_2597, %select_n3A_2582 : vector<128x128xi1>, vector<128x128xf32>
    %reduce_max3A_2599 = arith.constant dense<0xFF800000> : vector<128xf32>
    %reduce_max3A_2600 = vector.multi_reduction <maximumf>, %select_n3A_2598, %reduce_max3A_2599 [0] : vector<128x128xf32> to vector<128xf32>
    %broadcast_in_dim3A_2601 = vector.shape_cast %reduce_max3A_2600 : vector<128xf32> to vector<1x128xf32>
    %eq3A_2602 = vector.broadcast %broadcast_in_dim3A_2601 : vector<1x128xf32> to vector<128x128xf32>
    %eq3A_2603 = arith.cmpf oeq, %select_n3A_2598, %eq3A_2602 : vector<128x128xf32>
    %jit3A_2604 = arith.constant 1073741824 : i32
    %broadcast_in_dim3A_2605 = vector.broadcast %jit3A_2604 : i32 to vector<128x128xi32>
    %select_n3A_2606 = arith.select %eq3A_2603, %add3A_2526, %broadcast_in_dim3A_2605 : vector<128x128xi1>, vector<128x128xi32>
    %reduce_min3A_2607 = arith.constant dense<2147483647> : vector<128xi32>
    %reduce_min3A_2608 = vector.multi_reduction <minsi>, %select_n3A_2606, %reduce_min3A_2607 [0] : vector<128x128xi32> to vector<128xi32>
    %broadcast_in_dim3A_2609 = vector.shape_cast %reduce_min3A_2608 : vector<128xi32> to vector<1x128xi32>
    %eq3A_2610 = vector.broadcast %broadcast_in_dim3A_2609 : vector<1x128xi32> to vector<128x128xi32>
    %eq3A_2611 = arith.cmpi eq, %add3A_2526, %eq3A_2610 : vector<128x128xi32>
    %jit3A_2612 = arith.constant -1.000000e+09 : f32
    %broadcast_in_dim3A_2613 = vector.broadcast %jit3A_2612 : f32 to vector<128x128xf32>
    %select_n3A_2614 = arith.select %eq3A_2611, %broadcast_in_dim3A_2613, %select_n3A_2598 : vector<128x128xi1>, vector<128x128xf32>
    %reduce_max3A_2615 = arith.constant dense<0xFF800000> : vector<128xf32>
    %reduce_max3A_2616 = vector.multi_reduction <maximumf>, %select_n3A_2614, %reduce_max3A_2615 [0] : vector<128x128xf32> to vector<128xf32>
    %broadcast_in_dim3A_2617 = vector.shape_cast %reduce_max3A_2616 : vector<128xf32> to vector<1x128xf32>
    %eq3A_2618 = vector.broadcast %broadcast_in_dim3A_2617 : vector<1x128xf32> to vector<128x128xf32>
    %eq3A_2619 = arith.cmpf oeq, %select_n3A_2614, %eq3A_2618 : vector<128x128xf32>
    %jit3A_2620 = arith.constant 1073741824 : i32
    %broadcast_in_dim3A_2621 = vector.broadcast %jit3A_2620 : i32 to vector<128x128xi32>
    %select_n3A_2622 = arith.select %eq3A_2619, %add3A_2526, %broadcast_in_dim3A_2621 : vector<128x128xi1>, vector<128x128xi32>
    %reduce_min3A_2623 = arith.constant dense<2147483647> : vector<128xi32>
    %reduce_min3A_2624 = vector.multi_reduction <minsi>, %select_n3A_2622, %reduce_min3A_2623 [0] : vector<128x128xi32> to vector<128xi32>
    %broadcast_in_dim3A_2625 = vector.shape_cast %reduce_min3A_2624 : vector<128xi32> to vector<1x128xi32>
    %eq3A_2626 = vector.broadcast %broadcast_in_dim3A_2625 : vector<1x128xi32> to vector<128x128xi32>
    %eq3A_2627 = arith.cmpi eq, %add3A_2526, %eq3A_2626 : vector<128x128xi32>
    %jit3A_2628 = arith.constant -1.000000e+09 : f32
    %broadcast_in_dim3A_2629 = vector.broadcast %jit3A_2628 : f32 to vector<128x128xf32>
    %select_n3A_2630 = arith.select %eq3A_2627, %broadcast_in_dim3A_2629, %select_n3A_2614 : vector<128x128xi1>, vector<128x128xf32>
    %reduce_max3A_2631 = arith.constant dense<0xFF800000> : vector<128xf32>
    %reduce_max3A_2632 = vector.multi_reduction <maximumf>, %select_n3A_2630, %reduce_max3A_2631 [0] : vector<128x128xf32> to vector<128xf32>
    %broadcast_in_dim3A_2633 = vector.shape_cast %reduce_max3A_2632 : vector<128xf32> to vector<1x128xf32>
    %eq3A_2634 = vector.broadcast %broadcast_in_dim3A_2633 : vector<1x128xf32> to vector<128x128xf32>
    %eq3A_2635 = arith.cmpf oeq, %select_n3A_2630, %eq3A_2634 : vector<128x128xf32>
    %jit3A_2636 = arith.constant 1073741824 : i32
    %broadcast_in_dim3A_2637 = vector.broadcast %jit3A_2636 : i32 to vector<128x128xi32>
    %select_n3A_2638 = arith.select %eq3A_2635, %add3A_2526, %broadcast_in_dim3A_2637 : vector<128x128xi1>, vector<128x128xi32>
    %reduce_min3A_2639 = arith.constant dense<2147483647> : vector<128xi32>
    %reduce_min3A_2640 = vector.multi_reduction <minsi>, %select_n3A_2638, %reduce_min3A_2639 [0] : vector<128x128xi32> to vector<128xi32>
    %broadcast_in_dim3A_2641 = vector.shape_cast %reduce_min3A_2640 : vector<128xi32> to vector<1x128xi32>
    %eq3A_2642 = vector.broadcast %broadcast_in_dim3A_2641 : vector<1x128xi32> to vector<128x128xi32>
    %eq3A_2643 = arith.cmpi eq, %add3A_2526, %eq3A_2642 : vector<128x128xi32>
    %jit3A_2644 = arith.constant -1.000000e+09 : f32
    %broadcast_in_dim3A_2645 = vector.broadcast %jit3A_2644 : f32 to vector<128x128xf32>
    %select_n3A_2646 = arith.select %eq3A_2643, %broadcast_in_dim3A_2645, %select_n3A_2630 : vector<128x128xi1>, vector<128x128xf32>
    %reduce_max3A_2647 = arith.constant dense<0xFF800000> : vector<128xf32>
    %reduce_max3A_2648 = vector.multi_reduction <maximumf>, %select_n3A_2646, %reduce_max3A_2647 [0] : vector<128x128xf32> to vector<128xf32>
    %broadcast_in_dim3A_2649 = vector.shape_cast %reduce_max3A_2648 : vector<128xf32> to vector<1x128xf32>
    %eq3A_2650 = vector.broadcast %broadcast_in_dim3A_2649 : vector<1x128xf32> to vector<128x128xf32>
    %eq3A_2651 = arith.cmpf oeq, %select_n3A_2646, %eq3A_2650 : vector<128x128xf32>
    %jit3A_2652 = arith.constant 1073741824 : i32
    %broadcast_in_dim3A_2653 = vector.broadcast %jit3A_2652 : i32 to vector<128x128xi32>
    %select_n3A_2654 = arith.select %eq3A_2651, %add3A_2526, %broadcast_in_dim3A_2653 : vector<128x128xi1>, vector<128x128xi32>
    %reduce_min3A_2655 = arith.constant dense<2147483647> : vector<128xi32>
    %reduce_min3A_2656 = vector.multi_reduction <minsi>, %select_n3A_2654, %reduce_min3A_2655 [0] : vector<128x128xi32> to vector<128xi32>
    %broadcast_in_dim3A_2657 = vector.shape_cast %reduce_min3A_2656 : vector<128xi32> to vector<1x128xi32>
    %get3A_2658 = arith.constant 2048 : index
    %get3A_2659 = arith.constant 0 : index
    %get3A_2660 = vector.load %arg6[%get3A_2658, %get3A_2659] : memref<2560x128xf32, #tpu.memory_space<vmem>>, vector<128x128xf32>
    %get3A_2661 = arith.constant 2048 : index
    %get3A_2662 = arith.constant 0 : index
    %get3A_2663 = vector.load %arg7[%get3A_2661, %get3A_2662] : memref<2560x128xf32, #tpu.memory_space<vmem>>, vector<128x128xf32>
    %get3A_2664 = arith.constant 2048 : index
    %get3A_2665 = arith.constant 0 : index
    %get3A_2666 = vector.load %arg8[%get3A_2664, %get3A_2665] : memref<2560x128xf32, #tpu.memory_space<vmem>>, vector<128x128xf32>
    %get3A_2667 = arith.constant 2048 : index
    %get3A_2668 = arith.constant 0 : index
    %get3A_2669 = vector.load %arg9[%get3A_2667, %get3A_2668] : memref<2560x128xf32, #tpu.memory_space<vmem>>, vector<128x128xf32>
    %select_n3A_2670 = arith.select %eq3A_256, %get3A_2660, %get3A_2666 : vector<128x128xf32>
    %select_n3A_2671 = arith.select %eq3A_256, %get3A_2663, %get3A_2669 : vector<128x128xf32>
    %select_n3A_2672 = arith.select %lt3A_276, %select_n3A_2670, %select_n3A_2671 : vector<128x128xi1>, vector<128x128xf32>
    %add3A_2673 = arith.constant 2048 : i32
    %add3A_2674 = vector.broadcast %add3A_2673 : i32 to vector<128x128xi32>
    %add3A_2675 = arith.addi %iota3A_272, %add3A_2674 : vector<128x128xi32>
    %ge3A_2676 = vector.broadcast %select_n3A_263 : vector<1x128xi32> to vector<128x128xi32>
    %ge3A_2677 = arith.cmpi sge, %add3A_2675, %ge3A_2676 : vector<128x128xi32>
    %lt3A_2678 = vector.broadcast %select_n3A_268 : vector<1x128xi32> to vector<128x128xi32>
    %lt3A_2679 = arith.cmpi slt, %add3A_2675, %lt3A_2678 : vector<128x128xi32>
    %and3A_2680 = arith.andi %ge3A_2677, %lt3A_2679 : vector<128x128xi1>
    %jit3A_2681 = arith.constant -1.000000e+09 : f32
    %broadcast_in_dim3A_2682 = vector.broadcast %jit3A_2681 : f32 to vector<128x128xf32>
    %select_n3A_2683 = arith.select %and3A_2680, %select_n3A_2672, %broadcast_in_dim3A_2682 : vector<128x128xi1>, vector<128x128xf32>
    %reduce_max3A_2684 = arith.constant dense<0xFF800000> : vector<128xf32>
    %reduce_max3A_2685 = vector.multi_reduction <maximumf>, %select_n3A_2683, %reduce_max3A_2684 [0] : vector<128x128xf32> to vector<128xf32>
    %broadcast_in_dim3A_2686 = vector.shape_cast %reduce_max3A_2685 : vector<128xf32> to vector<1x128xf32>
    %eq3A_2687 = vector.broadcast %broadcast_in_dim3A_2686 : vector<1x128xf32> to vector<128x128xf32>
    %eq3A_2688 = arith.cmpf oeq, %select_n3A_2683, %eq3A_2687 : vector<128x128xf32>
    %jit3A_2689 = arith.constant 1073741824 : i32
    %broadcast_in_dim3A_2690 = vector.broadcast %jit3A_2689 : i32 to vector<128x128xi32>
    %select_n3A_2691 = arith.select %eq3A_2688, %add3A_2675, %broadcast_in_dim3A_2690 : vector<128x128xi1>, vector<128x128xi32>
    %reduce_min3A_2692 = arith.constant dense<2147483647> : vector<128xi32>
    %reduce_min3A_2693 = vector.multi_reduction <minsi>, %select_n3A_2691, %reduce_min3A_2692 [0] : vector<128x128xi32> to vector<128xi32>
    %broadcast_in_dim3A_2694 = vector.shape_cast %reduce_min3A_2693 : vector<128xi32> to vector<1x128xi32>
    %eq3A_2695 = vector.broadcast %broadcast_in_dim3A_2694 : vector<1x128xi32> to vector<128x128xi32>
    %eq3A_2696 = arith.cmpi eq, %add3A_2675, %eq3A_2695 : vector<128x128xi32>
    %jit3A_2697 = arith.constant -1.000000e+09 : f32
    %broadcast_in_dim3A_2698 = vector.broadcast %jit3A_2697 : f32 to vector<128x128xf32>
    %select_n3A_2699 = arith.select %eq3A_2696, %broadcast_in_dim3A_2698, %select_n3A_2683 : vector<128x128xi1>, vector<128x128xf32>
    %reduce_max3A_2700 = arith.constant dense<0xFF800000> : vector<128xf32>
    %reduce_max3A_2701 = vector.multi_reduction <maximumf>, %select_n3A_2699, %reduce_max3A_2700 [0] : vector<128x128xf32> to vector<128xf32>
    %broadcast_in_dim3A_2702 = vector.shape_cast %reduce_max3A_2701 : vector<128xf32> to vector<1x128xf32>
    %eq3A_2703 = vector.broadcast %broadcast_in_dim3A_2702 : vector<1x128xf32> to vector<128x128xf32>
    %eq3A_2704 = arith.cmpf oeq, %select_n3A_2699, %eq3A_2703 : vector<128x128xf32>
    %jit3A_2705 = arith.constant 1073741824 : i32
    %broadcast_in_dim3A_2706 = vector.broadcast %jit3A_2705 : i32 to vector<128x128xi32>
    %select_n3A_2707 = arith.select %eq3A_2704, %add3A_2675, %broadcast_in_dim3A_2706 : vector<128x128xi1>, vector<128x128xi32>
    %reduce_min3A_2708 = arith.constant dense<2147483647> : vector<128xi32>
    %reduce_min3A_2709 = vector.multi_reduction <minsi>, %select_n3A_2707, %reduce_min3A_2708 [0] : vector<128x128xi32> to vector<128xi32>
    %broadcast_in_dim3A_2710 = vector.shape_cast %reduce_min3A_2709 : vector<128xi32> to vector<1x128xi32>
    %eq3A_2711 = vector.broadcast %broadcast_in_dim3A_2710 : vector<1x128xi32> to vector<128x128xi32>
    %eq3A_2712 = arith.cmpi eq, %add3A_2675, %eq3A_2711 : vector<128x128xi32>
    %jit3A_2713 = arith.constant -1.000000e+09 : f32
    %broadcast_in_dim3A_2714 = vector.broadcast %jit3A_2713 : f32 to vector<128x128xf32>
    %select_n3A_2715 = arith.select %eq3A_2712, %broadcast_in_dim3A_2714, %select_n3A_2699 : vector<128x128xi1>, vector<128x128xf32>
    %reduce_max3A_2716 = arith.constant dense<0xFF800000> : vector<128xf32>
    %reduce_max3A_2717 = vector.multi_reduction <maximumf>, %select_n3A_2715, %reduce_max3A_2716 [0] : vector<128x128xf32> to vector<128xf32>
    %broadcast_in_dim3A_2718 = vector.shape_cast %reduce_max3A_2717 : vector<128xf32> to vector<1x128xf32>
    %eq3A_2719 = vector.broadcast %broadcast_in_dim3A_2718 : vector<1x128xf32> to vector<128x128xf32>
    %eq3A_2720 = arith.cmpf oeq, %select_n3A_2715, %eq3A_2719 : vector<128x128xf32>
    %jit3A_2721 = arith.constant 1073741824 : i32
    %broadcast_in_dim3A_2722 = vector.broadcast %jit3A_2721 : i32 to vector<128x128xi32>
    %select_n3A_2723 = arith.select %eq3A_2720, %add3A_2675, %broadcast_in_dim3A_2722 : vector<128x128xi1>, vector<128x128xi32>
    %reduce_min3A_2724 = arith.constant dense<2147483647> : vector<128xi32>
    %reduce_min3A_2725 = vector.multi_reduction <minsi>, %select_n3A_2723, %reduce_min3A_2724 [0] : vector<128x128xi32> to vector<128xi32>
    %broadcast_in_dim3A_2726 = vector.shape_cast %reduce_min3A_2725 : vector<128xi32> to vector<1x128xi32>
    %eq3A_2727 = vector.broadcast %broadcast_in_dim3A_2726 : vector<1x128xi32> to vector<128x128xi32>
    %eq3A_2728 = arith.cmpi eq, %add3A_2675, %eq3A_2727 : vector<128x128xi32>
    %jit3A_2729 = arith.constant -1.000000e+09 : f32
    %broadcast_in_dim3A_2730 = vector.broadcast %jit3A_2729 : f32 to vector<128x128xf32>
    %select_n3A_2731 = arith.select %eq3A_2728, %broadcast_in_dim3A_2730, %select_n3A_2715 : vector<128x128xi1>, vector<128x128xf32>
    %reduce_max3A_2732 = arith.constant dense<0xFF800000> : vector<128xf32>
    %reduce_max3A_2733 = vector.multi_reduction <maximumf>, %select_n3A_2731, %reduce_max3A_2732 [0] : vector<128x128xf32> to vector<128xf32>
    %broadcast_in_dim3A_2734 = vector.shape_cast %reduce_max3A_2733 : vector<128xf32> to vector<1x128xf32>
    %eq3A_2735 = vector.broadcast %broadcast_in_dim3A_2734 : vector<1x128xf32> to vector<128x128xf32>
    %eq3A_2736 = arith.cmpf oeq, %select_n3A_2731, %eq3A_2735 : vector<128x128xf32>
    %jit3A_2737 = arith.constant 1073741824 : i32
    %broadcast_in_dim3A_2738 = vector.broadcast %jit3A_2737 : i32 to vector<128x128xi32>
    %select_n3A_2739 = arith.select %eq3A_2736, %add3A_2675, %broadcast_in_dim3A_2738 : vector<128x128xi1>, vector<128x128xi32>
    %reduce_min3A_2740 = arith.constant dense<2147483647> : vector<128xi32>
    %reduce_min3A_2741 = vector.multi_reduction <minsi>, %select_n3A_2739, %reduce_min3A_2740 [0] : vector<128x128xi32> to vector<128xi32>
    %broadcast_in_dim3A_2742 = vector.shape_cast %reduce_min3A_2741 : vector<128xi32> to vector<1x128xi32>
    %eq3A_2743 = vector.broadcast %broadcast_in_dim3A_2742 : vector<1x128xi32> to vector<128x128xi32>
    %eq3A_2744 = arith.cmpi eq, %add3A_2675, %eq3A_2743 : vector<128x128xi32>
    %jit3A_2745 = arith.constant -1.000000e+09 : f32
    %broadcast_in_dim3A_2746 = vector.broadcast %jit3A_2745 : f32 to vector<128x128xf32>
    %select_n3A_2747 = arith.select %eq3A_2744, %broadcast_in_dim3A_2746, %select_n3A_2731 : vector<128x128xi1>, vector<128x128xf32>
    %reduce_max3A_2748 = arith.constant dense<0xFF800000> : vector<128xf32>
    %reduce_max3A_2749 = vector.multi_reduction <maximumf>, %select_n3A_2747, %reduce_max3A_2748 [0] : vector<128x128xf32> to vector<128xf32>
    %broadcast_in_dim3A_2750 = vector.shape_cast %reduce_max3A_2749 : vector<128xf32> to vector<1x128xf32>
    %eq3A_2751 = vector.broadcast %broadcast_in_dim3A_2750 : vector<1x128xf32> to vector<128x128xf32>
    %eq3A_2752 = arith.cmpf oeq, %select_n3A_2747, %eq3A_2751 : vector<128x128xf32>
    %jit3A_2753 = arith.constant 1073741824 : i32
    %broadcast_in_dim3A_2754 = vector.broadcast %jit3A_2753 : i32 to vector<128x128xi32>
    %select_n3A_2755 = arith.select %eq3A_2752, %add3A_2675, %broadcast_in_dim3A_2754 : vector<128x128xi1>, vector<128x128xi32>
    %reduce_min3A_2756 = arith.constant dense<2147483647> : vector<128xi32>
    %reduce_min3A_2757 = vector.multi_reduction <minsi>, %select_n3A_2755, %reduce_min3A_2756 [0] : vector<128x128xi32> to vector<128xi32>
    %broadcast_in_dim3A_2758 = vector.shape_cast %reduce_min3A_2757 : vector<128xi32> to vector<1x128xi32>
    %eq3A_2759 = vector.broadcast %broadcast_in_dim3A_2758 : vector<1x128xi32> to vector<128x128xi32>
    %eq3A_2760 = arith.cmpi eq, %add3A_2675, %eq3A_2759 : vector<128x128xi32>
    %jit3A_2761 = arith.constant -1.000000e+09 : f32
    %broadcast_in_dim3A_2762 = vector.broadcast %jit3A_2761 : f32 to vector<128x128xf32>
    %select_n3A_2763 = arith.select %eq3A_2760, %broadcast_in_dim3A_2762, %select_n3A_2747 : vector<128x128xi1>, vector<128x128xf32>
    %reduce_max3A_2764 = arith.constant dense<0xFF800000> : vector<128xf32>
    %reduce_max3A_2765 = vector.multi_reduction <maximumf>, %select_n3A_2763, %reduce_max3A_2764 [0] : vector<128x128xf32> to vector<128xf32>
    %broadcast_in_dim3A_2766 = vector.shape_cast %reduce_max3A_2765 : vector<128xf32> to vector<1x128xf32>
    %eq3A_2767 = vector.broadcast %broadcast_in_dim3A_2766 : vector<1x128xf32> to vector<128x128xf32>
    %eq3A_2768 = arith.cmpf oeq, %select_n3A_2763, %eq3A_2767 : vector<128x128xf32>
    %jit3A_2769 = arith.constant 1073741824 : i32
    %broadcast_in_dim3A_2770 = vector.broadcast %jit3A_2769 : i32 to vector<128x128xi32>
    %select_n3A_2771 = arith.select %eq3A_2768, %add3A_2675, %broadcast_in_dim3A_2770 : vector<128x128xi1>, vector<128x128xi32>
    %reduce_min3A_2772 = arith.constant dense<2147483647> : vector<128xi32>
    %reduce_min3A_2773 = vector.multi_reduction <minsi>, %select_n3A_2771, %reduce_min3A_2772 [0] : vector<128x128xi32> to vector<128xi32>
    %broadcast_in_dim3A_2774 = vector.shape_cast %reduce_min3A_2773 : vector<128xi32> to vector<1x128xi32>
    %eq3A_2775 = vector.broadcast %broadcast_in_dim3A_2774 : vector<1x128xi32> to vector<128x128xi32>
    %eq3A_2776 = arith.cmpi eq, %add3A_2675, %eq3A_2775 : vector<128x128xi32>
    %jit3A_2777 = arith.constant -1.000000e+09 : f32
    %broadcast_in_dim3A_2778 = vector.broadcast %jit3A_2777 : f32 to vector<128x128xf32>
    %select_n3A_2779 = arith.select %eq3A_2776, %broadcast_in_dim3A_2778, %select_n3A_2763 : vector<128x128xi1>, vector<128x128xf32>
    %reduce_max3A_2780 = arith.constant dense<0xFF800000> : vector<128xf32>
    %reduce_max3A_2781 = vector.multi_reduction <maximumf>, %select_n3A_2779, %reduce_max3A_2780 [0] : vector<128x128xf32> to vector<128xf32>
    %broadcast_in_dim3A_2782 = vector.shape_cast %reduce_max3A_2781 : vector<128xf32> to vector<1x128xf32>
    %eq3A_2783 = vector.broadcast %broadcast_in_dim3A_2782 : vector<1x128xf32> to vector<128x128xf32>
    %eq3A_2784 = arith.cmpf oeq, %select_n3A_2779, %eq3A_2783 : vector<128x128xf32>
    %jit3A_2785 = arith.constant 1073741824 : i32
    %broadcast_in_dim3A_2786 = vector.broadcast %jit3A_2785 : i32 to vector<128x128xi32>
    %select_n3A_2787 = arith.select %eq3A_2784, %add3A_2675, %broadcast_in_dim3A_2786 : vector<128x128xi1>, vector<128x128xi32>
    %reduce_min3A_2788 = arith.constant dense<2147483647> : vector<128xi32>
    %reduce_min3A_2789 = vector.multi_reduction <minsi>, %select_n3A_2787, %reduce_min3A_2788 [0] : vector<128x128xi32> to vector<128xi32>
    %broadcast_in_dim3A_2790 = vector.shape_cast %reduce_min3A_2789 : vector<128xi32> to vector<1x128xi32>
    %eq3A_2791 = vector.broadcast %broadcast_in_dim3A_2790 : vector<1x128xi32> to vector<128x128xi32>
    %eq3A_2792 = arith.cmpi eq, %add3A_2675, %eq3A_2791 : vector<128x128xi32>
    %jit3A_2793 = arith.constant -1.000000e+09 : f32
    %broadcast_in_dim3A_2794 = vector.broadcast %jit3A_2793 : f32 to vector<128x128xf32>
    %select_n3A_2795 = arith.select %eq3A_2792, %broadcast_in_dim3A_2794, %select_n3A_2779 : vector<128x128xi1>, vector<128x128xf32>
    %reduce_max3A_2796 = arith.constant dense<0xFF800000> : vector<128xf32>
    %reduce_max3A_2797 = vector.multi_reduction <maximumf>, %select_n3A_2795, %reduce_max3A_2796 [0] : vector<128x128xf32> to vector<128xf32>
    %broadcast_in_dim3A_2798 = vector.shape_cast %reduce_max3A_2797 : vector<128xf32> to vector<1x128xf32>
    %eq3A_2799 = vector.broadcast %broadcast_in_dim3A_2798 : vector<1x128xf32> to vector<128x128xf32>
    %eq3A_2800 = arith.cmpf oeq, %select_n3A_2795, %eq3A_2799 : vector<128x128xf32>
    %jit3A_2801 = arith.constant 1073741824 : i32
    %broadcast_in_dim3A_2802 = vector.broadcast %jit3A_2801 : i32 to vector<128x128xi32>
    %select_n3A_2803 = arith.select %eq3A_2800, %add3A_2675, %broadcast_in_dim3A_2802 : vector<128x128xi1>, vector<128x128xi32>
    %reduce_min3A_2804 = arith.constant dense<2147483647> : vector<128xi32>
    %reduce_min3A_2805 = vector.multi_reduction <minsi>, %select_n3A_2803, %reduce_min3A_2804 [0] : vector<128x128xi32> to vector<128xi32>
    %broadcast_in_dim3A_2806 = vector.shape_cast %reduce_min3A_2805 : vector<128xi32> to vector<1x128xi32>
    %get3A_2807 = arith.constant 2176 : index
    %get3A_2808 = arith.constant 0 : index
    %get3A_2809 = vector.load %arg6[%get3A_2807, %get3A_2808] : memref<2560x128xf32, #tpu.memory_space<vmem>>, vector<128x128xf32>
    %get3A_2810 = arith.constant 2176 : index
    %get3A_2811 = arith.constant 0 : index
    %get3A_2812 = vector.load %arg7[%get3A_2810, %get3A_2811] : memref<2560x128xf32, #tpu.memory_space<vmem>>, vector<128x128xf32>
    %get3A_2813 = arith.constant 2176 : index
    %get3A_2814 = arith.constant 0 : index
    %get3A_2815 = vector.load %arg8[%get3A_2813, %get3A_2814] : memref<2560x128xf32, #tpu.memory_space<vmem>>, vector<128x128xf32>
    %get3A_2816 = arith.constant 2176 : index
    %get3A_2817 = arith.constant 0 : index
    %get3A_2818 = vector.load %arg9[%get3A_2816, %get3A_2817] : memref<2560x128xf32, #tpu.memory_space<vmem>>, vector<128x128xf32>
    %select_n3A_2819 = arith.select %eq3A_256, %get3A_2809, %get3A_2815 : vector<128x128xf32>
    %select_n3A_2820 = arith.select %eq3A_256, %get3A_2812, %get3A_2818 : vector<128x128xf32>
    %select_n3A_2821 = arith.select %lt3A_276, %select_n3A_2819, %select_n3A_2820 : vector<128x128xi1>, vector<128x128xf32>
    %add3A_2822 = arith.constant 2176 : i32
    %add3A_2823 = vector.broadcast %add3A_2822 : i32 to vector<128x128xi32>
    %add3A_2824 = arith.addi %iota3A_272, %add3A_2823 : vector<128x128xi32>
    %ge3A_2825 = vector.broadcast %select_n3A_263 : vector<1x128xi32> to vector<128x128xi32>
    %ge3A_2826 = arith.cmpi sge, %add3A_2824, %ge3A_2825 : vector<128x128xi32>
    %lt3A_2827 = vector.broadcast %select_n3A_268 : vector<1x128xi32> to vector<128x128xi32>
    %lt3A_2828 = arith.cmpi slt, %add3A_2824, %lt3A_2827 : vector<128x128xi32>
    %and3A_2829 = arith.andi %ge3A_2826, %lt3A_2828 : vector<128x128xi1>
    %jit3A_2830 = arith.constant -1.000000e+09 : f32
    %broadcast_in_dim3A_2831 = vector.broadcast %jit3A_2830 : f32 to vector<128x128xf32>
    %select_n3A_2832 = arith.select %and3A_2829, %select_n3A_2821, %broadcast_in_dim3A_2831 : vector<128x128xi1>, vector<128x128xf32>
    %reduce_max3A_2833 = arith.constant dense<0xFF800000> : vector<128xf32>
    %reduce_max3A_2834 = vector.multi_reduction <maximumf>, %select_n3A_2832, %reduce_max3A_2833 [0] : vector<128x128xf32> to vector<128xf32>
    %broadcast_in_dim3A_2835 = vector.shape_cast %reduce_max3A_2834 : vector<128xf32> to vector<1x128xf32>
    %eq3A_2836 = vector.broadcast %broadcast_in_dim3A_2835 : vector<1x128xf32> to vector<128x128xf32>
    %eq3A_2837 = arith.cmpf oeq, %select_n3A_2832, %eq3A_2836 : vector<128x128xf32>
    %jit3A_2838 = arith.constant 1073741824 : i32
    %broadcast_in_dim3A_2839 = vector.broadcast %jit3A_2838 : i32 to vector<128x128xi32>
    %select_n3A_2840 = arith.select %eq3A_2837, %add3A_2824, %broadcast_in_dim3A_2839 : vector<128x128xi1>, vector<128x128xi32>
    %reduce_min3A_2841 = arith.constant dense<2147483647> : vector<128xi32>
    %reduce_min3A_2842 = vector.multi_reduction <minsi>, %select_n3A_2840, %reduce_min3A_2841 [0] : vector<128x128xi32> to vector<128xi32>
    %broadcast_in_dim3A_2843 = vector.shape_cast %reduce_min3A_2842 : vector<128xi32> to vector<1x128xi32>
    %eq3A_2844 = vector.broadcast %broadcast_in_dim3A_2843 : vector<1x128xi32> to vector<128x128xi32>
    %eq3A_2845 = arith.cmpi eq, %add3A_2824, %eq3A_2844 : vector<128x128xi32>
    %jit3A_2846 = arith.constant -1.000000e+09 : f32
    %broadcast_in_dim3A_2847 = vector.broadcast %jit3A_2846 : f32 to vector<128x128xf32>
    %select_n3A_2848 = arith.select %eq3A_2845, %broadcast_in_dim3A_2847, %select_n3A_2832 : vector<128x128xi1>, vector<128x128xf32>
    %reduce_max3A_2849 = arith.constant dense<0xFF800000> : vector<128xf32>
    %reduce_max3A_2850 = vector.multi_reduction <maximumf>, %select_n3A_2848, %reduce_max3A_2849 [0] : vector<128x128xf32> to vector<128xf32>
    %broadcast_in_dim3A_2851 = vector.shape_cast %reduce_max3A_2850 : vector<128xf32> to vector<1x128xf32>
    %eq3A_2852 = vector.broadcast %broadcast_in_dim3A_2851 : vector<1x128xf32> to vector<128x128xf32>
    %eq3A_2853 = arith.cmpf oeq, %select_n3A_2848, %eq3A_2852 : vector<128x128xf32>
    %jit3A_2854 = arith.constant 1073741824 : i32
    %broadcast_in_dim3A_2855 = vector.broadcast %jit3A_2854 : i32 to vector<128x128xi32>
    %select_n3A_2856 = arith.select %eq3A_2853, %add3A_2824, %broadcast_in_dim3A_2855 : vector<128x128xi1>, vector<128x128xi32>
    %reduce_min3A_2857 = arith.constant dense<2147483647> : vector<128xi32>
    %reduce_min3A_2858 = vector.multi_reduction <minsi>, %select_n3A_2856, %reduce_min3A_2857 [0] : vector<128x128xi32> to vector<128xi32>
    %broadcast_in_dim3A_2859 = vector.shape_cast %reduce_min3A_2858 : vector<128xi32> to vector<1x128xi32>
    %eq3A_2860 = vector.broadcast %broadcast_in_dim3A_2859 : vector<1x128xi32> to vector<128x128xi32>
    %eq3A_2861 = arith.cmpi eq, %add3A_2824, %eq3A_2860 : vector<128x128xi32>
    %jit3A_2862 = arith.constant -1.000000e+09 : f32
    %broadcast_in_dim3A_2863 = vector.broadcast %jit3A_2862 : f32 to vector<128x128xf32>
    %select_n3A_2864 = arith.select %eq3A_2861, %broadcast_in_dim3A_2863, %select_n3A_2848 : vector<128x128xi1>, vector<128x128xf32>
    %reduce_max3A_2865 = arith.constant dense<0xFF800000> : vector<128xf32>
    %reduce_max3A_2866 = vector.multi_reduction <maximumf>, %select_n3A_2864, %reduce_max3A_2865 [0] : vector<128x128xf32> to vector<128xf32>
    %broadcast_in_dim3A_2867 = vector.shape_cast %reduce_max3A_2866 : vector<128xf32> to vector<1x128xf32>
    %eq3A_2868 = vector.broadcast %broadcast_in_dim3A_2867 : vector<1x128xf32> to vector<128x128xf32>
    %eq3A_2869 = arith.cmpf oeq, %select_n3A_2864, %eq3A_2868 : vector<128x128xf32>
    %jit3A_2870 = arith.constant 1073741824 : i32
    %broadcast_in_dim3A_2871 = vector.broadcast %jit3A_2870 : i32 to vector<128x128xi32>
    %select_n3A_2872 = arith.select %eq3A_2869, %add3A_2824, %broadcast_in_dim3A_2871 : vector<128x128xi1>, vector<128x128xi32>
    %reduce_min3A_2873 = arith.constant dense<2147483647> : vector<128xi32>
    %reduce_min3A_2874 = vector.multi_reduction <minsi>, %select_n3A_2872, %reduce_min3A_2873 [0] : vector<128x128xi32> to vector<128xi32>
    %broadcast_in_dim3A_2875 = vector.shape_cast %reduce_min3A_2874 : vector<128xi32> to vector<1x128xi32>
    %eq3A_2876 = vector.broadcast %broadcast_in_dim3A_2875 : vector<1x128xi32> to vector<128x128xi32>
    %eq3A_2877 = arith.cmpi eq, %add3A_2824, %eq3A_2876 : vector<128x128xi32>
    %jit3A_2878 = arith.constant -1.000000e+09 : f32
    %broadcast_in_dim3A_2879 = vector.broadcast %jit3A_2878 : f32 to vector<128x128xf32>
    %select_n3A_2880 = arith.select %eq3A_2877, %broadcast_in_dim3A_2879, %select_n3A_2864 : vector<128x128xi1>, vector<128x128xf32>
    %reduce_max3A_2881 = arith.constant dense<0xFF800000> : vector<128xf32>
    %reduce_max3A_2882 = vector.multi_reduction <maximumf>, %select_n3A_2880, %reduce_max3A_2881 [0] : vector<128x128xf32> to vector<128xf32>
    %broadcast_in_dim3A_2883 = vector.shape_cast %reduce_max3A_2882 : vector<128xf32> to vector<1x128xf32>
    %eq3A_2884 = vector.broadcast %broadcast_in_dim3A_2883 : vector<1x128xf32> to vector<128x128xf32>
    %eq3A_2885 = arith.cmpf oeq, %select_n3A_2880, %eq3A_2884 : vector<128x128xf32>
    %jit3A_2886 = arith.constant 1073741824 : i32
    %broadcast_in_dim3A_2887 = vector.broadcast %jit3A_2886 : i32 to vector<128x128xi32>
    %select_n3A_2888 = arith.select %eq3A_2885, %add3A_2824, %broadcast_in_dim3A_2887 : vector<128x128xi1>, vector<128x128xi32>
    %reduce_min3A_2889 = arith.constant dense<2147483647> : vector<128xi32>
    %reduce_min3A_2890 = vector.multi_reduction <minsi>, %select_n3A_2888, %reduce_min3A_2889 [0] : vector<128x128xi32> to vector<128xi32>
    %broadcast_in_dim3A_2891 = vector.shape_cast %reduce_min3A_2890 : vector<128xi32> to vector<1x128xi32>
    %eq3A_2892 = vector.broadcast %broadcast_in_dim3A_2891 : vector<1x128xi32> to vector<128x128xi32>
    %eq3A_2893 = arith.cmpi eq, %add3A_2824, %eq3A_2892 : vector<128x128xi32>
    %jit3A_2894 = arith.constant -1.000000e+09 : f32
    %broadcast_in_dim3A_2895 = vector.broadcast %jit3A_2894 : f32 to vector<128x128xf32>
    %select_n3A_2896 = arith.select %eq3A_2893, %broadcast_in_dim3A_2895, %select_n3A_2880 : vector<128x128xi1>, vector<128x128xf32>
    %reduce_max3A_2897 = arith.constant dense<0xFF800000> : vector<128xf32>
    %reduce_max3A_2898 = vector.multi_reduction <maximumf>, %select_n3A_2896, %reduce_max3A_2897 [0] : vector<128x128xf32> to vector<128xf32>
    %broadcast_in_dim3A_2899 = vector.shape_cast %reduce_max3A_2898 : vector<128xf32> to vector<1x128xf32>
    %eq3A_2900 = vector.broadcast %broadcast_in_dim3A_2899 : vector<1x128xf32> to vector<128x128xf32>
    %eq3A_2901 = arith.cmpf oeq, %select_n3A_2896, %eq3A_2900 : vector<128x128xf32>
    %jit3A_2902 = arith.constant 1073741824 : i32
    %broadcast_in_dim3A_2903 = vector.broadcast %jit3A_2902 : i32 to vector<128x128xi32>
    %select_n3A_2904 = arith.select %eq3A_2901, %add3A_2824, %broadcast_in_dim3A_2903 : vector<128x128xi1>, vector<128x128xi32>
    %reduce_min3A_2905 = arith.constant dense<2147483647> : vector<128xi32>
    %reduce_min3A_2906 = vector.multi_reduction <minsi>, %select_n3A_2904, %reduce_min3A_2905 [0] : vector<128x128xi32> to vector<128xi32>
    %broadcast_in_dim3A_2907 = vector.shape_cast %reduce_min3A_2906 : vector<128xi32> to vector<1x128xi32>
    %eq3A_2908 = vector.broadcast %broadcast_in_dim3A_2907 : vector<1x128xi32> to vector<128x128xi32>
    %eq3A_2909 = arith.cmpi eq, %add3A_2824, %eq3A_2908 : vector<128x128xi32>
    %jit3A_2910 = arith.constant -1.000000e+09 : f32
    %broadcast_in_dim3A_2911 = vector.broadcast %jit3A_2910 : f32 to vector<128x128xf32>
    %select_n3A_2912 = arith.select %eq3A_2909, %broadcast_in_dim3A_2911, %select_n3A_2896 : vector<128x128xi1>, vector<128x128xf32>
    %reduce_max3A_2913 = arith.constant dense<0xFF800000> : vector<128xf32>
    %reduce_max3A_2914 = vector.multi_reduction <maximumf>, %select_n3A_2912, %reduce_max3A_2913 [0] : vector<128x128xf32> to vector<128xf32>
    %broadcast_in_dim3A_2915 = vector.shape_cast %reduce_max3A_2914 : vector<128xf32> to vector<1x128xf32>
    %eq3A_2916 = vector.broadcast %broadcast_in_dim3A_2915 : vector<1x128xf32> to vector<128x128xf32>
    %eq3A_2917 = arith.cmpf oeq, %select_n3A_2912, %eq3A_2916 : vector<128x128xf32>
    %jit3A_2918 = arith.constant 1073741824 : i32
    %broadcast_in_dim3A_2919 = vector.broadcast %jit3A_2918 : i32 to vector<128x128xi32>
    %select_n3A_2920 = arith.select %eq3A_2917, %add3A_2824, %broadcast_in_dim3A_2919 : vector<128x128xi1>, vector<128x128xi32>
    %reduce_min3A_2921 = arith.constant dense<2147483647> : vector<128xi32>
    %reduce_min3A_2922 = vector.multi_reduction <minsi>, %select_n3A_2920, %reduce_min3A_2921 [0] : vector<128x128xi32> to vector<128xi32>
    %broadcast_in_dim3A_2923 = vector.shape_cast %reduce_min3A_2922 : vector<128xi32> to vector<1x128xi32>
    %eq3A_2924 = vector.broadcast %broadcast_in_dim3A_2923 : vector<1x128xi32> to vector<128x128xi32>
    %eq3A_2925 = arith.cmpi eq, %add3A_2824, %eq3A_2924 : vector<128x128xi32>
    %jit3A_2926 = arith.constant -1.000000e+09 : f32
    %broadcast_in_dim3A_2927 = vector.broadcast %jit3A_2926 : f32 to vector<128x128xf32>
    %select_n3A_2928 = arith.select %eq3A_2925, %broadcast_in_dim3A_2927, %select_n3A_2912 : vector<128x128xi1>, vector<128x128xf32>
    %reduce_max3A_2929 = arith.constant dense<0xFF800000> : vector<128xf32>
    %reduce_max3A_2930 = vector.multi_reduction <maximumf>, %select_n3A_2928, %reduce_max3A_2929 [0] : vector<128x128xf32> to vector<128xf32>
    %broadcast_in_dim3A_2931 = vector.shape_cast %reduce_max3A_2930 : vector<128xf32> to vector<1x128xf32>
    %eq3A_2932 = vector.broadcast %broadcast_in_dim3A_2931 : vector<1x128xf32> to vector<128x128xf32>
    %eq3A_2933 = arith.cmpf oeq, %select_n3A_2928, %eq3A_2932 : vector<128x128xf32>
    %jit3A_2934 = arith.constant 1073741824 : i32
    %broadcast_in_dim3A_2935 = vector.broadcast %jit3A_2934 : i32 to vector<128x128xi32>
    %select_n3A_2936 = arith.select %eq3A_2933, %add3A_2824, %broadcast_in_dim3A_2935 : vector<128x128xi1>, vector<128x128xi32>
    %reduce_min3A_2937 = arith.constant dense<2147483647> : vector<128xi32>
    %reduce_min3A_2938 = vector.multi_reduction <minsi>, %select_n3A_2936, %reduce_min3A_2937 [0] : vector<128x128xi32> to vector<128xi32>
    %broadcast_in_dim3A_2939 = vector.shape_cast %reduce_min3A_2938 : vector<128xi32> to vector<1x128xi32>
    %eq3A_2940 = vector.broadcast %broadcast_in_dim3A_2939 : vector<1x128xi32> to vector<128x128xi32>
    %eq3A_2941 = arith.cmpi eq, %add3A_2824, %eq3A_2940 : vector<128x128xi32>
    %jit3A_2942 = arith.constant -1.000000e+09 : f32
    %broadcast_in_dim3A_2943 = vector.broadcast %jit3A_2942 : f32 to vector<128x128xf32>
    %select_n3A_2944 = arith.select %eq3A_2941, %broadcast_in_dim3A_2943, %select_n3A_2928 : vector<128x128xi1>, vector<128x128xf32>
    %reduce_max3A_2945 = arith.constant dense<0xFF800000> : vector<128xf32>
    %reduce_max3A_2946 = vector.multi_reduction <maximumf>, %select_n3A_2944, %reduce_max3A_2945 [0] : vector<128x128xf32> to vector<128xf32>
    %broadcast_in_dim3A_2947 = vector.shape_cast %reduce_max3A_2946 : vector<128xf32> to vector<1x128xf32>
    %eq3A_2948 = vector.broadcast %broadcast_in_dim3A_2947 : vector<1x128xf32> to vector<128x128xf32>
    %eq3A_2949 = arith.cmpf oeq, %select_n3A_2944, %eq3A_2948 : vector<128x128xf32>
    %jit3A_2950 = arith.constant 1073741824 : i32
    %broadcast_in_dim3A_2951 = vector.broadcast %jit3A_2950 : i32 to vector<128x128xi32>
    %select_n3A_2952 = arith.select %eq3A_2949, %add3A_2824, %broadcast_in_dim3A_2951 : vector<128x128xi1>, vector<128x128xi32>
    %reduce_min3A_2953 = arith.constant dense<2147483647> : vector<128xi32>
    %reduce_min3A_2954 = vector.multi_reduction <minsi>, %select_n3A_2952, %reduce_min3A_2953 [0] : vector<128x128xi32> to vector<128xi32>
    %broadcast_in_dim3A_2955 = vector.shape_cast %reduce_min3A_2954 : vector<128xi32> to vector<1x128xi32>
    %get3A_2956 = arith.constant 2304 : index
    %get3A_2957 = arith.constant 0 : index
    %get3A_2958 = vector.load %arg6[%get3A_2956, %get3A_2957] : memref<2560x128xf32, #tpu.memory_space<vmem>>, vector<128x128xf32>
    %get3A_2959 = arith.constant 2304 : index
    %get3A_2960 = arith.constant 0 : index
    %get3A_2961 = vector.load %arg7[%get3A_2959, %get3A_2960] : memref<2560x128xf32, #tpu.memory_space<vmem>>, vector<128x128xf32>
    %get3A_2962 = arith.constant 2304 : index
    %get3A_2963 = arith.constant 0 : index
    %get3A_2964 = vector.load %arg8[%get3A_2962, %get3A_2963] : memref<2560x128xf32, #tpu.memory_space<vmem>>, vector<128x128xf32>
    %get3A_2965 = arith.constant 2304 : index
    %get3A_2966 = arith.constant 0 : index
    %get3A_2967 = vector.load %arg9[%get3A_2965, %get3A_2966] : memref<2560x128xf32, #tpu.memory_space<vmem>>, vector<128x128xf32>
    %select_n3A_2968 = arith.select %eq3A_256, %get3A_2958, %get3A_2964 : vector<128x128xf32>
    %select_n3A_2969 = arith.select %eq3A_256, %get3A_2961, %get3A_2967 : vector<128x128xf32>
    %select_n3A_2970 = arith.select %lt3A_276, %select_n3A_2968, %select_n3A_2969 : vector<128x128xi1>, vector<128x128xf32>
    %add3A_2971 = arith.constant 2304 : i32
    %add3A_2972 = vector.broadcast %add3A_2971 : i32 to vector<128x128xi32>
    %add3A_2973 = arith.addi %iota3A_272, %add3A_2972 : vector<128x128xi32>
    %ge3A_2974 = vector.broadcast %select_n3A_263 : vector<1x128xi32> to vector<128x128xi32>
    %ge3A_2975 = arith.cmpi sge, %add3A_2973, %ge3A_2974 : vector<128x128xi32>
    %lt3A_2976 = vector.broadcast %select_n3A_268 : vector<1x128xi32> to vector<128x128xi32>
    %lt3A_2977 = arith.cmpi slt, %add3A_2973, %lt3A_2976 : vector<128x128xi32>
    %and3A_2978 = arith.andi %ge3A_2975, %lt3A_2977 : vector<128x128xi1>
    %jit3A_2979 = arith.constant -1.000000e+09 : f32
    %broadcast_in_dim3A_2980 = vector.broadcast %jit3A_2979 : f32 to vector<128x128xf32>
    %select_n3A_2981 = arith.select %and3A_2978, %select_n3A_2970, %broadcast_in_dim3A_2980 : vector<128x128xi1>, vector<128x128xf32>
    %reduce_max3A_2982 = arith.constant dense<0xFF800000> : vector<128xf32>
    %reduce_max3A_2983 = vector.multi_reduction <maximumf>, %select_n3A_2981, %reduce_max3A_2982 [0] : vector<128x128xf32> to vector<128xf32>
    %broadcast_in_dim3A_2984 = vector.shape_cast %reduce_max3A_2983 : vector<128xf32> to vector<1x128xf32>
    %eq3A_2985 = vector.broadcast %broadcast_in_dim3A_2984 : vector<1x128xf32> to vector<128x128xf32>
    %eq3A_2986 = arith.cmpf oeq, %select_n3A_2981, %eq3A_2985 : vector<128x128xf32>
    %jit3A_2987 = arith.constant 1073741824 : i32
    %broadcast_in_dim3A_2988 = vector.broadcast %jit3A_2987 : i32 to vector<128x128xi32>
    %select_n3A_2989 = arith.select %eq3A_2986, %add3A_2973, %broadcast_in_dim3A_2988 : vector<128x128xi1>, vector<128x128xi32>
    %reduce_min3A_2990 = arith.constant dense<2147483647> : vector<128xi32>
    %reduce_min3A_2991 = vector.multi_reduction <minsi>, %select_n3A_2989, %reduce_min3A_2990 [0] : vector<128x128xi32> to vector<128xi32>
    %broadcast_in_dim3A_2992 = vector.shape_cast %reduce_min3A_2991 : vector<128xi32> to vector<1x128xi32>
    %eq3A_2993 = vector.broadcast %broadcast_in_dim3A_2992 : vector<1x128xi32> to vector<128x128xi32>
    %eq3A_2994 = arith.cmpi eq, %add3A_2973, %eq3A_2993 : vector<128x128xi32>
    %jit3A_2995 = arith.constant -1.000000e+09 : f32
    %broadcast_in_dim3A_2996 = vector.broadcast %jit3A_2995 : f32 to vector<128x128xf32>
    %select_n3A_2997 = arith.select %eq3A_2994, %broadcast_in_dim3A_2996, %select_n3A_2981 : vector<128x128xi1>, vector<128x128xf32>
    %reduce_max3A_2998 = arith.constant dense<0xFF800000> : vector<128xf32>
    %reduce_max3A_2999 = vector.multi_reduction <maximumf>, %select_n3A_2997, %reduce_max3A_2998 [0] : vector<128x128xf32> to vector<128xf32>
    %broadcast_in_dim3A_3000 = vector.shape_cast %reduce_max3A_2999 : vector<128xf32> to vector<1x128xf32>
    %eq3A_3001 = vector.broadcast %broadcast_in_dim3A_3000 : vector<1x128xf32> to vector<128x128xf32>
    %eq3A_3002 = arith.cmpf oeq, %select_n3A_2997, %eq3A_3001 : vector<128x128xf32>
    %jit3A_3003 = arith.constant 1073741824 : i32
    %broadcast_in_dim3A_3004 = vector.broadcast %jit3A_3003 : i32 to vector<128x128xi32>
    %select_n3A_3005 = arith.select %eq3A_3002, %add3A_2973, %broadcast_in_dim3A_3004 : vector<128x128xi1>, vector<128x128xi32>
    %reduce_min3A_3006 = arith.constant dense<2147483647> : vector<128xi32>
    %reduce_min3A_3007 = vector.multi_reduction <minsi>, %select_n3A_3005, %reduce_min3A_3006 [0] : vector<128x128xi32> to vector<128xi32>
    %broadcast_in_dim3A_3008 = vector.shape_cast %reduce_min3A_3007 : vector<128xi32> to vector<1x128xi32>
    %eq3A_3009 = vector.broadcast %broadcast_in_dim3A_3008 : vector<1x128xi32> to vector<128x128xi32>
    %eq3A_3010 = arith.cmpi eq, %add3A_2973, %eq3A_3009 : vector<128x128xi32>
    %jit3A_3011 = arith.constant -1.000000e+09 : f32
    %broadcast_in_dim3A_3012 = vector.broadcast %jit3A_3011 : f32 to vector<128x128xf32>
    %select_n3A_3013 = arith.select %eq3A_3010, %broadcast_in_dim3A_3012, %select_n3A_2997 : vector<128x128xi1>, vector<128x128xf32>
    %reduce_max3A_3014 = arith.constant dense<0xFF800000> : vector<128xf32>
    %reduce_max3A_3015 = vector.multi_reduction <maximumf>, %select_n3A_3013, %reduce_max3A_3014 [0] : vector<128x128xf32> to vector<128xf32>
    %broadcast_in_dim3A_3016 = vector.shape_cast %reduce_max3A_3015 : vector<128xf32> to vector<1x128xf32>
    %eq3A_3017 = vector.broadcast %broadcast_in_dim3A_3016 : vector<1x128xf32> to vector<128x128xf32>
    %eq3A_3018 = arith.cmpf oeq, %select_n3A_3013, %eq3A_3017 : vector<128x128xf32>
    %jit3A_3019 = arith.constant 1073741824 : i32
    %broadcast_in_dim3A_3020 = vector.broadcast %jit3A_3019 : i32 to vector<128x128xi32>
    %select_n3A_3021 = arith.select %eq3A_3018, %add3A_2973, %broadcast_in_dim3A_3020 : vector<128x128xi1>, vector<128x128xi32>
    %reduce_min3A_3022 = arith.constant dense<2147483647> : vector<128xi32>
    %reduce_min3A_3023 = vector.multi_reduction <minsi>, %select_n3A_3021, %reduce_min3A_3022 [0] : vector<128x128xi32> to vector<128xi32>
    %broadcast_in_dim3A_3024 = vector.shape_cast %reduce_min3A_3023 : vector<128xi32> to vector<1x128xi32>
    %eq3A_3025 = vector.broadcast %broadcast_in_dim3A_3024 : vector<1x128xi32> to vector<128x128xi32>
    %eq3A_3026 = arith.cmpi eq, %add3A_2973, %eq3A_3025 : vector<128x128xi32>
    %jit3A_3027 = arith.constant -1.000000e+09 : f32
    %broadcast_in_dim3A_3028 = vector.broadcast %jit3A_3027 : f32 to vector<128x128xf32>
    %select_n3A_3029 = arith.select %eq3A_3026, %broadcast_in_dim3A_3028, %select_n3A_3013 : vector<128x128xi1>, vector<128x128xf32>
    %reduce_max3A_3030 = arith.constant dense<0xFF800000> : vector<128xf32>
    %reduce_max3A_3031 = vector.multi_reduction <maximumf>, %select_n3A_3029, %reduce_max3A_3030 [0] : vector<128x128xf32> to vector<128xf32>
    %broadcast_in_dim3A_3032 = vector.shape_cast %reduce_max3A_3031 : vector<128xf32> to vector<1x128xf32>
    %eq3A_3033 = vector.broadcast %broadcast_in_dim3A_3032 : vector<1x128xf32> to vector<128x128xf32>
    %eq3A_3034 = arith.cmpf oeq, %select_n3A_3029, %eq3A_3033 : vector<128x128xf32>
    %jit3A_3035 = arith.constant 1073741824 : i32
    %broadcast_in_dim3A_3036 = vector.broadcast %jit3A_3035 : i32 to vector<128x128xi32>
    %select_n3A_3037 = arith.select %eq3A_3034, %add3A_2973, %broadcast_in_dim3A_3036 : vector<128x128xi1>, vector<128x128xi32>
    %reduce_min3A_3038 = arith.constant dense<2147483647> : vector<128xi32>
    %reduce_min3A_3039 = vector.multi_reduction <minsi>, %select_n3A_3037, %reduce_min3A_3038 [0] : vector<128x128xi32> to vector<128xi32>
    %broadcast_in_dim3A_3040 = vector.shape_cast %reduce_min3A_3039 : vector<128xi32> to vector<1x128xi32>
    %eq3A_3041 = vector.broadcast %broadcast_in_dim3A_3040 : vector<1x128xi32> to vector<128x128xi32>
    %eq3A_3042 = arith.cmpi eq, %add3A_2973, %eq3A_3041 : vector<128x128xi32>
    %jit3A_3043 = arith.constant -1.000000e+09 : f32
    %broadcast_in_dim3A_3044 = vector.broadcast %jit3A_3043 : f32 to vector<128x128xf32>
    %select_n3A_3045 = arith.select %eq3A_3042, %broadcast_in_dim3A_3044, %select_n3A_3029 : vector<128x128xi1>, vector<128x128xf32>
    %reduce_max3A_3046 = arith.constant dense<0xFF800000> : vector<128xf32>
    %reduce_max3A_3047 = vector.multi_reduction <maximumf>, %select_n3A_3045, %reduce_max3A_3046 [0] : vector<128x128xf32> to vector<128xf32>
    %broadcast_in_dim3A_3048 = vector.shape_cast %reduce_max3A_3047 : vector<128xf32> to vector<1x128xf32>
    %eq3A_3049 = vector.broadcast %broadcast_in_dim3A_3048 : vector<1x128xf32> to vector<128x128xf32>
    %eq3A_3050 = arith.cmpf oeq, %select_n3A_3045, %eq3A_3049 : vector<128x128xf32>
    %jit3A_3051 = arith.constant 1073741824 : i32
    %broadcast_in_dim3A_3052 = vector.broadcast %jit3A_3051 : i32 to vector<128x128xi32>
    %select_n3A_3053 = arith.select %eq3A_3050, %add3A_2973, %broadcast_in_dim3A_3052 : vector<128x128xi1>, vector<128x128xi32>
    %reduce_min3A_3054 = arith.constant dense<2147483647> : vector<128xi32>
    %reduce_min3A_3055 = vector.multi_reduction <minsi>, %select_n3A_3053, %reduce_min3A_3054 [0] : vector<128x128xi32> to vector<128xi32>
    %broadcast_in_dim3A_3056 = vector.shape_cast %reduce_min3A_3055 : vector<128xi32> to vector<1x128xi32>
    %eq3A_3057 = vector.broadcast %broadcast_in_dim3A_3056 : vector<1x128xi32> to vector<128x128xi32>
    %eq3A_3058 = arith.cmpi eq, %add3A_2973, %eq3A_3057 : vector<128x128xi32>
    %jit3A_3059 = arith.constant -1.000000e+09 : f32
    %broadcast_in_dim3A_3060 = vector.broadcast %jit3A_3059 : f32 to vector<128x128xf32>
    %select_n3A_3061 = arith.select %eq3A_3058, %broadcast_in_dim3A_3060, %select_n3A_3045 : vector<128x128xi1>, vector<128x128xf32>
    %reduce_max3A_3062 = arith.constant dense<0xFF800000> : vector<128xf32>
    %reduce_max3A_3063 = vector.multi_reduction <maximumf>, %select_n3A_3061, %reduce_max3A_3062 [0] : vector<128x128xf32> to vector<128xf32>
    %broadcast_in_dim3A_3064 = vector.shape_cast %reduce_max3A_3063 : vector<128xf32> to vector<1x128xf32>
    %eq3A_3065 = vector.broadcast %broadcast_in_dim3A_3064 : vector<1x128xf32> to vector<128x128xf32>
    %eq3A_3066 = arith.cmpf oeq, %select_n3A_3061, %eq3A_3065 : vector<128x128xf32>
    %jit3A_3067 = arith.constant 1073741824 : i32
    %broadcast_in_dim3A_3068 = vector.broadcast %jit3A_3067 : i32 to vector<128x128xi32>
    %select_n3A_3069 = arith.select %eq3A_3066, %add3A_2973, %broadcast_in_dim3A_3068 : vector<128x128xi1>, vector<128x128xi32>
    %reduce_min3A_3070 = arith.constant dense<2147483647> : vector<128xi32>
    %reduce_min3A_3071 = vector.multi_reduction <minsi>, %select_n3A_3069, %reduce_min3A_3070 [0] : vector<128x128xi32> to vector<128xi32>
    %broadcast_in_dim3A_3072 = vector.shape_cast %reduce_min3A_3071 : vector<128xi32> to vector<1x128xi32>
    %eq3A_3073 = vector.broadcast %broadcast_in_dim3A_3072 : vector<1x128xi32> to vector<128x128xi32>
    %eq3A_3074 = arith.cmpi eq, %add3A_2973, %eq3A_3073 : vector<128x128xi32>
    %jit3A_3075 = arith.constant -1.000000e+09 : f32
    %broadcast_in_dim3A_3076 = vector.broadcast %jit3A_3075 : f32 to vector<128x128xf32>
    %select_n3A_3077 = arith.select %eq3A_3074, %broadcast_in_dim3A_3076, %select_n3A_3061 : vector<128x128xi1>, vector<128x128xf32>
    %reduce_max3A_3078 = arith.constant dense<0xFF800000> : vector<128xf32>
    %reduce_max3A_3079 = vector.multi_reduction <maximumf>, %select_n3A_3077, %reduce_max3A_3078 [0] : vector<128x128xf32> to vector<128xf32>
    %broadcast_in_dim3A_3080 = vector.shape_cast %reduce_max3A_3079 : vector<128xf32> to vector<1x128xf32>
    %eq3A_3081 = vector.broadcast %broadcast_in_dim3A_3080 : vector<1x128xf32> to vector<128x128xf32>
    %eq3A_3082 = arith.cmpf oeq, %select_n3A_3077, %eq3A_3081 : vector<128x128xf32>
    %jit3A_3083 = arith.constant 1073741824 : i32
    %broadcast_in_dim3A_3084 = vector.broadcast %jit3A_3083 : i32 to vector<128x128xi32>
    %select_n3A_3085 = arith.select %eq3A_3082, %add3A_2973, %broadcast_in_dim3A_3084 : vector<128x128xi1>, vector<128x128xi32>
    %reduce_min3A_3086 = arith.constant dense<2147483647> : vector<128xi32>
    %reduce_min3A_3087 = vector.multi_reduction <minsi>, %select_n3A_3085, %reduce_min3A_3086 [0] : vector<128x128xi32> to vector<128xi32>
    %broadcast_in_dim3A_3088 = vector.shape_cast %reduce_min3A_3087 : vector<128xi32> to vector<1x128xi32>
    %eq3A_3089 = vector.broadcast %broadcast_in_dim3A_3088 : vector<1x128xi32> to vector<128x128xi32>
    %eq3A_3090 = arith.cmpi eq, %add3A_2973, %eq3A_3089 : vector<128x128xi32>
    %jit3A_3091 = arith.constant -1.000000e+09 : f32
    %broadcast_in_dim3A_3092 = vector.broadcast %jit3A_3091 : f32 to vector<128x128xf32>
    %select_n3A_3093 = arith.select %eq3A_3090, %broadcast_in_dim3A_3092, %select_n3A_3077 : vector<128x128xi1>, vector<128x128xf32>
    %reduce_max3A_3094 = arith.constant dense<0xFF800000> : vector<128xf32>
    %reduce_max3A_3095 = vector.multi_reduction <maximumf>, %select_n3A_3093, %reduce_max3A_3094 [0] : vector<128x128xf32> to vector<128xf32>
    %broadcast_in_dim3A_3096 = vector.shape_cast %reduce_max3A_3095 : vector<128xf32> to vector<1x128xf32>
    %eq3A_3097 = vector.broadcast %broadcast_in_dim3A_3096 : vector<1x128xf32> to vector<128x128xf32>
    %eq3A_3098 = arith.cmpf oeq, %select_n3A_3093, %eq3A_3097 : vector<128x128xf32>
    %jit3A_3099 = arith.constant 1073741824 : i32
    %broadcast_in_dim3A_3100 = vector.broadcast %jit3A_3099 : i32 to vector<128x128xi32>
    %select_n3A_3101 = arith.select %eq3A_3098, %add3A_2973, %broadcast_in_dim3A_3100 : vector<128x128xi1>, vector<128x128xi32>
    %reduce_min3A_3102 = arith.constant dense<2147483647> : vector<128xi32>
    %reduce_min3A_3103 = vector.multi_reduction <minsi>, %select_n3A_3101, %reduce_min3A_3102 [0] : vector<128x128xi32> to vector<128xi32>
    %broadcast_in_dim3A_3104 = vector.shape_cast %reduce_min3A_3103 : vector<128xi32> to vector<1x128xi32>
    %get3A_3105 = arith.constant 2432 : index
    %get3A_3106 = arith.constant 0 : index
    %get3A_3107 = vector.load %arg6[%get3A_3105, %get3A_3106] : memref<2560x128xf32, #tpu.memory_space<vmem>>, vector<128x128xf32>
    %get3A_3108 = arith.constant 2432 : index
    %get3A_3109 = arith.constant 0 : index
    %get3A_3110 = vector.load %arg7[%get3A_3108, %get3A_3109] : memref<2560x128xf32, #tpu.memory_space<vmem>>, vector<128x128xf32>
    %get3A_3111 = arith.constant 2432 : index
    %get3A_3112 = arith.constant 0 : index
    %get3A_3113 = vector.load %arg8[%get3A_3111, %get3A_3112] : memref<2560x128xf32, #tpu.memory_space<vmem>>, vector<128x128xf32>
    %get3A_3114 = arith.constant 2432 : index
    %get3A_3115 = arith.constant 0 : index
    %get3A_3116 = vector.load %arg9[%get3A_3114, %get3A_3115] : memref<2560x128xf32, #tpu.memory_space<vmem>>, vector<128x128xf32>
    %select_n3A_3117 = arith.select %eq3A_256, %get3A_3107, %get3A_3113 : vector<128x128xf32>
    %select_n3A_3118 = arith.select %eq3A_256, %get3A_3110, %get3A_3116 : vector<128x128xf32>
    %select_n3A_3119 = arith.select %lt3A_276, %select_n3A_3117, %select_n3A_3118 : vector<128x128xi1>, vector<128x128xf32>
    %add3A_3120 = arith.constant 2432 : i32
    %add3A_3121 = vector.broadcast %add3A_3120 : i32 to vector<128x128xi32>
    %add3A_3122 = arith.addi %iota3A_272, %add3A_3121 : vector<128x128xi32>
    %ge3A_3123 = vector.broadcast %select_n3A_263 : vector<1x128xi32> to vector<128x128xi32>
    %ge3A_3124 = arith.cmpi sge, %add3A_3122, %ge3A_3123 : vector<128x128xi32>
    %lt3A_3125 = vector.broadcast %select_n3A_268 : vector<1x128xi32> to vector<128x128xi32>
    %lt3A_3126 = arith.cmpi slt, %add3A_3122, %lt3A_3125 : vector<128x128xi32>
    %and3A_3127 = arith.andi %ge3A_3124, %lt3A_3126 : vector<128x128xi1>
    %jit3A_3128 = arith.constant -1.000000e+09 : f32
    %broadcast_in_dim3A_3129 = vector.broadcast %jit3A_3128 : f32 to vector<128x128xf32>
    %select_n3A_3130 = arith.select %and3A_3127, %select_n3A_3119, %broadcast_in_dim3A_3129 : vector<128x128xi1>, vector<128x128xf32>
    %reduce_max3A_3131 = arith.constant dense<0xFF800000> : vector<128xf32>
    %reduce_max3A_3132 = vector.multi_reduction <maximumf>, %select_n3A_3130, %reduce_max3A_3131 [0] : vector<128x128xf32> to vector<128xf32>
    %broadcast_in_dim3A_3133 = vector.shape_cast %reduce_max3A_3132 : vector<128xf32> to vector<1x128xf32>
    %eq3A_3134 = vector.broadcast %broadcast_in_dim3A_3133 : vector<1x128xf32> to vector<128x128xf32>
    %eq3A_3135 = arith.cmpf oeq, %select_n3A_3130, %eq3A_3134 : vector<128x128xf32>
    %jit3A_3136 = arith.constant 1073741824 : i32
    %broadcast_in_dim3A_3137 = vector.broadcast %jit3A_3136 : i32 to vector<128x128xi32>
    %select_n3A_3138 = arith.select %eq3A_3135, %add3A_3122, %broadcast_in_dim3A_3137 : vector<128x128xi1>, vector<128x128xi32>
    %reduce_min3A_3139 = arith.constant dense<2147483647> : vector<128xi32>
    %reduce_min3A_3140 = vector.multi_reduction <minsi>, %select_n3A_3138, %reduce_min3A_3139 [0] : vector<128x128xi32> to vector<128xi32>
    %broadcast_in_dim3A_3141 = vector.shape_cast %reduce_min3A_3140 : vector<128xi32> to vector<1x128xi32>
    %eq3A_3142 = vector.broadcast %broadcast_in_dim3A_3141 : vector<1x128xi32> to vector<128x128xi32>
    %eq3A_3143 = arith.cmpi eq, %add3A_3122, %eq3A_3142 : vector<128x128xi32>
    %jit3A_3144 = arith.constant -1.000000e+09 : f32
    %broadcast_in_dim3A_3145 = vector.broadcast %jit3A_3144 : f32 to vector<128x128xf32>
    %select_n3A_3146 = arith.select %eq3A_3143, %broadcast_in_dim3A_3145, %select_n3A_3130 : vector<128x128xi1>, vector<128x128xf32>
    %reduce_max3A_3147 = arith.constant dense<0xFF800000> : vector<128xf32>
    %reduce_max3A_3148 = vector.multi_reduction <maximumf>, %select_n3A_3146, %reduce_max3A_3147 [0] : vector<128x128xf32> to vector<128xf32>
    %broadcast_in_dim3A_3149 = vector.shape_cast %reduce_max3A_3148 : vector<128xf32> to vector<1x128xf32>
    %eq3A_3150 = vector.broadcast %broadcast_in_dim3A_3149 : vector<1x128xf32> to vector<128x128xf32>
    %eq3A_3151 = arith.cmpf oeq, %select_n3A_3146, %eq3A_3150 : vector<128x128xf32>
    %jit3A_3152 = arith.constant 1073741824 : i32
    %broadcast_in_dim3A_3153 = vector.broadcast %jit3A_3152 : i32 to vector<128x128xi32>
    %select_n3A_3154 = arith.select %eq3A_3151, %add3A_3122, %broadcast_in_dim3A_3153 : vector<128x128xi1>, vector<128x128xi32>
    %reduce_min3A_3155 = arith.constant dense<2147483647> : vector<128xi32>
    %reduce_min3A_3156 = vector.multi_reduction <minsi>, %select_n3A_3154, %reduce_min3A_3155 [0] : vector<128x128xi32> to vector<128xi32>
    %broadcast_in_dim3A_3157 = vector.shape_cast %reduce_min3A_3156 : vector<128xi32> to vector<1x128xi32>
    %eq3A_3158 = vector.broadcast %broadcast_in_dim3A_3157 : vector<1x128xi32> to vector<128x128xi32>
    %eq3A_3159 = arith.cmpi eq, %add3A_3122, %eq3A_3158 : vector<128x128xi32>
    %jit3A_3160 = arith.constant -1.000000e+09 : f32
    %broadcast_in_dim3A_3161 = vector.broadcast %jit3A_3160 : f32 to vector<128x128xf32>
    %select_n3A_3162 = arith.select %eq3A_3159, %broadcast_in_dim3A_3161, %select_n3A_3146 : vector<128x128xi1>, vector<128x128xf32>
    %reduce_max3A_3163 = arith.constant dense<0xFF800000> : vector<128xf32>
    %reduce_max3A_3164 = vector.multi_reduction <maximumf>, %select_n3A_3162, %reduce_max3A_3163 [0] : vector<128x128xf32> to vector<128xf32>
    %broadcast_in_dim3A_3165 = vector.shape_cast %reduce_max3A_3164 : vector<128xf32> to vector<1x128xf32>
    %eq3A_3166 = vector.broadcast %broadcast_in_dim3A_3165 : vector<1x128xf32> to vector<128x128xf32>
    %eq3A_3167 = arith.cmpf oeq, %select_n3A_3162, %eq3A_3166 : vector<128x128xf32>
    %jit3A_3168 = arith.constant 1073741824 : i32
    %broadcast_in_dim3A_3169 = vector.broadcast %jit3A_3168 : i32 to vector<128x128xi32>
    %select_n3A_3170 = arith.select %eq3A_3167, %add3A_3122, %broadcast_in_dim3A_3169 : vector<128x128xi1>, vector<128x128xi32>
    %reduce_min3A_3171 = arith.constant dense<2147483647> : vector<128xi32>
    %reduce_min3A_3172 = vector.multi_reduction <minsi>, %select_n3A_3170, %reduce_min3A_3171 [0] : vector<128x128xi32> to vector<128xi32>
    %broadcast_in_dim3A_3173 = vector.shape_cast %reduce_min3A_3172 : vector<128xi32> to vector<1x128xi32>
    %eq3A_3174 = vector.broadcast %broadcast_in_dim3A_3173 : vector<1x128xi32> to vector<128x128xi32>
    %eq3A_3175 = arith.cmpi eq, %add3A_3122, %eq3A_3174 : vector<128x128xi32>
    %jit3A_3176 = arith.constant -1.000000e+09 : f32
    %broadcast_in_dim3A_3177 = vector.broadcast %jit3A_3176 : f32 to vector<128x128xf32>
    %select_n3A_3178 = arith.select %eq3A_3175, %broadcast_in_dim3A_3177, %select_n3A_3162 : vector<128x128xi1>, vector<128x128xf32>
    %reduce_max3A_3179 = arith.constant dense<0xFF800000> : vector<128xf32>
    %reduce_max3A_3180 = vector.multi_reduction <maximumf>, %select_n3A_3178, %reduce_max3A_3179 [0] : vector<128x128xf32> to vector<128xf32>
    %broadcast_in_dim3A_3181 = vector.shape_cast %reduce_max3A_3180 : vector<128xf32> to vector<1x128xf32>
    %eq3A_3182 = vector.broadcast %broadcast_in_dim3A_3181 : vector<1x128xf32> to vector<128x128xf32>
    %eq3A_3183 = arith.cmpf oeq, %select_n3A_3178, %eq3A_3182 : vector<128x128xf32>
    %jit3A_3184 = arith.constant 1073741824 : i32
    %broadcast_in_dim3A_3185 = vector.broadcast %jit3A_3184 : i32 to vector<128x128xi32>
    %select_n3A_3186 = arith.select %eq3A_3183, %add3A_3122, %broadcast_in_dim3A_3185 : vector<128x128xi1>, vector<128x128xi32>
    %reduce_min3A_3187 = arith.constant dense<2147483647> : vector<128xi32>
    %reduce_min3A_3188 = vector.multi_reduction <minsi>, %select_n3A_3186, %reduce_min3A_3187 [0] : vector<128x128xi32> to vector<128xi32>
    %broadcast_in_dim3A_3189 = vector.shape_cast %reduce_min3A_3188 : vector<128xi32> to vector<1x128xi32>
    %eq3A_3190 = vector.broadcast %broadcast_in_dim3A_3189 : vector<1x128xi32> to vector<128x128xi32>
    %eq3A_3191 = arith.cmpi eq, %add3A_3122, %eq3A_3190 : vector<128x128xi32>
    %jit3A_3192 = arith.constant -1.000000e+09 : f32
    %broadcast_in_dim3A_3193 = vector.broadcast %jit3A_3192 : f32 to vector<128x128xf32>
    %select_n3A_3194 = arith.select %eq3A_3191, %broadcast_in_dim3A_3193, %select_n3A_3178 : vector<128x128xi1>, vector<128x128xf32>
    %reduce_max3A_3195 = arith.constant dense<0xFF800000> : vector<128xf32>
    %reduce_max3A_3196 = vector.multi_reduction <maximumf>, %select_n3A_3194, %reduce_max3A_3195 [0] : vector<128x128xf32> to vector<128xf32>
    %broadcast_in_dim3A_3197 = vector.shape_cast %reduce_max3A_3196 : vector<128xf32> to vector<1x128xf32>
    %eq3A_3198 = vector.broadcast %broadcast_in_dim3A_3197 : vector<1x128xf32> to vector<128x128xf32>
    %eq3A_3199 = arith.cmpf oeq, %select_n3A_3194, %eq3A_3198 : vector<128x128xf32>
    %jit3A_3200 = arith.constant 1073741824 : i32
    %broadcast_in_dim3A_3201 = vector.broadcast %jit3A_3200 : i32 to vector<128x128xi32>
    %select_n3A_3202 = arith.select %eq3A_3199, %add3A_3122, %broadcast_in_dim3A_3201 : vector<128x128xi1>, vector<128x128xi32>
    %reduce_min3A_3203 = arith.constant dense<2147483647> : vector<128xi32>
    %reduce_min3A_3204 = vector.multi_reduction <minsi>, %select_n3A_3202, %reduce_min3A_3203 [0] : vector<128x128xi32> to vector<128xi32>
    %broadcast_in_dim3A_3205 = vector.shape_cast %reduce_min3A_3204 : vector<128xi32> to vector<1x128xi32>
    %eq3A_3206 = vector.broadcast %broadcast_in_dim3A_3205 : vector<1x128xi32> to vector<128x128xi32>
    %eq3A_3207 = arith.cmpi eq, %add3A_3122, %eq3A_3206 : vector<128x128xi32>
    %jit3A_3208 = arith.constant -1.000000e+09 : f32
    %broadcast_in_dim3A_3209 = vector.broadcast %jit3A_3208 : f32 to vector<128x128xf32>
    %select_n3A_3210 = arith.select %eq3A_3207, %broadcast_in_dim3A_3209, %select_n3A_3194 : vector<128x128xi1>, vector<128x128xf32>
    %reduce_max3A_3211 = arith.constant dense<0xFF800000> : vector<128xf32>
    %reduce_max3A_3212 = vector.multi_reduction <maximumf>, %select_n3A_3210, %reduce_max3A_3211 [0] : vector<128x128xf32> to vector<128xf32>
    %broadcast_in_dim3A_3213 = vector.shape_cast %reduce_max3A_3212 : vector<128xf32> to vector<1x128xf32>
    %eq3A_3214 = vector.broadcast %broadcast_in_dim3A_3213 : vector<1x128xf32> to vector<128x128xf32>
    %eq3A_3215 = arith.cmpf oeq, %select_n3A_3210, %eq3A_3214 : vector<128x128xf32>
    %jit3A_3216 = arith.constant 1073741824 : i32
    %broadcast_in_dim3A_3217 = vector.broadcast %jit3A_3216 : i32 to vector<128x128xi32>
    %select_n3A_3218 = arith.select %eq3A_3215, %add3A_3122, %broadcast_in_dim3A_3217 : vector<128x128xi1>, vector<128x128xi32>
    %reduce_min3A_3219 = arith.constant dense<2147483647> : vector<128xi32>
    %reduce_min3A_3220 = vector.multi_reduction <minsi>, %select_n3A_3218, %reduce_min3A_3219 [0] : vector<128x128xi32> to vector<128xi32>
    %broadcast_in_dim3A_3221 = vector.shape_cast %reduce_min3A_3220 : vector<128xi32> to vector<1x128xi32>
    %eq3A_3222 = vector.broadcast %broadcast_in_dim3A_3221 : vector<1x128xi32> to vector<128x128xi32>
    %eq3A_3223 = arith.cmpi eq, %add3A_3122, %eq3A_3222 : vector<128x128xi32>
    %jit3A_3224 = arith.constant -1.000000e+09 : f32
    %broadcast_in_dim3A_3225 = vector.broadcast %jit3A_3224 : f32 to vector<128x128xf32>
    %select_n3A_3226 = arith.select %eq3A_3223, %broadcast_in_dim3A_3225, %select_n3A_3210 : vector<128x128xi1>, vector<128x128xf32>
    %reduce_max3A_3227 = arith.constant dense<0xFF800000> : vector<128xf32>
    %reduce_max3A_3228 = vector.multi_reduction <maximumf>, %select_n3A_3226, %reduce_max3A_3227 [0] : vector<128x128xf32> to vector<128xf32>
    %broadcast_in_dim3A_3229 = vector.shape_cast %reduce_max3A_3228 : vector<128xf32> to vector<1x128xf32>
    %eq3A_3230 = vector.broadcast %broadcast_in_dim3A_3229 : vector<1x128xf32> to vector<128x128xf32>
    %eq3A_3231 = arith.cmpf oeq, %select_n3A_3226, %eq3A_3230 : vector<128x128xf32>
    %jit3A_3232 = arith.constant 1073741824 : i32
    %broadcast_in_dim3A_3233 = vector.broadcast %jit3A_3232 : i32 to vector<128x128xi32>
    %select_n3A_3234 = arith.select %eq3A_3231, %add3A_3122, %broadcast_in_dim3A_3233 : vector<128x128xi1>, vector<128x128xi32>
    %reduce_min3A_3235 = arith.constant dense<2147483647> : vector<128xi32>
    %reduce_min3A_3236 = vector.multi_reduction <minsi>, %select_n3A_3234, %reduce_min3A_3235 [0] : vector<128x128xi32> to vector<128xi32>
    %broadcast_in_dim3A_3237 = vector.shape_cast %reduce_min3A_3236 : vector<128xi32> to vector<1x128xi32>
    %eq3A_3238 = vector.broadcast %broadcast_in_dim3A_3237 : vector<1x128xi32> to vector<128x128xi32>
    %eq3A_3239 = arith.cmpi eq, %add3A_3122, %eq3A_3238 : vector<128x128xi32>
    %jit3A_3240 = arith.constant -1.000000e+09 : f32
    %broadcast_in_dim3A_3241 = vector.broadcast %jit3A_3240 : f32 to vector<128x128xf32>
    %select_n3A_3242 = arith.select %eq3A_3239, %broadcast_in_dim3A_3241, %select_n3A_3226 : vector<128x128xi1>, vector<128x128xf32>
    %reduce_max3A_3243 = arith.constant dense<0xFF800000> : vector<128xf32>
    %reduce_max3A_3244 = vector.multi_reduction <maximumf>, %select_n3A_3242, %reduce_max3A_3243 [0] : vector<128x128xf32> to vector<128xf32>
    %broadcast_in_dim3A_3245 = vector.shape_cast %reduce_max3A_3244 : vector<128xf32> to vector<1x128xf32>
    %eq3A_3246 = vector.broadcast %broadcast_in_dim3A_3245 : vector<1x128xf32> to vector<128x128xf32>
    %eq3A_3247 = arith.cmpf oeq, %select_n3A_3242, %eq3A_3246 : vector<128x128xf32>
    %jit3A_3248 = arith.constant 1073741824 : i32
    %broadcast_in_dim3A_3249 = vector.broadcast %jit3A_3248 : i32 to vector<128x128xi32>
    %select_n3A_3250 = arith.select %eq3A_3247, %add3A_3122, %broadcast_in_dim3A_3249 : vector<128x128xi1>, vector<128x128xi32>
    %reduce_min3A_3251 = arith.constant dense<2147483647> : vector<128xi32>
    %reduce_min3A_3252 = vector.multi_reduction <minsi>, %select_n3A_3250, %reduce_min3A_3251 [0] : vector<128x128xi32> to vector<128xi32>
    %broadcast_in_dim3A_3253 = vector.shape_cast %reduce_min3A_3252 : vector<128xi32> to vector<1x128xi32>
    %concatenate3A = tpu.concatenate %broadcast_in_dim3A_303, %broadcast_in_dim3A_318, %broadcast_in_dim3A_334, %broadcast_in_dim3A_350, %broadcast_in_dim3A_366, %broadcast_in_dim3A_382, %broadcast_in_dim3A_398, %broadcast_in_dim3A_414, %broadcast_in_dim3A_451, %broadcast_in_dim3A_467, %broadcast_in_dim3A_483, %broadcast_in_dim3A_499, %broadcast_in_dim3A_515, %broadcast_in_dim3A_531, %broadcast_in_dim3A_547, %broadcast_in_dim3A_563, %broadcast_in_dim3A_600, %broadcast_in_dim3A_616, %broadcast_in_dim3A_632, %broadcast_in_dim3A_648, %broadcast_in_dim3A_664, %broadcast_in_dim3A_680, %broadcast_in_dim3A_696, %broadcast_in_dim3A_712, %broadcast_in_dim3A_749, %broadcast_in_dim3A_765, %broadcast_in_dim3A_781, %broadcast_in_dim3A_797, %broadcast_in_dim3A_813, %broadcast_in_dim3A_829, %broadcast_in_dim3A_845, %broadcast_in_dim3A_861, %broadcast_in_dim3A_898, %broadcast_in_dim3A_914, %broadcast_in_dim3A_930, %broadcast_in_dim3A_946, %broadcast_in_dim3A_962, %broadcast_in_dim3A_978, %broadcast_in_dim3A_994, %broadcast_in_dim3A_1010, %broadcast_in_dim3A_1047, %broadcast_in_dim3A_1063, %broadcast_in_dim3A_1079, %broadcast_in_dim3A_1095, %broadcast_in_dim3A_1111, %broadcast_in_dim3A_1127, %broadcast_in_dim3A_1143, %broadcast_in_dim3A_1159, %broadcast_in_dim3A_1196, %broadcast_in_dim3A_1212, %broadcast_in_dim3A_1228, %broadcast_in_dim3A_1244, %broadcast_in_dim3A_1260, %broadcast_in_dim3A_1276, %broadcast_in_dim3A_1292, %broadcast_in_dim3A_1308, %broadcast_in_dim3A_1345, %broadcast_in_dim3A_1361, %broadcast_in_dim3A_1377, %broadcast_in_dim3A_1393, %broadcast_in_dim3A_1409, %broadcast_in_dim3A_1425, %broadcast_in_dim3A_1441, %broadcast_in_dim3A_1457, %broadcast_in_dim3A_1494, %broadcast_in_dim3A_1510, %broadcast_in_dim3A_1526, %broadcast_in_dim3A_1542, %broadcast_in_dim3A_1558, %broadcast_in_dim3A_1574, %broadcast_in_dim3A_1590, %broadcast_in_dim3A_1606, %broadcast_in_dim3A_1643, %broadcast_in_dim3A_1659, %broadcast_in_dim3A_1675, %broadcast_in_dim3A_1691, %broadcast_in_dim3A_1707, %broadcast_in_dim3A_1723, %broadcast_in_dim3A_1739, %broadcast_in_dim3A_1755, %broadcast_in_dim3A_1792, %broadcast_in_dim3A_1808, %broadcast_in_dim3A_1824, %broadcast_in_dim3A_1840, %broadcast_in_dim3A_1856, %broadcast_in_dim3A_1872, %broadcast_in_dim3A_1888, %broadcast_in_dim3A_1904, %broadcast_in_dim3A_1941, %broadcast_in_dim3A_1957, %broadcast_in_dim3A_1973, %broadcast_in_dim3A_1989, %broadcast_in_dim3A_2005, %broadcast_in_dim3A_2021, %broadcast_in_dim3A_2037, %broadcast_in_dim3A_2053, %broadcast_in_dim3A_2090, %broadcast_in_dim3A_2106, %broadcast_in_dim3A_2122, %broadcast_in_dim3A_2138, %broadcast_in_dim3A_2154, %broadcast_in_dim3A_2170, %broadcast_in_dim3A_2186, %broadcast_in_dim3A_2202, %broadcast_in_dim3A_2239, %broadcast_in_dim3A_2255, %broadcast_in_dim3A_2271, %broadcast_in_dim3A_2287, %broadcast_in_dim3A_2303, %broadcast_in_dim3A_2319, %broadcast_in_dim3A_2335, %broadcast_in_dim3A_2351, %broadcast_in_dim3A_2388, %broadcast_in_dim3A_2404, %broadcast_in_dim3A_2420, %broadcast_in_dim3A_2436, %broadcast_in_dim3A_2452, %broadcast_in_dim3A_2468, %broadcast_in_dim3A_2484, %broadcast_in_dim3A_2500, %broadcast_in_dim3A_2537, %broadcast_in_dim3A_2553, %broadcast_in_dim3A_2569, %broadcast_in_dim3A_2585, %broadcast_in_dim3A_2601, %broadcast_in_dim3A_2617, %broadcast_in_dim3A_2633, %broadcast_in_dim3A_2649, %broadcast_in_dim3A_2686, %broadcast_in_dim3A_2702, %broadcast_in_dim3A_2718, %broadcast_in_dim3A_2734, %broadcast_in_dim3A_2750, %broadcast_in_dim3A_2766, %broadcast_in_dim3A_2782, %broadcast_in_dim3A_2798, %broadcast_in_dim3A_2835, %broadcast_in_dim3A_2851, %broadcast_in_dim3A_2867, %broadcast_in_dim3A_2883, %broadcast_in_dim3A_2899, %broadcast_in_dim3A_2915, %broadcast_in_dim3A_2931, %broadcast_in_dim3A_2947, %broadcast_in_dim3A_2984, %broadcast_in_dim3A_3000, %broadcast_in_dim3A_3016, %broadcast_in_dim3A_3032, %broadcast_in_dim3A_3048, %broadcast_in_dim3A_3064, %broadcast_in_dim3A_3080, %broadcast_in_dim3A_3096, %broadcast_in_dim3A_3133, %broadcast_in_dim3A_3149, %broadcast_in_dim3A_3165, %broadcast_in_dim3A_3181, %broadcast_in_dim3A_3197, %broadcast_in_dim3A_3213, %broadcast_in_dim3A_3229, %broadcast_in_dim3A_3245 in 0 : vector<1x128xf32>, vector<1x128xf32>, vector<1x128xf32>, vector<1x128xf32>, vector<1x128xf32>, vector<1x128xf32>, vector<1x128xf32>, vector<1x128xf32>, vector<1x128xf32>, vector<1x128xf32>, vector<1x128xf32>, vector<1x128xf32>, vector<1x128xf32>, vector<1x128xf32>, vector<1x128xf32>, vector<1x128xf32>, vector<1x128xf32>, vector<1x128xf32>, vector<1x128xf32>, vector<1x128xf32>, vector<1x128xf32>, vector<1x128xf32>, vector<1x128xf32>, vector<1x128xf32>, vector<1x128xf32>, vector<1x128xf32>, vector<1x128xf32>, vector<1x128xf32>, vector<1x128xf32>, vector<1x128xf32>, vector<1x128xf32>, vector<1x128xf32>, vector<1x128xf32>, vector<1x128xf32>, vector<1x128xf32>, vector<1x128xf32>, vector<1x128xf32>, vector<1x128xf32>, vector<1x128xf32>, vector<1x128xf32>, vector<1x128xf32>, vector<1x128xf32>, vector<1x128xf32>, vector<1x128xf32>, vector<1x128xf32>, vector<1x128xf32>, vector<1x128xf32>, vector<1x128xf32>, vector<1x128xf32>, vector<1x128xf32>, vector<1x128xf32>, vector<1x128xf32>, vector<1x128xf32>, vector<1x128xf32>, vector<1x128xf32>, vector<1x128xf32>, vector<1x128xf32>, vector<1x128xf32>, vector<1x128xf32>, vector<1x128xf32>, vector<1x128xf32>, vector<1x128xf32>, vector<1x128xf32>, vector<1x128xf32>, vector<1x128xf32>, vector<1x128xf32>, vector<1x128xf32>, vector<1x128xf32>, vector<1x128xf32>, vector<1x128xf32>, vector<1x128xf32>, vector<1x128xf32>, vector<1x128xf32>, vector<1x128xf32>, vector<1x128xf32>, vector<1x128xf32>, vector<1x128xf32>, vector<1x128xf32>, vector<1x128xf32>, vector<1x128xf32>, vector<1x128xf32>, vector<1x128xf32>, vector<1x128xf32>, vector<1x128xf32>, vector<1x128xf32>, vector<1x128xf32>, vector<1x128xf32>, vector<1x128xf32>, vector<1x128xf32>, vector<1x128xf32>, vector<1x128xf32>, vector<1x128xf32>, vector<1x128xf32>, vector<1x128xf32>, vector<1x128xf32>, vector<1x128xf32>, vector<1x128xf32>, vector<1x128xf32>, vector<1x128xf32>, vector<1x128xf32>, vector<1x128xf32>, vector<1x128xf32>, vector<1x128xf32>, vector<1x128xf32>, vector<1x128xf32>, vector<1x128xf32>, vector<1x128xf32>, vector<1x128xf32>, vector<1x128xf32>, vector<1x128xf32>, vector<1x128xf32>, vector<1x128xf32>, vector<1x128xf32>, vector<1x128xf32>, vector<1x128xf32>, vector<1x128xf32>, vector<1x128xf32>, vector<1x128xf32>, vector<1x128xf32>, vector<1x128xf32>, vector<1x128xf32>, vector<1x128xf32>, vector<1x128xf32>, vector<1x128xf32>, vector<1x128xf32>, vector<1x128xf32>, vector<1x128xf32>, vector<1x128xf32>, vector<1x128xf32>, vector<1x128xf32>, vector<1x128xf32>, vector<1x128xf32>, vector<1x128xf32>, vector<1x128xf32>, vector<1x128xf32>, vector<1x128xf32>, vector<1x128xf32>, vector<1x128xf32>, vector<1x128xf32>, vector<1x128xf32>, vector<1x128xf32>, vector<1x128xf32>, vector<1x128xf32>, vector<1x128xf32>, vector<1x128xf32>, vector<1x128xf32>, vector<1x128xf32>, vector<1x128xf32>, vector<1x128xf32>, vector<1x128xf32>, vector<1x128xf32>, vector<1x128xf32>, vector<1x128xf32>, vector<1x128xf32>, vector<1x128xf32>, vector<1x128xf32>, vector<1x128xf32>, vector<1x128xf32>, vector<1x128xf32>, vector<1x128xf32> -> vector<160x128xf32>
    %concatenate3A_3254 = tpu.concatenate %broadcast_in_dim3A_310, %broadcast_in_dim3A_326, %broadcast_in_dim3A_342, %broadcast_in_dim3A_358, %broadcast_in_dim3A_374, %broadcast_in_dim3A_390, %broadcast_in_dim3A_406, %broadcast_in_dim3A_422, %broadcast_in_dim3A_459, %broadcast_in_dim3A_475, %broadcast_in_dim3A_491, %broadcast_in_dim3A_507, %broadcast_in_dim3A_523, %broadcast_in_dim3A_539, %broadcast_in_dim3A_555, %broadcast_in_dim3A_571, %broadcast_in_dim3A_608, %broadcast_in_dim3A_624, %broadcast_in_dim3A_640, %broadcast_in_dim3A_656, %broadcast_in_dim3A_672, %broadcast_in_dim3A_688, %broadcast_in_dim3A_704, %broadcast_in_dim3A_720, %broadcast_in_dim3A_757, %broadcast_in_dim3A_773, %broadcast_in_dim3A_789, %broadcast_in_dim3A_805, %broadcast_in_dim3A_821, %broadcast_in_dim3A_837, %broadcast_in_dim3A_853, %broadcast_in_dim3A_869, %broadcast_in_dim3A_906, %broadcast_in_dim3A_922, %broadcast_in_dim3A_938, %broadcast_in_dim3A_954, %broadcast_in_dim3A_970, %broadcast_in_dim3A_986, %broadcast_in_dim3A_1002, %broadcast_in_dim3A_1018, %broadcast_in_dim3A_1055, %broadcast_in_dim3A_1071, %broadcast_in_dim3A_1087, %broadcast_in_dim3A_1103, %broadcast_in_dim3A_1119, %broadcast_in_dim3A_1135, %broadcast_in_dim3A_1151, %broadcast_in_dim3A_1167, %broadcast_in_dim3A_1204, %broadcast_in_dim3A_1220, %broadcast_in_dim3A_1236, %broadcast_in_dim3A_1252, %broadcast_in_dim3A_1268, %broadcast_in_dim3A_1284, %broadcast_in_dim3A_1300, %broadcast_in_dim3A_1316, %broadcast_in_dim3A_1353, %broadcast_in_dim3A_1369, %broadcast_in_dim3A_1385, %broadcast_in_dim3A_1401, %broadcast_in_dim3A_1417, %broadcast_in_dim3A_1433, %broadcast_in_dim3A_1449, %broadcast_in_dim3A_1465, %broadcast_in_dim3A_1502, %broadcast_in_dim3A_1518, %broadcast_in_dim3A_1534, %broadcast_in_dim3A_1550, %broadcast_in_dim3A_1566, %broadcast_in_dim3A_1582, %broadcast_in_dim3A_1598, %broadcast_in_dim3A_1614, %broadcast_in_dim3A_1651, %broadcast_in_dim3A_1667, %broadcast_in_dim3A_1683, %broadcast_in_dim3A_1699, %broadcast_in_dim3A_1715, %broadcast_in_dim3A_1731, %broadcast_in_dim3A_1747, %broadcast_in_dim3A_1763, %broadcast_in_dim3A_1800, %broadcast_in_dim3A_1816, %broadcast_in_dim3A_1832, %broadcast_in_dim3A_1848, %broadcast_in_dim3A_1864, %broadcast_in_dim3A_1880, %broadcast_in_dim3A_1896, %broadcast_in_dim3A_1912, %broadcast_in_dim3A_1949, %broadcast_in_dim3A_1965, %broadcast_in_dim3A_1981, %broadcast_in_dim3A_1997, %broadcast_in_dim3A_2013, %broadcast_in_dim3A_2029, %broadcast_in_dim3A_2045, %broadcast_in_dim3A_2061, %broadcast_in_dim3A_2098, %broadcast_in_dim3A_2114, %broadcast_in_dim3A_2130, %broadcast_in_dim3A_2146, %broadcast_in_dim3A_2162, %broadcast_in_dim3A_2178, %broadcast_in_dim3A_2194, %broadcast_in_dim3A_2210, %broadcast_in_dim3A_2247, %broadcast_in_dim3A_2263, %broadcast_in_dim3A_2279, %broadcast_in_dim3A_2295, %broadcast_in_dim3A_2311, %broadcast_in_dim3A_2327, %broadcast_in_dim3A_2343, %broadcast_in_dim3A_2359, %broadcast_in_dim3A_2396, %broadcast_in_dim3A_2412, %broadcast_in_dim3A_2428, %broadcast_in_dim3A_2444, %broadcast_in_dim3A_2460, %broadcast_in_dim3A_2476, %broadcast_in_dim3A_2492, %broadcast_in_dim3A_2508, %broadcast_in_dim3A_2545, %broadcast_in_dim3A_2561, %broadcast_in_dim3A_2577, %broadcast_in_dim3A_2593, %broadcast_in_dim3A_2609, %broadcast_in_dim3A_2625, %broadcast_in_dim3A_2641, %broadcast_in_dim3A_2657, %broadcast_in_dim3A_2694, %broadcast_in_dim3A_2710, %broadcast_in_dim3A_2726, %broadcast_in_dim3A_2742, %broadcast_in_dim3A_2758, %broadcast_in_dim3A_2774, %broadcast_in_dim3A_2790, %broadcast_in_dim3A_2806, %broadcast_in_dim3A_2843, %broadcast_in_dim3A_2859, %broadcast_in_dim3A_2875, %broadcast_in_dim3A_2891, %broadcast_in_dim3A_2907, %broadcast_in_dim3A_2923, %broadcast_in_dim3A_2939, %broadcast_in_dim3A_2955, %broadcast_in_dim3A_2992, %broadcast_in_dim3A_3008, %broadcast_in_dim3A_3024, %broadcast_in_dim3A_3040, %broadcast_in_dim3A_3056, %broadcast_in_dim3A_3072, %broadcast_in_dim3A_3088, %broadcast_in_dim3A_3104, %broadcast_in_dim3A_3141, %broadcast_in_dim3A_3157, %broadcast_in_dim3A_3173, %broadcast_in_dim3A_3189, %broadcast_in_dim3A_3205, %broadcast_in_dim3A_3221, %broadcast_in_dim3A_3237, %broadcast_in_dim3A_3253 in 0 : vector<1x128xi32>, vector<1x128xi32>, vector<1x128xi32>, vector<1x128xi32>, vector<1x128xi32>, vector<1x128xi32>, vector<1x128xi32>, vector<1x128xi32>, vector<1x128xi32>, vector<1x128xi32>, vector<1x128xi32>, vector<1x128xi32>, vector<1x128xi32>, vector<1x128xi32>, vector<1x128xi32>, vector<1x128xi32>, vector<1x128xi32>, vector<1x128xi32>, vector<1x128xi32>, vector<1x128xi32>, vector<1x128xi32>, vector<1x128xi32>, vector<1x128xi32>, vector<1x128xi32>, vector<1x128xi32>, vector<1x128xi32>, vector<1x128xi32>, vector<1x128xi32>, vector<1x128xi32>, vector<1x128xi32>, vector<1x128xi32>, vector<1x128xi32>, vector<1x128xi32>, vector<1x128xi32>, vector<1x128xi32>, vector<1x128xi32>, vector<1x128xi32>, vector<1x128xi32>, vector<1x128xi32>, vector<1x128xi32>, vector<1x128xi32>, vector<1x128xi32>, vector<1x128xi32>, vector<1x128xi32>, vector<1x128xi32>, vector<1x128xi32>, vector<1x128xi32>, vector<1x128xi32>, vector<1x128xi32>, vector<1x128xi32>, vector<1x128xi32>, vector<1x128xi32>, vector<1x128xi32>, vector<1x128xi32>, vector<1x128xi32>, vector<1x128xi32>, vector<1x128xi32>, vector<1x128xi32>, vector<1x128xi32>, vector<1x128xi32>, vector<1x128xi32>, vector<1x128xi32>, vector<1x128xi32>, vector<1x128xi32>, vector<1x128xi32>, vector<1x128xi32>, vector<1x128xi32>, vector<1x128xi32>, vector<1x128xi32>, vector<1x128xi32>, vector<1x128xi32>, vector<1x128xi32>, vector<1x128xi32>, vector<1x128xi32>, vector<1x128xi32>, vector<1x128xi32>, vector<1x128xi32>, vector<1x128xi32>, vector<1x128xi32>, vector<1x128xi32>, vector<1x128xi32>, vector<1x128xi32>, vector<1x128xi32>, vector<1x128xi32>, vector<1x128xi32>, vector<1x128xi32>, vector<1x128xi32>, vector<1x128xi32>, vector<1x128xi32>, vector<1x128xi32>, vector<1x128xi32>, vector<1x128xi32>, vector<1x128xi32>, vector<1x128xi32>, vector<1x128xi32>, vector<1x128xi32>, vector<1x128xi32>, vector<1x128xi32>, vector<1x128xi32>, vector<1x128xi32>, vector<1x128xi32>, vector<1x128xi32>, vector<1x128xi32>, vector<1x128xi32>, vector<1x128xi32>, vector<1x128xi32>, vector<1x128xi32>, vector<1x128xi32>, vector<1x128xi32>, vector<1x128xi32>, vector<1x128xi32>, vector<1x128xi32>, vector<1x128xi32>, vector<1x128xi32>, vector<1x128xi32>, vector<1x128xi32>, vector<1x128xi32>, vector<1x128xi32>, vector<1x128xi32>, vector<1x128xi32>, vector<1x128xi32>, vector<1x128xi32>, vector<1x128xi32>, vector<1x128xi32>, vector<1x128xi32>, vector<1x128xi32>, vector<1x128xi32>, vector<1x128xi32>, vector<1x128xi32>, vector<1x128xi32>, vector<1x128xi32>, vector<1x128xi32>, vector<1x128xi32>, vector<1x128xi32>, vector<1x128xi32>, vector<1x128xi32>, vector<1x128xi32>, vector<1x128xi32>, vector<1x128xi32>, vector<1x128xi32>, vector<1x128xi32>, vector<1x128xi32>, vector<1x128xi32>, vector<1x128xi32>, vector<1x128xi32>, vector<1x128xi32>, vector<1x128xi32>, vector<1x128xi32>, vector<1x128xi32>, vector<1x128xi32>, vector<1x128xi32>, vector<1x128xi32>, vector<1x128xi32>, vector<1x128xi32>, vector<1x128xi32>, vector<1x128xi32>, vector<1x128xi32>, vector<1x128xi32>, vector<1x128xi32>, vector<1x128xi32> -> vector<160x128xi32>
    %iota3A_3255 = tpu.iota {dimensions = array<i32: 0>} : vector<160x128xi32>
    %reduce_max3A_3256 = arith.constant dense<0xFF800000> : vector<128xf32>
    %reduce_max3A_3257 = vector.multi_reduction <maximumf>, %concatenate3A, %reduce_max3A_3256 [0] : vector<160x128xf32> to vector<128xf32>
    %broadcast_in_dim3A_3258 = vector.shape_cast %reduce_max3A_3257 : vector<128xf32> to vector<1x128xf32>
    %eq3A_3259 = vector.broadcast %broadcast_in_dim3A_3258 : vector<1x128xf32> to vector<160x128xf32>
    %eq3A_3260 = arith.cmpf oeq, %concatenate3A, %eq3A_3259 : vector<160x128xf32>
    %jit3A_3261 = arith.constant 1073741824 : i32
    %broadcast_in_dim3A_3262 = vector.broadcast %jit3A_3261 : i32 to vector<160x128xi32>
    %select_n3A_3263 = arith.select %eq3A_3260, %iota3A_3255, %broadcast_in_dim3A_3262 : vector<160x128xi1>, vector<160x128xi32>
    %reduce_min3A_3264 = arith.constant dense<2147483647> : vector<128xi32>
    %reduce_min3A_3265 = vector.multi_reduction <minsi>, %select_n3A_3263, %reduce_min3A_3264 [0] : vector<160x128xi32> to vector<128xi32>
    %broadcast_in_dim3A_3266 = vector.shape_cast %reduce_min3A_3265 : vector<128xi32> to vector<1x128xi32>
    %eq3A_3267 = vector.broadcast %broadcast_in_dim3A_3266 : vector<1x128xi32> to vector<160x128xi32>
    %eq3A_3268 = arith.cmpi eq, %iota3A_3255, %eq3A_3267 : vector<160x128xi32>
    %jit3A_3269 = arith.constant 0 : i32
    %broadcast_in_dim3A_3270 = vector.broadcast %jit3A_3269 : i32 to vector<160x128xi32>
    %select_n3A_3271 = arith.select %eq3A_3268, %concatenate3A_3254, %broadcast_in_dim3A_3270 : vector<160x128xi1>, vector<160x128xi32>
    %reduce_sum3A = arith.constant dense<0> : vector<128xi32>
    %reduce_sum3A_3272 = vector.multi_reduction <add>, %select_n3A_3271, %reduce_sum3A [0] : vector<160x128xi32> to vector<128xi32>
    %broadcast_in_dim3A_3273 = vector.shape_cast %reduce_sum3A_3272 : vector<128xi32> to vector<1x128xi32>
    %add3A_3274 = arith.addi %broadcast_in_dim3A_3273, %select_n3A_271 : vector<1x128xi32>
    %eq3A_3275 = vector.broadcast %broadcast_in_dim3A_3266 : vector<1x128xi32> to vector<160x128xi32>
    %eq3A_3276 = arith.cmpi eq, %iota3A_3255, %eq3A_3275 : vector<160x128xi32>
    %jit3A_3277 = arith.constant -1.000000e+09 : f32
    %broadcast_in_dim3A_3278 = vector.broadcast %jit3A_3277 : f32 to vector<160x128xf32>
    %select_n3A_3279 = arith.select %eq3A_3276, %broadcast_in_dim3A_3278, %concatenate3A : vector<160x128xi1>, vector<160x128xf32>
    %reduce_max3A_3280 = arith.constant dense<0xFF800000> : vector<128xf32>
    %reduce_max3A_3281 = vector.multi_reduction <maximumf>, %select_n3A_3279, %reduce_max3A_3280 [0] : vector<160x128xf32> to vector<128xf32>
    %broadcast_in_dim3A_3282 = vector.shape_cast %reduce_max3A_3281 : vector<128xf32> to vector<1x128xf32>
    %eq3A_3283 = vector.broadcast %broadcast_in_dim3A_3282 : vector<1x128xf32> to vector<160x128xf32>
    %eq3A_3284 = arith.cmpf oeq, %select_n3A_3279, %eq3A_3283 : vector<160x128xf32>
    %jit3A_3285 = arith.constant 1073741824 : i32
    %broadcast_in_dim3A_3286 = vector.broadcast %jit3A_3285 : i32 to vector<160x128xi32>
    %select_n3A_3287 = arith.select %eq3A_3284, %iota3A_3255, %broadcast_in_dim3A_3286 : vector<160x128xi1>, vector<160x128xi32>
    %reduce_min3A_3288 = arith.constant dense<2147483647> : vector<128xi32>
    %reduce_min3A_3289 = vector.multi_reduction <minsi>, %select_n3A_3287, %reduce_min3A_3288 [0] : vector<160x128xi32> to vector<128xi32>
    %broadcast_in_dim3A_3290 = vector.shape_cast %reduce_min3A_3289 : vector<128xi32> to vector<1x128xi32>
    %eq3A_3291 = vector.broadcast %broadcast_in_dim3A_3290 : vector<1x128xi32> to vector<160x128xi32>
    %eq3A_3292 = arith.cmpi eq, %iota3A_3255, %eq3A_3291 : vector<160x128xi32>
    %jit3A_3293 = arith.constant 0 : i32
    %broadcast_in_dim3A_3294 = vector.broadcast %jit3A_3293 : i32 to vector<160x128xi32>
    %select_n3A_3295 = arith.select %eq3A_3292, %concatenate3A_3254, %broadcast_in_dim3A_3294 : vector<160x128xi1>, vector<160x128xi32>
    %reduce_sum3A_3296 = arith.constant dense<0> : vector<128xi32>
    %reduce_sum3A_3297 = vector.multi_reduction <add>, %select_n3A_3295, %reduce_sum3A_3296 [0] : vector<160x128xi32> to vector<128xi32>
    %broadcast_in_dim3A_3298 = vector.shape_cast %reduce_sum3A_3297 : vector<128xi32> to vector<1x128xi32>
    %add3A_3299 = arith.addi %broadcast_in_dim3A_3298, %select_n3A_271 : vector<1x128xi32>
    %eq3A_3300 = vector.broadcast %broadcast_in_dim3A_3290 : vector<1x128xi32> to vector<160x128xi32>
    %eq3A_3301 = arith.cmpi eq, %iota3A_3255, %eq3A_3300 : vector<160x128xi32>
    %jit3A_3302 = arith.constant -1.000000e+09 : f32
    %broadcast_in_dim3A_3303 = vector.broadcast %jit3A_3302 : f32 to vector<160x128xf32>
    %select_n3A_3304 = arith.select %eq3A_3301, %broadcast_in_dim3A_3303, %select_n3A_3279 : vector<160x128xi1>, vector<160x128xf32>
    %reduce_max3A_3305 = arith.constant dense<0xFF800000> : vector<128xf32>
    %reduce_max3A_3306 = vector.multi_reduction <maximumf>, %select_n3A_3304, %reduce_max3A_3305 [0] : vector<160x128xf32> to vector<128xf32>
    %broadcast_in_dim3A_3307 = vector.shape_cast %reduce_max3A_3306 : vector<128xf32> to vector<1x128xf32>
    %eq3A_3308 = vector.broadcast %broadcast_in_dim3A_3307 : vector<1x128xf32> to vector<160x128xf32>
    %eq3A_3309 = arith.cmpf oeq, %select_n3A_3304, %eq3A_3308 : vector<160x128xf32>
    %jit3A_3310 = arith.constant 1073741824 : i32
    %broadcast_in_dim3A_3311 = vector.broadcast %jit3A_3310 : i32 to vector<160x128xi32>
    %select_n3A_3312 = arith.select %eq3A_3309, %iota3A_3255, %broadcast_in_dim3A_3311 : vector<160x128xi1>, vector<160x128xi32>
    %reduce_min3A_3313 = arith.constant dense<2147483647> : vector<128xi32>
    %reduce_min3A_3314 = vector.multi_reduction <minsi>, %select_n3A_3312, %reduce_min3A_3313 [0] : vector<160x128xi32> to vector<128xi32>
    %broadcast_in_dim3A_3315 = vector.shape_cast %reduce_min3A_3314 : vector<128xi32> to vector<1x128xi32>
    %eq3A_3316 = vector.broadcast %broadcast_in_dim3A_3315 : vector<1x128xi32> to vector<160x128xi32>
    %eq3A_3317 = arith.cmpi eq, %iota3A_3255, %eq3A_3316 : vector<160x128xi32>
    %jit3A_3318 = arith.constant 0 : i32
    %broadcast_in_dim3A_3319 = vector.broadcast %jit3A_3318 : i32 to vector<160x128xi32>
    %select_n3A_3320 = arith.select %eq3A_3317, %concatenate3A_3254, %broadcast_in_dim3A_3319 : vector<160x128xi1>, vector<160x128xi32>
    %reduce_sum3A_3321 = arith.constant dense<0> : vector<128xi32>
    %reduce_sum3A_3322 = vector.multi_reduction <add>, %select_n3A_3320, %reduce_sum3A_3321 [0] : vector<160x128xi32> to vector<128xi32>
    %broadcast_in_dim3A_3323 = vector.shape_cast %reduce_sum3A_3322 : vector<128xi32> to vector<1x128xi32>
    %add3A_3324 = arith.addi %broadcast_in_dim3A_3323, %select_n3A_271 : vector<1x128xi32>
    %eq3A_3325 = vector.broadcast %broadcast_in_dim3A_3315 : vector<1x128xi32> to vector<160x128xi32>
    %eq3A_3326 = arith.cmpi eq, %iota3A_3255, %eq3A_3325 : vector<160x128xi32>
    %jit3A_3327 = arith.constant -1.000000e+09 : f32
    %broadcast_in_dim3A_3328 = vector.broadcast %jit3A_3327 : f32 to vector<160x128xf32>
    %select_n3A_3329 = arith.select %eq3A_3326, %broadcast_in_dim3A_3328, %select_n3A_3304 : vector<160x128xi1>, vector<160x128xf32>
    %reduce_max3A_3330 = arith.constant dense<0xFF800000> : vector<128xf32>
    %reduce_max3A_3331 = vector.multi_reduction <maximumf>, %select_n3A_3329, %reduce_max3A_3330 [0] : vector<160x128xf32> to vector<128xf32>
    %broadcast_in_dim3A_3332 = vector.shape_cast %reduce_max3A_3331 : vector<128xf32> to vector<1x128xf32>
    %eq3A_3333 = vector.broadcast %broadcast_in_dim3A_3332 : vector<1x128xf32> to vector<160x128xf32>
    %eq3A_3334 = arith.cmpf oeq, %select_n3A_3329, %eq3A_3333 : vector<160x128xf32>
    %jit3A_3335 = arith.constant 1073741824 : i32
    %broadcast_in_dim3A_3336 = vector.broadcast %jit3A_3335 : i32 to vector<160x128xi32>
    %select_n3A_3337 = arith.select %eq3A_3334, %iota3A_3255, %broadcast_in_dim3A_3336 : vector<160x128xi1>, vector<160x128xi32>
    %reduce_min3A_3338 = arith.constant dense<2147483647> : vector<128xi32>
    %reduce_min3A_3339 = vector.multi_reduction <minsi>, %select_n3A_3337, %reduce_min3A_3338 [0] : vector<160x128xi32> to vector<128xi32>
    %broadcast_in_dim3A_3340 = vector.shape_cast %reduce_min3A_3339 : vector<128xi32> to vector<1x128xi32>
    %eq3A_3341 = vector.broadcast %broadcast_in_dim3A_3340 : vector<1x128xi32> to vector<160x128xi32>
    %eq3A_3342 = arith.cmpi eq, %iota3A_3255, %eq3A_3341 : vector<160x128xi32>
    %jit3A_3343 = arith.constant 0 : i32
    %broadcast_in_dim3A_3344 = vector.broadcast %jit3A_3343 : i32 to vector<160x128xi32>
    %select_n3A_3345 = arith.select %eq3A_3342, %concatenate3A_3254, %broadcast_in_dim3A_3344 : vector<160x128xi1>, vector<160x128xi32>
    %reduce_sum3A_3346 = arith.constant dense<0> : vector<128xi32>
    %reduce_sum3A_3347 = vector.multi_reduction <add>, %select_n3A_3345, %reduce_sum3A_3346 [0] : vector<160x128xi32> to vector<128xi32>
    %broadcast_in_dim3A_3348 = vector.shape_cast %reduce_sum3A_3347 : vector<128xi32> to vector<1x128xi32>
    %add3A_3349 = arith.addi %broadcast_in_dim3A_3348, %select_n3A_271 : vector<1x128xi32>
    %eq3A_3350 = vector.broadcast %broadcast_in_dim3A_3340 : vector<1x128xi32> to vector<160x128xi32>
    %eq3A_3351 = arith.cmpi eq, %iota3A_3255, %eq3A_3350 : vector<160x128xi32>
    %jit3A_3352 = arith.constant -1.000000e+09 : f32
    %broadcast_in_dim3A_3353 = vector.broadcast %jit3A_3352 : f32 to vector<160x128xf32>
    %select_n3A_3354 = arith.select %eq3A_3351, %broadcast_in_dim3A_3353, %select_n3A_3329 : vector<160x128xi1>, vector<160x128xf32>
    %reduce_max3A_3355 = arith.constant dense<0xFF800000> : vector<128xf32>
    %reduce_max3A_3356 = vector.multi_reduction <maximumf>, %select_n3A_3354, %reduce_max3A_3355 [0] : vector<160x128xf32> to vector<128xf32>
    %broadcast_in_dim3A_3357 = vector.shape_cast %reduce_max3A_3356 : vector<128xf32> to vector<1x128xf32>
    %eq3A_3358 = vector.broadcast %broadcast_in_dim3A_3357 : vector<1x128xf32> to vector<160x128xf32>
    %eq3A_3359 = arith.cmpf oeq, %select_n3A_3354, %eq3A_3358 : vector<160x128xf32>
    %jit3A_3360 = arith.constant 1073741824 : i32
    %broadcast_in_dim3A_3361 = vector.broadcast %jit3A_3360 : i32 to vector<160x128xi32>
    %select_n3A_3362 = arith.select %eq3A_3359, %iota3A_3255, %broadcast_in_dim3A_3361 : vector<160x128xi1>, vector<160x128xi32>
    %reduce_min3A_3363 = arith.constant dense<2147483647> : vector<128xi32>
    %reduce_min3A_3364 = vector.multi_reduction <minsi>, %select_n3A_3362, %reduce_min3A_3363 [0] : vector<160x128xi32> to vector<128xi32>
    %broadcast_in_dim3A_3365 = vector.shape_cast %reduce_min3A_3364 : vector<128xi32> to vector<1x128xi32>
    %eq3A_3366 = vector.broadcast %broadcast_in_dim3A_3365 : vector<1x128xi32> to vector<160x128xi32>
    %eq3A_3367 = arith.cmpi eq, %iota3A_3255, %eq3A_3366 : vector<160x128xi32>
    %jit3A_3368 = arith.constant 0 : i32
    %broadcast_in_dim3A_3369 = vector.broadcast %jit3A_3368 : i32 to vector<160x128xi32>
    %select_n3A_3370 = arith.select %eq3A_3367, %concatenate3A_3254, %broadcast_in_dim3A_3369 : vector<160x128xi1>, vector<160x128xi32>
    %reduce_sum3A_3371 = arith.constant dense<0> : vector<128xi32>
    %reduce_sum3A_3372 = vector.multi_reduction <add>, %select_n3A_3370, %reduce_sum3A_3371 [0] : vector<160x128xi32> to vector<128xi32>
    %broadcast_in_dim3A_3373 = vector.shape_cast %reduce_sum3A_3372 : vector<128xi32> to vector<1x128xi32>
    %add3A_3374 = arith.addi %broadcast_in_dim3A_3373, %select_n3A_271 : vector<1x128xi32>
    %eq3A_3375 = vector.broadcast %broadcast_in_dim3A_3365 : vector<1x128xi32> to vector<160x128xi32>
    %eq3A_3376 = arith.cmpi eq, %iota3A_3255, %eq3A_3375 : vector<160x128xi32>
    %jit3A_3377 = arith.constant -1.000000e+09 : f32
    %broadcast_in_dim3A_3378 = vector.broadcast %jit3A_3377 : f32 to vector<160x128xf32>
    %select_n3A_3379 = arith.select %eq3A_3376, %broadcast_in_dim3A_3378, %select_n3A_3354 : vector<160x128xi1>, vector<160x128xf32>
    %reduce_max3A_3380 = arith.constant dense<0xFF800000> : vector<128xf32>
    %reduce_max3A_3381 = vector.multi_reduction <maximumf>, %select_n3A_3379, %reduce_max3A_3380 [0] : vector<160x128xf32> to vector<128xf32>
    %broadcast_in_dim3A_3382 = vector.shape_cast %reduce_max3A_3381 : vector<128xf32> to vector<1x128xf32>
    %eq3A_3383 = vector.broadcast %broadcast_in_dim3A_3382 : vector<1x128xf32> to vector<160x128xf32>
    %eq3A_3384 = arith.cmpf oeq, %select_n3A_3379, %eq3A_3383 : vector<160x128xf32>
    %jit3A_3385 = arith.constant 1073741824 : i32
    %broadcast_in_dim3A_3386 = vector.broadcast %jit3A_3385 : i32 to vector<160x128xi32>
    %select_n3A_3387 = arith.select %eq3A_3384, %iota3A_3255, %broadcast_in_dim3A_3386 : vector<160x128xi1>, vector<160x128xi32>
    %reduce_min3A_3388 = arith.constant dense<2147483647> : vector<128xi32>
    %reduce_min3A_3389 = vector.multi_reduction <minsi>, %select_n3A_3387, %reduce_min3A_3388 [0] : vector<160x128xi32> to vector<128xi32>
    %broadcast_in_dim3A_3390 = vector.shape_cast %reduce_min3A_3389 : vector<128xi32> to vector<1x128xi32>
    %eq3A_3391 = vector.broadcast %broadcast_in_dim3A_3390 : vector<1x128xi32> to vector<160x128xi32>
    %eq3A_3392 = arith.cmpi eq, %iota3A_3255, %eq3A_3391 : vector<160x128xi32>
    %jit3A_3393 = arith.constant 0 : i32
    %broadcast_in_dim3A_3394 = vector.broadcast %jit3A_3393 : i32 to vector<160x128xi32>
    %select_n3A_3395 = arith.select %eq3A_3392, %concatenate3A_3254, %broadcast_in_dim3A_3394 : vector<160x128xi1>, vector<160x128xi32>
    %reduce_sum3A_3396 = arith.constant dense<0> : vector<128xi32>
    %reduce_sum3A_3397 = vector.multi_reduction <add>, %select_n3A_3395, %reduce_sum3A_3396 [0] : vector<160x128xi32> to vector<128xi32>
    %broadcast_in_dim3A_3398 = vector.shape_cast %reduce_sum3A_3397 : vector<128xi32> to vector<1x128xi32>
    %add3A_3399 = arith.addi %broadcast_in_dim3A_3398, %select_n3A_271 : vector<1x128xi32>
    %eq3A_3400 = vector.broadcast %broadcast_in_dim3A_3390 : vector<1x128xi32> to vector<160x128xi32>
    %eq3A_3401 = arith.cmpi eq, %iota3A_3255, %eq3A_3400 : vector<160x128xi32>
    %jit3A_3402 = arith.constant -1.000000e+09 : f32
    %broadcast_in_dim3A_3403 = vector.broadcast %jit3A_3402 : f32 to vector<160x128xf32>
    %select_n3A_3404 = arith.select %eq3A_3401, %broadcast_in_dim3A_3403, %select_n3A_3379 : vector<160x128xi1>, vector<160x128xf32>
    %reduce_max3A_3405 = arith.constant dense<0xFF800000> : vector<128xf32>
    %reduce_max3A_3406 = vector.multi_reduction <maximumf>, %select_n3A_3404, %reduce_max3A_3405 [0] : vector<160x128xf32> to vector<128xf32>
    %broadcast_in_dim3A_3407 = vector.shape_cast %reduce_max3A_3406 : vector<128xf32> to vector<1x128xf32>
    %eq3A_3408 = vector.broadcast %broadcast_in_dim3A_3407 : vector<1x128xf32> to vector<160x128xf32>
    %eq3A_3409 = arith.cmpf oeq, %select_n3A_3404, %eq3A_3408 : vector<160x128xf32>
    %jit3A_3410 = arith.constant 1073741824 : i32
    %broadcast_in_dim3A_3411 = vector.broadcast %jit3A_3410 : i32 to vector<160x128xi32>
    %select_n3A_3412 = arith.select %eq3A_3409, %iota3A_3255, %broadcast_in_dim3A_3411 : vector<160x128xi1>, vector<160x128xi32>
    %reduce_min3A_3413 = arith.constant dense<2147483647> : vector<128xi32>
    %reduce_min3A_3414 = vector.multi_reduction <minsi>, %select_n3A_3412, %reduce_min3A_3413 [0] : vector<160x128xi32> to vector<128xi32>
    %broadcast_in_dim3A_3415 = vector.shape_cast %reduce_min3A_3414 : vector<128xi32> to vector<1x128xi32>
    %eq3A_3416 = vector.broadcast %broadcast_in_dim3A_3415 : vector<1x128xi32> to vector<160x128xi32>
    %eq3A_3417 = arith.cmpi eq, %iota3A_3255, %eq3A_3416 : vector<160x128xi32>
    %jit3A_3418 = arith.constant 0 : i32
    %broadcast_in_dim3A_3419 = vector.broadcast %jit3A_3418 : i32 to vector<160x128xi32>
    %select_n3A_3420 = arith.select %eq3A_3417, %concatenate3A_3254, %broadcast_in_dim3A_3419 : vector<160x128xi1>, vector<160x128xi32>
    %reduce_sum3A_3421 = arith.constant dense<0> : vector<128xi32>
    %reduce_sum3A_3422 = vector.multi_reduction <add>, %select_n3A_3420, %reduce_sum3A_3421 [0] : vector<160x128xi32> to vector<128xi32>
    %broadcast_in_dim3A_3423 = vector.shape_cast %reduce_sum3A_3422 : vector<128xi32> to vector<1x128xi32>
    %add3A_3424 = arith.addi %broadcast_in_dim3A_3423, %select_n3A_271 : vector<1x128xi32>
    %eq3A_3425 = vector.broadcast %broadcast_in_dim3A_3415 : vector<1x128xi32> to vector<160x128xi32>
    %eq3A_3426 = arith.cmpi eq, %iota3A_3255, %eq3A_3425 : vector<160x128xi32>
    %jit3A_3427 = arith.constant -1.000000e+09 : f32
    %broadcast_in_dim3A_3428 = vector.broadcast %jit3A_3427 : f32 to vector<160x128xf32>
    %select_n3A_3429 = arith.select %eq3A_3426, %broadcast_in_dim3A_3428, %select_n3A_3404 : vector<160x128xi1>, vector<160x128xf32>
    %reduce_max3A_3430 = arith.constant dense<0xFF800000> : vector<128xf32>
    %reduce_max3A_3431 = vector.multi_reduction <maximumf>, %select_n3A_3429, %reduce_max3A_3430 [0] : vector<160x128xf32> to vector<128xf32>
    %broadcast_in_dim3A_3432 = vector.shape_cast %reduce_max3A_3431 : vector<128xf32> to vector<1x128xf32>
    %eq3A_3433 = vector.broadcast %broadcast_in_dim3A_3432 : vector<1x128xf32> to vector<160x128xf32>
    %eq3A_3434 = arith.cmpf oeq, %select_n3A_3429, %eq3A_3433 : vector<160x128xf32>
    %jit3A_3435 = arith.constant 1073741824 : i32
    %broadcast_in_dim3A_3436 = vector.broadcast %jit3A_3435 : i32 to vector<160x128xi32>
    %select_n3A_3437 = arith.select %eq3A_3434, %iota3A_3255, %broadcast_in_dim3A_3436 : vector<160x128xi1>, vector<160x128xi32>
    %reduce_min3A_3438 = arith.constant dense<2147483647> : vector<128xi32>
    %reduce_min3A_3439 = vector.multi_reduction <minsi>, %select_n3A_3437, %reduce_min3A_3438 [0] : vector<160x128xi32> to vector<128xi32>
    %broadcast_in_dim3A_3440 = vector.shape_cast %reduce_min3A_3439 : vector<128xi32> to vector<1x128xi32>
    %eq3A_3441 = vector.broadcast %broadcast_in_dim3A_3440 : vector<1x128xi32> to vector<160x128xi32>
    %eq3A_3442 = arith.cmpi eq, %iota3A_3255, %eq3A_3441 : vector<160x128xi32>
    %jit3A_3443 = arith.constant 0 : i32
    %broadcast_in_dim3A_3444 = vector.broadcast %jit3A_3443 : i32 to vector<160x128xi32>
    %select_n3A_3445 = arith.select %eq3A_3442, %concatenate3A_3254, %broadcast_in_dim3A_3444 : vector<160x128xi1>, vector<160x128xi32>
    %reduce_sum3A_3446 = arith.constant dense<0> : vector<128xi32>
    %reduce_sum3A_3447 = vector.multi_reduction <add>, %select_n3A_3445, %reduce_sum3A_3446 [0] : vector<160x128xi32> to vector<128xi32>
    %broadcast_in_dim3A_3448 = vector.shape_cast %reduce_sum3A_3447 : vector<128xi32> to vector<1x128xi32>
    %add3A_3449 = arith.addi %broadcast_in_dim3A_3448, %select_n3A_271 : vector<1x128xi32>
    %concatenate3A_3450 = tpu.concatenate %broadcast_in_dim3A_3258, %broadcast_in_dim3A_3282, %broadcast_in_dim3A_3307, %broadcast_in_dim3A_3332, %broadcast_in_dim3A_3357, %broadcast_in_dim3A_3382, %broadcast_in_dim3A_3407, %broadcast_in_dim3A_3432 in 0 : vector<1x128xf32>, vector<1x128xf32>, vector<1x128xf32>, vector<1x128xf32>, vector<1x128xf32>, vector<1x128xf32>, vector<1x128xf32>, vector<1x128xf32> -> vector<8x128xf32>
    %reduce_max3A_3451 = arith.constant dense<0xFF800000> : vector<128xf32>
    %reduce_max3A_3452 = vector.multi_reduction <maximumf>, %concatenate3A_3450, %reduce_max3A_3451 [0] : vector<8x128xf32> to vector<128xf32>
    %broadcast_in_dim3A_3453 = vector.shape_cast %reduce_max3A_3452 : vector<128xf32> to vector<1x128xf32>
    %sub3A_3454 = vector.broadcast %broadcast_in_dim3A_3453 : vector<1x128xf32> to vector<8x128xf32>
    %sub3A_3455 = arith.subf %concatenate3A_3450, %sub3A_3454 : vector<8x128xf32>
    %exp3A = math.exp %sub3A_3455 : vector<8x128xf32>
    %reduce_sum3A_3456 = arith.constant dense<0.000000e+00> : vector<128xf32>
    %reduce_sum3A_3457 = vector.multi_reduction <add>, %exp3A, %reduce_sum3A_3456 [0] : vector<8x128xf32> to vector<128xf32>
    %broadcast_in_dim3A_3458 = vector.shape_cast %reduce_sum3A_3457 : vector<128xf32> to vector<1x128xf32>
    %div3A_3459 = vector.broadcast %broadcast_in_dim3A_3458 : vector<1x128xf32> to vector<8x128xf32>
    %div3A_3460 = arith.divf %exp3A, %div3A_3459 : vector<8x128xf32>
    %concatenate3A_3461 = tpu.concatenate %add3A_3274, %add3A_3299, %add3A_3324, %add3A_3349, %add3A_3374, %add3A_3399, %add3A_3424, %add3A_3449 in 0 : vector<1x128xi32>, vector<1x128xi32>, vector<1x128xi32>, vector<1x128xi32>, vector<1x128xi32>, vector<1x128xi32>, vector<1x128xi32>, vector<1x128xi32> -> vector<8x128xi32>
    %slice3A = vector.extract_strided_slice %div3A_3460 {offsets = [0, 0], sizes = [8, 64], strides = [1, 1]} : vector<8x128xf32> to vector<8x64xf32>
    %broadcast_in_dim3A_3462 = vector.shape_cast %slice3A : vector<8x64xf32> to vector<1x8x64xf32>
    %slice3A_3463 = vector.extract_strided_slice %div3A_3460 {offsets = [0, 64], sizes = [8, 64], strides = [1, 1]} : vector<8x128xf32> to vector<8x64xf32>
    %broadcast_in_dim3A_3464 = vector.shape_cast %slice3A_3463 : vector<8x64xf32> to vector<1x8x64xf32>
    %concatenate3A_3465 = tpu.concatenate %broadcast_in_dim3A_3462, %broadcast_in_dim3A_3464 in 0 : vector<1x8x64xf32>, vector<1x8x64xf32> -> vector<2x8x64xf32>
    %swap3A = arith.constant 0 : index
    %swap3A_3466 = arith.constant 0 : index
    %swap3A_3467 = arith.constant 0 : index
    %swap3A_3468 = vector.load %arg4[%swap3A, %swap3A_3466, %swap3A_3467] : memref<2x8x64xf32, #tpu.memory_space<vmem>>, vector<2x8x64xf32>
    tpu.vector_store %arg4[%swap3A, %swap3A_3466, %swap3A_3467], %concatenate3A_3465 {strides = array<i32>} : memref<2x8x64xf32, #tpu.memory_space<vmem>>, vector<2x8x64xf32>,
    %slice3A_3469 = vector.extract_strided_slice %concatenate3A_3461 {offsets = [0, 0], sizes = [8, 64], strides = [1, 1]} : vector<8x128xi32> to vector<8x64xi32>
    %broadcast_in_dim3A_3470 = vector.shape_cast %slice3A_3469 : vector<8x64xi32> to vector<1x8x64xi32>
    %slice3A_3471 = vector.extract_strided_slice %concatenate3A_3461 {offsets = [0, 64], sizes = [8, 64], strides = [1, 1]} : vector<8x128xi32> to vector<8x64xi32>
    %broadcast_in_dim3A_3472 = vector.shape_cast %slice3A_3471 : vector<8x64xi32> to vector<1x8x64xi32>
    %concatenate3A_3473 = tpu.concatenate %broadcast_in_dim3A_3470, %broadcast_in_dim3A_3472 in 0 : vector<1x8x64xi32>, vector<1x8x64xi32> -> vector<2x8x64xi32>
    %swap3A_3474 = arith.constant 0 : index
    %swap3A_3475 = arith.constant 0 : index
    %swap3A_3476 = arith.constant 0 : index
    %swap3A_3477 = vector.load %arg5[%swap3A_3474, %swap3A_3475, %swap3A_3476] : memref<2x8x64xi32, #tpu.memory_space<vmem>>, vector<2x8x64xi32>
    tpu.vector_store %arg5[%swap3A_3474, %swap3A_3475, %swap3A_3476], %concatenate3A_3473 {strides = array<i32>} : memref<2x8x64xi32, #tpu.memory_space<vmem>>, vector<2x8x64xi32>,
    return
  }
  func.func @transform_0(%arg0: i32) -> i32 {
    %c0_i32 = arith.constant 0 : i32
    %c0_i32_0 = arith.constant 0 : i32
    return %c0_i32 : i32
  }
  func.func @transform_1(%arg0: i32) -> i32 {
    %c0_i32 = arith.constant 0 : i32
    %c0_i32_0 = arith.constant 0 : i32
    return %c0_i32 : i32
  }
  func.func @transform_3(%arg0: i32) -> (i32, i32, i32) {
    %c0_i32 = arith.constant 0 : i32
    %c0_i32_0 = arith.constant 0 : i32
    %c0_i32_1 = arith.constant 0 : i32
    return %arg0, %c0_i32, %c0_i32_0 : i32, i32, i32
  }
  func.func @transform_4(%arg0: i32) -> (i32, i32, i32) {
    %c0_i32 = arith.constant 0 : i32
    %c0_i32_0 = arith.constant 0 : i32
    %c0_i32_1 = arith.constant 0 : i32
    return %arg0, %c0_i32, %c0_i32_0 : i32, i32, i32
  }
}

module attributes {stable_mosaic.version = 14 : i64} {
  func.func @_t2_body(%arg0: i32, %arg1: memref<64x512xf32, #tpu.memory_space<vmem>>, %arg2: memref<1x512x512xf32, #tpu.memory_space<vmem>>, %arg3: memref<1x8x64xf32, #tpu.memory_space<vmem>>, %arg4: memref<25xi32, #tpu.memory_space<smem>>, %arg5: memref<25xi32, #tpu.memory_space<smem>>, %arg6: memref<5120x512xf32, #tpu.memory_space<hbm>>, %arg7: memref<1x64x512xf32, #tpu.memory_space<vmem>>, %arg8: memref<1x64x512xf32, #tpu.memory_space<vmem>>, %arg9: memref<384x512xf32, #tpu.memory_space<vmem>>, %arg10: memref<384x512xf32, #tpu.memory_space<vmem>>, %arg11: memref<!tpu.dma_semaphore, #tpu.memory_space<semaphore_mem>>, %arg12: memref<!tpu.dma_semaphore, #tpu.memory_space<semaphore_mem>>) attributes {dimension_semantics = [#tpu.dimension_semantics<arbitrary>], iteration_bounds = array<i64: 25>, scalar_prefetch = 0 : i64, scratch_operands = 4 : i64, tpu.core_type = #tpu.core_type<tc>, window_params = [{pipeline_mode = #tpu.pipeline_mode<synchronous>, transform_indices = @transform_0, window_bounds = array<i64: 64, 512>}, {transform_indices = @transform_1, window_bounds = array<i64: 1, 512, 512>}, {transform_indices = @transform_2, window_bounds = array<i64: 1, 8, 64>}, {transform_indices = @transform_3, window_bounds = array<i64: 25>}, {transform_indices = @transform_4, window_bounds = array<i64: 25>}, {}, {transform_indices = @transform_6, window_bounds = array<i64: 1, 64, 512>}, {transform_indices = @transform_7, window_bounds = array<i64: 1, 64, 512>}]} {
    %get3A = arith.index_cast %arg0 : i32 to index
    %get3A_0 = memref.load %arg4[%get3A] : memref<25xi32, #tpu.memory_space<smem>>
    %get3A_1 = arith.index_cast %arg0 : i32 to index
    %get3A_2 = memref.load %arg5[%get3A_1] : memref<25xi32, #tpu.memory_space<smem>>
    %jit3A = arith.constant 8 : i32
    %div3A = arith.divsi %get3A_0, %jit3A : i32
    %sign3A = arith.constant 0 : i32
    %sign3A_3 = arith.cmpi sgt, %get3A_0, %sign3A : i32
    %sign3A_4 = arith.extui %sign3A_3 : i1 to i32
    %sign3A_5 = arith.constant 0 : i32
    %sign3A_6 = arith.cmpi slt, %get3A_0, %sign3A_5 : i32
    %sign3A_7 = arith.extui %sign3A_6 : i1 to i32
    %sign3A_8 = arith.subi %sign3A_4, %sign3A_7 : i32
    %sign3A_9 = arith.constant 0 : i32
    %sign3A_10 = arith.cmpi sgt, %jit3A, %sign3A_9 : i32
    %sign3A_11 = arith.extui %sign3A_10 : i1 to i32
    %sign3A_12 = arith.constant 0 : i32
    %sign3A_13 = arith.cmpi slt, %jit3A, %sign3A_12 : i32
    %sign3A_14 = arith.extui %sign3A_13 : i1 to i32
    %sign3A_15 = arith.subi %sign3A_11, %sign3A_14 : i32
    %ne3A = arith.cmpi ne, %sign3A_8, %sign3A_15 : i32
    %rem3A = arith.remsi %get3A_0, %jit3A : i32
    %ne3A_16 = arith.constant 0 : i32
    %ne3A_17 = arith.cmpi ne, %rem3A, %ne3A_16 : i32
    %and3A = arith.andi %ne3A, %ne3A_17 : i1
    %sub3A = arith.constant 1 : i32
    %sub3A_18 = arith.subi %div3A, %sub3A : i32
    %select_n3A = arith.select %and3A, %sub3A_18, %div3A : i32
    %mul3A = arith.constant 8 : i32
    %mul3A_19 = arith.muli %select_n3A, %mul3A : i32
    %min3A = arith.constant 4736 : i32
    %min3A_20 = arith.minsi %mul3A_19, %min3A : i32
    %eq3A = arith.constant 0 : i32
    %eq3A_21 = arith.cmpi eq, %arg0, %eq3A : i32
    %convert_element_type3A = arith.extui %eq3A_21 : i1 to i32
    %cond3A = arith.constant 0 : i32
    %cond3A_22 = arith.cmpi ne, %convert_element_type3A, %cond3A : i32
    scf.if %cond3A_22 {
      %dma_start3A = arith.constant 0 : i32
      %dma_start3A_567 = tpu.memref_slice %arg6[%min3A_20, %dma_start3A] : memref<5120x512xf32, #tpu.memory_space<hbm>> -> memref<384x512xf32, #tpu.memory_space<hbm>>
      tpu.enqueue_dma source(%dma_start3A_567 : memref<384x512xf32, #tpu.memory_space<hbm>>) target(%arg9 : memref<384x512xf32, #tpu.memory_space<vmem>>) target_semaphore(%arg11 : memref<!tpu.dma_semaphore, #tpu.memory_space<semaphore_mem>>)
    } else {
    }
    %add3A = arith.constant 1 : i32
    %add3A_23 = arith.addi %arg0, %add3A : i32
    %min3A_24 = arith.constant 24 : i32
    %min3A_25 = arith.minsi %add3A_23, %min3A_24 : i32
    %get3A_26 = arith.index_cast %min3A_25 : i32 to index
    %get3A_27 = memref.load %arg4[%get3A_26] : memref<25xi32, #tpu.memory_space<smem>>
    %jit3A_28 = arith.constant 8 : i32
    %div3A_29 = arith.divsi %get3A_27, %jit3A_28 : i32
    %sign3A_30 = arith.constant 0 : i32
    %sign3A_31 = arith.cmpi sgt, %get3A_27, %sign3A_30 : i32
    %sign3A_32 = arith.extui %sign3A_31 : i1 to i32
    %sign3A_33 = arith.constant 0 : i32
    %sign3A_34 = arith.cmpi slt, %get3A_27, %sign3A_33 : i32
    %sign3A_35 = arith.extui %sign3A_34 : i1 to i32
    %sign3A_36 = arith.subi %sign3A_32, %sign3A_35 : i32
    %sign3A_37 = arith.constant 0 : i32
    %sign3A_38 = arith.cmpi sgt, %jit3A_28, %sign3A_37 : i32
    %sign3A_39 = arith.extui %sign3A_38 : i1 to i32
    %sign3A_40 = arith.constant 0 : i32
    %sign3A_41 = arith.cmpi slt, %jit3A_28, %sign3A_40 : i32
    %sign3A_42 = arith.extui %sign3A_41 : i1 to i32
    %sign3A_43 = arith.subi %sign3A_39, %sign3A_42 : i32
    %ne3A_44 = arith.cmpi ne, %sign3A_36, %sign3A_43 : i32
    %rem3A_45 = arith.remsi %get3A_27, %jit3A_28 : i32
    %ne3A_46 = arith.constant 0 : i32
    %ne3A_47 = arith.cmpi ne, %rem3A_45, %ne3A_46 : i32
    %and3A_48 = arith.andi %ne3A_44, %ne3A_47 : i1
    %sub3A_49 = arith.constant 1 : i32
    %sub3A_50 = arith.subi %div3A_29, %sub3A_49 : i32
    %select_n3A_51 = arith.select %and3A_48, %sub3A_50, %div3A_29 : i32
    %mul3A_52 = arith.constant 8 : i32
    %mul3A_53 = arith.muli %select_n3A_51, %mul3A_52 : i32
    %min3A_54 = arith.constant 4736 : i32
    %min3A_55 = arith.minsi %mul3A_53, %min3A_54 : i32
    %add3A_56 = arith.constant 1 : i32
    %add3A_57 = arith.addi %arg0, %add3A_56 : i32
    %lt3A = arith.constant 25 : i32
    %lt3A_58 = arith.cmpi slt, %add3A_57, %lt3A : i32
    %jit3A_59 = arith.constant 2 : i32
    %eq3A_60 = arith.constant 0 : i32
    %eq3A_61 = arith.cmpi eq, %jit3A_59, %eq3A_60 : i32
    %jit3A_62 = arith.constant 1 : i32
    %select_n3A_63 = arith.select %eq3A_61, %jit3A_62, %jit3A_59 : i32
    %rem3A_64 = arith.remsi %arg0, %select_n3A_63 : i32
    %ne3A_65 = arith.constant 0 : i32
    %ne3A_66 = arith.cmpi ne, %rem3A_64, %ne3A_65 : i32
    %lt3A_67 = arith.constant 0 : i32
    %lt3A_68 = arith.cmpi slt, %rem3A_64, %lt3A_67 : i32
    %lt3A_69 = arith.constant 0 : i32
    %lt3A_70 = arith.cmpi slt, %select_n3A_63, %lt3A_69 : i32
    %ne3A_71 = arith.xori %lt3A_68, %lt3A_70 : i1
    %and3A_72 = arith.andi %ne3A_71, %ne3A_66 : i1
    %add3A_73 = arith.addi %rem3A_64, %select_n3A_63 : i32
    %select_n3A_74 = arith.select %and3A_72, %add3A_73, %rem3A_64 : i32
    %eq3A_75 = arith.constant 0 : i32
    %eq3A_76 = arith.cmpi eq, %select_n3A_74, %eq3A_75 : i32
    %and3A_77 = arith.andi %lt3A_58, %eq3A_76 : i1
    %convert_element_type3A_78 = arith.extui %and3A_77 : i1 to i32
    %cond3A_79 = arith.constant 0 : i32
    %cond3A_80 = arith.cmpi ne, %convert_element_type3A_78, %cond3A_79 : i32
    scf.if %cond3A_80 {
      %dma_start3A = arith.constant 0 : i32
      %dma_start3A_567 = tpu.memref_slice %arg6[%min3A_55, %dma_start3A] : memref<5120x512xf32, #tpu.memory_space<hbm>> -> memref<384x512xf32, #tpu.memory_space<hbm>>
      tpu.enqueue_dma source(%dma_start3A_567 : memref<384x512xf32, #tpu.memory_space<hbm>>) target(%arg10 : memref<384x512xf32, #tpu.memory_space<vmem>>) target_semaphore(%arg12 : memref<!tpu.dma_semaphore, #tpu.memory_space<semaphore_mem>>)
    } else {
    }
    %add3A_81 = arith.constant 1 : i32
    %add3A_82 = arith.addi %arg0, %add3A_81 : i32
    %lt3A_83 = arith.constant 25 : i32
    %lt3A_84 = arith.cmpi slt, %add3A_82, %lt3A_83 : i32
    %jit3A_85 = arith.constant 2 : i32
    %eq3A_86 = arith.constant 0 : i32
    %eq3A_87 = arith.cmpi eq, %jit3A_85, %eq3A_86 : i32
    %jit3A_88 = arith.constant 1 : i32
    %select_n3A_89 = arith.select %eq3A_87, %jit3A_88, %jit3A_85 : i32
    %rem3A_90 = arith.remsi %arg0, %select_n3A_89 : i32
    %ne3A_91 = arith.constant 0 : i32
    %ne3A_92 = arith.cmpi ne, %rem3A_90, %ne3A_91 : i32
    %lt3A_93 = arith.constant 0 : i32
    %lt3A_94 = arith.cmpi slt, %rem3A_90, %lt3A_93 : i32
    %lt3A_95 = arith.constant 0 : i32
    %lt3A_96 = arith.cmpi slt, %select_n3A_89, %lt3A_95 : i32
    %ne3A_97 = arith.xori %lt3A_94, %lt3A_96 : i1
    %and3A_98 = arith.andi %ne3A_97, %ne3A_92 : i1
    %add3A_99 = arith.addi %rem3A_90, %select_n3A_89 : i32
    %select_n3A_100 = arith.select %and3A_98, %add3A_99, %rem3A_90 : i32
    %eq3A_101 = arith.constant 1 : i32
    %eq3A_102 = arith.cmpi eq, %select_n3A_100, %eq3A_101 : i32
    %and3A_103 = arith.andi %lt3A_84, %eq3A_102 : i1
    %convert_element_type3A_104 = arith.extui %and3A_103 : i1 to i32
    %cond3A_105 = arith.constant 0 : i32
    %cond3A_106 = arith.cmpi ne, %convert_element_type3A_104, %cond3A_105 : i32
    scf.if %cond3A_106 {
      %dma_start3A = arith.constant 0 : i32
      %dma_start3A_567 = tpu.memref_slice %arg6[%min3A_55, %dma_start3A] : memref<5120x512xf32, #tpu.memory_space<hbm>> -> memref<384x512xf32, #tpu.memory_space<hbm>>
      tpu.enqueue_dma source(%dma_start3A_567 : memref<384x512xf32, #tpu.memory_space<hbm>>) target(%arg9 : memref<384x512xf32, #tpu.memory_space<vmem>>) target_semaphore(%arg11 : memref<!tpu.dma_semaphore, #tpu.memory_space<semaphore_mem>>)
    } else {
    }
    %jit3A_107 = arith.constant 2 : i32
    %eq3A_108 = arith.constant 0 : i32
    %eq3A_109 = arith.cmpi eq, %jit3A_107, %eq3A_108 : i32
    %jit3A_110 = arith.constant 1 : i32
    %select_n3A_111 = arith.select %eq3A_109, %jit3A_110, %jit3A_107 : i32
    %rem3A_112 = arith.remsi %arg0, %select_n3A_111 : i32
    %ne3A_113 = arith.constant 0 : i32
    %ne3A_114 = arith.cmpi ne, %rem3A_112, %ne3A_113 : i32
    %lt3A_115 = arith.constant 0 : i32
    %lt3A_116 = arith.cmpi slt, %rem3A_112, %lt3A_115 : i32
    %lt3A_117 = arith.constant 0 : i32
    %lt3A_118 = arith.cmpi slt, %select_n3A_111, %lt3A_117 : i32
    %ne3A_119 = arith.xori %lt3A_116, %lt3A_118 : i1
    %and3A_120 = arith.andi %ne3A_119, %ne3A_114 : i1
    %add3A_121 = arith.addi %rem3A_112, %select_n3A_111 : i32
    %select_n3A_122 = arith.select %and3A_120, %add3A_121, %rem3A_112 : i32
    %eq3A_123 = arith.constant 0 : i32
    %eq3A_124 = arith.cmpi eq, %select_n3A_122, %eq3A_123 : i32
    %convert_element_type3A_125 = arith.extui %eq3A_124 : i1 to i32
    %cond3A_126 = arith.constant 0 : i32
    %cond3A_127 = arith.cmpi ne, %convert_element_type3A_125, %cond3A_126 : i32
    scf.if %cond3A_127 {
      %dma_wait3A = arith.constant 0 : i32
      %dma_wait3A_567 = arith.constant 0 : i32
      %dma_wait3A_568 = tpu.memref_slice %arg6[%dma_wait3A, %dma_wait3A_567] : memref<5120x512xf32, #tpu.memory_space<hbm>> -> memref<384x512xf32, #tpu.memory_space<hbm>>
      tpu.wait_dma2 semaphore(%arg11 : memref<!tpu.dma_semaphore, #tpu.memory_space<semaphore_mem>>) src(%dma_wait3A_568 : memref<384x512xf32, #tpu.memory_space<hbm>>) dst(%arg9 : memref<384x512xf32, #tpu.memory_space<vmem>>)
    } else {
    }
    %jit3A_128 = arith.constant 2 : i32
    %eq3A_129 = arith.constant 0 : i32
    %eq3A_130 = arith.cmpi eq, %jit3A_128, %eq3A_129 : i32
    %jit3A_131 = arith.constant 1 : i32
    %select_n3A_132 = arith.select %eq3A_130, %jit3A_131, %jit3A_128 : i32
    %rem3A_133 = arith.remsi %arg0, %select_n3A_132 : i32
    %ne3A_134 = arith.constant 0 : i32
    %ne3A_135 = arith.cmpi ne, %rem3A_133, %ne3A_134 : i32
    %lt3A_136 = arith.constant 0 : i32
    %lt3A_137 = arith.cmpi slt, %rem3A_133, %lt3A_136 : i32
    %lt3A_138 = arith.constant 0 : i32
    %lt3A_139 = arith.cmpi slt, %select_n3A_132, %lt3A_138 : i32
    %ne3A_140 = arith.xori %lt3A_137, %lt3A_139 : i1
    %and3A_141 = arith.andi %ne3A_140, %ne3A_135 : i1
    %add3A_142 = arith.addi %rem3A_133, %select_n3A_132 : i32
    %select_n3A_143 = arith.select %and3A_141, %add3A_142, %rem3A_133 : i32
    %eq3A_144 = arith.constant 1 : i32
    %eq3A_145 = arith.cmpi eq, %select_n3A_143, %eq3A_144 : i32
    %convert_element_type3A_146 = arith.extui %eq3A_145 : i1 to i32
    %cond3A_147 = arith.constant 0 : i32
    %cond3A_148 = arith.cmpi ne, %convert_element_type3A_146, %cond3A_147 : i32
    scf.if %cond3A_148 {
      %dma_wait3A = arith.constant 0 : i32
      %dma_wait3A_567 = arith.constant 0 : i32
      %dma_wait3A_568 = tpu.memref_slice %arg6[%dma_wait3A, %dma_wait3A_567] : memref<5120x512xf32, #tpu.memory_space<hbm>> -> memref<384x512xf32, #tpu.memory_space<hbm>>
      tpu.wait_dma2 semaphore(%arg12 : memref<!tpu.dma_semaphore, #tpu.memory_space<semaphore_mem>>) src(%dma_wait3A_568 : memref<384x512xf32, #tpu.memory_space<hbm>>) dst(%arg10 : memref<384x512xf32, #tpu.memory_space<vmem>>)
    } else {
    }
    %get3A_149 = arith.constant 0 : index
    %get3A_150 = arith.constant 0 : index
    %get3A_151 = arith.constant 0 : index
    %get3A_152 = vector.load %arg2[%get3A_149, %get3A_150, %get3A_151] : memref<1x512x512xf32, #tpu.memory_space<vmem>>, vector<1x512x512xf32>
    %get3A_153 = vector.shape_cast %get3A_152 : vector<1x512x512xf32> to vector<512x512xf32>
    %jit3A_154 = arith.constant 2 : i32
    %eq3A_155 = arith.constant 0 : i32
    %eq3A_156 = arith.cmpi eq, %jit3A_154, %eq3A_155 : i32
    %jit3A_157 = arith.constant 1 : i32
    %select_n3A_158 = arith.select %eq3A_156, %jit3A_157, %jit3A_154 : i32
    %rem3A_159 = arith.remsi %arg0, %select_n3A_158 : i32
    %ne3A_160 = arith.constant 0 : i32
    %ne3A_161 = arith.cmpi ne, %rem3A_159, %ne3A_160 : i32
    %lt3A_162 = arith.constant 0 : i32
    %lt3A_163 = arith.cmpi slt, %rem3A_159, %lt3A_162 : i32
    %lt3A_164 = arith.constant 0 : i32
    %lt3A_165 = arith.cmpi slt, %select_n3A_158, %lt3A_164 : i32
    %ne3A_166 = arith.xori %lt3A_163, %lt3A_165 : i1
    %and3A_167 = arith.andi %ne3A_166, %ne3A_161 : i1
    %add3A_168 = arith.addi %rem3A_159, %select_n3A_158 : i32
    %select_n3A_169 = arith.select %and3A_167, %add3A_168, %rem3A_159 : i32
    %eq3A_170 = arith.constant 0 : i32
    %eq3A_171 = arith.cmpi eq, %select_n3A_169, %eq3A_170 : i32
    %get3A_172 = arith.constant 0 : index
    %get3A_173 = arith.constant 0 : index
    %get3A_174 = vector.load %arg9[%get3A_172, %get3A_173] : memref<384x512xf32, #tpu.memory_space<vmem>>, vector<384x512xf32>
    %get3A_175 = arith.constant 0 : index
    %get3A_176 = arith.constant 0 : index
    %get3A_177 = vector.load %arg10[%get3A_175, %get3A_176] : memref<384x512xf32, #tpu.memory_space<vmem>>, vector<384x512xf32>
    %select_n3A_178 = arith.select %eq3A_171, %get3A_174, %get3A_177 : vector<384x512xf32>
    %dot_general3A = arith.constant dense<0.000000e+00> : vector<512x384xf32>
    %dot_general3A_179 = tpu.matmul %get3A_153, %select_n3A_178, %dot_general3A {dimension_numbers = #tpu.dot_dimension_numbers<[1], [1], [0], [0], [0, 0, 1, 0], [], []>, transpose_lhs_hint = false} : vector<512x512xf32>, vector<384x512xf32>, vector<512x384xf32> -> vector<512x384xf32>
    %iota3A = tpu.iota {dimensions = array<i32: 1>} : vector<64x384xi32>
    %add3A_180 = vector.broadcast %min3A_20 : i32 to vector<64x384xi32>
    %add3A_181 = arith.addi %iota3A, %add3A_180 : vector<64x384xi32>
    %slice3A = vector.extract_strided_slice %dot_general3A_179 {offsets = [0, 0], sizes = [64, 384], strides = [1, 1]} : vector<512x384xf32> to vector<64x384xf32>
    %ge3A = vector.broadcast %get3A_0 : i32 to vector<64x384xi32>
    %ge3A_182 = arith.cmpi sge, %add3A_181, %ge3A : vector<64x384xi32>
    %lt3A_183 = vector.broadcast %get3A_2 : i32 to vector<64x384xi32>
    %lt3A_184 = arith.cmpi slt, %add3A_181, %lt3A_183 : vector<64x384xi32>
    %and3A_185 = arith.andi %ge3A_182, %lt3A_184 : vector<64x384xi1>
    %jit3A_186 = arith.constant -1.000000e+09 : f32
    %broadcast_in_dim3A = vector.broadcast %jit3A_186 : f32 to vector<64x384xf32>
    %select_n3A_187 = arith.select %and3A_185, %slice3A, %broadcast_in_dim3A : vector<64x384xi1>, vector<64x384xf32>
    %reduce_max3A = arith.constant dense<0xFF800000> : vector<64xf32>
    %reduce_max3A_188 = vector.multi_reduction <maximumf>, %select_n3A_187, %reduce_max3A [1] : vector<64x384xf32> to vector<64xf32>
    %broadcast_in_dim3A_189 = vector.shape_cast %reduce_max3A_188 : vector<64xf32> to vector<64x1xf32>
    %eq3A_190 = vector.broadcast %broadcast_in_dim3A_189 : vector<64x1xf32> to vector<64x384xf32>
    %eq3A_191 = arith.cmpf oeq, %select_n3A_187, %eq3A_190 : vector<64x384xf32>
    %jit3A_192 = arith.constant -1.000000e+09 : f32
    %broadcast_in_dim3A_193 = vector.broadcast %jit3A_192 : f32 to vector<64x384xf32>
    %select_n3A_194 = arith.select %eq3A_191, %broadcast_in_dim3A_193, %select_n3A_187 : vector<64x384xi1>, vector<64x384xf32>
    %reduce_max3A_195 = arith.constant dense<0xFF800000> : vector<64xf32>
    %reduce_max3A_196 = vector.multi_reduction <maximumf>, %select_n3A_194, %reduce_max3A_195 [1] : vector<64x384xf32> to vector<64xf32>
    %broadcast_in_dim3A_197 = vector.shape_cast %reduce_max3A_196 : vector<64xf32> to vector<64x1xf32>
    %eq3A_198 = vector.broadcast %broadcast_in_dim3A_197 : vector<64x1xf32> to vector<64x384xf32>
    %eq3A_199 = arith.cmpf oeq, %select_n3A_194, %eq3A_198 : vector<64x384xf32>
    %jit3A_200 = arith.constant -1.000000e+09 : f32
    %broadcast_in_dim3A_201 = vector.broadcast %jit3A_200 : f32 to vector<64x384xf32>
    %select_n3A_202 = arith.select %eq3A_199, %broadcast_in_dim3A_201, %select_n3A_194 : vector<64x384xi1>, vector<64x384xf32>
    %reduce_max3A_203 = arith.constant dense<0xFF800000> : vector<64xf32>
    %reduce_max3A_204 = vector.multi_reduction <maximumf>, %select_n3A_202, %reduce_max3A_203 [1] : vector<64x384xf32> to vector<64xf32>
    %broadcast_in_dim3A_205 = vector.shape_cast %reduce_max3A_204 : vector<64xf32> to vector<64x1xf32>
    %eq3A_206 = vector.broadcast %broadcast_in_dim3A_205 : vector<64x1xf32> to vector<64x384xf32>
    %eq3A_207 = arith.cmpf oeq, %select_n3A_202, %eq3A_206 : vector<64x384xf32>
    %jit3A_208 = arith.constant -1.000000e+09 : f32
    %broadcast_in_dim3A_209 = vector.broadcast %jit3A_208 : f32 to vector<64x384xf32>
    %select_n3A_210 = arith.select %eq3A_207, %broadcast_in_dim3A_209, %select_n3A_202 : vector<64x384xi1>, vector<64x384xf32>
    %reduce_max3A_211 = arith.constant dense<0xFF800000> : vector<64xf32>
    %reduce_max3A_212 = vector.multi_reduction <maximumf>, %select_n3A_210, %reduce_max3A_211 [1] : vector<64x384xf32> to vector<64xf32>
    %broadcast_in_dim3A_213 = vector.shape_cast %reduce_max3A_212 : vector<64xf32> to vector<64x1xf32>
    %slice3A_214 = vector.extract_strided_slice %dot_general3A_179 {offsets = [64, 0], sizes = [64, 384], strides = [1, 1]} : vector<512x384xf32> to vector<64x384xf32>
    %ge3A_215 = vector.broadcast %get3A_0 : i32 to vector<64x384xi32>
    %ge3A_216 = arith.cmpi sge, %add3A_181, %ge3A_215 : vector<64x384xi32>
    %lt3A_217 = vector.broadcast %get3A_2 : i32 to vector<64x384xi32>
    %lt3A_218 = arith.cmpi slt, %add3A_181, %lt3A_217 : vector<64x384xi32>
    %and3A_219 = arith.andi %ge3A_216, %lt3A_218 : vector<64x384xi1>
    %jit3A_220 = arith.constant -1.000000e+09 : f32
    %broadcast_in_dim3A_221 = vector.broadcast %jit3A_220 : f32 to vector<64x384xf32>
    %select_n3A_222 = arith.select %and3A_219, %slice3A_214, %broadcast_in_dim3A_221 : vector<64x384xi1>, vector<64x384xf32>
    %reduce_max3A_223 = arith.constant dense<0xFF800000> : vector<64xf32>
    %reduce_max3A_224 = vector.multi_reduction <maximumf>, %select_n3A_222, %reduce_max3A_223 [1] : vector<64x384xf32> to vector<64xf32>
    %broadcast_in_dim3A_225 = vector.shape_cast %reduce_max3A_224 : vector<64xf32> to vector<64x1xf32>
    %eq3A_226 = vector.broadcast %broadcast_in_dim3A_225 : vector<64x1xf32> to vector<64x384xf32>
    %eq3A_227 = arith.cmpf oeq, %select_n3A_222, %eq3A_226 : vector<64x384xf32>
    %jit3A_228 = arith.constant -1.000000e+09 : f32
    %broadcast_in_dim3A_229 = vector.broadcast %jit3A_228 : f32 to vector<64x384xf32>
    %select_n3A_230 = arith.select %eq3A_227, %broadcast_in_dim3A_229, %select_n3A_222 : vector<64x384xi1>, vector<64x384xf32>
    %reduce_max3A_231 = arith.constant dense<0xFF800000> : vector<64xf32>
    %reduce_max3A_232 = vector.multi_reduction <maximumf>, %select_n3A_230, %reduce_max3A_231 [1] : vector<64x384xf32> to vector<64xf32>
    %broadcast_in_dim3A_233 = vector.shape_cast %reduce_max3A_232 : vector<64xf32> to vector<64x1xf32>
    %eq3A_234 = vector.broadcast %broadcast_in_dim3A_233 : vector<64x1xf32> to vector<64x384xf32>
    %eq3A_235 = arith.cmpf oeq, %select_n3A_230, %eq3A_234 : vector<64x384xf32>
    %jit3A_236 = arith.constant -1.000000e+09 : f32
    %broadcast_in_dim3A_237 = vector.broadcast %jit3A_236 : f32 to vector<64x384xf32>
    %select_n3A_238 = arith.select %eq3A_235, %broadcast_in_dim3A_237, %select_n3A_230 : vector<64x384xi1>, vector<64x384xf32>
    %reduce_max3A_239 = arith.constant dense<0xFF800000> : vector<64xf32>
    %reduce_max3A_240 = vector.multi_reduction <maximumf>, %select_n3A_238, %reduce_max3A_239 [1] : vector<64x384xf32> to vector<64xf32>
    %broadcast_in_dim3A_241 = vector.shape_cast %reduce_max3A_240 : vector<64xf32> to vector<64x1xf32>
    %eq3A_242 = vector.broadcast %broadcast_in_dim3A_241 : vector<64x1xf32> to vector<64x384xf32>
    %eq3A_243 = arith.cmpf oeq, %select_n3A_238, %eq3A_242 : vector<64x384xf32>
    %jit3A_244 = arith.constant -1.000000e+09 : f32
    %broadcast_in_dim3A_245 = vector.broadcast %jit3A_244 : f32 to vector<64x384xf32>
    %select_n3A_246 = arith.select %eq3A_243, %broadcast_in_dim3A_245, %select_n3A_238 : vector<64x384xi1>, vector<64x384xf32>
    %reduce_max3A_247 = arith.constant dense<0xFF800000> : vector<64xf32>
    %reduce_max3A_248 = vector.multi_reduction <maximumf>, %select_n3A_246, %reduce_max3A_247 [1] : vector<64x384xf32> to vector<64xf32>
    %broadcast_in_dim3A_249 = vector.shape_cast %reduce_max3A_248 : vector<64xf32> to vector<64x1xf32>
    %slice3A_250 = vector.extract_strided_slice %dot_general3A_179 {offsets = [128, 0], sizes = [64, 384], strides = [1, 1]} : vector<512x384xf32> to vector<64x384xf32>
    %ge3A_251 = vector.broadcast %get3A_0 : i32 to vector<64x384xi32>
    %ge3A_252 = arith.cmpi sge, %add3A_181, %ge3A_251 : vector<64x384xi32>
    %lt3A_253 = vector.broadcast %get3A_2 : i32 to vector<64x384xi32>
    %lt3A_254 = arith.cmpi slt, %add3A_181, %lt3A_253 : vector<64x384xi32>
    %and3A_255 = arith.andi %ge3A_252, %lt3A_254 : vector<64x384xi1>
    %jit3A_256 = arith.constant -1.000000e+09 : f32
    %broadcast_in_dim3A_257 = vector.broadcast %jit3A_256 : f32 to vector<64x384xf32>
    %select_n3A_258 = arith.select %and3A_255, %slice3A_250, %broadcast_in_dim3A_257 : vector<64x384xi1>, vector<64x384xf32>
    %reduce_max3A_259 = arith.constant dense<0xFF800000> : vector<64xf32>
    %reduce_max3A_260 = vector.multi_reduction <maximumf>, %select_n3A_258, %reduce_max3A_259 [1] : vector<64x384xf32> to vector<64xf32>
    %broadcast_in_dim3A_261 = vector.shape_cast %reduce_max3A_260 : vector<64xf32> to vector<64x1xf32>
    %eq3A_262 = vector.broadcast %broadcast_in_dim3A_261 : vector<64x1xf32> to vector<64x384xf32>
    %eq3A_263 = arith.cmpf oeq, %select_n3A_258, %eq3A_262 : vector<64x384xf32>
    %jit3A_264 = arith.constant -1.000000e+09 : f32
    %broadcast_in_dim3A_265 = vector.broadcast %jit3A_264 : f32 to vector<64x384xf32>
    %select_n3A_266 = arith.select %eq3A_263, %broadcast_in_dim3A_265, %select_n3A_258 : vector<64x384xi1>, vector<64x384xf32>
    %reduce_max3A_267 = arith.constant dense<0xFF800000> : vector<64xf32>
    %reduce_max3A_268 = vector.multi_reduction <maximumf>, %select_n3A_266, %reduce_max3A_267 [1] : vector<64x384xf32> to vector<64xf32>
    %broadcast_in_dim3A_269 = vector.shape_cast %reduce_max3A_268 : vector<64xf32> to vector<64x1xf32>
    %eq3A_270 = vector.broadcast %broadcast_in_dim3A_269 : vector<64x1xf32> to vector<64x384xf32>
    %eq3A_271 = arith.cmpf oeq, %select_n3A_266, %eq3A_270 : vector<64x384xf32>
    %jit3A_272 = arith.constant -1.000000e+09 : f32
    %broadcast_in_dim3A_273 = vector.broadcast %jit3A_272 : f32 to vector<64x384xf32>
    %select_n3A_274 = arith.select %eq3A_271, %broadcast_in_dim3A_273, %select_n3A_266 : vector<64x384xi1>, vector<64x384xf32>
    %reduce_max3A_275 = arith.constant dense<0xFF800000> : vector<64xf32>
    %reduce_max3A_276 = vector.multi_reduction <maximumf>, %select_n3A_274, %reduce_max3A_275 [1] : vector<64x384xf32> to vector<64xf32>
    %broadcast_in_dim3A_277 = vector.shape_cast %reduce_max3A_276 : vector<64xf32> to vector<64x1xf32>
    %eq3A_278 = vector.broadcast %broadcast_in_dim3A_277 : vector<64x1xf32> to vector<64x384xf32>
    %eq3A_279 = arith.cmpf oeq, %select_n3A_274, %eq3A_278 : vector<64x384xf32>
    %jit3A_280 = arith.constant -1.000000e+09 : f32
    %broadcast_in_dim3A_281 = vector.broadcast %jit3A_280 : f32 to vector<64x384xf32>
    %select_n3A_282 = arith.select %eq3A_279, %broadcast_in_dim3A_281, %select_n3A_274 : vector<64x384xi1>, vector<64x384xf32>
    %reduce_max3A_283 = arith.constant dense<0xFF800000> : vector<64xf32>
    %reduce_max3A_284 = vector.multi_reduction <maximumf>, %select_n3A_282, %reduce_max3A_283 [1] : vector<64x384xf32> to vector<64xf32>
    %broadcast_in_dim3A_285 = vector.shape_cast %reduce_max3A_284 : vector<64xf32> to vector<64x1xf32>
    %slice3A_286 = vector.extract_strided_slice %dot_general3A_179 {offsets = [192, 0], sizes = [64, 384], strides = [1, 1]} : vector<512x384xf32> to vector<64x384xf32>
    %ge3A_287 = vector.broadcast %get3A_0 : i32 to vector<64x384xi32>
    %ge3A_288 = arith.cmpi sge, %add3A_181, %ge3A_287 : vector<64x384xi32>
    %lt3A_289 = vector.broadcast %get3A_2 : i32 to vector<64x384xi32>
    %lt3A_290 = arith.cmpi slt, %add3A_181, %lt3A_289 : vector<64x384xi32>
    %and3A_291 = arith.andi %ge3A_288, %lt3A_290 : vector<64x384xi1>
    %jit3A_292 = arith.constant -1.000000e+09 : f32
    %broadcast_in_dim3A_293 = vector.broadcast %jit3A_292 : f32 to vector<64x384xf32>
    %select_n3A_294 = arith.select %and3A_291, %slice3A_286, %broadcast_in_dim3A_293 : vector<64x384xi1>, vector<64x384xf32>
    %reduce_max3A_295 = arith.constant dense<0xFF800000> : vector<64xf32>
    %reduce_max3A_296 = vector.multi_reduction <maximumf>, %select_n3A_294, %reduce_max3A_295 [1] : vector<64x384xf32> to vector<64xf32>
    %broadcast_in_dim3A_297 = vector.shape_cast %reduce_max3A_296 : vector<64xf32> to vector<64x1xf32>
    %eq3A_298 = vector.broadcast %broadcast_in_dim3A_297 : vector<64x1xf32> to vector<64x384xf32>
    %eq3A_299 = arith.cmpf oeq, %select_n3A_294, %eq3A_298 : vector<64x384xf32>
    %jit3A_300 = arith.constant -1.000000e+09 : f32
    %broadcast_in_dim3A_301 = vector.broadcast %jit3A_300 : f32 to vector<64x384xf32>
    %select_n3A_302 = arith.select %eq3A_299, %broadcast_in_dim3A_301, %select_n3A_294 : vector<64x384xi1>, vector<64x384xf32>
    %reduce_max3A_303 = arith.constant dense<0xFF800000> : vector<64xf32>
    %reduce_max3A_304 = vector.multi_reduction <maximumf>, %select_n3A_302, %reduce_max3A_303 [1] : vector<64x384xf32> to vector<64xf32>
    %broadcast_in_dim3A_305 = vector.shape_cast %reduce_max3A_304 : vector<64xf32> to vector<64x1xf32>
    %eq3A_306 = vector.broadcast %broadcast_in_dim3A_305 : vector<64x1xf32> to vector<64x384xf32>
    %eq3A_307 = arith.cmpf oeq, %select_n3A_302, %eq3A_306 : vector<64x384xf32>
    %jit3A_308 = arith.constant -1.000000e+09 : f32
    %broadcast_in_dim3A_309 = vector.broadcast %jit3A_308 : f32 to vector<64x384xf32>
    %select_n3A_310 = arith.select %eq3A_307, %broadcast_in_dim3A_309, %select_n3A_302 : vector<64x384xi1>, vector<64x384xf32>
    %reduce_max3A_311 = arith.constant dense<0xFF800000> : vector<64xf32>
    %reduce_max3A_312 = vector.multi_reduction <maximumf>, %select_n3A_310, %reduce_max3A_311 [1] : vector<64x384xf32> to vector<64xf32>
    %broadcast_in_dim3A_313 = vector.shape_cast %reduce_max3A_312 : vector<64xf32> to vector<64x1xf32>
    %eq3A_314 = vector.broadcast %broadcast_in_dim3A_313 : vector<64x1xf32> to vector<64x384xf32>
    %eq3A_315 = arith.cmpf oeq, %select_n3A_310, %eq3A_314 : vector<64x384xf32>
    %jit3A_316 = arith.constant -1.000000e+09 : f32
    %broadcast_in_dim3A_317 = vector.broadcast %jit3A_316 : f32 to vector<64x384xf32>
    %select_n3A_318 = arith.select %eq3A_315, %broadcast_in_dim3A_317, %select_n3A_310 : vector<64x384xi1>, vector<64x384xf32>
    %reduce_max3A_319 = arith.constant dense<0xFF800000> : vector<64xf32>
    %reduce_max3A_320 = vector.multi_reduction <maximumf>, %select_n3A_318, %reduce_max3A_319 [1] : vector<64x384xf32> to vector<64xf32>
    %broadcast_in_dim3A_321 = vector.shape_cast %reduce_max3A_320 : vector<64xf32> to vector<64x1xf32>
    %slice3A_322 = vector.extract_strided_slice %dot_general3A_179 {offsets = [256, 0], sizes = [64, 384], strides = [1, 1]} : vector<512x384xf32> to vector<64x384xf32>
    %ge3A_323 = vector.broadcast %get3A_0 : i32 to vector<64x384xi32>
    %ge3A_324 = arith.cmpi sge, %add3A_181, %ge3A_323 : vector<64x384xi32>
    %lt3A_325 = vector.broadcast %get3A_2 : i32 to vector<64x384xi32>
    %lt3A_326 = arith.cmpi slt, %add3A_181, %lt3A_325 : vector<64x384xi32>
    %and3A_327 = arith.andi %ge3A_324, %lt3A_326 : vector<64x384xi1>
    %jit3A_328 = arith.constant -1.000000e+09 : f32
    %broadcast_in_dim3A_329 = vector.broadcast %jit3A_328 : f32 to vector<64x384xf32>
    %select_n3A_330 = arith.select %and3A_327, %slice3A_322, %broadcast_in_dim3A_329 : vector<64x384xi1>, vector<64x384xf32>
    %reduce_max3A_331 = arith.constant dense<0xFF800000> : vector<64xf32>
    %reduce_max3A_332 = vector.multi_reduction <maximumf>, %select_n3A_330, %reduce_max3A_331 [1] : vector<64x384xf32> to vector<64xf32>
    %broadcast_in_dim3A_333 = vector.shape_cast %reduce_max3A_332 : vector<64xf32> to vector<64x1xf32>
    %eq3A_334 = vector.broadcast %broadcast_in_dim3A_333 : vector<64x1xf32> to vector<64x384xf32>
    %eq3A_335 = arith.cmpf oeq, %select_n3A_330, %eq3A_334 : vector<64x384xf32>
    %jit3A_336 = arith.constant -1.000000e+09 : f32
    %broadcast_in_dim3A_337 = vector.broadcast %jit3A_336 : f32 to vector<64x384xf32>
    %select_n3A_338 = arith.select %eq3A_335, %broadcast_in_dim3A_337, %select_n3A_330 : vector<64x384xi1>, vector<64x384xf32>
    %reduce_max3A_339 = arith.constant dense<0xFF800000> : vector<64xf32>
    %reduce_max3A_340 = vector.multi_reduction <maximumf>, %select_n3A_338, %reduce_max3A_339 [1] : vector<64x384xf32> to vector<64xf32>
    %broadcast_in_dim3A_341 = vector.shape_cast %reduce_max3A_340 : vector<64xf32> to vector<64x1xf32>
    %eq3A_342 = vector.broadcast %broadcast_in_dim3A_341 : vector<64x1xf32> to vector<64x384xf32>
    %eq3A_343 = arith.cmpf oeq, %select_n3A_338, %eq3A_342 : vector<64x384xf32>
    %jit3A_344 = arith.constant -1.000000e+09 : f32
    %broadcast_in_dim3A_345 = vector.broadcast %jit3A_344 : f32 to vector<64x384xf32>
    %select_n3A_346 = arith.select %eq3A_343, %broadcast_in_dim3A_345, %select_n3A_338 : vector<64x384xi1>, vector<64x384xf32>
    %reduce_max3A_347 = arith.constant dense<0xFF800000> : vector<64xf32>
    %reduce_max3A_348 = vector.multi_reduction <maximumf>, %select_n3A_346, %reduce_max3A_347 [1] : vector<64x384xf32> to vector<64xf32>
    %broadcast_in_dim3A_349 = vector.shape_cast %reduce_max3A_348 : vector<64xf32> to vector<64x1xf32>
    %eq3A_350 = vector.broadcast %broadcast_in_dim3A_349 : vector<64x1xf32> to vector<64x384xf32>
    %eq3A_351 = arith.cmpf oeq, %select_n3A_346, %eq3A_350 : vector<64x384xf32>
    %jit3A_352 = arith.constant -1.000000e+09 : f32
    %broadcast_in_dim3A_353 = vector.broadcast %jit3A_352 : f32 to vector<64x384xf32>
    %select_n3A_354 = arith.select %eq3A_351, %broadcast_in_dim3A_353, %select_n3A_346 : vector<64x384xi1>, vector<64x384xf32>
    %reduce_max3A_355 = arith.constant dense<0xFF800000> : vector<64xf32>
    %reduce_max3A_356 = vector.multi_reduction <maximumf>, %select_n3A_354, %reduce_max3A_355 [1] : vector<64x384xf32> to vector<64xf32>
    %broadcast_in_dim3A_357 = vector.shape_cast %reduce_max3A_356 : vector<64xf32> to vector<64x1xf32>
    %slice3A_358 = vector.extract_strided_slice %dot_general3A_179 {offsets = [320, 0], sizes = [64, 384], strides = [1, 1]} : vector<512x384xf32> to vector<64x384xf32>
    %ge3A_359 = vector.broadcast %get3A_0 : i32 to vector<64x384xi32>
    %ge3A_360 = arith.cmpi sge, %add3A_181, %ge3A_359 : vector<64x384xi32>
    %lt3A_361 = vector.broadcast %get3A_2 : i32 to vector<64x384xi32>
    %lt3A_362 = arith.cmpi slt, %add3A_181, %lt3A_361 : vector<64x384xi32>
    %and3A_363 = arith.andi %ge3A_360, %lt3A_362 : vector<64x384xi1>
    %jit3A_364 = arith.constant -1.000000e+09 : f32
    %broadcast_in_dim3A_365 = vector.broadcast %jit3A_364 : f32 to vector<64x384xf32>
    %select_n3A_366 = arith.select %and3A_363, %slice3A_358, %broadcast_in_dim3A_365 : vector<64x384xi1>, vector<64x384xf32>
    %reduce_max3A_367 = arith.constant dense<0xFF800000> : vector<64xf32>
    %reduce_max3A_368 = vector.multi_reduction <maximumf>, %select_n3A_366, %reduce_max3A_367 [1] : vector<64x384xf32> to vector<64xf32>
    %broadcast_in_dim3A_369 = vector.shape_cast %reduce_max3A_368 : vector<64xf32> to vector<64x1xf32>
    %eq3A_370 = vector.broadcast %broadcast_in_dim3A_369 : vector<64x1xf32> to vector<64x384xf32>
    %eq3A_371 = arith.cmpf oeq, %select_n3A_366, %eq3A_370 : vector<64x384xf32>
    %jit3A_372 = arith.constant -1.000000e+09 : f32
    %broadcast_in_dim3A_373 = vector.broadcast %jit3A_372 : f32 to vector<64x384xf32>
    %select_n3A_374 = arith.select %eq3A_371, %broadcast_in_dim3A_373, %select_n3A_366 : vector<64x384xi1>, vector<64x384xf32>
    %reduce_max3A_375 = arith.constant dense<0xFF800000> : vector<64xf32>
    %reduce_max3A_376 = vector.multi_reduction <maximumf>, %select_n3A_374, %reduce_max3A_375 [1] : vector<64x384xf32> to vector<64xf32>
    %broadcast_in_dim3A_377 = vector.shape_cast %reduce_max3A_376 : vector<64xf32> to vector<64x1xf32>
    %eq3A_378 = vector.broadcast %broadcast_in_dim3A_377 : vector<64x1xf32> to vector<64x384xf32>
    %eq3A_379 = arith.cmpf oeq, %select_n3A_374, %eq3A_378 : vector<64x384xf32>
    %jit3A_380 = arith.constant -1.000000e+09 : f32
    %broadcast_in_dim3A_381 = vector.broadcast %jit3A_380 : f32 to vector<64x384xf32>
    %select_n3A_382 = arith.select %eq3A_379, %broadcast_in_dim3A_381, %select_n3A_374 : vector<64x384xi1>, vector<64x384xf32>
    %reduce_max3A_383 = arith.constant dense<0xFF800000> : vector<64xf32>
    %reduce_max3A_384 = vector.multi_reduction <maximumf>, %select_n3A_382, %reduce_max3A_383 [1] : vector<64x384xf32> to vector<64xf32>
    %broadcast_in_dim3A_385 = vector.shape_cast %reduce_max3A_384 : vector<64xf32> to vector<64x1xf32>
    %eq3A_386 = vector.broadcast %broadcast_in_dim3A_385 : vector<64x1xf32> to vector<64x384xf32>
    %eq3A_387 = arith.cmpf oeq, %select_n3A_382, %eq3A_386 : vector<64x384xf32>
    %jit3A_388 = arith.constant -1.000000e+09 : f32
    %broadcast_in_dim3A_389 = vector.broadcast %jit3A_388 : f32 to vector<64x384xf32>
    %select_n3A_390 = arith.select %eq3A_387, %broadcast_in_dim3A_389, %select_n3A_382 : vector<64x384xi1>, vector<64x384xf32>
    %reduce_max3A_391 = arith.constant dense<0xFF800000> : vector<64xf32>
    %reduce_max3A_392 = vector.multi_reduction <maximumf>, %select_n3A_390, %reduce_max3A_391 [1] : vector<64x384xf32> to vector<64xf32>
    %broadcast_in_dim3A_393 = vector.shape_cast %reduce_max3A_392 : vector<64xf32> to vector<64x1xf32>
    %slice3A_394 = vector.extract_strided_slice %dot_general3A_179 {offsets = [384, 0], sizes = [64, 384], strides = [1, 1]} : vector<512x384xf32> to vector<64x384xf32>
    %ge3A_395 = vector.broadcast %get3A_0 : i32 to vector<64x384xi32>
    %ge3A_396 = arith.cmpi sge, %add3A_181, %ge3A_395 : vector<64x384xi32>
    %lt3A_397 = vector.broadcast %get3A_2 : i32 to vector<64x384xi32>
    %lt3A_398 = arith.cmpi slt, %add3A_181, %lt3A_397 : vector<64x384xi32>
    %and3A_399 = arith.andi %ge3A_396, %lt3A_398 : vector<64x384xi1>
    %jit3A_400 = arith.constant -1.000000e+09 : f32
    %broadcast_in_dim3A_401 = vector.broadcast %jit3A_400 : f32 to vector<64x384xf32>
    %select_n3A_402 = arith.select %and3A_399, %slice3A_394, %broadcast_in_dim3A_401 : vector<64x384xi1>, vector<64x384xf32>
    %reduce_max3A_403 = arith.constant dense<0xFF800000> : vector<64xf32>
    %reduce_max3A_404 = vector.multi_reduction <maximumf>, %select_n3A_402, %reduce_max3A_403 [1] : vector<64x384xf32> to vector<64xf32>
    %broadcast_in_dim3A_405 = vector.shape_cast %reduce_max3A_404 : vector<64xf32> to vector<64x1xf32>
    %eq3A_406 = vector.broadcast %broadcast_in_dim3A_405 : vector<64x1xf32> to vector<64x384xf32>
    %eq3A_407 = arith.cmpf oeq, %select_n3A_402, %eq3A_406 : vector<64x384xf32>
    %jit3A_408 = arith.constant -1.000000e+09 : f32
    %broadcast_in_dim3A_409 = vector.broadcast %jit3A_408 : f32 to vector<64x384xf32>
    %select_n3A_410 = arith.select %eq3A_407, %broadcast_in_dim3A_409, %select_n3A_402 : vector<64x384xi1>, vector<64x384xf32>
    %reduce_max3A_411 = arith.constant dense<0xFF800000> : vector<64xf32>
    %reduce_max3A_412 = vector.multi_reduction <maximumf>, %select_n3A_410, %reduce_max3A_411 [1] : vector<64x384xf32> to vector<64xf32>
    %broadcast_in_dim3A_413 = vector.shape_cast %reduce_max3A_412 : vector<64xf32> to vector<64x1xf32>
    %eq3A_414 = vector.broadcast %broadcast_in_dim3A_413 : vector<64x1xf32> to vector<64x384xf32>
    %eq3A_415 = arith.cmpf oeq, %select_n3A_410, %eq3A_414 : vector<64x384xf32>
    %jit3A_416 = arith.constant -1.000000e+09 : f32
    %broadcast_in_dim3A_417 = vector.broadcast %jit3A_416 : f32 to vector<64x384xf32>
    %select_n3A_418 = arith.select %eq3A_415, %broadcast_in_dim3A_417, %select_n3A_410 : vector<64x384xi1>, vector<64x384xf32>
    %reduce_max3A_419 = arith.constant dense<0xFF800000> : vector<64xf32>
    %reduce_max3A_420 = vector.multi_reduction <maximumf>, %select_n3A_418, %reduce_max3A_419 [1] : vector<64x384xf32> to vector<64xf32>
    %broadcast_in_dim3A_421 = vector.shape_cast %reduce_max3A_420 : vector<64xf32> to vector<64x1xf32>
    %eq3A_422 = vector.broadcast %broadcast_in_dim3A_421 : vector<64x1xf32> to vector<64x384xf32>
    %eq3A_423 = arith.cmpf oeq, %select_n3A_418, %eq3A_422 : vector<64x384xf32>
    %jit3A_424 = arith.constant -1.000000e+09 : f32
    %broadcast_in_dim3A_425 = vector.broadcast %jit3A_424 : f32 to vector<64x384xf32>
    %select_n3A_426 = arith.select %eq3A_423, %broadcast_in_dim3A_425, %select_n3A_418 : vector<64x384xi1>, vector<64x384xf32>
    %reduce_max3A_427 = arith.constant dense<0xFF800000> : vector<64xf32>
    %reduce_max3A_428 = vector.multi_reduction <maximumf>, %select_n3A_426, %reduce_max3A_427 [1] : vector<64x384xf32> to vector<64xf32>
    %broadcast_in_dim3A_429 = vector.shape_cast %reduce_max3A_428 : vector<64xf32> to vector<64x1xf32>
    %slice3A_430 = vector.extract_strided_slice %dot_general3A_179 {offsets = [448, 0], sizes = [64, 384], strides = [1, 1]} : vector<512x384xf32> to vector<64x384xf32>
    %ge3A_431 = vector.broadcast %get3A_0 : i32 to vector<64x384xi32>
    %ge3A_432 = arith.cmpi sge, %add3A_181, %ge3A_431 : vector<64x384xi32>
    %lt3A_433 = vector.broadcast %get3A_2 : i32 to vector<64x384xi32>
    %lt3A_434 = arith.cmpi slt, %add3A_181, %lt3A_433 : vector<64x384xi32>
    %and3A_435 = arith.andi %ge3A_432, %lt3A_434 : vector<64x384xi1>
    %jit3A_436 = arith.constant -1.000000e+09 : f32
    %broadcast_in_dim3A_437 = vector.broadcast %jit3A_436 : f32 to vector<64x384xf32>
    %select_n3A_438 = arith.select %and3A_435, %slice3A_430, %broadcast_in_dim3A_437 : vector<64x384xi1>, vector<64x384xf32>
    %reduce_max3A_439 = arith.constant dense<0xFF800000> : vector<64xf32>
    %reduce_max3A_440 = vector.multi_reduction <maximumf>, %select_n3A_438, %reduce_max3A_439 [1] : vector<64x384xf32> to vector<64xf32>
    %broadcast_in_dim3A_441 = vector.shape_cast %reduce_max3A_440 : vector<64xf32> to vector<64x1xf32>
    %eq3A_442 = vector.broadcast %broadcast_in_dim3A_441 : vector<64x1xf32> to vector<64x384xf32>
    %eq3A_443 = arith.cmpf oeq, %select_n3A_438, %eq3A_442 : vector<64x384xf32>
    %jit3A_444 = arith.constant -1.000000e+09 : f32
    %broadcast_in_dim3A_445 = vector.broadcast %jit3A_444 : f32 to vector<64x384xf32>
    %select_n3A_446 = arith.select %eq3A_443, %broadcast_in_dim3A_445, %select_n3A_438 : vector<64x384xi1>, vector<64x384xf32>
    %reduce_max3A_447 = arith.constant dense<0xFF800000> : vector<64xf32>
    %reduce_max3A_448 = vector.multi_reduction <maximumf>, %select_n3A_446, %reduce_max3A_447 [1] : vector<64x384xf32> to vector<64xf32>
    %broadcast_in_dim3A_449 = vector.shape_cast %reduce_max3A_448 : vector<64xf32> to vector<64x1xf32>
    %eq3A_450 = vector.broadcast %broadcast_in_dim3A_449 : vector<64x1xf32> to vector<64x384xf32>
    %eq3A_451 = arith.cmpf oeq, %select_n3A_446, %eq3A_450 : vector<64x384xf32>
    %jit3A_452 = arith.constant -1.000000e+09 : f32
    %broadcast_in_dim3A_453 = vector.broadcast %jit3A_452 : f32 to vector<64x384xf32>
    %select_n3A_454 = arith.select %eq3A_451, %broadcast_in_dim3A_453, %select_n3A_446 : vector<64x384xi1>, vector<64x384xf32>
    %reduce_max3A_455 = arith.constant dense<0xFF800000> : vector<64xf32>
    %reduce_max3A_456 = vector.multi_reduction <maximumf>, %select_n3A_454, %reduce_max3A_455 [1] : vector<64x384xf32> to vector<64xf32>
    %broadcast_in_dim3A_457 = vector.shape_cast %reduce_max3A_456 : vector<64xf32> to vector<64x1xf32>
    %eq3A_458 = vector.broadcast %broadcast_in_dim3A_457 : vector<64x1xf32> to vector<64x384xf32>
    %eq3A_459 = arith.cmpf oeq, %select_n3A_454, %eq3A_458 : vector<64x384xf32>
    %jit3A_460 = arith.constant -1.000000e+09 : f32
    %broadcast_in_dim3A_461 = vector.broadcast %jit3A_460 : f32 to vector<64x384xf32>
    %select_n3A_462 = arith.select %eq3A_459, %broadcast_in_dim3A_461, %select_n3A_454 : vector<64x384xi1>, vector<64x384xf32>
    %reduce_max3A_463 = arith.constant dense<0xFF800000> : vector<64xf32>
    %reduce_max3A_464 = vector.multi_reduction <maximumf>, %select_n3A_462, %reduce_max3A_463 [1] : vector<64x384xf32> to vector<64xf32>
    %broadcast_in_dim3A_465 = vector.shape_cast %reduce_max3A_464 : vector<64xf32> to vector<64x1xf32>
    %concatenate3A = tpu.concatenate %broadcast_in_dim3A_189, %broadcast_in_dim3A_225, %broadcast_in_dim3A_261, %broadcast_in_dim3A_297, %broadcast_in_dim3A_333, %broadcast_in_dim3A_369, %broadcast_in_dim3A_405, %broadcast_in_dim3A_441 in 0 : vector<64x1xf32>, vector<64x1xf32>, vector<64x1xf32>, vector<64x1xf32>, vector<64x1xf32>, vector<64x1xf32>, vector<64x1xf32>, vector<64x1xf32> -> vector<512x1xf32>
    %concatenate3A_466 = tpu.concatenate %broadcast_in_dim3A_213, %broadcast_in_dim3A_249, %broadcast_in_dim3A_285, %broadcast_in_dim3A_321, %broadcast_in_dim3A_357, %broadcast_in_dim3A_393, %broadcast_in_dim3A_429, %broadcast_in_dim3A_465 in 0 : vector<64x1xf32>, vector<64x1xf32>, vector<64x1xf32>, vector<64x1xf32>, vector<64x1xf32>, vector<64x1xf32>, vector<64x1xf32>, vector<64x1xf32> -> vector<512x1xf32>
    %iota3A_467 = tpu.iota {dimensions = array<i32: 1>} : vector<512x384xi32>
    %add3A_468 = vector.broadcast %min3A_20 : i32 to vector<512x384xi32>
    %add3A_469 = arith.addi %iota3A_467, %add3A_468 : vector<512x384xi32>
    %ge3A_470 = vector.broadcast %get3A_0 : i32 to vector<512x384xi32>
    %ge3A_471 = arith.cmpi sge, %add3A_469, %ge3A_470 : vector<512x384xi32>
    %lt3A_472 = vector.broadcast %get3A_2 : i32 to vector<512x384xi32>
    %lt3A_473 = arith.cmpi slt, %add3A_469, %lt3A_472 : vector<512x384xi32>
    %and3A_474 = arith.andi %ge3A_471, %lt3A_473 : vector<512x384xi1>
    %jit3A_475 = arith.constant -1.000000e+09 : f32
    %broadcast_in_dim3A_476 = vector.broadcast %jit3A_475 : f32 to vector<512x384xf32>
    %select_n3A_477 = arith.select %and3A_474, %dot_general3A_179, %broadcast_in_dim3A_476 : vector<512x384xi1>, vector<512x384xf32>
    %ge3A_478 = vector.broadcast %concatenate3A_466 : vector<512x1xf32> to vector<512x384xf32>
    %ge3A_479 = arith.cmpf oge, %select_n3A_477, %ge3A_478 : vector<512x384xf32>
    %sub3A_480 = vector.broadcast %concatenate3A : vector<512x1xf32> to vector<512x384xf32>
    %sub3A_481 = arith.subf %select_n3A_477, %sub3A_480 : vector<512x384xf32>
    %exp3A = math.exp %sub3A_481 : vector<512x384xf32>
    %jit3A_482 = arith.constant 0.000000e+00 : f32
    %broadcast_in_dim3A_483 = vector.broadcast %jit3A_482 : f32 to vector<512x384xf32>
    %select_n3A_484 = arith.select %ge3A_479, %exp3A, %broadcast_in_dim3A_483 : vector<512x384xi1>, vector<512x384xf32>
    %reduce_sum3A = arith.constant dense<0.000000e+00> : vector<512xf32>
    %reduce_sum3A_485 = vector.multi_reduction <add>, %select_n3A_484, %reduce_sum3A [1] : vector<512x384xf32> to vector<512xf32>
    %broadcast_in_dim3A_486 = vector.shape_cast %reduce_sum3A_485 : vector<512xf32> to vector<512x1xf32>
    %div3A_487 = vector.broadcast %broadcast_in_dim3A_486 : vector<512x1xf32> to vector<512x384xf32>
    %div3A_488 = arith.divf %select_n3A_484, %div3A_487 : vector<512x384xf32>
    %convert_element_type3A_489 = arith.truncf %div3A_488 : vector<512x384xf32> to vector<512x384xbf16>
    %convert_element_type3A_490 = arith.truncf %select_n3A_178 : vector<384x512xf32> to vector<384x512xbf16>
    %dot_general3A_491 = arith.constant dense<0.000000e+00> : vector<512x512xf32>
    %dot_general3A_492 = tpu.matmul %convert_element_type3A_489, %convert_element_type3A_490, %dot_general3A_491 {dimension_numbers = #tpu.dot_dimension_numbers<[1], [0], [0], [1], [0, 0, 1, 1], [], []>, transpose_lhs_hint = false} : vector<512x384xbf16>, vector<384x512xbf16>, vector<512x512xf32> -> vector<512x512xf32>
    %get3A_493 = arith.constant 0 : index
    %get3A_494 = arith.constant 0 : index
    %get3A_495 = arith.constant 0 : index
    %get3A_496 = vector.load %arg3[%get3A_493, %get3A_494, %get3A_495] : memref<1x8x64xf32, #tpu.memory_space<vmem>>, vector<1x8x64xf32>
    %get3A_497 = vector.shape_cast %get3A_496 : vector<1x8x64xf32> to vector<8x64xf32>
    %slice3A_498 = vector.extract_strided_slice %get3A_497 {offsets = [0, 0], sizes = [1, 64], strides = [1, 1]} : vector<8x64xf32> to vector<1x64xf32>
    %slice3A_499 = vector.extract_strided_slice %get3A_497 {offsets = [1, 0], sizes = [1, 64], strides = [1, 1]} : vector<8x64xf32> to vector<1x64xf32>
    %slice3A_500 = vector.extract_strided_slice %get3A_497 {offsets = [2, 0], sizes = [1, 64], strides = [1, 1]} : vector<8x64xf32> to vector<1x64xf32>
    %slice3A_501 = vector.extract_strided_slice %get3A_497 {offsets = [3, 0], sizes = [1, 64], strides = [1, 1]} : vector<8x64xf32> to vector<1x64xf32>
    %slice3A_502 = vector.extract_strided_slice %get3A_497 {offsets = [4, 0], sizes = [1, 64], strides = [1, 1]} : vector<8x64xf32> to vector<1x64xf32>
    %slice3A_503 = vector.extract_strided_slice %get3A_497 {offsets = [5, 0], sizes = [1, 64], strides = [1, 1]} : vector<8x64xf32> to vector<1x64xf32>
    %slice3A_504 = vector.extract_strided_slice %get3A_497 {offsets = [6, 0], sizes = [1, 64], strides = [1, 1]} : vector<8x64xf32> to vector<1x64xf32>
    %slice3A_505 = vector.extract_strided_slice %get3A_497 {offsets = [7, 0], sizes = [1, 64], strides = [1, 1]} : vector<8x64xf32> to vector<1x64xf32>
    %concatenate3A_506 = tpu.concatenate %slice3A_498, %slice3A_499, %slice3A_500, %slice3A_501, %slice3A_502, %slice3A_503, %slice3A_504, %slice3A_505 in 1 : vector<1x64xf32>, vector<1x64xf32>, vector<1x64xf32>, vector<1x64xf32>, vector<1x64xf32>, vector<1x64xf32>, vector<1x64xf32>, vector<1x64xf32> -> vector<1x512xf32>
    %iota3A_507 = tpu.iota {dimensions = array<i32: 0>} : vector<64x512xi32>
    %iota3A_508 = tpu.iota {dimensions = array<i32: 1>} : vector<64x512xi32>
    %jit3A_509 = arith.constant 64 : i32
    %eq3A_510 = arith.constant 0 : i32
    %eq3A_511 = arith.cmpi eq, %jit3A_509, %eq3A_510 : i32
    %jit3A_512 = arith.constant 1 : i32
    %select_n3A_513 = arith.select %eq3A_511, %jit3A_512, %jit3A_509 : i32
    %rem3A_514 = vector.broadcast %select_n3A_513 : i32 to vector<64x512xi32>
    %rem3A_515 = arith.remsi %iota3A_508, %rem3A_514 : vector<64x512xi32>
    %ne3A_516 = arith.constant 0 : i32
    %ne3A_517 = vector.broadcast %ne3A_516 : i32 to vector<64x512xi32>
    %ne3A_518 = arith.cmpi ne, %rem3A_515, %ne3A_517 : vector<64x512xi32>
    %lt3A_519 = arith.constant 0 : i32
    %lt3A_520 = vector.broadcast %lt3A_519 : i32 to vector<64x512xi32>
    %lt3A_521 = arith.cmpi slt, %rem3A_515, %lt3A_520 : vector<64x512xi32>
    %lt3A_522 = arith.constant 0 : i32
    %lt3A_523 = arith.cmpi slt, %select_n3A_513, %lt3A_522 : i32
    %ne3A_524 = vector.broadcast %lt3A_523 : i1 to vector<64x512xi1>
    %ne3A_525 = vector.broadcast %ne3A_524 : vector<64x512xi1> to vector<64x512xi1>
    %ne3A_526 = arith.xori %lt3A_521, %ne3A_525 : vector<64x512xi1>
    %and3A_527 = arith.andi %ne3A_526, %ne3A_518 : vector<64x512xi1>
    %add3A_528 = vector.broadcast %select_n3A_513 : i32 to vector<64x512xi32>
    %add3A_529 = arith.addi %rem3A_515, %add3A_528 : vector<64x512xi32>
    %select_n3A_530 = arith.select %and3A_527, %add3A_529, %rem3A_515 : vector<64x512xi1>, vector<64x512xi32>
    %eq3A_531 = arith.cmpi eq, %select_n3A_530, %iota3A_507 : vector<64x512xi32>
    %jit3A_532 = arith.constant 0.000000e+00 : f32
    %broadcast_in_dim3A_533 = vector.shape_cast %concatenate3A_506 : vector<1x512xf32> to vector<1x512xf32>
    %broadcast_in_dim3A_534 = vector.broadcast %broadcast_in_dim3A_533 : vector<1x512xf32> to vector<64x512xf32>
    %broadcast_in_dim3A_535 = vector.broadcast %jit3A_532 : f32 to vector<64x512xf32>
    %select_n3A_536 = arith.select %eq3A_531, %broadcast_in_dim3A_534, %broadcast_in_dim3A_535 : vector<64x512xi1>, vector<64x512xf32>
    %dot_general3A_537 = arith.constant dense<0.000000e+00> : vector<64x512xf32>
    %dot_general3A_538 = tpu.matmul %select_n3A_536, %get3A_153, %dot_general3A_537 {dimension_numbers = #tpu.dot_dimension_numbers<[1], [0], [0], [1], [0, 0, 1, 1], [], []>, transpose_lhs_hint = false} : vector<64x512xf32>, vector<512x512xf32>, vector<64x512xf32> -> vector<64x512xf32>
    %dot_general3A_539 = arith.constant dense<0.000000e+00> : vector<64x512xf32>
    %dot_general3A_540 = tpu.matmul %select_n3A_536, %dot_general3A_492, %dot_general3A_539 {dimension_numbers = #tpu.dot_dimension_numbers<[1], [0], [0], [1], [0, 0, 1, 1], [], []>, transpose_lhs_hint = false} : vector<64x512xf32>, vector<512x512xf32>, vector<64x512xf32> -> vector<64x512xf32>
    %get3A_541 = arith.constant 0 : index
    %get3A_542 = arith.constant 0 : index
    %get3A_543 = vector.load %arg1[%get3A_541, %get3A_542] : memref<64x512xf32, #tpu.memory_space<vmem>>, vector<64x512xf32>
    %mul3A_544 = arith.constant 5.000000e-01 : f32
    %mul3A_545 = vector.broadcast %mul3A_544 : f32 to vector<64x512xf32>
    %mul3A_546 = arith.mulf %mul3A_545, %get3A_543 : vector<64x512xf32>
    %mul3A_547 = arith.constant 5.000000e-01 : f32
    %mul3A_548 = vector.broadcast %mul3A_547 : f32 to vector<64x512xf32>
    %mul3A_549 = arith.mulf %mul3A_548, %dot_general3A_538 : vector<64x512xf32>
    %add3A_550 = arith.addf %mul3A_546, %mul3A_549 : vector<64x512xf32>
    %broadcast_in_dim3A_551 = vector.shape_cast %add3A_550 : vector<64x512xf32> to vector<1x64x512xf32>
    %swap3A = arith.constant 0 : index
    %swap3A_552 = arith.constant 0 : index
    %swap3A_553 = arith.constant 0 : index
    %swap3A_554 = vector.load %arg7[%swap3A, %swap3A_552, %swap3A_553] : memref<1x64x512xf32, #tpu.memory_space<vmem>>, vector<1x64x512xf32>
    tpu.vector_store %arg7[%swap3A, %swap3A_552, %swap3A_553], %broadcast_in_dim3A_551 {strides = array<i32>} : memref<1x64x512xf32, #tpu.memory_space<vmem>>, vector<1x64x512xf32>,
    %mul3A_555 = arith.constant 5.000000e-01 : f32
    %mul3A_556 = vector.broadcast %mul3A_555 : f32 to vector<64x512xf32>
    %mul3A_557 = arith.mulf %mul3A_556, %get3A_543 : vector<64x512xf32>
    %mul3A_558 = arith.constant 5.000000e-01 : f32
    %mul3A_559 = vector.broadcast %mul3A_558 : f32 to vector<64x512xf32>
    %mul3A_560 = arith.mulf %mul3A_559, %dot_general3A_540 : vector<64x512xf32>
    %add3A_561 = arith.addf %mul3A_557, %mul3A_560 : vector<64x512xf32>
    %broadcast_in_dim3A_562 = vector.shape_cast %add3A_561 : vector<64x512xf32> to vector<1x64x512xf32>
    %swap3A_563 = arith.constant 0 : index
    %swap3A_564 = arith.constant 0 : index
    %swap3A_565 = arith.constant 0 : index
    %swap3A_566 = vector.load %arg8[%swap3A_563, %swap3A_564, %swap3A_565] : memref<1x64x512xf32, #tpu.memory_space<vmem>>, vector<1x64x512xf32>
    tpu.vector_store %arg8[%swap3A_563, %swap3A_564, %swap3A_565], %broadcast_in_dim3A_562 {strides = array<i32>} : memref<1x64x512xf32, #tpu.memory_space<vmem>>, vector<1x64x512xf32>,
    return
  }
  func.func @transform_0(%arg0: i32) -> (i32, i32) {
    %c0_i32 = arith.constant 0 : i32
    %c0_i32_0 = arith.constant 0 : i32
    %c0_i32_1 = arith.constant 0 : i32
    return %c0_i32, %c0_i32_0 : i32, i32
  }
  func.func @transform_1(%arg0: i32) -> (i32, i32, i32) {
    %c0_i32 = arith.constant 0 : i32
    %c0_i32_0 = arith.constant 0 : i32
    %c0_i32_1 = arith.constant 0 : i32
    return %arg0, %c0_i32, %c0_i32_0 : i32, i32, i32
  }
  func.func @transform_2(%arg0: i32) -> (i32, i32, i32) {
    %c0_i32 = arith.constant 0 : i32
    %c0_i32_0 = arith.constant 0 : i32
    %c0_i32_1 = arith.constant 0 : i32
    return %arg0, %c0_i32, %c0_i32_0 : i32, i32, i32
  }
  func.func @transform_3(%arg0: i32) -> i32 {
    %c0_i32 = arith.constant 0 : i32
    %c0_i32_0 = arith.constant 0 : i32
    return %c0_i32 : i32
  }
  func.func @transform_4(%arg0: i32) -> i32 {
    %c0_i32 = arith.constant 0 : i32
    %c0_i32_0 = arith.constant 0 : i32
    return %c0_i32 : i32
  }
  func.func @transform_6(%arg0: i32) -> (i32, i32, i32) {
    %c0_i32 = arith.constant 0 : i32
    %c0_i32_0 = arith.constant 0 : i32
    %c0_i32_1 = arith.constant 0 : i32
    return %arg0, %c0_i32, %c0_i32_0 : i32, i32, i32
  }
  func.func @transform_7(%arg0: i32) -> (i32, i32, i32) {
    %c0_i32 = arith.constant 0 : i32
    %c0_i32_0 = arith.constant 0 : i32
    %c0_i32_1 = arith.constant 0 : i32
    return %arg0, %c0_i32, %c0_i32_0 : i32, i32, i32
  }
}

</mosaic_0001>

<sc_bundles>
// kernel: kernel.11.cloned.1.call-start
scs
__scs_entry_jumppad:
0x0: {  	(pc) =	sbr.rel $0x88, $3  }
0x1: {  	(tag) =	ssettag $0x0;
	lr =	simm.s32 $0x1  }
0x2: {  	[smem:$0x3F9C] =	sst lr;
	_ =	strace $0xD0000000  }
0x3: {  	_ = 	snop  }
0x4: {  	_ = 	snop  }
0x5: {  	_ = 	snop  }
0x6: {  	_ = 	snop  }
0x7: {  	_ = 	snop  }
__scs_overlays_trampoline_lowered:
0x8: {  	[smem:$0x3FAB] =	sst s0  }
0x9: {  	[smem:$0x3FAC] =	sst s1  }
0xa: {  	[smem:$0x3FAD] =	sst s2  }
0xb: {  	[smem:$0x3FAE] =	sst s3  }
0xc: {  	[smem:$0x3FAF] =	sst s4  }
0xd: {  	[smem:$0x3FB0] =	sst s5  }
0xe: {  	[smem:$0x3FB1] =	sst s6  }
0xf: {  	[smem:$0x3FB2] =	sst s7  }
0x10: {  	[smem:$0x3FB3] =	sst s8  }
0x11: {  	[smem:$0x3FB4] =	sst s9;
	s0 =	simm.s32 @!p0 $0x0  }
0x12: {  	s1 =	sld [smem:$0x3F9A];
	s0 =	simm.s32 @p0 $0x1  }
0x13: {  	[smem:$0x3FB5] =	sst s0;
	s0 =	simm.s32 @!p1 $0x0  }
0x14: {  	s2 =	sld [smem:$0x3F99];
	s0 =	simm.s32 @p1 $0x1  }
0x15: {  	[smem:$0x3FB6] =	sst s0;
	s0 =	simm.s32 @!p2 $0x0  }
0x16: {  	s3 =	sld [smem:$0x3FDB];
	s0 =	simm.s32 @p2 $0x1  }
0x17: {  	s4 =	simm.s32 $0x1BF5;
	[smem:$0x3FB8] =	sst s0  }
0x18: {  	s0 =	sld [smem:$0x3F9B];
	_ =	swait.ge [sflag:s4], $0x0  }
0x19: {  	s7 =	sld [smem:$0x3F9C]  }
0x1a: {  	s8 =	sadd.s32 $0xFFFFE003, lr  }
0x1b: {  	s9 =	sadd.s32 $0xFFFFFEF7, lr;
	s5 =	simm.s32 $0xFFFFFFFF;
	p2 =	slt.u32 s8, $0xFFFFF086  }
0x1c: {  	p1 =	slt.u32 s9, $0xF7A;
	s5 =	simm.s32 @!p2 $0x0  }
0x1d: {  	s5 =	simm.s32 @p1 $0x1;
	p0 =	seq.s32 s7, s2  }
0x1e: {  	s7 =	smul.u32 @!p0 $0xF7A, s2;
	p2 =	seq.s32 @!p0 s5, $0x0  }
0x1f: {  	s9 =	smul.u32 $0xF7A, s1;
	s8 =	simm.s32 @!p0 $0x1BF5;
	p2 =	por !p2, p0  }
0x20: {  	[sflag:s8] =	ssyncset.s32 @!p0 $0xFFFFF086;
	s6 =	sadd.s32 @!p0 s3, s7;
	s7 =	simm.s32 @!p0 $0x108  }
0x21: {  	s3 =	sadd.s32 s3, s9;
	s6 =	sadd.s32 @!p0 $0x88, s6;
	s7 =	simm.s32 @p2 $0x1082  }
0x22: {  	[simem:s7], [sflag:s8] =	dma.local @!p0 [hbm:s6], $0xF7A  }
0x23: {  	s9 =	sor.u32 $0xD0000000, s2;
	s6 =	simm.s32 $0x108;
	_ =	swait.ge @!p0 [sflag:s8], $0x0  }
0x24: {  	s3 =	sadd.s32 $0x88, s3;
	s6 =	simm.s32 @!p1 $0x1082;
	[sflag:s4] =	ssyncset.s32 $0xFFFFF086  }
0x25: {  	[simem:s6], [sflag:s4] =	dma.local [hbm:s3], $0xF7A  }
0x26: {  	[smem:$0x3F9C] =	sst s1;
	(tag) =	ssettag s2;
	_ =	strace s9  }
0x27: {  	s1 =	sld [smem:$0x3FAC]  }
0x28: {  	s2 =	sld [smem:$0x3FAD]  }
0x29: {  	s4 =	sld [smem:$0x3FAF]  }
0x2a: {  	p0 =	seq.s32 s5, $0x0;
	s5 =	sld [smem:$0x3FB0]  }
0x2b: {  	s6 =	sld [smem:$0x3FB1]  }
0x2c: {  	s7 =	sld [smem:$0x3FB2]  }
0x2d: {  	s3 =	simm.s32 $0x108;
	s8 =	sld [smem:$0x3FB3]  }
0x2e: {  	s3 =	simm.s32 @!p0 $0x1082;
	s9 =	sld [smem:$0x3FB4]  }
0x2f: {  	lr =	sadd.s32 s0, s3;
	s0 =	sld [smem:$0x3FAB]  }
0x30: {  	s3 =	sld [smem:$0x3FAE]  }
0x31: {  	[smem:$0x3FB7] =	sst s10  }
0x32: {  	s10 =	sld [smem:$0x3FB5];
	_ =	sdelay $0x3  }
0x33: {  	p0 =	seq.s32 s10, $0x1;
	s10 =	sld [smem:$0x3FB7];
	_ =	sdelay $0x3  }
0x34: {  	[smem:$0x3FB7] =	sst s10  }
0x35: {  	s10 =	sld [smem:$0x3FB6];
	_ =	sdelay $0x3  }
0x36: {  	p1 =	seq.s32 s10, $0x1;
	s10 =	sld [smem:$0x3FB7];
	_ =	sdelay $0x3  }
0x37: {  	[smem:$0x3FB7] =	sst s10  }
0x38: {  	s10 =	sld [smem:$0x3FB8]  }
0x39: {  	_ = 	snop;
	(pc) =	sbr.ind lr, $3  }
0x3a: {  	_ = 	snop  }
0x3b: {  	_ = 	snop  }
0x3c: {  	p2 =	seq.s32 s10, $0x1;
	s10 =	sld [smem:$0x3FB7]  }
0x3d: {  	_ =	shalt  }
0x3e: {  	_ =	shalt  }
0x3f: {  	_ =	shalt  }
0x40: {  	_ =	shalt  }
0x41: {  	_ =	shalt  }
0x42: {  	_ =	shalt  }
0x43: {  	_ =	shalt  }
0x44: {  	_ =	shalt  }
0x45: {  	_ =	shalt  }
0x46: {  	_ =	shalt  }
0x47: {  	_ =	shalt  }
0x48: {  	_ =	shalt  }
0x49: {  	_ =	shalt  }
0x4a: {  	_ =	shalt  }
0x4b: {  	_ =	shalt  }
0x4c: {  	_ =	shalt  }
0x4d: {  	_ =	shalt  }
0x4e: {  	_ =	shalt  }
0x4f: {  	_ =	shalt  }
0x50: {  	_ =	shalt  }
0x51: {  	_ =	shalt  }
0x52: {  	_ =	shalt  }
0x53: {  	_ =	shalt  }
0x54: {  	_ =	shalt  }
0x55: {  	_ =	shalt  }
0x56: {  	_ =	shalt  }
0x57: {  	_ =	shalt  }
0x58: {  	_ =	shalt  }
0x59: {  	_ =	shalt  }
0x5a: {  	_ =	shalt  }
0x5b: {  	_ =	shalt  }
0x5c: {  	_ =	shalt  }
0x5d: {  	_ =	shalt  }
0x5e: {  	_ =	shalt  }
0x5f: {  	_ =	shalt  }
0x60: {  	_ =	shalt  }
0x61: {  	_ =	shalt  }
0x62: {  	_ =	shalt  }
0x63: {  	_ =	shalt  }
0x64: {  	_ =	shalt  }
0x65: {  	_ =	shalt  }
0x66: {  	_ =	shalt  }
0x67: {  	_ =	shalt  }
0x68: {  	_ =	shalt  }
0x69: {  	_ =	shalt  }
0x6a: {  	_ =	shalt  }
0x6b: {  	_ =	shalt  }
0x6c: {  	_ =	shalt  }
0x6d: {  	_ =	shalt  }
0x6e: {  	_ =	shalt  }
0x6f: {  	_ =	shalt  }
0x70: {  	_ =	shalt  }
0x71: {  	_ =	shalt  }
0x72: {  	_ =	shalt  }
0x73: {  	_ =	shalt  }
0x74: {  	_ =	shalt  }
0x75: {  	_ =	shalt  }
0x76: {  	_ =	shalt  }
0x77: {  	_ =	shalt  }
0x78: {  	_ =	shalt  }
0x79: {  	_ =	shalt  }
0x7a: {  	_ =	shalt  }
0x7b: {  	_ =	shalt  }
0x7c: {  	_ =	shalt  }
0x7d: {  	_ =	shalt  }
0x7e: {  	_ =	shalt  }
0x7f: {  	_ =	shalt  }
0x80: {  	_ =	shalt  }
0x81: {  	_ =	shalt  }
0x82: {  	_ =	shalt  }
0x83: {  	_ =	shalt  }
0x84: {  	_ =	shalt  }
0x85: {  	_ =	shalt  }
0x86: {  	_ =	shalt  }
0x87: {  	_ =	shalt  }
.Lfunc_end0:
.L_simem_size_0:
called_computation.1_lowered:
.L_overlay_start_0:
0x88: {  	s2 =	sld [smem:$0x3FD9]  }
0x89: {  	s3 =	sld [smem:$0x3FFE];
	_ =	sdelay $0x1  }
0x8a: {  	s1 =	srdreg.scid  }
0x8b: {  	s0 =	sand.u32 $0x1, s1  }
0x8c: {  	s14 =	sshll.u32 s0, $0xA;
	s2 =	sadd.s32 s3, s2  }
0x8d: {  	s2 =	sadd.s32 s2, s14  }
0x8e: {  	[smem:$0x3FC3] =	sst s2  }
0x8f: {  	_ = 	snop  }
0x90: {  	s2 =	sld [smem:$0x3FD0];
	_ =	sdelay $0x2  }
0x91: {  	s15 =	simm.s32 $0xB;
	s4 =	simm.s32 $0x10  }
0x92: {  	[smem:s4], [sflag:s15] =	dma.local [hbm:s2], $0x1  }
0x93: {  	_ =	swait.eq [sflag:s15], $0x1  }
0x94: {  	[sflag:s15] =	ssyncset.done $0x0  }
0x95: {  	[sflag:s15] =	ssyncadd.s32 $0xFFFFFFFF  }
0x96: {  	s16 =	sld [smem:$0x11];
	(tm) =	ssettm $0x1  }
0x97: {  	s17 =	sld [smem:$0x3FFB];
	_ =	sdelay $0x3  }
0x98: {  	_ =	strace s17  }
0x99: {  	s3 =	sld [smem:$0x3FFC];
	_ =	sdelay $0x3  }
0x9a: {  	_ =	strace s3  }
0x9b: {  	s3 =	sld [smem:$0x3FFD];
	_ =	sdelay $0x3  }
0x9c: {  	_ =	strace s3  }
0x9d: {  	_ =	strace $0x8FFFFFFF  }
0x9e: {  	s18 =	sld [smem:$0x3FDB];
	_ =	sdelay $0x1  }
0x9f: {  	s19 =	simm.s32 $_scs_section_size  }
0xa0: {  	s5 =	simm.s32 $_size__tile_overlayer_lowered;
	s6 =	simm.s32 $_tile_overlayer_lowered  }
0xa1: {  	s22 =	simm.s32 $0x1BFF;
	s21 =	sshll.u32 s6, $0x1;
	s3 =	sadd.s32 s19, s18  }
0xa2: {  	s7 =	simm.s32 $0x0;
	s20 =	sshll.u32 s5, $0x1;
	s5 =	sadd.s32 s21, s3  }
0xa3: {  	[timem:s7], [sflag:s22] =	dma.local [hbm:s5], s20  }
0xa4: {  	_ =	swait.ge [sflag:s22], s20  }
0xa5: {  	s4 =	ssub.s32 $0x0, s20;
	[sflag:s22] =	ssyncset.done $0x0  }
0xa6: {  	[sflag:s22] =	ssyncadd.s32 s4;
	_ =	sdelay $0x1  }
0xa7: {  	s23 =	simm.s32 $0x1B8B  }
0xa8: {  	_ =	swait.ge [sflag:s23], $0x1  }
0xa9: {  	[sflag:s23] =	ssyncset.done $0x0  }
0xaa: {  	s25 =	simm.s32 $0x1B8E;
	s24 =	sld [smem:$0x3FFE];
	[sflag:s23] =	ssyncadd.s32 $0xFFFFFFFF  }
0xab: {  	s26 =	simm.s32 $execute0_lowered;
	[smem:$0x3FD2] =	sst s25  }
0xac: {  	s5 =	sshll.u32 s26, $0x1;
	_ =	strace $0x80000046;
	[dreg:$0x1] =	wrdreg $0xFFFFFFFF  }
0xad: {  	s28 =	simm.s32 $_size_execute0_lowered;
	s3 =	sadd.s32 s3, s5;
	[dreg:$0x0] =	wrdreg $0x0  }
0xae: {  	s5 =	sshll.u32 s28, $0x1;
	[dreg:$0x2] =	wrdreg s3  }
0xaf: {  	[dreg:$0x3] =	wrdreg s5  }
0xb0: {  	[dreg:$0x4] =	wrdreg $0xC0  }
0xb1: {  	_ =	task [dreg:s7], $0x5FFFF  }
0xb2: {  	[dreg:$0x1] =	wrdreg $0xFFFFFFFF  }
0xb3: {  	[dreg:$0x0] =	wrdreg $0x60  }
0xb4: {  	[dreg:$0x2] =	wrdreg s24  }
0xb5: {  	[dreg:$0x3] =	wrdreg s16  }
0xb6: {  	[dreg:$0x4] =	wrdreg $0xA  }
0xb7: {  	_ =	task.clear_ibuf [dreg:s7], $0x5FFFF;
	_ =	strace $0x90000046  }
0xb8: {  	s29 =	simm.s32 $0xA;
	_ =	strace $0x80000048  }
0xb9: {  	_ =	swait.ge [sflag:s29], $0x1  }
0xba: {  	[sflag:s29] =	ssyncadd.s32 $0xFFFFFFFF  }
0xbb: {  	_ =	strace $0x90000048  }
0xbc: {  	_ =	sfence  }
0xbd: {  	s30 =	sld [smem:$0x0];
	_ =	sdelay $0x2  }
0xbe: {  	s31 =	sshll.u32 s1, $0xD;
	s1 =	sshrl.u32 s1, $0x2  }
0xbf: {  	s3 =	sand.u32 $0x4000, s31;
	s1 =	sadd.s32 s1, s30  }
0xc0: {  	s0 =	sor.u32 s3, s0;
	s1 =	sshll.u32 s1, $0x11  }
0xc1: {  	s0 =	sor.u32 s1, s0  }
0xc2: {  	s0 =	sadd.s32 $0x8F2B, s0  }
0xc3: {  	[sflag:s0] =	ssyncadd.remote.s32 $0x1  }
0xc4: {  	_ =	sfence.sel $0xFFFF  }
0xc5: {  	[dreg:$0x0] =	wrdreg $0xFFFFFFFF;
	(pc) =	sbr.abs _section_cstart, $3  }
0xc6: {  	[dreg:$0x1] =	wrdreg $0xFFFFFFFF  }
0xc7: {  	_ =	task.clear_ibuf [dreg:s7], $0x2FFFF;
	_ =	strace $0x9FFFFFFF  }
0xc8: {  	(tm) =	ssettm $0x7FFFFFFF  }
0xc9: {  	_ =	shalt  }
tec
execute0_lowered:
.L_overlay_start_1:
0x0: {  	(tag) =	ssettag $0x1  }
0x1: {  	s0 =	stileid.u32  }
0x2: {  	s1 =	srdreg.scid;
	s2 =	rddreg [dreg:$0x0]  }
0x3: {  	s6 =	rddreg [dreg:$0x1];
	s10 =	simm.s32 $0x880;
	s11 =	simm.s32 $0x2  }
0x4: {  	s12 =	simm.s32 $0x0;
	s3 =	smul.u32 $0x460, s0;
	s4 =	sand.u32 $0x1, s1  }
0x5: {  	s5 =	smul.u32 $0x820, s0;
	s1 =	rddreg [dreg:$0x2];
	p0 =	seq.s32 s4, $0x0  }
0x6: {  	s4 =	ssub.s32 $0x2, s4;
	s7 =	sadd.s32 $0x8200, s3;
	s3 =	simm.s32 $0x0  }
0x7: {  	s30 =	sshrl.u32 s4, $0x1;
	s7 =	smov.u32 @p0 s5;
	[smem:$0x7FF] =	sst s3  }
0x8: {  	s9 =	ssub.s32 s4, s30;
	s4 =	simm.s32 $0x1A;
	s5 =	sshll.u32 s7, $0x4  }
0x9: {  	_ =	strace $0x80000047;
	s31 =	sshrl.u32 s7, $0x3;
	s4 =	simm.s32 @!p0 $0xE  }
0xa: {  	s8 =	sadd.s32 s5, s2;
	s5 =	sadd.s32 s6, s31;
	s6 =	smax.u32 s9, $0x1  }
0xb: {  	s9 =	simm.s32 $0x50;
	s7 =	sadd.s32 $0xC3600, s8;
	s8 =	simm.s32 $0x1  }
.LBB2_1:
0xc: {  	[tilespmem:s3], [sflag:$0x1] =	stream.linear.gather [hbm4b:s5+s3], $0x820, $0x38;
	[tilespmem:$0x3080] =	vst v63  }
0xd: {  	_ =	swait.ge [sflag:s8], $0x820  }
0xe: {  	[sflag:s8] =	ssyncset.done $0x0  }
0xf: {  	[sflag:s8] =	ssyncadd.s32 $0xFFFFF7E0  }
0x10: {  	[tilespmem:s10], [sflag:$0x1] =	stream.indirect.gather [hbm4b:s2+s9], $0x80, s3, s9, $0xb8;
	[tilespmem:$0x3080] =	vst v63  }
0x11: {  	p0 =	sne.s32 s4, $0x1;
	_ =	swait.ge [sflag:s8], $0x2800  }
.Ltmp0:
0x12: {  	[sflag:s8] =	ssyncset.done $0x0;
	(pc) =	sbr.rel @!p0 .LBB2_3-.Ltmp0, $4  }
0x13: {  	[sflag:s8] =	ssyncadd.s32 $0xFFFFD800  }
0x14: {  	[hbm4b:s7+s3] =	stream.linear.scatter [tilespmem:s10], [sflag:$0x2], $0x2800, $0x38;
	[tilespmem:$0x3080] =	vst v63  }
0x15: {  	s13 =	sadd.s32 $0xFFFFFFFF, s4;
	_ =	swait.ge [sflag:s11], $0x2800  }
0x16: {  	s14 =	simm.s32 $0x0;
	s15 =	smov.u32 s7;
	[sflag:s11] =	ssyncset.done $0x0  }
.LBB2_2:
0x17: {  	[sflag:s11] =	ssyncadd.s32 $0xFFFFD800;
	s14 =	sadd.s32 $0x50, s14;
	s15 =	sadd.s32 $0x500, s15  }
0x18: {  	[tilespmem:s10], [sflag:$0x1] =	stream.indirect.gather [hbm4b:s2+s9], $0x80, s14, s9, $0xb8;
	[tilespmem:$0x3080] =	vst v63  }
0x19: {  	p0 =	sne.s32 s13, $0x1;
	s13 =	sadd.s32 $0xFFFFFFFF, s13;
	_ =	swait.ge [sflag:s8], $0x2800  }
.Ltmp1:
0x1a: {  	[sflag:s8] =	ssyncset.done $0x0;
	(pc) =	sbr.rel @p0 .LBB2_2-.Ltmp1, $4  }
0x1b: {  	[sflag:s8] =	ssyncadd.s32 $0xFFFFD800  }
0x1c: {  	[hbm4b:s15+s3] =	stream.linear.scatter [tilespmem:s10], [sflag:$0x2], $0x2800, $0x38;
	[tilespmem:$0x3080] =	vst v63  }
0x1d: {  	_ =	swait.ge [sflag:s11], $0x2800  }
0x1e: {  	[sflag:s11] =	ssyncset.done $0x0  }
.LBB2_3:
0x1f: {  	s12 =	sadd.s32 $0x1, s12  }
0x20: {  	p0 =	sne.s32 s12, s6  }
.Ltmp2:
0x21: {  	_ = 	snop;
	(pc) =	sbr.rel @p0 .LBB2_1-.Ltmp2, $2  }
0x22: {  	_ =	sdelay $0x2  }
0x23: {  	[sflag:s11] =	ssyncadd.s32 $0xFFFFD800  }
0x24: {  	_ =	sfence.sel $0x180000  }
0x25: {  	[bflag:$0x0] =	sbarrier.arrive $0xFFFF  }
0x26: {  	p0 =	sne.s32 s0, $0x0;
	_ =	strace $0x90000047  }
0x27: {  	s0 =	sadd.s32 @!p0 $0x100000, s1;
	[bflag:$0x2] =	sbarrier.arrive $0xFFFF  }
0x28: {  	[sflag:s0] =	ssyncadd.tile.s32 @!p0 $0x1;
	_ =	shalt  }
.Lfunc_end2:
_tile_overlayer_lowered:
.L_overlay_start_2:
0x29: {  	(tag) =	ssettag $0x2  }
0x2a: {  	s0 =	rddreg [dreg:$0x0];
	s2 =	stileid.u32  }
0x2b: {  	s1 =	rddreg [dreg:$0x1];
	p0 =	sne.s32 s2, $0x0  }
0x2c: {  	s3 =	rddreg [dreg:$0x2];
	[bflag:$0x3] =	sbarrier.arrive $0xFFFF;
	s2 =	simm.s32 @!p0 $0x1C02  }
0x2d: {  	[timem:s3], [sflag:s2] =	dma.local @!p0 [hbm:s0], s1  }
0x2e: {  	s0 =	simm.s32 @!p0 $0x2  }
0x2f: {  	_ =	swait.ge @!p0 [sflag:s0], s1  }
0x30: {  	s1 =	ssub.s32 @!p0 $0x0, s1;
	[sflag:s0] =	ssyncset.done @!p0 $0x0  }
0x31: {  	[sflag:s0] =	ssyncadd.s32 @!p0 s1  }
0x32: {  	[bflag:$0x3] =	sbarrier.arrive $0xFFFF  }
0x33: {  	_ =	shalt  }

// kernel: kernel.14.cloned.1.call-start
scs
__scs_entry_jumppad:
0x0: {  	(pc) =	sbr.rel $0x88, $3  }
0x1: {  	(tag) =	ssettag $0x0;
	lr =	simm.s32 $0x1  }
0x2: {  	[smem:$0x3F9C] =	sst lr;
	_ =	strace $0xD0000000  }
0x3: {  	_ = 	snop  }
0x4: {  	_ = 	snop  }
0x5: {  	_ = 	snop  }
0x6: {  	_ = 	snop  }
0x7: {  	_ = 	snop  }
__scs_overlays_trampoline_lowered:
0x8: {  	[smem:$0x3FAB] =	sst s0  }
0x9: {  	[smem:$0x3FAC] =	sst s1  }
0xa: {  	[smem:$0x3FAD] =	sst s2  }
0xb: {  	[smem:$0x3FAE] =	sst s3  }
0xc: {  	[smem:$0x3FAF] =	sst s4  }
0xd: {  	[smem:$0x3FB0] =	sst s5  }
0xe: {  	[smem:$0x3FB1] =	sst s6  }
0xf: {  	[smem:$0x3FB2] =	sst s7  }
0x10: {  	[smem:$0x3FB3] =	sst s8  }
0x11: {  	[smem:$0x3FB4] =	sst s9;
	s0 =	simm.s32 @!p0 $0x0  }
0x12: {  	s1 =	sld [smem:$0x3F9A];
	s0 =	simm.s32 @p0 $0x1  }
0x13: {  	[smem:$0x3FB5] =	sst s0;
	s0 =	simm.s32 @!p1 $0x0  }
0x14: {  	s2 =	sld [smem:$0x3F99];
	s0 =	simm.s32 @p1 $0x1  }
0x15: {  	[smem:$0x3FB6] =	sst s0;
	s0 =	simm.s32 @!p2 $0x0  }
0x16: {  	s3 =	sld [smem:$0x3FDB];
	s0 =	simm.s32 @p2 $0x1  }
0x17: {  	s4 =	simm.s32 $0x1BF5;
	[smem:$0x3FB8] =	sst s0  }
0x18: {  	s0 =	sld [smem:$0x3F9B];
	_ =	swait.ge [sflag:s4], $0x0  }
0x19: {  	s7 =	sld [smem:$0x3F9C]  }
0x1a: {  	s8 =	sadd.s32 $0xFFFFE003, lr  }
0x1b: {  	s9 =	sadd.s32 $0xFFFFFEF7, lr;
	s5 =	simm.s32 $0xFFFFFFFF;
	p2 =	slt.u32 s8, $0xFFFFF086  }
0x1c: {  	p1 =	slt.u32 s9, $0xF7A;
	s5 =	simm.s32 @!p2 $0x0  }
0x1d: {  	s5 =	simm.s32 @p1 $0x1;
	p0 =	seq.s32 s7, s2  }
0x1e: {  	s7 =	smul.u32 @!p0 $0xF7A, s2;
	p2 =	seq.s32 @!p0 s5, $0x0  }
0x1f: {  	s9 =	smul.u32 $0xF7A, s1;
	s8 =	simm.s32 @!p0 $0x1BF5;
	p2 =	por !p2, p0  }
0x20: {  	[sflag:s8] =	ssyncset.s32 @!p0 $0xFFFFF086;
	s6 =	sadd.s32 @!p0 s3, s7;
	s7 =	simm.s32 @!p0 $0x108  }
0x21: {  	s3 =	sadd.s32 s3, s9;
	s6 =	sadd.s32 @!p0 $0x88, s6;
	s7 =	simm.s32 @p2 $0x1082  }
0x22: {  	[simem:s7], [sflag:s8] =	dma.local @!p0 [hbm:s6], $0xF7A  }
0x23: {  	s9 =	sor.u32 $0xD0000000, s2;
	s6 =	simm.s32 $0x108;
	_ =	swait.ge @!p0 [sflag:s8], $0x0  }
0x24: {  	s3 =	sadd.s32 $0x88, s3;
	s6 =	simm.s32 @!p1 $0x1082;
	[sflag:s4] =	ssyncset.s32 $0xFFFFF086  }
0x25: {  	[simem:s6], [sflag:s4] =	dma.local [hbm:s3], $0xF7A  }
0x26: {  	[smem:$0x3F9C] =	sst s1;
	(tag) =	ssettag s2;
	_ =	strace s9  }
0x27: {  	s1 =	sld [smem:$0x3FAC]  }
0x28: {  	s2 =	sld [smem:$0x3FAD]  }
0x29: {  	s4 =	sld [smem:$0x3FAF]  }
0x2a: {  	p0 =	seq.s32 s5, $0x0;
	s5 =	sld [smem:$0x3FB0]  }
0x2b: {  	s6 =	sld [smem:$0x3FB1]  }
0x2c: {  	s7 =	sld [smem:$0x3FB2]  }
0x2d: {  	s3 =	simm.s32 $0x108;
	s8 =	sld [smem:$0x3FB3]  }
0x2e: {  	s3 =	simm.s32 @!p0 $0x1082;
	s9 =	sld [smem:$0x3FB4]  }
0x2f: {  	lr =	sadd.s32 s0, s3;
	s0 =	sld [smem:$0x3FAB]  }
0x30: {  	s3 =	sld [smem:$0x3FAE]  }
0x31: {  	[smem:$0x3FB7] =	sst s10  }
0x32: {  	s10 =	sld [smem:$0x3FB5];
	_ =	sdelay $0x3  }
0x33: {  	p0 =	seq.s32 s10, $0x1;
	s10 =	sld [smem:$0x3FB7];
	_ =	sdelay $0x3  }
0x34: {  	[smem:$0x3FB7] =	sst s10  }
0x35: {  	s10 =	sld [smem:$0x3FB6];
	_ =	sdelay $0x3  }
0x36: {  	p1 =	seq.s32 s10, $0x1;
	s10 =	sld [smem:$0x3FB7];
	_ =	sdelay $0x3  }
0x37: {  	[smem:$0x3FB7] =	sst s10  }
0x38: {  	s10 =	sld [smem:$0x3FB8]  }
0x39: {  	_ = 	snop;
	(pc) =	sbr.ind lr, $3  }
0x3a: {  	_ = 	snop  }
0x3b: {  	_ = 	snop  }
0x3c: {  	p2 =	seq.s32 s10, $0x1;
	s10 =	sld [smem:$0x3FB7]  }
0x3d: {  	_ =	shalt  }
0x3e: {  	_ =	shalt  }
0x3f: {  	_ =	shalt  }
0x40: {  	_ =	shalt  }
0x41: {  	_ =	shalt  }
0x42: {  	_ =	shalt  }
0x43: {  	_ =	shalt  }
0x44: {  	_ =	shalt  }
0x45: {  	_ =	shalt  }
0x46: {  	_ =	shalt  }
0x47: {  	_ =	shalt  }
0x48: {  	_ =	shalt  }
0x49: {  	_ =	shalt  }
0x4a: {  	_ =	shalt  }
0x4b: {  	_ =	shalt  }
0x4c: {  	_ =	shalt  }
0x4d: {  	_ =	shalt  }
0x4e: {  	_ =	shalt  }
0x4f: {  	_ =	shalt  }
0x50: {  	_ =	shalt  }
0x51: {  	_ =	shalt  }
0x52: {  	_ =	shalt  }
0x53: {  	_ =	shalt  }
0x54: {  	_ =	shalt  }
0x55: {  	_ =	shalt  }
0x56: {  	_ =	shalt  }
0x57: {  	_ =	shalt  }
0x58: {  	_ =	shalt  }
0x59: {  	_ =	shalt  }
0x5a: {  	_ =	shalt  }
0x5b: {  	_ =	shalt  }
0x5c: {  	_ =	shalt  }
0x5d: {  	_ =	shalt  }
0x5e: {  	_ =	shalt  }
0x5f: {  	_ =	shalt  }
0x60: {  	_ =	shalt  }
0x61: {  	_ =	shalt  }
0x62: {  	_ =	shalt  }
0x63: {  	_ =	shalt  }
0x64: {  	_ =	shalt  }
0x65: {  	_ =	shalt  }
0x66: {  	_ =	shalt  }
0x67: {  	_ =	shalt  }
0x68: {  	_ =	shalt  }
0x69: {  	_ =	shalt  }
0x6a: {  	_ =	shalt  }
0x6b: {  	_ =	shalt  }
0x6c: {  	_ =	shalt  }
0x6d: {  	_ =	shalt  }
0x6e: {  	_ =	shalt  }
0x6f: {  	_ =	shalt  }
0x70: {  	_ =	shalt  }
0x71: {  	_ =	shalt  }
0x72: {  	_ =	shalt  }
0x73: {  	_ =	shalt  }
0x74: {  	_ =	shalt  }
0x75: {  	_ =	shalt  }
0x76: {  	_ =	shalt  }
0x77: {  	_ =	shalt  }
0x78: {  	_ =	shalt  }
0x79: {  	_ =	shalt  }
0x7a: {  	_ =	shalt  }
0x7b: {  	_ =	shalt  }
0x7c: {  	_ =	shalt  }
0x7d: {  	_ =	shalt  }
0x7e: {  	_ =	shalt  }
0x7f: {  	_ =	shalt  }
0x80: {  	_ =	shalt  }
0x81: {  	_ =	shalt  }
0x82: {  	_ =	shalt  }
0x83: {  	_ =	shalt  }
0x84: {  	_ =	shalt  }
0x85: {  	_ =	shalt  }
0x86: {  	_ =	shalt  }
0x87: {  	_ =	shalt  }
.Lfunc_end0:
.L_simem_size_0:
called_computation.2_lowered:
.L_overlay_start_0:
0x88: {  	s2 =	sld [smem:$0x3FD9]  }
0x89: {  	s3 =	sld [smem:$0x3FFE];
	_ =	sdelay $0x1  }
0x8a: {  	s1 =	srdreg.scid  }
0x8b: {  	s0 =	sand.u32 $0x1, s1  }
0x8c: {  	s15 =	sshll.u32 s0, $0xA;
	s2 =	sadd.s32 s3, s2  }
0x8d: {  	s2 =	sadd.s32 s2, s15  }
0x8e: {  	[smem:$0x3FC3] =	sst s2  }
0x8f: {  	_ = 	snop  }
0x90: {  	s16 =	sld [smem:$0x3FD0];
	_ =	sdelay $0x2  }
0x91: {  	s5 =	simm.s32 $0xB;
	s4 =	simm.s32 $0x10;
	s2 =	sld [smem:$0x3FC8]  }
0x92: {  	[smem:s4], [sflag:s5] =	dma.local [hbm:s16], $0x1  }
0x93: {  	_ =	swait.eq [sflag:s5], $0x1  }
0x94: {  	[sflag:s5] =	ssyncset.done $0x0  }
0x95: {  	s17 =	sld [smem:$0x10];
	[sflag:s5] =	ssyncadd.s32 $0xFFFFFFFF  }
0x96: {  	s18 =	sld [smem:$0x11];
	(tm) =	ssettm $0x1  }
0x97: {  	s19 =	sld [smem:$0x3FFB];
	_ =	sdelay $0x3  }
0x98: {  	_ =	strace s19  }
0x99: {  	s3 =	sld [smem:$0x3FFC];
	_ =	sdelay $0x3  }
0x9a: {  	_ =	strace s3  }
0x9b: {  	s3 =	sld [smem:$0x3FFD];
	_ =	sdelay $0x3  }
0x9c: {  	_ =	strace s3  }
0x9d: {  	_ =	strace $0x8FFFFFFF  }
0x9e: {  	s20 =	sld [smem:$0x3FDB];
	_ =	sdelay $0x1  }
0x9f: {  	s6 =	simm.s32 $_scs_section_size  }
0xa0: {  	s7 =	simm.s32 $_size__tile_overlayer_lowered;
	s8 =	simm.s32 $_tile_overlayer_lowered  }
0xa1: {  	s9 =	simm.s32 $0x1BFF;
	s21 =	sshll.u32 s8, $0x1;
	s6 =	sadd.s32 s6, s20  }
0xa2: {  	s22 =	simm.s32 $0x0;
	s7 =	sshll.u32 s7, $0x1;
	s8 =	sadd.s32 s21, s6  }
0xa3: {  	[timem:s22], [sflag:s9] =	dma.local [hbm:s8], s7  }
0xa4: {  	_ =	swait.ge [sflag:s9], s7  }
0xa5: {  	s7 =	ssub.s32 $0x0, s7;
	[sflag:s9] =	ssyncset.done $0x0  }
0xa6: {  	[sflag:s9] =	ssyncadd.s32 s7;
	_ =	sdelay $0x1  }
0xa7: {  	s23 =	simm.s32 $0x1B8B  }
0xa8: {  	_ =	swait.ge [sflag:s23], $0x1  }
0xa9: {  	[sflag:s23] =	ssyncset.done $0x0  }
0xaa: {  	[sflag:s23] =	ssyncadd.s32 $0xFFFFFFFF  }
0xab: {  	s7 =	sld [smem:$0x0]  }
0xac: {  	s8 =	sand.u32 $0xFFFFFFFE, s1  }
0xad: {  	p0 =	sne.s32 s1, s8  }
0xae: {  	s8 =	sshll.u32 @p0 s8, $0xE  }
0xaf: {  	s8 =	sadd.s32 @p0 $0x11B8D, s8;
	s9 =	sshll.u32 @p0 s7, $0x11  }
0xb0: {  	s8 =	sor.u32 @p0 s9, s8  }
0xb1: {  	[sflag:s8] =	ssyncadd.remote.s32 @p0 $0x1;
	_ =	sdelay $0x1  }
0xb2: {  	s8 =	simm.s32 @p0 $0x1B8D  }
0xb3: {  	_ =	swait.eq @p0 [sflag:s8], $0x1  }
0xb4: {  	[sflag:s8] =	ssyncadd.s32 @p0 $0xFFFFFFFF  }
0xb5: {  	s9 =	sshll.u32 @!p0 s1, $0xE  }
0xb6: {  	s9 =	sor.u32 @!p0 $0x4000, s9;
	s8 =	simm.s32 @!p0 $0x1B8D  }
0xb7: {  	s7 =	sshll.u32 @!p0 s7, $0x11;
	s9 =	sadd.s32 @!p0 $0x11B8D, s9;
	_ =	swait.eq @!p0 [sflag:s8], $0x1  }
0xb8: {  	s7 =	sor.u32 @!p0 s7, s9;
	[sflag:s8] =	ssyncadd.s32 @!p0 $0xFFFFFFFF  }
0xb9: {  	s25 =	simm.s32 $0x1B8E;
	s24 =	sld [smem:$0x3FFE];
	[sflag:s7] =	ssyncadd.remote.s32 @!p0 $0x1  }
0xba: {  	s26 =	simm.s32 $execute0_lowered;
	[smem:$0x3FD2] =	sst s25  }
0xbb: {  	s8 =	sshll.u32 s26, $0x1;
	_ =	strace $0x8000004C;
	[dreg:$0x1] =	wrdreg $0xFFFFFFFF  }
0xbc: {  	s28 =	simm.s32 $_size_execute0_lowered;
	s6 =	sadd.s32 s6, s8;
	[dreg:$0x0] =	wrdreg $0x0  }
0xbd: {  	s8 =	sshll.u32 s28, $0x1;
	[dreg:$0x2] =	wrdreg s6  }
0xbe: {  	[dreg:$0x3] =	wrdreg s8  }
0xbf: {  	[dreg:$0x4] =	wrdreg $0xC0  }
0xc0: {  	_ =	task [dreg:s22], $0x5FFFF  }
0xc1: {  	[dreg:$0x1] =	wrdreg $0xFFFFFFFF  }
0xc2: {  	[dreg:$0x0] =	wrdreg $0x60  }
0xc3: {  	[dreg:$0x2] =	wrdreg s2  }
0xc4: {  	[dreg:$0x3] =	wrdreg s18  }
0xc5: {  	[dreg:$0x4] =	wrdreg s17  }
0xc6: {  	[dreg:$0x5] =	wrdreg s24  }
0xc7: {  	[dreg:$0x6] =	wrdreg $0xA  }
0xc8: {  	_ =	task.clear_ibuf [dreg:s22], $0x7FFFF;
	_ =	strace $0x9000004C  }
0xc9: {  	s29 =	simm.s32 $0xA;
	_ =	strace $0x8000004E  }
0xca: {  	_ =	swait.ge [sflag:s29], $0x1  }
0xcb: {  	[sflag:s29] =	ssyncadd.s32 $0xFFFFFFFF  }
0xcc: {  	_ =	strace $0x9000004E  }
0xcd: {  	_ =	sfence  }
0xce: {  	s30 =	sld [smem:$0x0];
	_ =	sdelay $0x2  }
0xcf: {  	s31 =	sshll.u32 s1, $0xD;
	s1 =	sshrl.u32 s1, $0x2  }
0xd0: {  	s4 =	sand.u32 $0x4000, s31;
	s1 =	sadd.s32 s1, s30  }
0xd1: {  	s0 =	sor.u32 s4, s0;
	s1 =	sshll.u32 s1, $0x11  }
0xd2: {  	s0 =	sor.u32 s1, s0  }
0xd3: {  	s0 =	sadd.s32 $0x8F2B, s0  }
0xd4: {  	[sflag:s0] =	ssyncadd.remote.s32 $0x1  }
0xd5: {  	_ =	sfence.sel $0xFFFF  }
0xd6: {  	[dreg:$0x0] =	wrdreg $0xFFFFFFFF;
	(pc) =	sbr.abs _section_cstart, $3  }
0xd7: {  	[dreg:$0x1] =	wrdreg $0xFFFFFFFF  }
0xd8: {  	_ =	task.clear_ibuf [dreg:s22], $0x2FFFF;
	_ =	strace $0x9FFFFFFF  }
0xd9: {  	(tm) =	ssettm $0x7FFFFFFF  }
tec
execute0_lowered:
.L_overlay_start_1:
0x0: {  	(tag) =	ssettag $0x1  }
0x1: {  	s1 =	rddreg [dreg:$0x0]  }
0x2: {  	s0 =	rddreg [dreg:$0x2]  }
0x3: {  	s2 =	rddreg [dreg:$0x3];
	s3 =	srdreg.scid  }
0x4: {  	s9 =	stileid.u32;
	s4 =	simm.s32 $0x0;
	s10 =	simm.s32 $0xC900  }
0x5: {  	s11 =	simm.s32 $0xD100;
	s12 =	simm.s32 $0xD900;
	s13 =	simm.s32 $0xE100  }
0x6: {  	s14 =	simm.s32 $0xE900;
	s15 =	simm.s32 $0xF100;
	s16 =	simm.s32 $0xF900  }
0x7: {  	s17 =	simm.s32 $0x10100;
	s18 =	simm.s32 $0x10900;
	s19 =	simm.s32 $0x11100  }
0x8: {  	s20 =	simm.s32 $0x11900;
	s21 =	simm.s32 $0x12100;
	s22 =	simm.s32 $0x12900  }
0x9: {  	s23 =	simm.s32 $0x13100;
	s24 =	simm.s32 $0x13900;
	s28 =	simm.s32 $0x15100  }
0xa: {  	s29 =	simm.s32 $0x15900;
	s30 =	simm.s32 $0x16100;
	s5 =	smul.u32 $0x320, s9  }
0xb: {  	s31 =	simm.s32 $0x1;
	s3 =	sand.u32 $0x1, s3;
	s9 =	smul.u32 $0xC800, s9  }
0xc: {  	[smem:$0x7FF] =	sst s4;
	s6 =	smul.u32 $0x190, s3;
	s7 =	ssub.s32 $0x2, s3  }
0xd: {  	_ =	strace $0x8000004D;
	s3 =	smul.u32 $0x6400, s3;
	s8 =	sshrl.u32 s7, $0x1  }
0xe: {  	s2 =	sadd.s32 s9, s2;
	s9 =	simm.s32 $0xC800;
	s5 =	sadd.s32 s6, s5  }
0xf: {  	s25 =	ssub.s32 s7, s8;
	s3 =	sadd.s32 s3, s2;
	s8 =	simm.s32 $0x2  }
0x10: {  	v2 =	vlaneseq.u32;
	s26 =	sshrl.u32 s5, $0x3;
	s5 =	sadd.s32 $0x100, s1;
	s6 =	smax.u32 s25, $0x1  }
0x11: {  	vm0 =	vmmov $0xffff;
	v1 =	vshrl.u32 v2, $0x3;
	s25 =	simm.s32 $0x14100;
	s0 =	sadd.s32 s26, s0;
	[dreg:$0x6] =	wrdreg s6  }
0x12: {  	v0 =	vand.u32 $0x7, v2;
	v2 =	vor.u32 $0x8, v2;
	v1 =	vmul.u32 $0x8, v1;
	s26 =	simm.s32 $0x14900;
	[dreg:$0x5] =	wrdreg s0;
	s0 =	simm.s32 $0x0  }
.LBB2_1:
0x13: {  	s2 =	rddreg [dreg:$0x1]  }
0x14: {  	[tilespmem:s4], [sflag:$0x2] =	stream.linear.gather [hbm4b:s2+s4], $0xC800, $0x38;
	[tilespmem:$0x16900] =	vst v63  }
0x15: {  	_ =	swait.ge [sflag:s8], $0xC800  }
0x16: {  	[sflag:s8] =	ssyncset.done $0x0  }
0x17: {  	s7 =	smov.u32 s3;
	s2 =	simm.s32 $0x0;
	[sflag:s8] =	ssyncadd.s32 $0xFFFF3800  }
.LBB2_2:
0x18: {  	s6 =	rddreg [dreg:$0x5]  }
0x19: {  	s6 =	sadd.s32 s2, s6  }
0x1a: {  	[tilespmem:s9], [sflag:$0x2] =	stream.linear.gather [hbm4b:s6+s4], $0x50, $0x38;
	[tilespmem:$0x16900] =	vst v63  }
0x1b: {  	_ =	swait.ge [sflag:s8], $0x50  }
0x1c: {  	[sflag:s8] =	ssyncset.done $0x0  }
0x1d: {  	[sflag:s8] =	ssyncadd.s32 $0xFFFFFFB0  }
0x1e: {  	v3 =	vld [tilespmem:$0xC800];
	_ =	sdelay $0x5  }
0x1f: {  	v4 =	vld [tilespmem:$0xC810];
	_ =	sdelay $0x1  }
0x20: {  	v3 =	vld.idx.msk [tilespmem:v3+s4+$0x0], $0xffff;
	_ =	sdelay $0x3  }
0x21: {  	v5 =	vld [tilespmem:$0xC820]  }
0x22: {  	[tilespmem:$0xC880] =	vst v3  }
0x23: {  	v4 =	vld.idx.msk [tilespmem:v4+s4+$0x0], $0xffff;
	_ =	sdelay $0x3  }
0x24: {  	v6 =	vld [tilespmem:$0xC830]  }
0x25: {  	[tilespmem:$0xC890] =	vst v4  }
0x26: {  	v4 =	vld.idx.msk [tilespmem:v5+s4+$0x0], $0xffff;
	_ =	sdelay $0x3  }
0x27: {  	v57 =	vld [tilespmem:$0xC840]  }
0x28: {  	[tilespmem:$0xC8A0] =	vst v4  }
0x29: {  	v4 =	vld.idx.msk [tilespmem:v6+s4+$0x0], $0xffff;
	_ =	sdelay $0x1  }
0x2a: {  	v58 =	vshll.u32 v3, $0x2  }
0x2b: {  	v3 =	vand.u32 $0x7, v3;
	v6 =	vand.u32 $0xFFFFFFE0, v58  }
0x2c: {  	v3 =	vor.u32 v3, v6  }
0x2d: {  	v59 =	vperm.xlane v3, v0;
	[tilespmem:$0xC8B0] =	vst v4  }
0x2e: {  	v5 =	vld.idx.msk [tilespmem:v57+s4+$0x0], $0xffff  }
0x2f: {  	v4 =	vadd.s32 v1, v59;
	_ =	sdelay $0x1  }
0x30: {  	v3 =	vperm.xlane v3, v2;
	_ =	sdelay $0x1  }
0x31: {  	v3 =	vadd.s32 v1, v3;
	[tilespmem:$0xC8C0] =	vst v5  }
0x32: {  	[tilespmem:s10], [sflag:$0x1] =	stream.indirect_vreg.gather [hbm4b:s1+s4], $0x80, v4, vm0, $0xb8;
	[tilespmem:$0x16900] =	vst v63  }
0x33: {  	_ = 	snop  }
0x34: {  	[tilespmem:s11], [sflag:$0x1] =	stream.indirect_vreg.gather [hbm4b:s5+s4], $0x80, v4, vm0, $0xb8;
	[tilespmem:$0x16900] =	vst v63  }
0x35: {  	_ = 	snop  }
0x36: {  	[tilespmem:s12], [sflag:$0x1] =	stream.indirect_vreg.gather [hbm4b:s1+s4], $0x80, v3, vm0, $0xb8;
	[tilespmem:$0x16900] =	vst v63  }
0x37: {  	_ = 	snop  }
0x38: {  	[tilespmem:s13], [sflag:$0x1] =	stream.indirect_vreg.gather [hbm4b:s5+s4], $0x80, v3, vm0, $0xb8;
	[tilespmem:$0x16900] =	vst v63  }
0x39: {  	v3 =	vld [tilespmem:$0xC890];
	_ =	sdelay $0x4  }
0x3a: {  	v60 =	vshll.u32 v3, $0x2  }
0x3b: {  	v3 =	vand.u32 $0x7, v3;
	v4 =	vand.u32 $0xFFFFFFE0, v60  }
0x3c: {  	v3 =	vor.u32 v3, v4  }
0x3d: {  	v4 =	vperm.xlane v3, v0;
	_ =	sdelay $0x1  }
0x3e: {  	v4 =	vadd.s32 v1, v4;
	_ =	sdelay $0x1  }
0x3f: {  	v3 =	vperm.xlane v3, v2;
	_ =	sdelay $0x1  }
0x40: {  	v3 =	vadd.s32 v1, v3  }
0x41: {  	[tilespmem:s14], [sflag:$0x1] =	stream.indirect_vreg.gather [hbm4b:s1+s4], $0x80, v4, vm0, $0xb8;
	[tilespmem:$0x16900] =	vst v63  }
0x42: {  	_ = 	snop  }
0x43: {  	[tilespmem:s15], [sflag:$0x1] =	stream.indirect_vreg.gather [hbm4b:s5+s4], $0x80, v4, vm0, $0xb8;
	[tilespmem:$0x16900] =	vst v63  }
0x44: {  	_ = 	snop  }
0x45: {  	[tilespmem:s16], [sflag:$0x1] =	stream.indirect_vreg.gather [hbm4b:s1+s4], $0x80, v3, vm0, $0xb8;
	[tilespmem:$0x16900] =	vst v63  }
0x46: {  	_ = 	snop  }
0x47: {  	[tilespmem:s17], [sflag:$0x1] =	stream.indirect_vreg.gather [hbm4b:s5+s4], $0x80, v3, vm0, $0xb8;
	[tilespmem:$0x16900] =	vst v63  }
0x48: {  	v3 =	vld [tilespmem:$0xC8A0];
	_ =	sdelay $0x4  }
0x49: {  	v61 =	vshll.u32 v3, $0x2  }
0x4a: {  	v3 =	vand.u32 $0x7, v3;
	v4 =	vand.u32 $0xFFFFFFE0, v61  }
0x4b: {  	v3 =	vor.u32 v3, v4  }
0x4c: {  	v4 =	vperm.xlane v3, v0;
	_ =	sdelay $0x1  }
0x4d: {  	v4 =	vadd.s32 v1, v4;
	_ =	sdelay $0x1  }
0x4e: {  	v3 =	vperm.xlane v3, v2;
	_ =	sdelay $0x1  }
0x4f: {  	v3 =	vadd.s32 v1, v3  }
0x50: {  	[tilespmem:s18], [sflag:$0x1] =	stream.indirect_vreg.gather [hbm4b:s1+s4], $0x80, v4, vm0, $0xb8;
	[tilespmem:$0x16900] =	vst v63  }
0x51: {  	_ = 	snop  }
0x52: {  	[tilespmem:s19], [sflag:$0x1] =	stream.indirect_vreg.gather [hbm4b:s5+s4], $0x80, v4, vm0, $0xb8;
	[tilespmem:$0x16900] =	vst v63  }
0x53: {  	_ = 	snop  }
0x54: {  	[tilespmem:s20], [sflag:$0x1] =	stream.indirect_vreg.gather [hbm4b:s1+s4], $0x80, v3, vm0, $0xb8;
	[tilespmem:$0x16900] =	vst v63  }
0x55: {  	_ = 	snop  }
0x56: {  	[tilespmem:s21], [sflag:$0x1] =	stream.indirect_vreg.gather [hbm4b:s5+s4], $0x80, v3, vm0, $0xb8;
	[tilespmem:$0x16900] =	vst v63  }
0x57: {  	v3 =	vld [tilespmem:$0xC8B0];
	_ =	sdelay $0x4  }
0x58: {  	v62 =	vshll.u32 v3, $0x2  }
0x59: {  	v3 =	vand.u32 $0x7, v3;
	v4 =	vand.u32 $0xFFFFFFE0, v62  }
0x5a: {  	v3 =	vor.u32 v3, v4  }
0x5b: {  	v4 =	vperm.xlane v3, v0;
	_ =	sdelay $0x1  }
0x5c: {  	v4 =	vadd.s32 v1, v4;
	_ =	sdelay $0x1  }
0x5d: {  	v3 =	vperm.xlane v3, v2;
	_ =	sdelay $0x1  }
0x5e: {  	v3 =	vadd.s32 v1, v3  }
0x5f: {  	[tilespmem:s22], [sflag:$0x1] =	stream.indirect_vreg.gather [hbm4b:s1+s4], $0x80, v4, vm0, $0xb8;
	[tilespmem:$0x16900] =	vst v63  }
0x60: {  	_ = 	snop  }
0x61: {  	[tilespmem:s23], [sflag:$0x1] =	stream.indirect_vreg.gather [hbm4b:s5+s4], $0x80, v4, vm0, $0xb8;
	[tilespmem:$0x16900] =	vst v63  }
0x62: {  	_ = 	snop  }
0x63: {  	[tilespmem:s24], [sflag:$0x1] =	stream.indirect_vreg.gather [hbm4b:s1+s4], $0x80, v3, vm0, $0xb8;
	[tilespmem:$0x16900] =	vst v63  }
0x64: {  	_ = 	snop  }
0x65: {  	[tilespmem:s25], [sflag:$0x1] =	stream.indirect_vreg.gather [hbm4b:s5+s4], $0x80, v3, vm0, $0xb8;
	[tilespmem:$0x16900] =	vst v63  }
0x66: {  	v3 =	vld [tilespmem:$0xC8C0];
	_ =	sdelay $0x4  }
0x67: {  	v63 =	vshll.u32 v3, $0x2  }
0x68: {  	v3 =	vand.u32 $0x7, v3;
	v4 =	vand.u32 $0xFFFFFFE0, v63  }
0x69: {  	v3 =	vor.u32 v3, v4  }
0x6a: {  	v4 =	vperm.xlane v3, v0;
	_ =	sdelay $0x1  }
0x6b: {  	v4 =	vadd.s32 v1, v4;
	_ =	sdelay $0x1  }
0x6c: {  	v3 =	vperm.xlane v3, v2;
	_ =	sdelay $0x1  }
0x6d: {  	v3 =	vadd.s32 v1, v3  }
0x6e: {  	[tilespmem:s26], [sflag:$0x1] =	stream.indirect_vreg.gather [hbm4b:s1+s4], $0x80, v4, vm0, $0xb8;
	[tilespmem:$0x16900] =	vst v63  }
0x6f: {  	_ = 	snop  }
0x70: {  	[tilespmem:s28], [sflag:$0x1] =	stream.indirect_vreg.gather [hbm4b:s5+s4], $0x80, v4, vm0, $0xb8;
	[tilespmem:$0x16900] =	vst v63  }
0x71: {  	_ = 	snop  }
0x72: {  	[tilespmem:s29], [sflag:$0x1] =	stream.indirect_vreg.gather [hbm4b:s1+s4], $0x80, v3, vm0, $0xb8;
	[tilespmem:$0x16900] =	vst v63  }
0x73: {  	_ = 	snop  }
0x74: {  	[tilespmem:s30], [sflag:$0x1] =	stream.indirect_vreg.gather [hbm4b:s5+s4], $0x80, v3, vm0, $0xb8;
	[tilespmem:$0x16900] =	vst v63  }
0x75: {  	_ =	swait.ge [sflag:s31], $0xA000  }
0x76: {  	p0 =	sne.s32 s2, $0x28;
	[sflag:s31] =	ssyncset.done $0x0  }
.Ltmp0:
0x77: {  	[sflag:s31] =	ssyncadd.s32 $0xFFFF6000;
	(pc) =	sbr.rel @p0 .LBB2_2-.Ltmp0, $4  }
0x78: {  	[hbm4b:s7+s4] =	stream.linear.scatter [tilespmem:s10], [sflag:$0x2], $0xA000, $0x38;
	[tilespmem:$0x16900] =	vst v63  }
0x79: {  	_ =	swait.ge [sflag:s8], $0xA000  }
0x7a: {  	[sflag:s8] =	ssyncset.done $0x0  }
0x7b: {  	s2 =	sadd.s32 $0xA, s2;
	s7 =	sadd.s32 $0x1400, s7;
	[sflag:s8] =	ssyncadd.s32 $0xFFFF6000  }
0x7c: {  	s0 =	sadd.s32 $0x1, s0;
	s2 =	rddreg [dreg:$0x6]  }
0x7d: {  	p0 =	sne.s32 s0, s2  }
.Ltmp1:
0x7e: {  	_ = 	snop;
	(pc) =	sbr.rel @p0 .LBB2_1-.Ltmp1, $1  }
0x7f: {  	_ =	sdelay $0x3  }
0x80: {  	_ =	sfence.sel $0x180000  }
0x81: {  	[bflag:$0x0] =	sbarrier.arrive $0xFFFF  }
0x82: {  	_ =	strace $0x9000004D  }
0x83: {  	s0 =	stileid.u32;
	[bflag:$0x2] =	sbarrier.arrive $0xFFFF  }
0x84: {  	p0 =	sne.s32 s0, $0x0;
	s0 =	rddreg [dreg:$0x4]  }
0x85: {  	s0 =	sadd.s32 @!p0 $0x100000, s0  }
0x86: {  	[sflag:s0] =	ssyncadd.tile.s32 @!p0 $0x1;
	_ =	shalt  }
.Lfunc_end2:
_tile_overlayer_lowered:
.L_overlay_start_2:
0x87: {  	(tag) =	ssettag $0x2  }
0x88: {  	s0 =	rddreg [dreg:$0x0];
	s2 =	stileid.u32  }
0x89: {  	s1 =	rddreg [dreg:$0x1];
	p0 =	sne.s32 s2, $0x0  }
0x8a: {  	s3 =	rddreg [dreg:$0x2];
	[bflag:$0x3] =	sbarrier.arrive $0xFFFF;
	s2 =	simm.s32 @!p0 $0x1C02  }
0x8b: {  	[timem:s3], [sflag:s2] =	dma.local @!p0 [hbm:s0], s1  }
0x8c: {  	s0 =	simm.s32 @!p0 $0x2  }
0x8d: {  	_ =	swait.ge @!p0 [sflag:s0], s1  }
0x8e: {  	s1 =	ssub.s32 @!p0 $0x0, s1;
	[sflag:s0] =	ssyncset.done @!p0 $0x0  }
0x8f: {  	[sflag:s0] =	ssyncadd.s32 @!p0 s1  }
0x90: {  	[bflag:$0x3] =	sbarrier.arrive $0xFFFF  }
0x91: {  	_ =	shalt  }

// kernel: kernel.8.cloned.1.call-start
scs
__scs_entry_jumppad:
0x0: {  	(pc) =	sbr.rel $0x88, $3  }
0x1: {  	(tag) =	ssettag $0x0;
	lr =	simm.s32 $0x1  }
0x2: {  	[smem:$0x3F9C] =	sst lr;
	_ =	strace $0xD0000000  }
0x3: {  	_ = 	snop  }
0x4: {  	_ = 	snop  }
0x5: {  	_ = 	snop  }
0x6: {  	_ = 	snop  }
0x7: {  	_ = 	snop  }
__scs_overlays_trampoline_lowered:
0x8: {  	[smem:$0x3FAB] =	sst s0  }
0x9: {  	[smem:$0x3FAC] =	sst s1  }
0xa: {  	[smem:$0x3FAD] =	sst s2  }
0xb: {  	[smem:$0x3FAE] =	sst s3  }
0xc: {  	[smem:$0x3FAF] =	sst s4  }
0xd: {  	[smem:$0x3FB0] =	sst s5  }
0xe: {  	[smem:$0x3FB1] =	sst s6  }
0xf: {  	[smem:$0x3FB2] =	sst s7  }
0x10: {  	[smem:$0x3FB3] =	sst s8  }
0x11: {  	[smem:$0x3FB4] =	sst s9;
	s0 =	simm.s32 @!p0 $0x0  }
0x12: {  	s1 =	sld [smem:$0x3F9A];
	s0 =	simm.s32 @p0 $0x1  }
0x13: {  	[smem:$0x3FB5] =	sst s0;
	s0 =	simm.s32 @!p1 $0x0  }
0x14: {  	s2 =	sld [smem:$0x3F99];
	s0 =	simm.s32 @p1 $0x1  }
0x15: {  	[smem:$0x3FB6] =	sst s0;
	s0 =	simm.s32 @!p2 $0x0  }
0x16: {  	s3 =	sld [smem:$0x3FDB];
	s0 =	simm.s32 @p2 $0x1  }
0x17: {  	s4 =	simm.s32 $0x1BF5;
	[smem:$0x3FB8] =	sst s0  }
0x18: {  	s0 =	sld [smem:$0x3F9B];
	_ =	swait.ge [sflag:s4], $0x0  }
0x19: {  	s7 =	sld [smem:$0x3F9C]  }
0x1a: {  	s8 =	sadd.s32 $0xFFFFE003, lr  }
0x1b: {  	s9 =	sadd.s32 $0xFFFFFEF7, lr;
	s5 =	simm.s32 $0xFFFFFFFF;
	p2 =	slt.u32 s8, $0xFFFFF086  }
0x1c: {  	p1 =	slt.u32 s9, $0xF7A;
	s5 =	simm.s32 @!p2 $0x0  }
0x1d: {  	s5 =	simm.s32 @p1 $0x1;
	p0 =	seq.s32 s7, s2  }
0x1e: {  	s7 =	smul.u32 @!p0 $0xF7A, s2;
	p2 =	seq.s32 @!p0 s5, $0x0  }
0x1f: {  	s9 =	smul.u32 $0xF7A, s1;
	s8 =	simm.s32 @!p0 $0x1BF5;
	p2 =	por !p2, p0  }
0x20: {  	[sflag:s8] =	ssyncset.s32 @!p0 $0xFFFFF086;
	s6 =	sadd.s32 @!p0 s3, s7;
	s7 =	simm.s32 @!p0 $0x108  }
0x21: {  	s3 =	sadd.s32 s3, s9;
	s6 =	sadd.s32 @!p0 $0x88, s6;
	s7 =	simm.s32 @p2 $0x1082  }
0x22: {  	[simem:s7], [sflag:s8] =	dma.local @!p0 [hbm:s6], $0xF7A  }
0x23: {  	s9 =	sor.u32 $0xD0000000, s2;
	s6 =	simm.s32 $0x108;
	_ =	swait.ge @!p0 [sflag:s8], $0x0  }
0x24: {  	s3 =	sadd.s32 $0x88, s3;
	s6 =	simm.s32 @!p1 $0x1082;
	[sflag:s4] =	ssyncset.s32 $0xFFFFF086  }
0x25: {  	[simem:s6], [sflag:s4] =	dma.local [hbm:s3], $0xF7A  }
0x26: {  	[smem:$0x3F9C] =	sst s1;
	(tag) =	ssettag s2;
	_ =	strace s9  }
0x27: {  	s1 =	sld [smem:$0x3FAC]  }
0x28: {  	s2 =	sld [smem:$0x3FAD]  }
0x29: {  	s4 =	sld [smem:$0x3FAF]  }
0x2a: {  	p0 =	seq.s32 s5, $0x0;
	s5 =	sld [smem:$0x3FB0]  }
0x2b: {  	s6 =	sld [smem:$0x3FB1]  }
0x2c: {  	s7 =	sld [smem:$0x3FB2]  }
0x2d: {  	s3 =	simm.s32 $0x108;
	s8 =	sld [smem:$0x3FB3]  }
0x2e: {  	s3 =	simm.s32 @!p0 $0x1082;
	s9 =	sld [smem:$0x3FB4]  }
0x2f: {  	lr =	sadd.s32 s0, s3;
	s0 =	sld [smem:$0x3FAB]  }
0x30: {  	s3 =	sld [smem:$0x3FAE]  }
0x31: {  	[smem:$0x3FB7] =	sst s10  }
0x32: {  	s10 =	sld [smem:$0x3FB5];
	_ =	sdelay $0x3  }
0x33: {  	p0 =	seq.s32 s10, $0x1;
	s10 =	sld [smem:$0x3FB7];
	_ =	sdelay $0x3  }
0x34: {  	[smem:$0x3FB7] =	sst s10  }
0x35: {  	s10 =	sld [smem:$0x3FB6];
	_ =	sdelay $0x3  }
0x36: {  	p1 =	seq.s32 s10, $0x1;
	s10 =	sld [smem:$0x3FB7];
	_ =	sdelay $0x3  }
0x37: {  	[smem:$0x3FB7] =	sst s10  }
0x38: {  	s10 =	sld [smem:$0x3FB8]  }
0x39: {  	_ = 	snop;
	(pc) =	sbr.ind lr, $3  }
0x3a: {  	_ = 	snop  }
0x3b: {  	_ = 	snop  }
0x3c: {  	p2 =	seq.s32 s10, $0x1;
	s10 =	sld [smem:$0x3FB7]  }
0x3d: {  	_ =	shalt  }
0x3e: {  	_ =	shalt  }
0x3f: {  	_ =	shalt  }
0x40: {  	_ =	shalt  }
0x41: {  	_ =	shalt  }
0x42: {  	_ =	shalt  }
0x43: {  	_ =	shalt  }
0x44: {  	_ =	shalt  }
0x45: {  	_ =	shalt  }
0x46: {  	_ =	shalt  }
0x47: {  	_ =	shalt  }
0x48: {  	_ =	shalt  }
0x49: {  	_ =	shalt  }
0x4a: {  	_ =	shalt  }
0x4b: {  	_ =	shalt  }
0x4c: {  	_ =	shalt  }
0x4d: {  	_ =	shalt  }
0x4e: {  	_ =	shalt  }
0x4f: {  	_ =	shalt  }
0x50: {  	_ =	shalt  }
0x51: {  	_ =	shalt  }
0x52: {  	_ =	shalt  }
0x53: {  	_ =	shalt  }
0x54: {  	_ =	shalt  }
0x55: {  	_ =	shalt  }
0x56: {  	_ =	shalt  }
0x57: {  	_ =	shalt  }
0x58: {  	_ =	shalt  }
0x59: {  	_ =	shalt  }
0x5a: {  	_ =	shalt  }
0x5b: {  	_ =	shalt  }
0x5c: {  	_ =	shalt  }
0x5d: {  	_ =	shalt  }
0x5e: {  	_ =	shalt  }
0x5f: {  	_ =	shalt  }
0x60: {  	_ =	shalt  }
0x61: {  	_ =	shalt  }
0x62: {  	_ =	shalt  }
0x63: {  	_ =	shalt  }
0x64: {  	_ =	shalt  }
0x65: {  	_ =	shalt  }
0x66: {  	_ =	shalt  }
0x67: {  	_ =	shalt  }
0x68: {  	_ =	shalt  }
0x69: {  	_ =	shalt  }
0x6a: {  	_ =	shalt  }
0x6b: {  	_ =	shalt  }
0x6c: {  	_ =	shalt  }
0x6d: {  	_ =	shalt  }
0x6e: {  	_ =	shalt  }
0x6f: {  	_ =	shalt  }
0x70: {  	_ =	shalt  }
0x71: {  	_ =	shalt  }
0x72: {  	_ =	shalt  }
0x73: {  	_ =	shalt  }
0x74: {  	_ =	shalt  }
0x75: {  	_ =	shalt  }
0x76: {  	_ =	shalt  }
0x77: {  	_ =	shalt  }
0x78: {  	_ =	shalt  }
0x79: {  	_ =	shalt  }
0x7a: {  	_ =	shalt  }
0x7b: {  	_ =	shalt  }
0x7c: {  	_ =	shalt  }
0x7d: {  	_ =	shalt  }
0x7e: {  	_ =	shalt  }
0x7f: {  	_ =	shalt  }
0x80: {  	_ =	shalt  }
0x81: {  	_ =	shalt  }
0x82: {  	_ =	shalt  }
0x83: {  	_ =	shalt  }
0x84: {  	_ =	shalt  }
0x85: {  	_ =	shalt  }
0x86: {  	_ =	shalt  }
0x87: {  	_ =	shalt  }
.Lfunc_end0:
.L_simem_size_0:
called_computation_lowered:
.L_overlay_start_0:
0x88: {  	s2 =	sld [smem:$0x3FD9]  }
0x89: {  	s3 =	sld [smem:$0x3FFE];
	_ =	sdelay $0x1  }
0x8a: {  	s1 =	srdreg.scid  }
0x8b: {  	s0 =	sand.u32 $0x1, s1  }
0x8c: {  	s17 =	sshll.u32 s0, $0xA;
	s2 =	sadd.s32 s3, s2  }
0x8d: {  	s2 =	sadd.s32 s2, s17  }
0x8e: {  	[smem:$0x3FC3] =	sst s2  }
0x8f: {  	_ = 	snop  }
0x90: {  	s18 =	sld [smem:$0x3FC7];
	(tm) =	ssettm $0x1  }
0x91: {  	s19 =	sld [smem:$0x3FFB];
	_ =	sdelay $0x3  }
0x92: {  	_ =	strace s19  }
0x93: {  	s2 =	sld [smem:$0x3FFC];
	_ =	sdelay $0x3  }
0x94: {  	_ =	strace s2  }
0x95: {  	s2 =	sld [smem:$0x3FFD];
	_ =	sdelay $0x3  }
0x96: {  	_ =	strace s2  }
0x97: {  	_ =	strace $0x8FFFFFFF  }
0x98: {  	s20 =	sld [smem:$0x3FDB];
	_ =	sdelay $0x1  }
0x99: {  	s4 =	simm.s32 $_scs_section_size  }
0x9a: {  	s5 =	simm.s32 $_size__tile_overlayer_lowered;
	s6 =	simm.s32 $_tile_overlayer_lowered  }
0x9b: {  	s7 =	simm.s32 $0x1BFF;
	s21 =	sshll.u32 s6, $0x1;
	s4 =	sadd.s32 s4, s20  }
0x9c: {  	s22 =	simm.s32 $0x0;
	s5 =	sshll.u32 s5, $0x1;
	s6 =	sadd.s32 s21, s4  }
0x9d: {  	[timem:s22], [sflag:s7] =	dma.local [hbm:s6], s5  }
0x9e: {  	_ =	swait.ge [sflag:s7], s5  }
0x9f: {  	s5 =	ssub.s32 $0x0, s5;
	[sflag:s7] =	ssyncset.done $0x0  }
0xa0: {  	[sflag:s7] =	ssyncadd.s32 s5;
	_ =	sdelay $0x1  }
0xa1: {  	s23 =	simm.s32 $0x1B8B  }
0xa2: {  	_ =	swait.ge [sflag:s23], $0x1  }
0xa3: {  	[sflag:s23] =	ssyncset.done $0x0  }
0xa4: {  	[sflag:s23] =	ssyncadd.s32 $0xFFFFFFFF  }
0xa5: {  	s5 =	sld [smem:$0x0]  }
0xa6: {  	s6 =	sand.u32 $0xFFFFFFFE, s1  }
0xa7: {  	p0 =	sne.s32 s1, s6  }
0xa8: {  	s6 =	sshll.u32 @p0 s6, $0xE  }
0xa9: {  	s6 =	sadd.s32 @p0 $0x11B8D, s6;
	s7 =	sshll.u32 @p0 s5, $0x11  }
0xaa: {  	s6 =	sor.u32 @p0 s7, s6  }
0xab: {  	[sflag:s6] =	ssyncadd.remote.s32 @p0 $0x1;
	_ =	sdelay $0x1  }
0xac: {  	s6 =	simm.s32 @p0 $0x1B8D  }
0xad: {  	_ =	swait.eq @p0 [sflag:s6], $0x1  }
0xae: {  	[sflag:s6] =	ssyncadd.s32 @p0 $0xFFFFFFFF  }
0xaf: {  	s7 =	sshll.u32 @!p0 s1, $0xE  }
0xb0: {  	s7 =	sor.u32 @!p0 $0x4000, s7;
	s6 =	simm.s32 @!p0 $0x1B8D  }
0xb1: {  	s5 =	sshll.u32 @!p0 s5, $0x11;
	s7 =	sadd.s32 @!p0 $0x11B8D, s7;
	_ =	swait.eq @!p0 [sflag:s6], $0x1  }
0xb2: {  	s5 =	sor.u32 @!p0 s5, s7;
	[sflag:s6] =	ssyncadd.s32 @!p0 $0xFFFFFFFF  }
0xb3: {  	s25 =	simm.s32 $0x1B8E;
	s24 =	sld [smem:$0x3FFE];
	[sflag:s5] =	ssyncadd.remote.s32 @!p0 $0x1  }
0xb4: {  	s26 =	simm.s32 $execute0_lowered;
	[smem:$0x3FD2] =	sst s25  }
0xb5: {  	s6 =	sshll.u32 s26, $0x1;
	_ =	strace $0x80000049;
	[dreg:$0x1] =	wrdreg $0xFFFFFFFF  }
0xb6: {  	s28 =	simm.s32 $_size_execute0_lowered;
	s4 =	sadd.s32 s4, s6;
	[dreg:$0x0] =	wrdreg $0x0  }
0xb7: {  	s6 =	sshll.u32 s28, $0x1;
	[dreg:$0x2] =	wrdreg s4  }
0xb8: {  	[dreg:$0x3] =	wrdreg s6  }
0xb9: {  	[dreg:$0x4] =	wrdreg $0xC0  }
0xba: {  	_ =	task [dreg:s22], $0x5FFFF  }
0xbb: {  	[dreg:$0x1] =	wrdreg $0xFFFFFFFF  }
0xbc: {  	[dreg:$0x0] =	wrdreg $0x60  }
0xbd: {  	[dreg:$0x2] =	wrdreg s18  }
0xbe: {  	[dreg:$0x3] =	wrdreg s24  }
0xbf: {  	[dreg:$0x4] =	wrdreg $0x9  }
0xc0: {  	_ =	task.clear_ibuf [dreg:s22], $0x5FFFF;
	_ =	strace $0x90000049  }
0xc1: {  	s29 =	simm.s32 $0x9;
	_ =	strace $0x8000004B  }
0xc2: {  	_ =	swait.ge [sflag:s29], $0x1  }
0xc3: {  	[sflag:s29] =	ssyncadd.s32 $0xFFFFFFFF  }
0xc4: {  	_ =	strace $0x9000004B  }
0xc5: {  	_ =	sfence  }
0xc6: {  	s30 =	sld [smem:$0x0];
	_ =	sdelay $0x2  }
0xc7: {  	s31 =	sshll.u32 s1, $0xD;
	s1 =	sshrl.u32 s1, $0x2  }
0xc8: {  	s4 =	sand.u32 $0x4000, s31;
	s1 =	sadd.s32 s1, s30  }
0xc9: {  	s0 =	sor.u32 s4, s0;
	s1 =	sshll.u32 s1, $0x11  }
0xca: {  	s0 =	sor.u32 s1, s0  }
0xcb: {  	s0 =	sadd.s32 $0x8F2B, s0  }
0xcc: {  	[sflag:s0] =	ssyncadd.remote.s32 $0x1  }
0xcd: {  	_ =	sfence.sel $0xFFFF  }
0xce: {  	[dreg:$0x0] =	wrdreg $0xFFFFFFFF;
	(pc) =	sbr.abs _section_cstart, $3  }
0xcf: {  	[dreg:$0x1] =	wrdreg $0xFFFFFFFF  }
0xd0: {  	_ =	task.clear_ibuf [dreg:s22], $0x2FFFF;
	_ =	strace $0x9FFFFFFF  }
0xd1: {  	(tm) =	ssettm $0x7FFFFFFF  }
tec
execute0_lowered:
.L_overlay_start_1:
0x0: {  	(tag) =	ssettag $0x1  }
0x1: {  	s1 =	srdreg.scid;
	s0 =	stileid.u32  }
0x2: {  	s2 =	rddreg [dreg:$0x0];
	s1 =	sand.u32 $0x1, s1;
	s3 =	sshll.u32 s0, $0x1  }
0x3: {  	s4 =	rddreg [dreg:$0x1];
	s5 =	sor.u32 s1, s3;
	s3 =	simm.s32 $0x0  }
0x4: {  	s8 =	simm.s32 $0x1100;
	[smem:$0x7FF] =	sst s3  }
0x5: {  	s9 =	simm.s32 $0x1900;
	_ =	strace $0x8000004A;
	[dreg:$0x7] =	wrdreg s8  }
0x6: {  	s10 =	simm.s32 $0x2100;
	[dreg:$0x8] =	wrdreg s9  }
0x7: {  	s11 =	simm.s32 $0x2900;
	[dreg:$0x9] =	wrdreg s10  }
0x8: {  	s12 =	simm.s32 $0x3100;
	[dreg:$0xa] =	wrdreg s11  }
0x9: {  	s13 =	simm.s32 $0x3900;
	[dreg:$0xb] =	wrdreg s12  }
0xa: {  	s14 =	simm.s32 $0x4100;
	[dreg:$0xc] =	wrdreg s13  }
0xb: {  	s15 =	simm.s32 $0x4900;
	[dreg:$0xd] =	wrdreg s14  }
0xc: {  	s16 =	simm.s32 $0x5100;
	s17 =	simm.s32 $0x5900;
	[dreg:$0xe] =	wrdreg s15  }
0xd: {  	s18 =	simm.s32 $0x6100;
	s19 =	simm.s32 $0x6900;
	[dreg:$0xf] =	wrdreg s16  }
0xe: {  	s20 =	simm.s32 $0x7100;
	s21 =	simm.s32 $0x7900;
	[dreg:$0x10] =	wrdreg s17  }
0xf: {  	s23 =	simm.s32 $0x8100;
	s24 =	simm.s32 $0x8900;
	[dreg:$0x11] =	wrdreg s18  }
0x10: {  	s25 =	simm.s32 $0x9100;
	s26 =	simm.s32 $0x9900;
	[dreg:$0x12] =	wrdreg s19  }
0x11: {  	s28 =	simm.s32 $0x13900;
	s29 =	simm.s32 $0x1;
	[dreg:$0x13] =	wrdreg s20  }
0x12: {  	s30 =	simm.s32 $0x2;
	s31 =	simm.s32 $0x3;
	[dreg:$0x14] =	wrdreg s21  }
0x13: {  	s1 =	ssub.s32 $0x2, s1;
	s6 =	smul.u32 $0x14, s5;
	[dreg:$0x15] =	wrdreg s23  }
0x14: {  	s7 =	smul.u32 $0x14000, s5;
	s22 =	sshrl.u32 s1, $0x1;
	[dreg:$0x16] =	wrdreg s24  }
0x15: {  	s5 =	smul.u32 $0x2800, s5;
	s1 =	ssub.s32 s1, s22;
	[dreg:$0x17] =	wrdreg s25  }
0x16: {  	s8 =	simm.s32 $0xA100;
	s10 =	simm.s32 $0xB100;
	s11 =	simm.s32 $0xB900  }
0x17: {  	s12 =	simm.s32 $0xC100;
	s13 =	simm.s32 $0xC900;
	s14 =	simm.s32 $0xD100  }
0x18: {  	s15 =	simm.s32 $0xD900;
	s16 =	simm.s32 $0xE100;
	s17 =	simm.s32 $0xE900  }
0x19: {  	s18 =	simm.s32 $0xF100;
	s19 =	simm.s32 $0xF900;
	s20 =	simm.s32 $0x10100  }
0x1a: {  	s21 =	simm.s32 $0x10900;
	s22 =	simm.s32 $0x11100;
	s23 =	simm.s32 $0x11900  }
0x1b: {  	s24 =	simm.s32 $0x12100;
	s25 =	simm.s32 $0x12900;
	s6 =	sadd.s32 s6, s4  }
0x1c: {  	[dreg:$0x18] =	wrdreg s26;
	s4 =	sadd.s32 $0x18BA00, s4;
	s6 =	sadd.s32 $0x18B600, s6  }
0x1d: {  	s7 =	sshrl.u32 s7, $0x3;
	s5 =	sadd.s32 s4, s5;
	[dreg:$0x3] =	wrdreg s6  }
0x1e: {  	s4 =	sadd.s32 s4, s7;
	s7 =	simm.s32 $0x900;
	[dreg:$0x4] =	wrdreg s5  }
0x1f: {  	v2 =	vlaneseq.u32;
	s26 =	simm.s32 $0x13100;
	s4 =	sadd.s32 $0x1400, s4;
	[dreg:$0x6] =	wrdreg s7  }
0x20: {  	vm0 =	vmmov $0xffff;
	v1 =	vshrl.u32 v2, $0x3;
	s5 =	smax.u32 s1, $0x1;
	s6 =	simm.s32 $0x5;
	s7 =	simm.s32 $0x100  }
0x21: {  	v0 =	vand.u32 $0x7, v2;
	v2 =	vor.u32 $0x8, v2;
	v1 =	vmul.u32 $0x8, v1;
	s1 =	simm.s32 $0x4;
	[dreg:$0x5] =	wrdreg s4;
	s4 =	sadd.s32 $0x100, s2  }
.LBB2_1:
0x22: {  	s0 =	rddreg [dreg:$0x3]  }
0x23: {  	[tilespmem:s3], [sflag:$0x5] =	stream.linear.gather [hbm4b:s0+s3], $0xA0, $0x38;
	[tilespmem:$0x14100] =	vst v63  }
0x24: {  	_ =	swait.ge [sflag:s6], $0xA0  }
0x25: {  	[sflag:s6] =	ssyncset.done $0x0  }
0x26: {  	[sflag:s6] =	ssyncadd.s32 $0xFFFFFF60  }
0x27: {  	v3 =	vld [tilespmem:$0x0];
	_ =	sdelay $0x4  }
0x28: {  	v4 =	vshll.u32 v3, $0x2  }
0x29: {  	v3 =	vand.u32 $0x7, v3;
	v4 =	vand.u32 $0xFFFFFFE0, v4  }
0x2a: {  	v3 =	vor.u32 v3, v4  }
0x2b: {  	v4 =	vperm.xlane v3, v0;
	_ =	sdelay $0x1  }
0x2c: {  	v4 =	vadd.s32 v1, v4;
	_ =	sdelay $0x1  }
0x2d: {  	v3 =	vperm.xlane v3, v2;
	_ =	sdelay $0x1  }
0x2e: {  	v3 =	vadd.s32 v1, v3  }
0x2f: {  	[tilespmem:s7], [sflag:$0x1] =	stream.indirect_vreg.gather [hbm4b:s2+s3], $0x80, v4, vm0, $0xb8;
	[tilespmem:$0x14100] =	vst v63  }
0x30: {  	s0 =	rddreg [dreg:$0x6]  }
0x31: {  	[tilespmem:s0], [sflag:$0x1] =	stream.indirect_vreg.gather [hbm4b:s4+s3], $0x80, v4, vm0, $0xb8;
	[tilespmem:$0x14100] =	vst v63  }
0x32: {  	s9 =	rddreg [dreg:$0x7]  }
0x33: {  	[tilespmem:s9], [sflag:$0x1] =	stream.indirect_vreg.gather [hbm4b:s2+s3], $0x80, v3, vm0, $0xb8;
	[tilespmem:$0x14100] =	vst v63  }
0x34: {  	s0 =	rddreg [dreg:$0x8]  }
0x35: {  	[tilespmem:s0], [sflag:$0x1] =	stream.indirect_vreg.gather [hbm4b:s4+s3], $0x80, v3, vm0, $0xb8;
	[tilespmem:$0x14100] =	vst v63  }
0x36: {  	v3 =	vld [tilespmem:$0x10];
	_ =	sdelay $0x4  }
0x37: {  	v55 =	vshll.u32 v3, $0x2  }
0x38: {  	v3 =	vand.u32 $0x7, v3;
	v4 =	vand.u32 $0xFFFFFFE0, v55  }
0x39: {  	v3 =	vor.u32 v3, v4  }
0x3a: {  	v4 =	vperm.xlane v3, v0;
	_ =	sdelay $0x1  }
0x3b: {  	v4 =	vadd.s32 v1, v4;
	_ =	sdelay $0x1  }
0x3c: {  	v3 =	vperm.xlane v3, v2;
	_ =	sdelay $0x1  }
0x3d: {  	s0 =	rddreg [dreg:$0x9];
	v3 =	vadd.s32 v1, v3  }
0x3e: {  	[tilespmem:s0], [sflag:$0x1] =	stream.indirect_vreg.gather [hbm4b:s2+s3], $0x80, v4, vm0, $0xb8;
	[tilespmem:$0x14100] =	vst v63  }
0x3f: {  	s9 =	rddreg [dreg:$0xa]  }
0x40: {  	[tilespmem:s9], [sflag:$0x1] =	stream.indirect_vreg.gather [hbm4b:s4+s3], $0x80, v4, vm0, $0xb8;
	[tilespmem:$0x14100] =	vst v63  }
0x41: {  	s0 =	rddreg [dreg:$0xb]  }
0x42: {  	[tilespmem:s0], [sflag:$0x1] =	stream.indirect_vreg.gather [hbm4b:s2+s3], $0x80, v3, vm0, $0xb8;
	[tilespmem:$0x14100] =	vst v63  }
0x43: {  	s9 =	rddreg [dreg:$0xc]  }
0x44: {  	[tilespmem:s9], [sflag:$0x1] =	stream.indirect_vreg.gather [hbm4b:s4+s3], $0x80, v3, vm0, $0xb8;
	[tilespmem:$0x14100] =	vst v63  }
0x45: {  	v3 =	vld [tilespmem:$0x20];
	_ =	sdelay $0x4  }
0x46: {  	v56 =	vshll.u32 v3, $0x2  }
0x47: {  	v3 =	vand.u32 $0x7, v3;
	v4 =	vand.u32 $0xFFFFFFE0, v56  }
0x48: {  	v3 =	vor.u32 v3, v4  }
0x49: {  	v4 =	vperm.xlane v3, v0;
	_ =	sdelay $0x1  }
0x4a: {  	v4 =	vadd.s32 v1, v4;
	_ =	sdelay $0x1  }
0x4b: {  	v3 =	vperm.xlane v3, v2;
	_ =	sdelay $0x1  }
0x4c: {  	s0 =	rddreg [dreg:$0xd];
	v3 =	vadd.s32 v1, v3  }
0x4d: {  	[tilespmem:s0], [sflag:$0x1] =	stream.indirect_vreg.gather [hbm4b:s2+s3], $0x80, v4, vm0, $0xb8;
	[tilespmem:$0x14100] =	vst v63  }
0x4e: {  	s9 =	rddreg [dreg:$0xe]  }
0x4f: {  	[tilespmem:s9], [sflag:$0x1] =	stream.indirect_vreg.gather [hbm4b:s4+s3], $0x80, v4, vm0, $0xb8;
	[tilespmem:$0x14100] =	vst v63  }
0x50: {  	s0 =	rddreg [dreg:$0xf]  }
0x51: {  	[tilespmem:s0], [sflag:$0x1] =	stream.indirect_vreg.gather [hbm4b:s2+s3], $0x80, v3, vm0, $0xb8;
	[tilespmem:$0x14100] =	vst v63  }
0x52: {  	s9 =	rddreg [dreg:$0x10]  }
0x53: {  	[tilespmem:s9], [sflag:$0x1] =	stream.indirect_vreg.gather [hbm4b:s4+s3], $0x80, v3, vm0, $0xb8;
	[tilespmem:$0x14100] =	vst v63  }
0x54: {  	v3 =	vld [tilespmem:$0x30];
	_ =	sdelay $0x4  }
0x55: {  	v57 =	vshll.u32 v3, $0x2  }
0x56: {  	v3 =	vand.u32 $0x7, v3;
	v4 =	vand.u32 $0xFFFFFFE0, v57  }
0x57: {  	v3 =	vor.u32 v3, v4  }
0x58: {  	v4 =	vperm.xlane v3, v0;
	_ =	sdelay $0x1  }
0x59: {  	v4 =	vadd.s32 v1, v4;
	_ =	sdelay $0x1  }
0x5a: {  	v3 =	vperm.xlane v3, v2;
	_ =	sdelay $0x1  }
0x5b: {  	s0 =	rddreg [dreg:$0x11];
	v3 =	vadd.s32 v1, v3  }
0x5c: {  	[tilespmem:s0], [sflag:$0x1] =	stream.indirect_vreg.gather [hbm4b:s2+s3], $0x80, v4, vm0, $0xb8;
	[tilespmem:$0x14100] =	vst v63  }
0x5d: {  	s9 =	rddreg [dreg:$0x12]  }
0x5e: {  	[tilespmem:s9], [sflag:$0x1] =	stream.indirect_vreg.gather [hbm4b:s4+s3], $0x80, v4, vm0, $0xb8;
	[tilespmem:$0x14100] =	vst v63  }
0x5f: {  	s0 =	rddreg [dreg:$0x13]  }
0x60: {  	[tilespmem:s0], [sflag:$0x1] =	stream.indirect_vreg.gather [hbm4b:s2+s3], $0x80, v3, vm0, $0xb8;
	[tilespmem:$0x14100] =	vst v63  }
0x61: {  	s9 =	rddreg [dreg:$0x14]  }
0x62: {  	[tilespmem:s9], [sflag:$0x1] =	stream.indirect_vreg.gather [hbm4b:s4+s3], $0x80, v3, vm0, $0xb8;
	[tilespmem:$0x14100] =	vst v63  }
0x63: {  	v3 =	vld [tilespmem:$0x40];
	_ =	sdelay $0x4  }
0x64: {  	v58 =	vshll.u32 v3, $0x2  }
0x65: {  	v3 =	vand.u32 $0x7, v3;
	v4 =	vand.u32 $0xFFFFFFE0, v58  }
0x66: {  	v3 =	vor.u32 v3, v4  }
0x67: {  	v4 =	vperm.xlane v3, v0;
	_ =	sdelay $0x1  }
0x68: {  	v4 =	vadd.s32 v1, v4;
	_ =	sdelay $0x1  }
0x69: {  	v3 =	vperm.xlane v3, v2;
	_ =	sdelay $0x1  }
0x6a: {  	s0 =	rddreg [dreg:$0x15];
	v3 =	vadd.s32 v1, v3  }
0x6b: {  	[tilespmem:s0], [sflag:$0x1] =	stream.indirect_vreg.gather [hbm4b:s2+s3], $0x80, v4, vm0, $0xb8;
	[tilespmem:$0x14100] =	vst v63  }
0x6c: {  	s9 =	rddreg [dreg:$0x16]  }
0x6d: {  	[tilespmem:s9], [sflag:$0x1] =	stream.indirect_vreg.gather [hbm4b:s4+s3], $0x80, v4, vm0, $0xb8;
	[tilespmem:$0x14100] =	vst v63  }
0x6e: {  	s0 =	rddreg [dreg:$0x17]  }
0x6f: {  	[tilespmem:s0], [sflag:$0x1] =	stream.indirect_vreg.gather [hbm4b:s2+s3], $0x80, v3, vm0, $0xb8;
	[tilespmem:$0x14100] =	vst v63  }
0x70: {  	s9 =	rddreg [dreg:$0x18]  }
0x71: {  	[tilespmem:s9], [sflag:$0x1] =	stream.indirect_vreg.gather [hbm4b:s4+s3], $0x80, v3, vm0, $0xb8;
	[tilespmem:$0x14100] =	vst v63  }
0x72: {  	v3 =	vld [tilespmem:$0x50];
	_ =	sdelay $0x4  }
0x73: {  	v59 =	vshll.u32 v3, $0x2  }
0x74: {  	v3 =	vand.u32 $0x7, v3;
	v4 =	vand.u32 $0xFFFFFFE0, v59  }
0x75: {  	v3 =	vor.u32 v3, v4  }
0x76: {  	v4 =	vperm.xlane v3, v0;
	_ =	sdelay $0x1  }
0x77: {  	v4 =	vadd.s32 v1, v4;
	_ =	sdelay $0x1  }
0x78: {  	v3 =	vperm.xlane v3, v2;
	_ =	sdelay $0x1  }
0x79: {  	v3 =	vadd.s32 v1, v3  }
0x7a: {  	[tilespmem:s8], [sflag:$0x2] =	stream.indirect_vreg.gather [hbm4b:s2+s3], $0x80, v4, vm0, $0xb8;
	[tilespmem:$0x14100] =	vst v63  }
0x7b: {  	s9 =	simm.s32 $0xA900  }
0x7c: {  	[tilespmem:s9], [sflag:$0x2] =	stream.indirect_vreg.gather [hbm4b:s4+s3], $0x80, v4, vm0, $0xb8;
	[tilespmem:$0x14100] =	vst v63  }
0x7d: {  	_ = 	snop  }
0x7e: {  	[tilespmem:s10], [sflag:$0x2] =	stream.indirect_vreg.gather [hbm4b:s2+s3], $0x80, v3, vm0, $0xb8;
	[tilespmem:$0x14100] =	vst v63  }
0x7f: {  	_ = 	snop  }
0x80: {  	[tilespmem:s11], [sflag:$0x2] =	stream.indirect_vreg.gather [hbm4b:s4+s3], $0x80, v3, vm0, $0xb8;
	[tilespmem:$0x14100] =	vst v63  }
0x81: {  	v3 =	vld [tilespmem:$0x60];
	_ =	sdelay $0x4  }
0x82: {  	v60 =	vshll.u32 v3, $0x2  }
0x83: {  	v3 =	vand.u32 $0x7, v3;
	v4 =	vand.u32 $0xFFFFFFE0, v60  }
0x84: {  	v3 =	vor.u32 v3, v4  }
0x85: {  	v4 =	vperm.xlane v3, v0;
	_ =	sdelay $0x1  }
0x86: {  	v4 =	vadd.s32 v1, v4;
	_ =	sdelay $0x1  }
0x87: {  	v3 =	vperm.xlane v3, v2;
	_ =	sdelay $0x1  }
0x88: {  	v3 =	vadd.s32 v1, v3  }
0x89: {  	[tilespmem:s12], [sflag:$0x2] =	stream.indirect_vreg.gather [hbm4b:s2+s3], $0x80, v4, vm0, $0xb8;
	[tilespmem:$0x14100] =	vst v63  }
0x8a: {  	_ = 	snop  }
0x8b: {  	[tilespmem:s13], [sflag:$0x2] =	stream.indirect_vreg.gather [hbm4b:s4+s3], $0x80, v4, vm0, $0xb8;
	[tilespmem:$0x14100] =	vst v63  }
0x8c: {  	_ = 	snop  }
0x8d: {  	[tilespmem:s14], [sflag:$0x2] =	stream.indirect_vreg.gather [hbm4b:s2+s3], $0x80, v3, vm0, $0xb8;
	[tilespmem:$0x14100] =	vst v63  }
0x8e: {  	_ = 	snop  }
0x8f: {  	[tilespmem:s15], [sflag:$0x2] =	stream.indirect_vreg.gather [hbm4b:s4+s3], $0x80, v3, vm0, $0xb8;
	[tilespmem:$0x14100] =	vst v63  }
0x90: {  	v3 =	vld [tilespmem:$0x70];
	_ =	sdelay $0x4  }
0x91: {  	v61 =	vshll.u32 v3, $0x2  }
0x92: {  	v3 =	vand.u32 $0x7, v3;
	v4 =	vand.u32 $0xFFFFFFE0, v61  }
0x93: {  	v3 =	vor.u32 v3, v4  }
0x94: {  	v4 =	vperm.xlane v3, v0;
	_ =	sdelay $0x1  }
0x95: {  	v4 =	vadd.s32 v1, v4;
	_ =	sdelay $0x1  }
0x96: {  	v3 =	vperm.xlane v3, v2;
	_ =	sdelay $0x1  }
0x97: {  	v3 =	vadd.s32 v1, v3  }
0x98: {  	[tilespmem:s16], [sflag:$0x2] =	stream.indirect_vreg.gather [hbm4b:s2+s3], $0x80, v4, vm0, $0xb8;
	[tilespmem:$0x14100] =	vst v63  }
0x99: {  	_ = 	snop  }
0x9a: {  	[tilespmem:s17], [sflag:$0x2] =	stream.indirect_vreg.gather [hbm4b:s4+s3], $0x80, v4, vm0, $0xb8;
	[tilespmem:$0x14100] =	vst v63  }
0x9b: {  	_ = 	snop  }
0x9c: {  	[tilespmem:s18], [sflag:$0x2] =	stream.indirect_vreg.gather [hbm4b:s2+s3], $0x80, v3, vm0, $0xb8;
	[tilespmem:$0x14100] =	vst v63  }
0x9d: {  	_ = 	snop  }
0x9e: {  	[tilespmem:s19], [sflag:$0x2] =	stream.indirect_vreg.gather [hbm4b:s4+s3], $0x80, v3, vm0, $0xb8;
	[tilespmem:$0x14100] =	vst v63  }
0x9f: {  	v3 =	vld [tilespmem:$0x80];
	_ =	sdelay $0x4  }
0xa0: {  	v62 =	vshll.u32 v3, $0x2  }
0xa1: {  	v3 =	vand.u32 $0x7, v3;
	v4 =	vand.u32 $0xFFFFFFE0, v62  }
0xa2: {  	v3 =	vor.u32 v3, v4  }
0xa3: {  	v4 =	vperm.xlane v3, v0;
	_ =	sdelay $0x1  }
0xa4: {  	v4 =	vadd.s32 v1, v4;
	_ =	sdelay $0x1  }
0xa5: {  	v3 =	vperm.xlane v3, v2;
	_ =	sdelay $0x1  }
0xa6: {  	v3 =	vadd.s32 v1, v3  }
0xa7: {  	[tilespmem:s20], [sflag:$0x2] =	stream.indirect_vreg.gather [hbm4b:s2+s3], $0x80, v4, vm0, $0xb8;
	[tilespmem:$0x14100] =	vst v63  }
0xa8: {  	_ = 	snop  }
0xa9: {  	[tilespmem:s21], [sflag:$0x2] =	stream.indirect_vreg.gather [hbm4b:s4+s3], $0x80, v4, vm0, $0xb8;
	[tilespmem:$0x14100] =	vst v63  }
0xaa: {  	_ = 	snop  }
0xab: {  	[tilespmem:s22], [sflag:$0x2] =	stream.indirect_vreg.gather [hbm4b:s2+s3], $0x80, v3, vm0, $0xb8;
	[tilespmem:$0x14100] =	vst v63  }
0xac: {  	_ = 	snop  }
0xad: {  	[tilespmem:s23], [sflag:$0x2] =	stream.indirect_vreg.gather [hbm4b:s4+s3], $0x80, v3, vm0, $0xb8;
	[tilespmem:$0x14100] =	vst v63  }
0xae: {  	v3 =	vld [tilespmem:$0x90];
	_ =	sdelay $0x4  }
0xaf: {  	v63 =	vshll.u32 v3, $0x2  }
0xb0: {  	v3 =	vand.u32 $0x7, v3;
	v4 =	vand.u32 $0xFFFFFFE0, v63  }
0xb1: {  	v3 =	vor.u32 v3, v4  }
0xb2: {  	v4 =	vperm.xlane v3, v0;
	_ =	sdelay $0x1  }
0xb3: {  	v4 =	vadd.s32 v1, v4;
	_ =	sdelay $0x1  }
0xb4: {  	v3 =	vperm.xlane v3, v2;
	_ =	sdelay $0x1  }
0xb5: {  	v3 =	vadd.s32 v1, v3  }
0xb6: {  	[tilespmem:s24], [sflag:$0x2] =	stream.indirect_vreg.gather [hbm4b:s2+s3], $0x80, v4, vm0, $0xb8;
	[tilespmem:$0x14100] =	vst v63  }
0xb7: {  	_ = 	snop  }
0xb8: {  	[tilespmem:s25], [sflag:$0x2] =	stream.indirect_vreg.gather [hbm4b:s4+s3], $0x80, v4, vm0, $0xb8;
	[tilespmem:$0x14100] =	vst v63  }
0xb9: {  	_ = 	snop  }
0xba: {  	[tilespmem:s26], [sflag:$0x2] =	stream.indirect_vreg.gather [hbm4b:s2+s3], $0x80, v3, vm0, $0xb8;
	[tilespmem:$0x14100] =	vst v63  }
0xbb: {  	_ = 	snop  }
0xbc: {  	[tilespmem:s28], [sflag:$0x2] =	stream.indirect_vreg.gather [hbm4b:s4+s3], $0x80, v3, vm0, $0xb8;
	[tilespmem:$0x14100] =	vst v63  }
0xbd: {  	_ =	swait.ge [sflag:s29], $0xA000  }
0xbe: {  	[sflag:s29] =	ssyncset.done $0x0  }
0xbf: {  	s9 =	rddreg [dreg:$0x4];
	[sflag:s29] =	ssyncadd.s32 $0xFFFF6000  }
0xc0: {  	[hbm4b:s9+s3] =	stream.linear.scatter [tilespmem:s7], [sflag:$0x3], $0xA000, $0x38;
	[tilespmem:$0x14100] =	vst v63  }
0xc1: {  	_ =	swait.ge [sflag:s30], $0xA000  }
0xc2: {  	[sflag:s30] =	ssyncset.done $0x0  }
0xc3: {  	s9 =	rddreg [dreg:$0x5];
	[sflag:s30] =	ssyncadd.s32 $0xFFFF6000  }
0xc4: {  	[hbm4b:s9+s3] =	stream.linear.scatter [tilespmem:s8], [sflag:$0x4], $0xA000, $0x38;
	[tilespmem:$0x14100] =	vst v63  }
0xc5: {  	p0 =	sne.s32 s5, $0x1;
	_ =	swait.ge [sflag:s31], $0xA000  }
.Ltmp0:
0xc6: {  	[sflag:s31] =	ssyncset.done $0x0;
	(pc) =	sbr.rel @p0 .LBB2_1-.Ltmp0, $4  }
0xc7: {  	[sflag:s31] =	ssyncadd.s32 $0xFFFF6000  }
0xc8: {  	_ =	swait.ge [sflag:s1], $0xA000  }
0xc9: {  	[sflag:s1] =	ssyncset.done $0x0  }
0xca: {  	s5 =	sadd.s32 $0xFFFFFFFF, s5;
	[sflag:s1] =	ssyncadd.s32 $0xFFFF6000  }
0xcb: {  	_ =	sfence.sel $0x180000  }
0xcc: {  	[bflag:$0x0] =	sbarrier.arrive $0xFFFF  }
0xcd: {  	_ =	strace $0x9000004A  }
0xce: {  	s0 =	stileid.u32;
	[bflag:$0x2] =	sbarrier.arrive $0xFFFF  }
0xcf: {  	p0 =	sne.s32 s0, $0x0;
	s0 =	rddreg [dreg:$0x2]  }
0xd0: {  	s0 =	sadd.s32 @!p0 $0x100000, s0  }
0xd1: {  	[sflag:s0] =	ssyncadd.tile.s32 @!p0 $0x1;
	_ =	shalt  }
.Lfunc_end2:
_tile_overlayer_lowered:
.L_overlay_start_2:
0xd2: {  	(tag) =	ssettag $0x2  }
0xd3: {  	s0 =	rddreg [dreg:$0x0];
	s2 =	stileid.u32  }
0xd4: {  	s1 =	rddreg [dreg:$0x1];
	p0 =	sne.s32 s2, $0x0  }
0xd5: {  	s3 =	rddreg [dreg:$0x2];
	[bflag:$0x3] =	sbarrier.arrive $0xFFFF;
	s2 =	simm.s32 @!p0 $0x1C05  }
0xd6: {  	[timem:s3], [sflag:s2] =	dma.local @!p0 [hbm:s0], s1  }
0xd7: {  	s0 =	simm.s32 @!p0 $0x5  }
0xd8: {  	_ =	swait.ge @!p0 [sflag:s0], s1  }
0xd9: {  	s1 =	ssub.s32 @!p0 $0x0, s1;
	[sflag:s0] =	ssyncset.done @!p0 $0x0  }
0xda: {  	[sflag:s0] =	ssyncadd.s32 @!p0 s1  }
0xdb: {  	[bflag:$0x3] =	sbarrier.arrive $0xFFFF  }
0xdc: {  	_ =	shalt  }

</sc_bundles>
